<compile_context>
chip_gen: v7x
topology: tpu7x:2x2x1
jax: 0.10.2.dev20260603
libtpu: 0.0.44.dev20260713+nightly
codegen_flags: <defaults>
</compile_context>

<pallas_src>
import functools

import jax
import jax.numpy as jnp
from jax import lax
from jax.experimental import pallas as pl
from jax.experimental.pallas import tpu as pltpu
from jax.experimental.pallas import tpu_sc as plsc

N = 10000
D = 128
G = 64
NC = 2
NS = 16
NW = NC * NS
C = 80
ACC_ROWS = 10112
ZROWS = ACC_ROWS // NS
OROWS = ACC_ROWS // NS
BLK = 1000
NBLK = N // BLK


NBUF = 4
GROUP = 8
STEP = 2 * GROUP


def _make_aggregate(nchunk):
    assert nchunk % STEP == 0 and nchunk >= 2 * STEP
    nit = nchunk // STEP
    ngr = nchunk // GROUP

    @functools.partial(
        pl.kernel,
        out_type=jax.ShapeDtypeStruct((NC, ACC_ROWS, D), jnp.float32),
        mesh=plsc.VectorSubcoreMesh(core_axis_name="c", subcore_axis_name="s"),
        scratch_types=[
            pltpu.VMEM((2, GROUP, C), jnp.int32),
            pltpu.VMEM((2, GROUP, C), jnp.int32),
            pltpu.VMEM((NBUF, C, D), jnp.float32),
            pltpu.VMEM_SHARED((ACC_ROWS, D), jnp.float32),
        ]
        + [pltpu.SemaphoreType.DMA] * (2 * NBUF + 1),
    )
    def agg(y_hbm, src_hbm, dst_hbm, zero_hbm, out_hbm, src_ring, dst_ring,
            bufs, acc, *sems):
        c = lax.axis_index("c")
        s = lax.axis_index("s")
        gsems = sems[:NBUF]
        ssems = sems[NBUF:2 * NBUF]
        isem = sems[2 * NBUF]

        def issue_prefetch(start, ring_idx):
            sl = pl.ds(start, GROUP)
            pltpu.async_copy(src_hbm.at[c, s, sl], src_ring.at[ring_idx], isem)
            pltpu.async_copy(dst_hbm.at[c, s, sl], dst_ring.at[ring_idx], isem)

        def wait_prefetch():
            pltpu.make_async_copy(
                src_hbm.at[c, s, pl.ds(0, GROUP)], src_ring.at[0], isem).wait()
            pltpu.make_async_copy(
                src_hbm.at[c, s, pl.ds(0, GROUP)], dst_ring.at[0], isem).wait()

        def issue_gather(ring_idx, row, b):
            pltpu.async_copy(y_hbm.at[src_ring.at[ring_idx, row]],
                             bufs.at[b], gsems[b])

        def wait_gather(b):
            pltpu.make_async_copy(
                zero_hbm.at[pl.ds(0, C)], bufs.at[b], gsems[b]).wait()

        def issue_scatter(ring_idx, row, b):
            pltpu.async_copy(bufs.at[b], acc.at[dst_ring.at[ring_idx, row]],
                             ssems[b], add=True)

        def wait_scatter(ring_idx, row, b):
            pltpu.make_async_copy(
                bufs.at[b], acc.at[dst_ring.at[ring_idx, row]],
                ssems[b]).wait()

        issue_prefetch(0, 0)
        wait_prefetch()
        issue_gather(0, 0, 0)
        issue_gather(0, 1, 1)
        pltpu.sync_copy(zero_hbm, acc.at[pl.ds(s * ZROWS, ZROWS)])
        plsc.subcore_barrier()

        def body(i, carry):
            base = pl.multiple_of(i * STEP, STEP)
            for half in (0, 1):
                for b in range(GROUP):
                    bj = b % NBUF
                    b2 = (b + 2) % NBUF
                    if b >= 2:
                        wait_scatter(half, b - 2, b2)
                    elif half == 1:
                        wait_scatter(0, GROUP - 2 + b, b2)
                    else:
                        @pl.when(i > 0)
                        def _():
                            wait_scatter(1, GROUP - 2 + b, b2)
                    if b == GROUP - 2 and half == 0:
                        wait_prefetch()
                    if b < GROUP - 2:
                        issue_gather(half, b + 2, b2)
                    elif half == 0:
                        issue_gather(1, b - (GROUP - 2), b2)
                    else:
                        @pl.when(i < nit - 1)
                        def _():
                            if b == GROUP - 2:
                                wait_prefetch()
                            issue_gather(0, b - (GROUP - 2), b2)
                    wait_gather(bj)
                    issue_scatter(half, b, bj)
                    if b == 1:
                        if half == 0:
                            issue_prefetch(base + GROUP, 1)
                        else:
                            @pl.when(i < nit - 1)
                            def _():
                                issue_prefetch(base + 2 * GROUP, 0)
            return carry

        lax.fori_loop(0, nit, body, 0)
        wait_scatter(1, GROUP - 2, (GROUP - 2) % NBUF)
        wait_scatter(1, GROUP - 1, (GROUP - 1) % NBUF)
        plsc.subcore_barrier()
        pltpu.sync_copy(acc.at[pl.ds(s * OROWS, OROWS)],
                        out_hbm.at[c, pl.ds(s * OROWS, OROWS)])

    return agg


def _lin_body(x_ref, p_ref, w_ref, b_ref, o_ref):
    xx = x_ref[...] + p_ref[0] + p_ref[1]
    o_ref[...] = (
        jnp.dot(xx, w_ref[...], preferred_element_type=jnp.float32) + b_ref[...]
    )


def _linear(x, p, W, b):
    return pl.pallas_call(
        _lin_body,
        grid=(NBLK,),
        in_specs=[
            pl.BlockSpec((BLK, D), lambda i: (i, 0)),
            pl.BlockSpec((NC, BLK, D), lambda i: (0, i, 0)),
            pl.BlockSpec((D, D), lambda i: (0, 0)),
            pl.BlockSpec((1, D), lambda i: (0, 0)),
        ],
        out_specs=pl.BlockSpec((BLK, D), lambda i: (i, 0)),
        out_shape=jax.ShapeDtypeStruct((N, D), jnp.float32),
    )(x, p, W, b)


def _final_body(h_ref, p_ref, w2_ref, b2_ref, bt_ref, wc1_ref, bc1_ref,
                wc2_ref, bc2_ref, o_ref, pooled):
    i = pl.program_id(0)
    h2 = (
        jnp.dot(h_ref[...] + p_ref[0] + p_ref[1], w2_ref[...],
                preferred_element_type=jnp.float32) + b2_ref[...]
    )
    bids = bt_ref[0]
    onehot_t = (lax.broadcasted_iota(jnp.int32, (G, BLK), 0) == bids).astype(
        jnp.float32)
    contrib = jnp.dot(onehot_t, h2, preferred_element_type=jnp.float32)

    @pl.when(i == 0)
    def _():
        pooled[...] = contrib

    @pl.when(i > 0)
    def _():
        pooled[...] += contrib

    @pl.when(i == NBLK - 1)
    def _():
        hid = jnp.maximum(
            jnp.dot(pooled[...], wc1_ref[...],
                    preferred_element_type=jnp.float32) + bc1_ref[...], 0.0)
        score = (
            jnp.dot(hid, wc2_ref[...], preferred_element_type=jnp.float32)
            + bc2_ref[...]
        )
        o_ref[...] = 1.0 / (1.0 + jnp.exp(-score))


def _final(h, p, W2, b2, batch_r, Wc1, bc1, Wc2, bc2):
    return pl.pallas_call(
        _final_body,
        grid=(NBLK,),
        in_specs=[
            pl.BlockSpec((BLK, D), lambda i: (i, 0)),
            pl.BlockSpec((NC, BLK, D), lambda i: (0, i, 0)),
            pl.BlockSpec((D, D), lambda i: (0, 0)),
            pl.BlockSpec((1, D), lambda i: (0, 0)),
            pl.BlockSpec((1, 1, BLK), lambda i: (i, 0, 0)),
            pl.BlockSpec((D, G), lambda i: (0, 0)),
            pl.BlockSpec((1, G), lambda i: (0, 0)),
            pl.BlockSpec((G, 1), lambda i: (0, 0)),
            pl.BlockSpec((1, 1), lambda i: (0, 0)),
        ],
        out_specs=pl.BlockSpec((G, 1), lambda i: (0, 0)),
        out_shape=jax.ShapeDtypeStruct((G, 1), jnp.float32),
        scratch_shapes=[pltpu.VMEM((G, D), jnp.float32)],
    )(h, p, W2, b2, batch_r, Wc1, bc1, Wc2, bc2)


def kernel(joint_x, joint_edge_index, joint_batch, W1, b1, W2, b2,
           Wc1, bc1, Wc2, bc2):
    x = joint_x.astype(jnp.float32)
    ei = joint_edge_index.astype(jnp.int32)
    src, dst = ei[0], ei[1]
    e = src.shape[0]
    nchunk = -(-e // (NW * C))
    nchunk = max(-(-nchunk // STEP) * STEP, 2 * STEP)
    epad = NW * nchunk * C
    pad = epad - e
    if pad:
        pad_i = jnp.arange(pad, dtype=jnp.int32)
        src = jnp.concatenate([src, pad_i % N])
        dst = jnp.concatenate([dst, N + pad_i % (ACC_ROWS - N)])
    src_r = src.reshape(NC, NS, nchunk, C)
    dst_r = dst.reshape(NC, NS, nchunk, C)
    zeros = jnp.zeros((ZROWS, D), jnp.float32)

    agg = _make_aggregate(nchunk)
    p1 = agg(x, src_r, dst_r, zeros)
    h1 = _linear(x, p1, W1, b1.reshape(1, D))
    p2 = agg(h1, src_r, dst_r, zeros)
    batch_r = joint_batch.astype(jnp.int32).reshape(NBLK, 1, BLK)
    out = _final(h1, p2, W2, b2.reshape(1, D), batch_r,
                 Wc1, bc1.reshape(1, G), Wc2, bc2.reshape(1, 1))
    return out.reshape(G)

# --- scband reference (transcript-rebuilt; emitter-appended) ---
"""Pipeline reference for scband-cross-encoder-gnn-31860067402182 (READ-ONLY COPY).

The authoritative reference and input builder live on the scoring server;
editing this copy changes nothing except your own understanding.
"""

import jax, jax.numpy as jnp
import numpy as np

N_NODES = 10000
N_EDGES = 320000
D_FEAT = 128
HIDDEN = 128
N_GRAPHS = 64


def setup_inputs(seed: int = 0) -> dict:
    key = jax.random.key(seed)
    ks = jax.random.split(key, 12)
    joint_x = jax.random.normal(ks[0], (N_NODES, D_FEAT), dtype=jnp.float32)
    joint_edge_index = jax.random.randint(ks[1], (2, N_EDGES), 0, N_NODES, dtype=jnp.int64)
    joint_batch = jnp.sort(jax.random.randint(ks[2], (N_NODES,), 0, N_GRAPHS, dtype=jnp.int64))
    # GIN layer 1 linear: node_dim -> hidden_dim
    W1 = jax.random.normal(ks[3], (D_FEAT, HIDDEN), dtype=jnp.float32) * (1.0 / np.sqrt(D_FEAT))
    b1 = jnp.zeros((HIDDEN,), dtype=jnp.float32)
    # GIN layer 2 linear: hidden_dim -> hidden_dim
    W2 = jax.random.normal(ks[4], (HIDDEN, HIDDEN), dtype=jnp.float32) * (1.0 / np.sqrt(HIDDEN))
    b2 = jnp.zeros((HIDDEN,), dtype=jnp.float32)
    # classifier: hidden -> hidden//2 -> 1
    Wc1 = jax.random.normal(ks[5], (HIDDEN, HIDDEN // 2), dtype=jnp.float32) * (1.0 / np.sqrt(HIDDEN))
    bc1 = jnp.zeros((HIDDEN // 2,), dtype=jnp.float32)
    Wc2 = jax.random.normal(ks[6], (HIDDEN // 2, 1), dtype=jnp.float32) * (1.0 / np.sqrt(HIDDEN // 2))
    bc2 = jnp.zeros((1,), dtype=jnp.float32)
    return {"joint_x": joint_x, "joint_edge_index": joint_edge_index, "joint_batch": joint_batch,
            "W1": W1, "b1": b1, "W2": W2, "b2": b2,
            "Wc1": Wc1, "bc1": bc1, "Wc2": Wc2, "bc2": bc2}


def _gin_conv(x, edge_index, W, b):
    # PyG GINConv with default eps=0: out = nn((1+eps)*x + sum_{j in N(i)} x_j)
    src = edge_index[0]
    dst = edge_index[1]
    msgs = jnp.take(x, src, axis=0)                                  # gather
    agg = jax.ops.segment_sum(msgs, dst, num_segments=x.shape[0])    # scatter-add
    return (x + agg) @ W + b


def reference(joint_x, joint_edge_index, joint_batch, W1, b1, W2, b2, Wc1, bc1, Wc2, bc2):
    h = _gin_conv(joint_x, joint_edge_index, W1, b1)
    h = _gin_conv(h, joint_edge_index, W2, b2)
    # global_add_pool over graph ids
    pooled = jax.ops.segment_sum(h, joint_batch, num_segments=N_GRAPHS)
    hid = jax.nn.relu(pooled @ Wc1 + bc1)
    score = hid @ Wc2 + bc2
    return jax.nn.sigmoid(score).squeeze(-1)

if __name__ == "__main__":
    import jax
    _d = setup_inputs()
    print(jax.jit(kernel)(*tuple(_d.values())))

</pallas_src>

<mosaic_0001>
#map = affine_map<(d0, d1) -> (0, 0)>
#map1 = affine_map<(d0, d1) -> (0, 0, 0, 0)>
#map2 = affine_map<(d0, d1) -> (0, 0, 0)>
module attributes {stable_mosaic.version = 14 : i64} {
  func.func @agg(%arg0: i32, %arg1: i32, %arg2: memref<10000x128xf32, #tpu.memory_space<hbm>>, %arg3: memref<2x16x128x80xi32, #tpu.memory_space<hbm>>, %arg4: memref<2x16x128x80xi32, #tpu.memory_space<hbm>>, %arg5: memref<632x128xf32, #tpu.memory_space<hbm>>, %arg6: memref<2x10112x128xf32, #tpu.memory_space<hbm>>, %arg7: memref<2x8x80xi32, #tpu.memory_space<vmem>>, %arg8: memref<2x8x80xi32, #tpu.memory_space<vmem>>, %arg9: memref<4x80x128xf32, #tpu.memory_space<vmem>>, %arg10: memref<10112x128xf32, #tpu.memory_space<vmem_shared>>, %arg11: memref<!tpu.dma_semaphore, #tpu.memory_space<semaphore_mem>>, %arg12: memref<!tpu.dma_semaphore, #tpu.memory_space<semaphore_mem>>, %arg13: memref<!tpu.dma_semaphore, #tpu.memory_space<semaphore_mem>>, %arg14: memref<!tpu.dma_semaphore, #tpu.memory_space<semaphore_mem>>, %arg15: memref<!tpu.dma_semaphore, #tpu.memory_space<semaphore_mem>>, %arg16: memref<!tpu.dma_semaphore, #tpu.memory_space<semaphore_mem>>, %arg17: memref<!tpu.dma_semaphore, #tpu.memory_space<semaphore_mem>>, %arg18: memref<!tpu.dma_semaphore, #tpu.memory_space<semaphore_mem>>, %arg19: memref<!tpu.dma_semaphore, #tpu.memory_space<semaphore_mem>>) attributes {dimension_semantics = [#tpu.dimension_semantics<core_parallel>, #tpu.dimension_semantics<subcore_parallel>], iteration_bounds = array<i64: 2, 16>, scalar_prefetch = 0 : i64, scratch_operands = 13 : i64, tpu.core_type = #tpu.core_type<sc_vector_subcore>, window_params = [{transform_indices = #map}, {transform_indices = #map1}, {transform_indices = #map1}, {transform_indices = #map}, {transform_indices = #map2}]} {
    %dma_start3A = arith.constant 0 : i32
    %dma_start3A_0 = arith.constant 0 : i32
    %dma_start3A_1 = arith.constant 0 : i32
    %dma_start3A_2 = tpu.memref_slice %arg7[%dma_start3A, %dma_start3A_0, %dma_start3A_1] : memref<2x8x80xi32, #tpu.memory_space<vmem>> -> memref<1x8x80xi32, #tpu.memory_space<vmem>>
    %dma_start3A_3 = tpu.memref_squeeze %dma_start3A_2 : memref<1x8x80xi32, #tpu.memory_space<vmem>> -> memref<8x80xi32, #tpu.memory_space<vmem>>
    %dma_start3A_4 = arith.constant 0 : i32
    %dma_start3A_5 = arith.constant 0 : i32
    %dma_start3A_6 = tpu.memref_slice %arg3[%arg0, %arg1, %dma_start3A_4, %dma_start3A_5] : memref<2x16x128x80xi32, #tpu.memory_space<hbm>> -> memref<1x1x8x80xi32, #tpu.memory_space<hbm>>
    %dma_start3A_7 = tpu.memref_squeeze %dma_start3A_6 : memref<1x1x8x80xi32, #tpu.memory_space<hbm>> -> memref<8x80xi32, #tpu.memory_space<hbm>>
    %dma_start3A_8 = arith.constant 0 : i32
    %dma_start3A_9 = arith.constant 0 : i32
    %dma_start3A_10 = tpu.memref_slice %arg7[%dma_start3A, %dma_start3A_8, %dma_start3A_9] : memref<2x8x80xi32, #tpu.memory_space<vmem>> -> memref<1x8x80xi32, #tpu.memory_space<vmem>>
    %dma_start3A_11 = tpu.memref_squeeze %dma_start3A_10 : memref<1x8x80xi32, #tpu.memory_space<vmem>> -> memref<8x80xi32, #tpu.memory_space<vmem>>
    %dma_start3A_12 = arith.constant 0 : i32
    %dma_start3A_13 = arith.constant 0 : i32
    %dma_start3A_14 = tpu.memref_slice %arg3[%arg0, %arg1, %dma_start3A_12, %dma_start3A_13] : memref<2x16x128x80xi32, #tpu.memory_space<hbm>> -> memref<1x1x8x80xi32, #tpu.memory_space<hbm>>
    %dma_start3A_15 = tpu.memref_squeeze %dma_start3A_14 : memref<1x1x8x80xi32, #tpu.memory_space<hbm>> -> memref<8x80xi32, #tpu.memory_space<hbm>>
    tpu.enqueue_dma source(%dma_start3A_15 : memref<8x80xi32, #tpu.memory_space<hbm>>) target(%dma_start3A_11 : memref<8x80xi32, #tpu.memory_space<vmem>>) target_semaphore(%arg19 : memref<!tpu.dma_semaphore, #tpu.memory_space<semaphore_mem>>)
    %dma_start3A_16 = arith.constant 0 : i32
    %dma_start3A_17 = arith.constant 0 : i32
    %dma_start3A_18 = arith.constant 0 : i32
    %dma_start3A_19 = tpu.memref_slice %arg8[%dma_start3A_16, %dma_start3A_17, %dma_start3A_18] : memref<2x8x80xi32, #tpu.memory_space<vmem>> -> memref<1x8x80xi32, #tpu.memory_space<vmem>>
    %dma_start3A_20 = tpu.memref_squeeze %dma_start3A_19 : memref<1x8x80xi32, #tpu.memory_space<vmem>> -> memref<8x80xi32, #tpu.memory_space<vmem>>
    %dma_start3A_21 = arith.constant 0 : i32
    %dma_start3A_22 = arith.constant 0 : i32
    %dma_start3A_23 = tpu.memref_slice %arg4[%arg0, %arg1, %dma_start3A_21, %dma_start3A_22] : memref<2x16x128x80xi32, #tpu.memory_space<hbm>> -> memref<1x1x8x80xi32, #tpu.memory_space<hbm>>
    %dma_start3A_24 = tpu.memref_squeeze %dma_start3A_23 : memref<1x1x8x80xi32, #tpu.memory_space<hbm>> -> memref<8x80xi32, #tpu.memory_space<hbm>>
    %dma_start3A_25 = arith.constant 0 : i32
    %dma_start3A_26 = arith.constant 0 : i32
    %dma_start3A_27 = tpu.memref_slice %arg8[%dma_start3A_16, %dma_start3A_25, %dma_start3A_26] : memref<2x8x80xi32, #tpu.memory_space<vmem>> -> memref<1x8x80xi32, #tpu.memory_space<vmem>>
    %dma_start3A_28 = tpu.memref_squeeze %dma_start3A_27 : memref<1x8x80xi32, #tpu.memory_space<vmem>> -> memref<8x80xi32, #tpu.memory_space<vmem>>
    %dma_start3A_29 = arith.constant 0 : i32
    %dma_start3A_30 = arith.constant 0 : i32
    %dma_start3A_31 = tpu.memref_slice %arg4[%arg0, %arg1, %dma_start3A_29, %dma_start3A_30] : memref<2x16x128x80xi32, #tpu.memory_space<hbm>> -> memref<1x1x8x80xi32, #tpu.memory_space<hbm>>
    %dma_start3A_32 = tpu.memref_squeeze %dma_start3A_31 : memref<1x1x8x80xi32, #tpu.memory_space<hbm>> -> memref<8x80xi32, #tpu.memory_space<hbm>>
    tpu.enqueue_dma source(%dma_start3A_32 : memref<8x80xi32, #tpu.memory_space<hbm>>) target(%dma_start3A_28 : memref<8x80xi32, #tpu.memory_space<vmem>>) target_semaphore(%arg19 : memref<!tpu.dma_semaphore, #tpu.memory_space<semaphore_mem>>)
    %dma_wait3A = arith.constant 0 : i32
    %dma_wait3A_33 = arith.constant 0 : i32
    %dma_wait3A_34 = arith.constant 0 : i32
    %dma_wait3A_35 = tpu.memref_slice %arg7[%dma_wait3A, %dma_wait3A_33, %dma_wait3A_34] : memref<2x8x80xi32, #tpu.memory_space<vmem>> -> memref<1x8x80xi32, #tpu.memory_space<vmem>>
    %dma_wait3A_36 = tpu.memref_squeeze %dma_wait3A_35 : memref<1x8x80xi32, #tpu.memory_space<vmem>> -> memref<8x80xi32, #tpu.memory_space<vmem>>
    %dma_wait3A_37 = arith.constant 0 : i32
    %dma_wait3A_38 = arith.constant 0 : i32
    %dma_wait3A_39 = tpu.memref_slice %arg3[%arg0, %arg1, %dma_wait3A_37, %dma_wait3A_38] : memref<2x16x128x80xi32, #tpu.memory_space<hbm>> -> memref<1x1x8x80xi32, #tpu.memory_space<hbm>>
    %dma_wait3A_40 = tpu.memref_squeeze %dma_wait3A_39 : memref<1x1x8x80xi32, #tpu.memory_space<hbm>> -> memref<8x80xi32, #tpu.memory_space<hbm>>
    %dma_wait3A_41 = arith.constant 0 : i32
    %dma_wait3A_42 = arith.constant 0 : i32
    %dma_wait3A_43 = tpu.memref_slice %arg7[%dma_wait3A, %dma_wait3A_41, %dma_wait3A_42] : memref<2x8x80xi32, #tpu.memory_space<vmem>> -> memref<1x8x80xi32, #tpu.memory_space<vmem>>
    %dma_wait3A_44 = tpu.memref_squeeze %dma_wait3A_43 : memref<1x8x80xi32, #tpu.memory_space<vmem>> -> memref<8x80xi32, #tpu.memory_space<vmem>>
    %dma_wait3A_45 = arith.constant 0 : i32
    %dma_wait3A_46 = arith.constant 0 : i32
    %dma_wait3A_47 = tpu.memref_slice %arg3[%arg0, %arg1, %dma_wait3A_45, %dma_wait3A_46] : memref<2x16x128x80xi32, #tpu.memory_space<hbm>> -> memref<1x1x8x80xi32, #tpu.memory_space<hbm>>
    %dma_wait3A_48 = tpu.memref_squeeze %dma_wait3A_47 : memref<1x1x8x80xi32, #tpu.memory_space<hbm>> -> memref<8x80xi32, #tpu.memory_space<hbm>>
    tpu.wait_dma2 semaphore(%arg19 : memref<!tpu.dma_semaphore, #tpu.memory_space<semaphore_mem>>) src(%dma_wait3A_48 : memref<8x80xi32, #tpu.memory_space<hbm>>) dst(%dma_wait3A_44 : memref<8x80xi32, #tpu.memory_space<vmem>>)
    %dma_wait3A_49 = arith.constant 0 : i32
    %dma_wait3A_50 = arith.constant 0 : i32
    %dma_wait3A_51 = arith.constant 0 : i32
    %dma_wait3A_52 = tpu.memref_slice %arg8[%dma_wait3A_49, %dma_wait3A_50, %dma_wait3A_51] : memref<2x8x80xi32, #tpu.memory_space<vmem>> -> memref<1x8x80xi32, #tpu.memory_space<vmem>>
    %dma_wait3A_53 = tpu.memref_squeeze %dma_wait3A_52 : memref<1x8x80xi32, #tpu.memory_space<vmem>> -> memref<8x80xi32, #tpu.memory_space<vmem>>
    %dma_wait3A_54 = arith.constant 0 : i32
    %dma_wait3A_55 = arith.constant 0 : i32
    %dma_wait3A_56 = tpu.memref_slice %arg3[%arg0, %arg1, %dma_wait3A_54, %dma_wait3A_55] : memref<2x16x128x80xi32, #tpu.memory_space<hbm>> -> memref<1x1x8x80xi32, #tpu.memory_space<hbm>>
    %dma_wait3A_57 = tpu.memref_squeeze %dma_wait3A_56 : memref<1x1x8x80xi32, #tpu.memory_space<hbm>> -> memref<8x80xi32, #tpu.memory_space<hbm>>
    %dma_wait3A_58 = arith.constant 0 : i32
    %dma_wait3A_59 = arith.constant 0 : i32
    %dma_wait3A_60 = tpu.memref_slice %arg8[%dma_wait3A_49, %dma_wait3A_58, %dma_wait3A_59] : memref<2x8x80xi32, #tpu.memory_space<vmem>> -> memref<1x8x80xi32, #tpu.memory_space<vmem>>
    %dma_wait3A_61 = tpu.memref_squeeze %dma_wait3A_60 : memref<1x8x80xi32, #tpu.memory_space<vmem>> -> memref<8x80xi32, #tpu.memory_space<vmem>>
    %dma_wait3A_62 = arith.constant 0 : i32
    %dma_wait3A_63 = arith.constant 0 : i32
    %dma_wait3A_64 = tpu.memref_slice %arg3[%arg0, %arg1, %dma_wait3A_62, %dma_wait3A_63] : memref<2x16x128x80xi32, #tpu.memory_space<hbm>> -> memref<1x1x8x80xi32, #tpu.memory_space<hbm>>
    %dma_wait3A_65 = tpu.memref_squeeze %dma_wait3A_64 : memref<1x1x8x80xi32, #tpu.memory_space<hbm>> -> memref<8x80xi32, #tpu.memory_space<hbm>>
    tpu.wait_dma2 semaphore(%arg19 : memref<!tpu.dma_semaphore, #tpu.memory_space<semaphore_mem>>) src(%dma_wait3A_65 : memref<8x80xi32, #tpu.memory_space<hbm>>) dst(%dma_wait3A_61 : memref<8x80xi32, #tpu.memory_space<vmem>>)
    %dma_start3A_66 = arith.constant 0 : i32
    %dma_start3A_67 = arith.constant 0 : i32
    %dma_start3A_68 = arith.constant 0 : i32
    %dma_start3A_69 = arith.constant 0 : i32
    %dma_start3A_70 = arith.constant 0 : i32
    %dma_start3A_71 = tpu.memref_slice %arg9[%dma_start3A_68, %dma_start3A_69, %dma_start3A_70] : memref<4x80x128xf32, #tpu.memory_space<vmem>> -> memref<1x80x128xf32, #tpu.memory_space<vmem>>
    %dma_start3A_72 = tpu.memref_squeeze %dma_start3A_71 : memref<1x80x128xf32, #tpu.memory_space<vmem>> -> memref<80x128xf32, #tpu.memory_space<vmem>>
    %dma_start3A_73 = arith.constant 0 : i32
    %dma_start3A_74 = tpu.memref_slice %arg7[%dma_start3A_66, %dma_start3A_67, %dma_start3A_73] : memref<2x8x80xi32, #tpu.memory_space<vmem>> -> memref<1x1x80xi32, #tpu.memory_space<vmem>>
    %dma_start3A_75 = tpu.memref_squeeze %dma_start3A_74 : memref<1x1x80xi32, #tpu.memory_space<vmem>> -> memref<80xi32, #tpu.memory_space<vmem>>
    %dma_start3A_76 = arith.constant 0 : i32
    %dma_start3A_77 = arith.constant 0 : i32
    %dma_start3A_78 = tpu.memref_slice %arg2[%dma_start3A_76, %dma_start3A_77] : memref<10000x128xf32, #tpu.memory_space<hbm>> -> memref<10000x128xf32, #tpu.memory_space<hbm>>
    tpu.enqueue_indirect_dma source(%dma_start3A_78 : memref<10000x128xf32, #tpu.memory_space<hbm>>) target(%dma_start3A_72 : memref<80x128xf32, #tpu.memory_space<vmem>>) offsets(%dma_start3A_75 : memref<80xi32, #tpu.memory_space<vmem>>) semaphore(%arg11 : memref<!tpu.dma_semaphore, #tpu.memory_space<semaphore_mem>>)
    %dma_start3A_79 = arith.constant 0 : i32
    %dma_start3A_80 = arith.constant 1 : i32
    %dma_start3A_81 = arith.constant 1 : i32
    %dma_start3A_82 = arith.constant 0 : i32
    %dma_start3A_83 = arith.constant 0 : i32
    %dma_start3A_84 = tpu.memref_slice %arg9[%dma_start3A_81, %dma_start3A_82, %dma_start3A_83] : memref<4x80x128xf32, #tpu.memory_space<vmem>> -> memref<1x80x128xf32, #tpu.memory_space<vmem>>
    %dma_start3A_85 = tpu.memref_squeeze %dma_start3A_84 : memref<1x80x128xf32, #tpu.memory_space<vmem>> -> memref<80x128xf32, #tpu.memory_space<vmem>>
    %dma_start3A_86 = arith.constant 0 : i32
    %dma_start3A_87 = tpu.memref_slice %arg7[%dma_start3A_79, %dma_start3A_80, %dma_start3A_86] : memref<2x8x80xi32, #tpu.memory_space<vmem>> -> memref<1x1x80xi32, #tpu.memory_space<vmem>>
    %dma_start3A_88 = tpu.memref_squeeze %dma_start3A_87 : memref<1x1x80xi32, #tpu.memory_space<vmem>> -> memref<80xi32, #tpu.memory_space<vmem>>
    %dma_start3A_89 = arith.constant 0 : i32
    %dma_start3A_90 = arith.constant 0 : i32
    %dma_start3A_91 = tpu.memref_slice %arg2[%dma_start3A_89, %dma_start3A_90] : memref<10000x128xf32, #tpu.memory_space<hbm>> -> memref<10000x128xf32, #tpu.memory_space<hbm>>
    tpu.enqueue_indirect_dma source(%dma_start3A_91 : memref<10000x128xf32, #tpu.memory_space<hbm>>) target(%dma_start3A_85 : memref<80x128xf32, #tpu.memory_space<vmem>>) offsets(%dma_start3A_88 : memref<80xi32, #tpu.memory_space<vmem>>) semaphore(%arg12 : memref<!tpu.dma_semaphore, #tpu.memory_space<semaphore_mem>>)
    %mul3A = arith.constant 632 : i32
    %mul3A_92 = arith.muli %arg1, %mul3A : i32
    "tpu.region"() ({
      %run_scoped3A = tpu.sem_alloc : memref<!tpu.dma_semaphore, #tpu.memory_space<semaphore_mem>>
      %dma_start3A_129 = arith.constant 0 : i32
      %dma_start3A_130 = tpu.memref_slice %arg10[%mul3A_92, %dma_start3A_129] : memref<10112x128xf32, #tpu.memory_space<vmem_shared>> -> memref<632x128xf32, #tpu.memory_space<vmem_shared>>
      tpu.enqueue_dma source(%arg5 : memref<632x128xf32, #tpu.memory_space<hbm>>) target(%dma_start3A_130 : memref<632x128xf32, #tpu.memory_space<vmem_shared>>) target_semaphore(%run_scoped3A : memref<!tpu.dma_semaphore, #tpu.memory_space<semaphore_mem>>)
      %dma_wait3A_131 = arith.constant 0 : i32
      %dma_wait3A_132 = tpu.memref_slice %arg10[%mul3A_92, %dma_wait3A_131] : memref<10112x128xf32, #tpu.memory_space<vmem_shared>> -> memref<632x128xf32, #tpu.memory_space<vmem_shared>>
      tpu.wait_dma2 semaphore(%run_scoped3A : memref<!tpu.dma_semaphore, #tpu.memory_space<semaphore_mem>>) src(%arg5 : memref<632x128xf32, #tpu.memory_space<hbm>>) dst(%dma_wait3A_132 : memref<632x128xf32, #tpu.memory_space<vmem_shared>>)
      tpu.yield
    }) : () -> ()
    %barrier3A = arith.constant 0 : index
    tpu.barrier barrier_id(%barrier3A)
    %scan3A = arith.constant 0 : i32
    %scan3A_93 = arith.constant 0 : i32
    %scan3A_94 = arith.constant 8 : i32
    %scan3A_95 = arith.addi %scan3A_93, %scan3A_94 : i32
    %scan3A_96 = arith.constant 1 : i32
    scf.for %scan3A_129 = %scan3A_93 to %scan3A_95 step %scan3A_96  : i32 {
      %mul3A_130 = arith.constant 16 : i32
      %mul3A_131 = arith.muli %scan3A_129, %mul3A_130 : i32
      %multiple_of3A = tpu.assume_multiple %mul3A_131, 16 : i32
      %gt3A = arith.constant 0 : i32
      %gt3A_132 = arith.cmpi sgt, %scan3A_129, %gt3A : i32
      %convert_element_type3A = arith.extui %gt3A_132 : i1 to i32
      %cond3A = arith.constant 0 : i32
      %cond3A_133 = arith.cmpi ne, %convert_element_type3A, %cond3A : i32
      scf.if %cond3A_133 {
        %dma_wait3A_1030 = arith.constant 2 : i32
        %dma_wait3A_1031 = arith.constant 1 : i32
        %dma_wait3A_1032 = arith.constant 6 : i32
        %dma_wait3A_1033 = arith.constant 0 : i32
        %dma_wait3A_1034 = arith.constant 0 : i32
        %dma_wait3A_1035 = tpu.memref_slice %arg9[%dma_wait3A_1030, %dma_wait3A_1033, %dma_wait3A_1034] : memref<4x80x128xf32, #tpu.memory_space<vmem>> -> memref<1x80x128xf32, #tpu.memory_space<vmem>>
        %dma_wait3A_1036 = tpu.memref_squeeze %dma_wait3A_1035 : memref<1x80x128xf32, #tpu.memory_space<vmem>> -> memref<80x128xf32, #tpu.memory_space<vmem>>
        %dma_wait3A_1037 = arith.constant 0 : i32
        %dma_wait3A_1038 = tpu.memref_slice %arg8[%dma_wait3A_1031, %dma_wait3A_1032, %dma_wait3A_1037] : memref<2x8x80xi32, #tpu.memory_space<vmem>> -> memref<1x1x80xi32, #tpu.memory_space<vmem>>
        %dma_wait3A_1039 = tpu.memref_squeeze %dma_wait3A_1038 : memref<1x1x80xi32, #tpu.memory_space<vmem>> -> memref<80xi32, #tpu.memory_space<vmem>>
        %dma_wait3A_1040 = arith.constant 0 : i32
        %dma_wait3A_1041 = arith.constant 0 : i32
        %dma_wait3A_1042 = tpu.memref_slice %arg10[%dma_wait3A_1040, %dma_wait3A_1041] : memref<10112x128xf32, #tpu.memory_space<vmem_shared>> -> memref<10112x128xf32, #tpu.memory_space<vmem_shared>>
        tpu.wait_indirect_dma semaphore(%arg17 : memref<!tpu.dma_semaphore, #tpu.memory_space<semaphore_mem>>) src(%dma_wait3A_1036 : memref<80x128xf32, #tpu.memory_space<vmem>>) dst(%dma_wait3A_1042 : memref<10112x128xf32, #tpu.memory_space<vmem_shared>>)
      } else {
      }
      %dma_start3A_134 = arith.constant 0 : i32
      %dma_start3A_135 = arith.constant 2 : i32
      %dma_start3A_136 = arith.constant 2 : i32
      %dma_start3A_137 = arith.constant 0 : i32
      %dma_start3A_138 = arith.constant 0 : i32
      %dma_start3A_139 = tpu.memref_slice %arg9[%dma_start3A_136, %dma_start3A_137, %dma_start3A_138] : memref<4x80x128xf32, #tpu.memory_space<vmem>> -> memref<1x80x128xf32, #tpu.memory_space<vmem>>
      %dma_start3A_140 = tpu.memref_squeeze %dma_start3A_139 : memref<1x80x128xf32, #tpu.memory_space<vmem>> -> memref<80x128xf32, #tpu.memory_space<vmem>>
      %dma_start3A_141 = arith.constant 0 : i32
      %dma_start3A_142 = tpu.memref_slice %arg7[%dma_start3A_134, %dma_start3A_135, %dma_start3A_141] : memref<2x8x80xi32, #tpu.memory_space<vmem>> -> memref<1x1x80xi32, #tpu.memory_space<vmem>>
      %dma_start3A_143 = tpu.memref_squeeze %dma_start3A_142 : memref<1x1x80xi32, #tpu.memory_space<vmem>> -> memref<80xi32, #tpu.memory_space<vmem>>
      %dma_start3A_144 = arith.constant 0 : i32
      %dma_start3A_145 = arith.constant 0 : i32
      %dma_start3A_146 = tpu.memref_slice %arg2[%dma_start3A_144, %dma_start3A_145] : memref<10000x128xf32, #tpu.memory_space<hbm>> -> memref<10000x128xf32, #tpu.memory_space<hbm>>
      tpu.enqueue_indirect_dma source(%dma_start3A_146 : memref<10000x128xf32, #tpu.memory_space<hbm>>) target(%dma_start3A_140 : memref<80x128xf32, #tpu.memory_space<vmem>>) offsets(%dma_start3A_143 : memref<80xi32, #tpu.memory_space<vmem>>) semaphore(%arg13 : memref<!tpu.dma_semaphore, #tpu.memory_space<semaphore_mem>>)
      %dma_wait3A_147 = arith.constant 0 : i32
      %dma_wait3A_148 = arith.constant 0 : i32
      %dma_wait3A_149 = arith.constant 0 : i32
      %dma_wait3A_150 = tpu.memref_slice %arg9[%dma_wait3A_147, %dma_wait3A_148, %dma_wait3A_149] : memref<4x80x128xf32, #tpu.memory_space<vmem>> -> memref<1x80x128xf32, #tpu.memory_space<vmem>>
      %dma_wait3A_151 = tpu.memref_squeeze %dma_wait3A_150 : memref<1x80x128xf32, #tpu.memory_space<vmem>> -> memref<80x128xf32, #tpu.memory_space<vmem>>
      %dma_wait3A_152 = arith.constant 0 : i32
      %dma_wait3A_153 = arith.constant 0 : i32
      %dma_wait3A_154 = tpu.memref_slice %arg5[%dma_wait3A_152, %dma_wait3A_153] : memref<632x128xf32, #tpu.memory_space<hbm>> -> memref<80x128xf32, #tpu.memory_space<hbm>>
      %dma_wait3A_155 = arith.constant 0 : i32
      %dma_wait3A_156 = arith.constant 0 : i32
      %dma_wait3A_157 = tpu.memref_slice %arg9[%dma_wait3A_147, %dma_wait3A_155, %dma_wait3A_156] : memref<4x80x128xf32, #tpu.memory_space<vmem>> -> memref<1x80x128xf32, #tpu.memory_space<vmem>>
      %dma_wait3A_158 = tpu.memref_squeeze %dma_wait3A_157 : memref<1x80x128xf32, #tpu.memory_space<vmem>> -> memref<80x128xf32, #tpu.memory_space<vmem>>
      %dma_wait3A_159 = arith.constant 0 : i32
      %dma_wait3A_160 = arith.constant 0 : i32
      %dma_wait3A_161 = tpu.memref_slice %arg5[%dma_wait3A_159, %dma_wait3A_160] : memref<632x128xf32, #tpu.memory_space<hbm>> -> memref<80x128xf32, #tpu.memory_space<hbm>>
      tpu.wait_dma2 semaphore(%arg11 : memref<!tpu.dma_semaphore, #tpu.memory_space<semaphore_mem>>) src(%dma_wait3A_161 : memref<80x128xf32, #tpu.memory_space<hbm>>) dst(%dma_wait3A_158 : memref<80x128xf32, #tpu.memory_space<vmem>>)
      %dma_start3A_162 = arith.constant 0 : i32
      %dma_start3A_163 = arith.constant 0 : i32
      %dma_start3A_164 = arith.constant 0 : i32
      %dma_start3A_165 = arith.constant 0 : i32
      %dma_start3A_166 = arith.constant 0 : i32
      %dma_start3A_167 = tpu.memref_slice %arg9[%dma_start3A_162, %dma_start3A_165, %dma_start3A_166] : memref<4x80x128xf32, #tpu.memory_space<vmem>> -> memref<1x80x128xf32, #tpu.memory_space<vmem>>
      %dma_start3A_168 = tpu.memref_squeeze %dma_start3A_167 : memref<1x80x128xf32, #tpu.memory_space<vmem>> -> memref<80x128xf32, #tpu.memory_space<vmem>>
      %dma_start3A_169 = arith.constant 0 : i32
      %dma_start3A_170 = tpu.memref_slice %arg8[%dma_start3A_163, %dma_start3A_164, %dma_start3A_169] : memref<2x8x80xi32, #tpu.memory_space<vmem>> -> memref<1x1x80xi32, #tpu.memory_space<vmem>>
      %dma_start3A_171 = tpu.memref_squeeze %dma_start3A_170 : memref<1x1x80xi32, #tpu.memory_space<vmem>> -> memref<80xi32, #tpu.memory_space<vmem>>
      %dma_start3A_172 = arith.constant 0 : i32
      %dma_start3A_173 = arith.constant 0 : i32
      %dma_start3A_174 = tpu.memref_slice %arg10[%dma_start3A_172, %dma_start3A_173] : memref<10112x128xf32, #tpu.memory_space<vmem_shared>> -> memref<10112x128xf32, #tpu.memory_space<vmem_shared>>
      tpu.enqueue_indirect_dma source(%dma_start3A_168 : memref<80x128xf32, #tpu.memory_space<vmem>>) target(%dma_start3A_174 : memref<10112x128xf32, #tpu.memory_space<vmem_shared>>) offsets(%dma_start3A_171 : memref<80xi32, #tpu.memory_space<vmem>>) semaphore(%arg15 : memref<!tpu.dma_semaphore, #tpu.memory_space<semaphore_mem>>) {add = true}
      %gt3A_175 = arith.constant 0 : i32
      %gt3A_176 = arith.cmpi sgt, %scan3A_129, %gt3A_175 : i32
      %convert_element_type3A_177 = arith.extui %gt3A_176 : i1 to i32
      %cond3A_178 = arith.constant 0 : i32
      %cond3A_179 = arith.cmpi ne, %convert_element_type3A_177, %cond3A_178 : i32
      scf.if %cond3A_179 {
        %dma_wait3A_1030 = arith.constant 3 : i32
        %dma_wait3A_1031 = arith.constant 1 : i32
        %dma_wait3A_1032 = arith.constant 7 : i32
        %dma_wait3A_1033 = arith.constant 0 : i32
        %dma_wait3A_1034 = arith.constant 0 : i32
        %dma_wait3A_1035 = tpu.memref_slice %arg9[%dma_wait3A_1030, %dma_wait3A_1033, %dma_wait3A_1034] : memref<4x80x128xf32, #tpu.memory_space<vmem>> -> memref<1x80x128xf32, #tpu.memory_space<vmem>>
        %dma_wait3A_1036 = tpu.memref_squeeze %dma_wait3A_1035 : memref<1x80x128xf32, #tpu.memory_space<vmem>> -> memref<80x128xf32, #tpu.memory_space<vmem>>
        %dma_wait3A_1037 = arith.constant 0 : i32
        %dma_wait3A_1038 = tpu.memref_slice %arg8[%dma_wait3A_1031, %dma_wait3A_1032, %dma_wait3A_1037] : memref<2x8x80xi32, #tpu.memory_space<vmem>> -> memref<1x1x80xi32, #tpu.memory_space<vmem>>
        %dma_wait3A_1039 = tpu.memref_squeeze %dma_wait3A_1038 : memref<1x1x80xi32, #tpu.memory_space<vmem>> -> memref<80xi32, #tpu.memory_space<vmem>>
        %dma_wait3A_1040 = arith.constant 0 : i32
        %dma_wait3A_1041 = arith.constant 0 : i32
        %dma_wait3A_1042 = tpu.memref_slice %arg10[%dma_wait3A_1040, %dma_wait3A_1041] : memref<10112x128xf32, #tpu.memory_space<vmem_shared>> -> memref<10112x128xf32, #tpu.memory_space<vmem_shared>>
        tpu.wait_indirect_dma semaphore(%arg18 : memref<!tpu.dma_semaphore, #tpu.memory_space<semaphore_mem>>) src(%dma_wait3A_1036 : memref<80x128xf32, #tpu.memory_space<vmem>>) dst(%dma_wait3A_1042 : memref<10112x128xf32, #tpu.memory_space<vmem_shared>>)
      } else {
      }
      %dma_start3A_180 = arith.constant 0 : i32
      %dma_start3A_181 = arith.constant 3 : i32
      %dma_start3A_182 = arith.constant 3 : i32
      %dma_start3A_183 = arith.constant 0 : i32
      %dma_start3A_184 = arith.constant 0 : i32
      %dma_start3A_185 = tpu.memref_slice %arg9[%dma_start3A_182, %dma_start3A_183, %dma_start3A_184] : memref<4x80x128xf32, #tpu.memory_space<vmem>> -> memref<1x80x128xf32, #tpu.memory_space<vmem>>
      %dma_start3A_186 = tpu.memref_squeeze %dma_start3A_185 : memref<1x80x128xf32, #tpu.memory_space<vmem>> -> memref<80x128xf32, #tpu.memory_space<vmem>>
      %dma_start3A_187 = arith.constant 0 : i32
      %dma_start3A_188 = tpu.memref_slice %arg7[%dma_start3A_180, %dma_start3A_181, %dma_start3A_187] : memref<2x8x80xi32, #tpu.memory_space<vmem>> -> memref<1x1x80xi32, #tpu.memory_space<vmem>>
      %dma_start3A_189 = tpu.memref_squeeze %dma_start3A_188 : memref<1x1x80xi32, #tpu.memory_space<vmem>> -> memref<80xi32, #tpu.memory_space<vmem>>
      %dma_start3A_190 = arith.constant 0 : i32
      %dma_start3A_191 = arith.constant 0 : i32
      %dma_start3A_192 = tpu.memref_slice %arg2[%dma_start3A_190, %dma_start3A_191] : memref<10000x128xf32, #tpu.memory_space<hbm>> -> memref<10000x128xf32, #tpu.memory_space<hbm>>
      tpu.enqueue_indirect_dma source(%dma_start3A_192 : memref<10000x128xf32, #tpu.memory_space<hbm>>) target(%dma_start3A_186 : memref<80x128xf32, #tpu.memory_space<vmem>>) offsets(%dma_start3A_189 : memref<80xi32, #tpu.memory_space<vmem>>) semaphore(%arg14 : memref<!tpu.dma_semaphore, #tpu.memory_space<semaphore_mem>>)
      %dma_wait3A_193 = arith.constant 1 : i32
      %dma_wait3A_194 = arith.constant 0 : i32
      %dma_wait3A_195 = arith.constant 0 : i32
      %dma_wait3A_196 = tpu.memref_slice %arg9[%dma_wait3A_193, %dma_wait3A_194, %dma_wait3A_195] : memref<4x80x128xf32, #tpu.memory_space<vmem>> -> memref<1x80x128xf32, #tpu.memory_space<vmem>>
      %dma_wait3A_197 = tpu.memref_squeeze %dma_wait3A_196 : memref<1x80x128xf32, #tpu.memory_space<vmem>> -> memref<80x128xf32, #tpu.memory_space<vmem>>
      %dma_wait3A_198 = arith.constant 0 : i32
      %dma_wait3A_199 = arith.constant 0 : i32
      %dma_wait3A_200 = tpu.memref_slice %arg5[%dma_wait3A_198, %dma_wait3A_199] : memref<632x128xf32, #tpu.memory_space<hbm>> -> memref<80x128xf32, #tpu.memory_space<hbm>>
      %dma_wait3A_201 = arith.constant 0 : i32
      %dma_wait3A_202 = arith.constant 0 : i32
      %dma_wait3A_203 = tpu.memref_slice %arg9[%dma_wait3A_193, %dma_wait3A_201, %dma_wait3A_202] : memref<4x80x128xf32, #tpu.memory_space<vmem>> -> memref<1x80x128xf32, #tpu.memory_space<vmem>>
      %dma_wait3A_204 = tpu.memref_squeeze %dma_wait3A_203 : memref<1x80x128xf32, #tpu.memory_space<vmem>> -> memref<80x128xf32, #tpu.memory_space<vmem>>
      %dma_wait3A_205 = arith.constant 0 : i32
      %dma_wait3A_206 = arith.constant 0 : i32
      %dma_wait3A_207 = tpu.memref_slice %arg5[%dma_wait3A_205, %dma_wait3A_206] : memref<632x128xf32, #tpu.memory_space<hbm>> -> memref<80x128xf32, #tpu.memory_space<hbm>>
      tpu.wait_dma2 semaphore(%arg12 : memref<!tpu.dma_semaphore, #tpu.memory_space<semaphore_mem>>) src(%dma_wait3A_207 : memref<80x128xf32, #tpu.memory_space<hbm>>) dst(%dma_wait3A_204 : memref<80x128xf32, #tpu.memory_space<vmem>>)
      %dma_start3A_208 = arith.constant 1 : i32
      %dma_start3A_209 = arith.constant 0 : i32
      %dma_start3A_210 = arith.constant 1 : i32
      %dma_start3A_211 = arith.constant 0 : i32
      %dma_start3A_212 = arith.constant 0 : i32
      %dma_start3A_213 = tpu.memref_slice %arg9[%dma_start3A_208, %dma_start3A_211, %dma_start3A_212] : memref<4x80x128xf32, #tpu.memory_space<vmem>> -> memref<1x80x128xf32, #tpu.memory_space<vmem>>
      %dma_start3A_214 = tpu.memref_squeeze %dma_start3A_213 : memref<1x80x128xf32, #tpu.memory_space<vmem>> -> memref<80x128xf32, #tpu.memory_space<vmem>>
      %dma_start3A_215 = arith.constant 0 : i32
      %dma_start3A_216 = tpu.memref_slice %arg8[%dma_start3A_209, %dma_start3A_210, %dma_start3A_215] : memref<2x8x80xi32, #tpu.memory_space<vmem>> -> memref<1x1x80xi32, #tpu.memory_space<vmem>>
      %dma_start3A_217 = tpu.memref_squeeze %dma_start3A_216 : memref<1x1x80xi32, #tpu.memory_space<vmem>> -> memref<80xi32, #tpu.memory_space<vmem>>
      %dma_start3A_218 = arith.constant 0 : i32
      %dma_start3A_219 = arith.constant 0 : i32
      %dma_start3A_220 = tpu.memref_slice %arg10[%dma_start3A_218, %dma_start3A_219] : memref<10112x128xf32, #tpu.memory_space<vmem_shared>> -> memref<10112x128xf32, #tpu.memory_space<vmem_shared>>
      tpu.enqueue_indirect_dma source(%dma_start3A_214 : memref<80x128xf32, #tpu.memory_space<vmem>>) target(%dma_start3A_220 : memref<10112x128xf32, #tpu.memory_space<vmem_shared>>) offsets(%dma_start3A_217 : memref<80xi32, #tpu.memory_space<vmem>>) semaphore(%arg16 : memref<!tpu.dma_semaphore, #tpu.memory_space<semaphore_mem>>) {add = true}
      %add3A = arith.constant 8 : i32
      %add3A_221 = arith.addi %multiple_of3A, %add3A : i32
      %dma_start3A_222 = arith.constant 1 : i32
      %dma_start3A_223 = arith.constant 0 : i32
      %dma_start3A_224 = arith.constant 0 : i32
      %dma_start3A_225 = tpu.memref_slice %arg7[%dma_start3A_222, %dma_start3A_223, %dma_start3A_224] : memref<2x8x80xi32, #tpu.memory_space<vmem>> -> memref<1x8x80xi32, #tpu.memory_space<vmem>>
      %dma_start3A_226 = tpu.memref_squeeze %dma_start3A_225 : memref<1x8x80xi32, #tpu.memory_space<vmem>> -> memref<8x80xi32, #tpu.memory_space<vmem>>
      %dma_start3A_227 = arith.constant 0 : i32
      %dma_start3A_228 = tpu.memref_slice %arg3[%arg0, %arg1, %add3A_221, %dma_start3A_227] : memref<2x16x128x80xi32, #tpu.memory_space<hbm>> -> memref<1x1x8x80xi32, #tpu.memory_space<hbm>>
      %dma_start3A_229 = tpu.memref_squeeze %dma_start3A_228 : memref<1x1x8x80xi32, #tpu.memory_space<hbm>> -> memref<8x80xi32, #tpu.memory_space<hbm>>
      %dma_start3A_230 = arith.constant 0 : i32
      %dma_start3A_231 = arith.constant 0 : i32
      %dma_start3A_232 = tpu.memref_slice %arg7[%dma_start3A_222, %dma_start3A_230, %dma_start3A_231] : memref<2x8x80xi32, #tpu.memory_space<vmem>> -> memref<1x8x80xi32, #tpu.memory_space<vmem>>
      %dma_start3A_233 = tpu.memref_squeeze %dma_start3A_232 : memref<1x8x80xi32, #tpu.memory_space<vmem>> -> memref<8x80xi32, #tpu.memory_space<vmem>>
      %dma_start3A_234 = arith.constant 0 : i32
      %dma_start3A_235 = tpu.memref_slice %arg3[%arg0, %arg1, %add3A_221, %dma_start3A_234] : memref<2x16x128x80xi32, #tpu.memory_space<hbm>> -> memref<1x1x8x80xi32, #tpu.memory_space<hbm>>
      %dma_start3A_236 = tpu.memref_squeeze %dma_start3A_235 : memref<1x1x8x80xi32, #tpu.memory_space<hbm>> -> memref<8x80xi32, #tpu.memory_space<hbm>>
      tpu.enqueue_dma source(%dma_start3A_236 : memref<8x80xi32, #tpu.memory_space<hbm>>) target(%dma_start3A_233 : memref<8x80xi32, #tpu.memory_space<vmem>>) target_semaphore(%arg19 : memref<!tpu.dma_semaphore, #tpu.memory_space<semaphore_mem>>)
      %dma_start3A_237 = arith.constant 1 : i32
      %dma_start3A_238 = arith.constant 0 : i32
      %dma_start3A_239 = arith.constant 0 : i32
      %dma_start3A_240 = tpu.memref_slice %arg8[%dma_start3A_237, %dma_start3A_238, %dma_start3A_239] : memref<2x8x80xi32, #tpu.memory_space<vmem>> -> memref<1x8x80xi32, #tpu.memory_space<vmem>>
      %dma_start3A_241 = tpu.memref_squeeze %dma_start3A_240 : memref<1x8x80xi32, #tpu.memory_space<vmem>> -> memref<8x80xi32, #tpu.memory_space<vmem>>
      %dma_start3A_242 = arith.constant 0 : i32
      %dma_start3A_243 = tpu.memref_slice %arg4[%arg0, %arg1, %add3A_221, %dma_start3A_242] : memref<2x16x128x80xi32, #tpu.memory_space<hbm>> -> memref<1x1x8x80xi32, #tpu.memory_space<hbm>>
      %dma_start3A_244 = tpu.memref_squeeze %dma_start3A_243 : memref<1x1x8x80xi32, #tpu.memory_space<hbm>> -> memref<8x80xi32, #tpu.memory_space<hbm>>
      %dma_start3A_245 = arith.constant 0 : i32
      %dma_start3A_246 = arith.constant 0 : i32
      %dma_start3A_247 = tpu.memref_slice %arg8[%dma_start3A_237, %dma_start3A_245, %dma_start3A_246] : memref<2x8x80xi32, #tpu.memory_space<vmem>> -> memref<1x8x80xi32, #tpu.memory_space<vmem>>
      %dma_start3A_248 = tpu.memref_squeeze %dma_start3A_247 : memref<1x8x80xi32, #tpu.memory_space<vmem>> -> memref<8x80xi32, #tpu.memory_space<vmem>>
      %dma_start3A_249 = arith.constant 0 : i32
      %dma_start3A_250 = tpu.memref_slice %arg4[%arg0, %arg1, %add3A_221, %dma_start3A_249] : memref<2x16x128x80xi32, #tpu.memory_space<hbm>> -> memref<1x1x8x80xi32, #tpu.memory_space<hbm>>
      %dma_start3A_251 = tpu.memref_squeeze %dma_start3A_250 : memref<1x1x8x80xi32, #tpu.memory_space<hbm>> -> memref<8x80xi32, #tpu.memory_space<hbm>>
      tpu.enqueue_dma source(%dma_start3A_251 : memref<8x80xi32, #tpu.memory_space<hbm>>) target(%dma_start3A_248 : memref<8x80xi32, #tpu.memory_space<vmem>>) target_semaphore(%arg19 : memref<!tpu.dma_semaphore, #tpu.memory_space<semaphore_mem>>)
      %dma_wait3A_252 = arith.constant 0 : i32
      %dma_wait3A_253 = arith.constant 0 : i32
      %dma_wait3A_254 = arith.constant 0 : i32
      %dma_wait3A_255 = arith.constant 0 : i32
      %dma_wait3A_256 = arith.constant 0 : i32
      %dma_wait3A_257 = tpu.memref_slice %arg9[%dma_wait3A_252, %dma_wait3A_255, %dma_wait3A_256] : memref<4x80x128xf32, #tpu.memory_space<vmem>> -> memref<1x80x128xf32, #tpu.memory_space<vmem>>
      %dma_wait3A_258 = tpu.memref_squeeze %dma_wait3A_257 : memref<1x80x128xf32, #tpu.memory_space<vmem>> -> memref<80x128xf32, #tpu.memory_space<vmem>>
      %dma_wait3A_259 = arith.constant 0 : i32
      %dma_wait3A_260 = tpu.memref_slice %arg8[%dma_wait3A_253, %dma_wait3A_254, %dma_wait3A_259] : memref<2x8x80xi32, #tpu.memory_space<vmem>> -> memref<1x1x80xi32, #tpu.memory_space<vmem>>
      %dma_wait3A_261 = tpu.memref_squeeze %dma_wait3A_260 : memref<1x1x80xi32, #tpu.memory_space<vmem>> -> memref<80xi32, #tpu.memory_space<vmem>>
      %dma_wait3A_262 = arith.constant 0 : i32
      %dma_wait3A_263 = arith.constant 0 : i32
      %dma_wait3A_264 = tpu.memref_slice %arg10[%dma_wait3A_262, %dma_wait3A_263] : memref<10112x128xf32, #tpu.memory_space<vmem_shared>> -> memref<10112x128xf32, #tpu.memory_space<vmem_shared>>
      tpu.wait_indirect_dma semaphore(%arg15 : memref<!tpu.dma_semaphore, #tpu.memory_space<semaphore_mem>>) src(%dma_wait3A_258 : memref<80x128xf32, #tpu.memory_space<vmem>>) dst(%dma_wait3A_264 : memref<10112x128xf32, #tpu.memory_space<vmem_shared>>)
      %dma_start3A_265 = arith.constant 0 : i32
      %dma_start3A_266 = arith.constant 4 : i32
      %dma_start3A_267 = arith.constant 0 : i32
      %dma_start3A_268 = arith.constant 0 : i32
      %dma_start3A_269 = arith.constant 0 : i32
      %dma_start3A_270 = tpu.memref_slice %arg9[%dma_start3A_267, %dma_start3A_268, %dma_start3A_269] : memref<4x80x128xf32, #tpu.memory_space<vmem>> -> memref<1x80x128xf32, #tpu.memory_space<vmem>>
      %dma_start3A_271 = tpu.memref_squeeze %dma_start3A_270 : memref<1x80x128xf32, #tpu.memory_space<vmem>> -> memref<80x128xf32, #tpu.memory_space<vmem>>
      %dma_start3A_272 = arith.constant 0 : i32
      %dma_start3A_273 = tpu.memref_slice %arg7[%dma_start3A_265, %dma_start3A_266, %dma_start3A_272] : memref<2x8x80xi32, #tpu.memory_space<vmem>> -> memref<1x1x80xi32, #tpu.memory_space<vmem>>
      %dma_start3A_274 = tpu.memref_squeeze %dma_start3A_273 : memref<1x1x80xi32, #tpu.memory_space<vmem>> -> memref<80xi32, #tpu.memory_space<vmem>>
      %dma_start3A_275 = arith.constant 0 : i32
      %dma_start3A_276 = arith.constant 0 : i32
      %dma_start3A_277 = tpu.memref_slice %arg2[%dma_start3A_275, %dma_start3A_276] : memref<10000x128xf32, #tpu.memory_space<hbm>> -> memref<10000x128xf32, #tpu.memory_space<hbm>>
      tpu.enqueue_indirect_dma source(%dma_start3A_277 : memref<10000x128xf32, #tpu.memory_space<hbm>>) target(%dma_start3A_271 : memref<80x128xf32, #tpu.memory_space<vmem>>) offsets(%dma_start3A_274 : memref<80xi32, #tpu.memory_space<vmem>>) semaphore(%arg11 : memref<!tpu.dma_semaphore, #tpu.memory_space<semaphore_mem>>)
      %dma_wait3A_278 = arith.constant 2 : i32
      %dma_wait3A_279 = arith.constant 0 : i32
      %dma_wait3A_280 = arith.constant 0 : i32
      %dma_wait3A_281 = tpu.memref_slice %arg9[%dma_wait3A_278, %dma_wait3A_279, %dma_wait3A_280] : memref<4x80x128xf32, #tpu.memory_space<vmem>> -> memref<1x80x128xf32, #tpu.memory_space<vmem>>
      %dma_wait3A_282 = tpu.memref_squeeze %dma_wait3A_281 : memref<1x80x128xf32, #tpu.memory_space<vmem>> -> memref<80x128xf32, #tpu.memory_space<vmem>>
      %dma_wait3A_283 = arith.constant 0 : i32
      %dma_wait3A_284 = arith.constant 0 : i32
      %dma_wait3A_285 = tpu.memref_slice %arg5[%dma_wait3A_283, %dma_wait3A_284] : memref<632x128xf32, #tpu.memory_space<hbm>> -> memref<80x128xf32, #tpu.memory_space<hbm>>
      %dma_wait3A_286 = arith.constant 0 : i32
      %dma_wait3A_287 = arith.constant 0 : i32
      %dma_wait3A_288 = tpu.memref_slice %arg9[%dma_wait3A_278, %dma_wait3A_286, %dma_wait3A_287] : memref<4x80x128xf32, #tpu.memory_space<vmem>> -> memref<1x80x128xf32, #tpu.memory_space<vmem>>
      %dma_wait3A_289 = tpu.memref_squeeze %dma_wait3A_288 : memref<1x80x128xf32, #tpu.memory_space<vmem>> -> memref<80x128xf32, #tpu.memory_space<vmem>>
      %dma_wait3A_290 = arith.constant 0 : i32
      %dma_wait3A_291 = arith.constant 0 : i32
      %dma_wait3A_292 = tpu.memref_slice %arg5[%dma_wait3A_290, %dma_wait3A_291] : memref<632x128xf32, #tpu.memory_space<hbm>> -> memref<80x128xf32, #tpu.memory_space<hbm>>
      tpu.wait_dma2 semaphore(%arg13 : memref<!tpu.dma_semaphore, #tpu.memory_space<semaphore_mem>>) src(%dma_wait3A_292 : memref<80x128xf32, #tpu.memory_space<hbm>>) dst(%dma_wait3A_289 : memref<80x128xf32, #tpu.memory_space<vmem>>)
      %dma_start3A_293 = arith.constant 2 : i32
      %dma_start3A_294 = arith.constant 0 : i32
      %dma_start3A_295 = arith.constant 2 : i32
      %dma_start3A_296 = arith.constant 0 : i32
      %dma_start3A_297 = arith.constant 0 : i32
      %dma_start3A_298 = tpu.memref_slice %arg9[%dma_start3A_293, %dma_start3A_296, %dma_start3A_297] : memref<4x80x128xf32, #tpu.memory_space<vmem>> -> memref<1x80x128xf32, #tpu.memory_space<vmem>>
      %dma_start3A_299 = tpu.memref_squeeze %dma_start3A_298 : memref<1x80x128xf32, #tpu.memory_space<vmem>> -> memref<80x128xf32, #tpu.memory_space<vmem>>
      %dma_start3A_300 = arith.constant 0 : i32
      %dma_start3A_301 = tpu.memref_slice %arg8[%dma_start3A_294, %dma_start3A_295, %dma_start3A_300] : memref<2x8x80xi32, #tpu.memory_space<vmem>> -> memref<1x1x80xi32, #tpu.memory_space<vmem>>
      %dma_start3A_302 = tpu.memref_squeeze %dma_start3A_301 : memref<1x1x80xi32, #tpu.memory_space<vmem>> -> memref<80xi32, #tpu.memory_space<vmem>>
      %dma_start3A_303 = arith.constant 0 : i32
      %dma_start3A_304 = arith.constant 0 : i32
      %dma_start3A_305 = tpu.memref_slice %arg10[%dma_start3A_303, %dma_start3A_304] : memref<10112x128xf32, #tpu.memory_space<vmem_shared>> -> memref<10112x128xf32, #tpu.memory_space<vmem_shared>>
      tpu.enqueue_indirect_dma source(%dma_start3A_299 : memref<80x128xf32, #tpu.memory_space<vmem>>) target(%dma_start3A_305 : memref<10112x128xf32, #tpu.memory_space<vmem_shared>>) offsets(%dma_start3A_302 : memref<80xi32, #tpu.memory_space<vmem>>) semaphore(%arg17 : memref<!tpu.dma_semaphore, #tpu.memory_space<semaphore_mem>>) {add = true}
      %dma_wait3A_306 = arith.constant 1 : i32
      %dma_wait3A_307 = arith.constant 0 : i32
      %dma_wait3A_308 = arith.constant 1 : i32
      %dma_wait3A_309 = arith.constant 0 : i32
      %dma_wait3A_310 = arith.constant 0 : i32
      %dma_wait3A_311 = tpu.memref_slice %arg9[%dma_wait3A_306, %dma_wait3A_309, %dma_wait3A_310] : memref<4x80x128xf32, #tpu.memory_space<vmem>> -> memref<1x80x128xf32, #tpu.memory_space<vmem>>
      %dma_wait3A_312 = tpu.memref_squeeze %dma_wait3A_311 : memref<1x80x128xf32, #tpu.memory_space<vmem>> -> memref<80x128xf32, #tpu.memory_space<vmem>>
      %dma_wait3A_313 = arith.constant 0 : i32
      %dma_wait3A_314 = tpu.memref_slice %arg8[%dma_wait3A_307, %dma_wait3A_308, %dma_wait3A_313] : memref<2x8x80xi32, #tpu.memory_space<vmem>> -> memref<1x1x80xi32, #tpu.memory_space<vmem>>
      %dma_wait3A_315 = tpu.memref_squeeze %dma_wait3A_314 : memref<1x1x80xi32, #tpu.memory_space<vmem>> -> memref<80xi32, #tpu.memory_space<vmem>>
      %dma_wait3A_316 = arith.constant 0 : i32
      %dma_wait3A_317 = arith.constant 0 : i32
      %dma_wait3A_318 = tpu.memref_slice %arg10[%dma_wait3A_316, %dma_wait3A_317] : memref<10112x128xf32, #tpu.memory_space<vmem_shared>> -> memref<10112x128xf32, #tpu.memory_space<vmem_shared>>
      tpu.wait_indirect_dma semaphore(%arg16 : memref<!tpu.dma_semaphore, #tpu.memory_space<semaphore_mem>>) src(%dma_wait3A_312 : memref<80x128xf32, #tpu.memory_space<vmem>>) dst(%dma_wait3A_318 : memref<10112x128xf32, #tpu.memory_space<vmem_shared>>)
      %dma_start3A_319 = arith.constant 0 : i32
      %dma_start3A_320 = arith.constant 5 : i32
      %dma_start3A_321 = arith.constant 1 : i32
      %dma_start3A_322 = arith.constant 0 : i32
      %dma_start3A_323 = arith.constant 0 : i32
      %dma_start3A_324 = tpu.memref_slice %arg9[%dma_start3A_321, %dma_start3A_322, %dma_start3A_323] : memref<4x80x128xf32, #tpu.memory_space<vmem>> -> memref<1x80x128xf32, #tpu.memory_space<vmem>>
      %dma_start3A_325 = tpu.memref_squeeze %dma_start3A_324 : memref<1x80x128xf32, #tpu.memory_space<vmem>> -> memref<80x128xf32, #tpu.memory_space<vmem>>
      %dma_start3A_326 = arith.constant 0 : i32
      %dma_start3A_327 = tpu.memref_slice %arg7[%dma_start3A_319, %dma_start3A_320, %dma_start3A_326] : memref<2x8x80xi32, #tpu.memory_space<vmem>> -> memref<1x1x80xi32, #tpu.memory_space<vmem>>
      %dma_start3A_328 = tpu.memref_squeeze %dma_start3A_327 : memref<1x1x80xi32, #tpu.memory_space<vmem>> -> memref<80xi32, #tpu.memory_space<vmem>>
      %dma_start3A_329 = arith.constant 0 : i32
      %dma_start3A_330 = arith.constant 0 : i32
      %dma_start3A_331 = tpu.memref_slice %arg2[%dma_start3A_329, %dma_start3A_330] : memref<10000x128xf32, #tpu.memory_space<hbm>> -> memref<10000x128xf32, #tpu.memory_space<hbm>>
      tpu.enqueue_indirect_dma source(%dma_start3A_331 : memref<10000x128xf32, #tpu.memory_space<hbm>>) target(%dma_start3A_325 : memref<80x128xf32, #tpu.memory_space<vmem>>) offsets(%dma_start3A_328 : memref<80xi32, #tpu.memory_space<vmem>>) semaphore(%arg12 : memref<!tpu.dma_semaphore, #tpu.memory_space<semaphore_mem>>)
      %dma_wait3A_332 = arith.constant 3 : i32
      %dma_wait3A_333 = arith.constant 0 : i32
      %dma_wait3A_334 = arith.constant 0 : i32
      %dma_wait3A_335 = tpu.memref_slice %arg9[%dma_wait3A_332, %dma_wait3A_333, %dma_wait3A_334] : memref<4x80x128xf32, #tpu.memory_space<vmem>> -> memref<1x80x128xf32, #tpu.memory_space<vmem>>
      %dma_wait3A_336 = tpu.memref_squeeze %dma_wait3A_335 : memref<1x80x128xf32, #tpu.memory_space<vmem>> -> memref<80x128xf32, #tpu.memory_space<vmem>>
      %dma_wait3A_337 = arith.constant 0 : i32
      %dma_wait3A_338 = arith.constant 0 : i32
      %dma_wait3A_339 = tpu.memref_slice %arg5[%dma_wait3A_337, %dma_wait3A_338] : memref<632x128xf32, #tpu.memory_space<hbm>> -> memref<80x128xf32, #tpu.memory_space<hbm>>
      %dma_wait3A_340 = arith.constant 0 : i32
      %dma_wait3A_341 = arith.constant 0 : i32
      %dma_wait3A_342 = tpu.memref_slice %arg9[%dma_wait3A_332, %dma_wait3A_340, %dma_wait3A_341] : memref<4x80x128xf32, #tpu.memory_space<vmem>> -> memref<1x80x128xf32, #tpu.memory_space<vmem>>
      %dma_wait3A_343 = tpu.memref_squeeze %dma_wait3A_342 : memref<1x80x128xf32, #tpu.memory_space<vmem>> -> memref<80x128xf32, #tpu.memory_space<vmem>>
      %dma_wait3A_344 = arith.constant 0 : i32
      %dma_wait3A_345 = arith.constant 0 : i32
      %dma_wait3A_346 = tpu.memref_slice %arg5[%dma_wait3A_344, %dma_wait3A_345] : memref<632x128xf32, #tpu.memory_space<hbm>> -> memref<80x128xf32, #tpu.memory_space<hbm>>
      tpu.wait_dma2 semaphore(%arg14 : memref<!tpu.dma_semaphore, #tpu.memory_space<semaphore_mem>>) src(%dma_wait3A_346 : memref<80x128xf32, #tpu.memory_space<hbm>>) dst(%dma_wait3A_343 : memref<80x128xf32, #tpu.memory_space<vmem>>)
      %dma_start3A_347 = arith.constant 3 : i32
      %dma_start3A_348 = arith.constant 0 : i32
      %dma_start3A_349 = arith.constant 3 : i32
      %dma_start3A_350 = arith.constant 0 : i32
      %dma_start3A_351 = arith.constant 0 : i32
      %dma_start3A_352 = tpu.memref_slice %arg9[%dma_start3A_347, %dma_start3A_350, %dma_start3A_351] : memref<4x80x128xf32, #tpu.memory_space<vmem>> -> memref<1x80x128xf32, #tpu.memory_space<vmem>>
      %dma_start3A_353 = tpu.memref_squeeze %dma_start3A_352 : memref<1x80x128xf32, #tpu.memory_space<vmem>> -> memref<80x128xf32, #tpu.memory_space<vmem>>
      %dma_start3A_354 = arith.constant 0 : i32
      %dma_start3A_355 = tpu.memref_slice %arg8[%dma_start3A_348, %dma_start3A_349, %dma_start3A_354] : memref<2x8x80xi32, #tpu.memory_space<vmem>> -> memref<1x1x80xi32, #tpu.memory_space<vmem>>
      %dma_start3A_356 = tpu.memref_squeeze %dma_start3A_355 : memref<1x1x80xi32, #tpu.memory_space<vmem>> -> memref<80xi32, #tpu.memory_space<vmem>>
      %dma_start3A_357 = arith.constant 0 : i32
      %dma_start3A_358 = arith.constant 0 : i32
      %dma_start3A_359 = tpu.memref_slice %arg10[%dma_start3A_357, %dma_start3A_358] : memref<10112x128xf32, #tpu.memory_space<vmem_shared>> -> memref<10112x128xf32, #tpu.memory_space<vmem_shared>>
      tpu.enqueue_indirect_dma source(%dma_start3A_353 : memref<80x128xf32, #tpu.memory_space<vmem>>) target(%dma_start3A_359 : memref<10112x128xf32, #tpu.memory_space<vmem_shared>>) offsets(%dma_start3A_356 : memref<80xi32, #tpu.memory_space<vmem>>) semaphore(%arg18 : memref<!tpu.dma_semaphore, #tpu.memory_space<semaphore_mem>>) {add = true}
      %dma_wait3A_360 = arith.constant 2 : i32
      %dma_wait3A_361 = arith.constant 0 : i32
      %dma_wait3A_362 = arith.constant 2 : i32
      %dma_wait3A_363 = arith.constant 0 : i32
      %dma_wait3A_364 = arith.constant 0 : i32
      %dma_wait3A_365 = tpu.memref_slice %arg9[%dma_wait3A_360, %dma_wait3A_363, %dma_wait3A_364] : memref<4x80x128xf32, #tpu.memory_space<vmem>> -> memref<1x80x128xf32, #tpu.memory_space<vmem>>
      %dma_wait3A_366 = tpu.memref_squeeze %dma_wait3A_365 : memref<1x80x128xf32, #tpu.memory_space<vmem>> -> memref<80x128xf32, #tpu.memory_space<vmem>>
      %dma_wait3A_367 = arith.constant 0 : i32
      %dma_wait3A_368 = tpu.memref_slice %arg8[%dma_wait3A_361, %dma_wait3A_362, %dma_wait3A_367] : memref<2x8x80xi32, #tpu.memory_space<vmem>> -> memref<1x1x80xi32, #tpu.memory_space<vmem>>
      %dma_wait3A_369 = tpu.memref_squeeze %dma_wait3A_368 : memref<1x1x80xi32, #tpu.memory_space<vmem>> -> memref<80xi32, #tpu.memory_space<vmem>>
      %dma_wait3A_370 = arith.constant 0 : i32
      %dma_wait3A_371 = arith.constant 0 : i32
      %dma_wait3A_372 = tpu.memref_slice %arg10[%dma_wait3A_370, %dma_wait3A_371] : memref<10112x128xf32, #tpu.memory_space<vmem_shared>> -> memref<10112x128xf32, #tpu.memory_space<vmem_shared>>
      tpu.wait_indirect_dma semaphore(%arg17 : memref<!tpu.dma_semaphore, #tpu.memory_space<semaphore_mem>>) src(%dma_wait3A_366 : memref<80x128xf32, #tpu.memory_space<vmem>>) dst(%dma_wait3A_372 : memref<10112x128xf32, #tpu.memory_space<vmem_shared>>)
      %dma_start3A_373 = arith.constant 0 : i32
      %dma_start3A_374 = arith.constant 6 : i32
      %dma_start3A_375 = arith.constant 2 : i32
      %dma_start3A_376 = arith.constant 0 : i32
      %dma_start3A_377 = arith.constant 0 : i32
      %dma_start3A_378 = tpu.memref_slice %arg9[%dma_start3A_375, %dma_start3A_376, %dma_start3A_377] : memref<4x80x128xf32, #tpu.memory_space<vmem>> -> memref<1x80x128xf32, #tpu.memory_space<vmem>>
      %dma_start3A_379 = tpu.memref_squeeze %dma_start3A_378 : memref<1x80x128xf32, #tpu.memory_space<vmem>> -> memref<80x128xf32, #tpu.memory_space<vmem>>
      %dma_start3A_380 = arith.constant 0 : i32
      %dma_start3A_381 = tpu.memref_slice %arg7[%dma_start3A_373, %dma_start3A_374, %dma_start3A_380] : memref<2x8x80xi32, #tpu.memory_space<vmem>> -> memref<1x1x80xi32, #tpu.memory_space<vmem>>
      %dma_start3A_382 = tpu.memref_squeeze %dma_start3A_381 : memref<1x1x80xi32, #tpu.memory_space<vmem>> -> memref<80xi32, #tpu.memory_space<vmem>>
      %dma_start3A_383 = arith.constant 0 : i32
      %dma_start3A_384 = arith.constant 0 : i32
      %dma_start3A_385 = tpu.memref_slice %arg2[%dma_start3A_383, %dma_start3A_384] : memref<10000x128xf32, #tpu.memory_space<hbm>> -> memref<10000x128xf32, #tpu.memory_space<hbm>>
      tpu.enqueue_indirect_dma source(%dma_start3A_385 : memref<10000x128xf32, #tpu.memory_space<hbm>>) target(%dma_start3A_379 : memref<80x128xf32, #tpu.memory_space<vmem>>) offsets(%dma_start3A_382 : memref<80xi32, #tpu.memory_space<vmem>>) semaphore(%arg13 : memref<!tpu.dma_semaphore, #tpu.memory_space<semaphore_mem>>)
      %dma_wait3A_386 = arith.constant 0 : i32
      %dma_wait3A_387 = arith.constant 0 : i32
      %dma_wait3A_388 = arith.constant 0 : i32
      %dma_wait3A_389 = tpu.memref_slice %arg9[%dma_wait3A_386, %dma_wait3A_387, %dma_wait3A_388] : memref<4x80x128xf32, #tpu.memory_space<vmem>> -> memref<1x80x128xf32, #tpu.memory_space<vmem>>
      %dma_wait3A_390 = tpu.memref_squeeze %dma_wait3A_389 : memref<1x80x128xf32, #tpu.memory_space<vmem>> -> memref<80x128xf32, #tpu.memory_space<vmem>>
      %dma_wait3A_391 = arith.constant 0 : i32
      %dma_wait3A_392 = arith.constant 0 : i32
      %dma_wait3A_393 = tpu.memref_slice %arg5[%dma_wait3A_391, %dma_wait3A_392] : memref<632x128xf32, #tpu.memory_space<hbm>> -> memref<80x128xf32, #tpu.memory_space<hbm>>
      %dma_wait3A_394 = arith.constant 0 : i32
      %dma_wait3A_395 = arith.constant 0 : i32
      %dma_wait3A_396 = tpu.memref_slice %arg9[%dma_wait3A_386, %dma_wait3A_394, %dma_wait3A_395] : memref<4x80x128xf32, #tpu.memory_space<vmem>> -> memref<1x80x128xf32, #tpu.memory_space<vmem>>
      %dma_wait3A_397 = tpu.memref_squeeze %dma_wait3A_396 : memref<1x80x128xf32, #tpu.memory_space<vmem>> -> memref<80x128xf32, #tpu.memory_space<vmem>>
      %dma_wait3A_398 = arith.constant 0 : i32
      %dma_wait3A_399 = arith.constant 0 : i32
      %dma_wait3A_400 = tpu.memref_slice %arg5[%dma_wait3A_398, %dma_wait3A_399] : memref<632x128xf32, #tpu.memory_space<hbm>> -> memref<80x128xf32, #tpu.memory_space<hbm>>
      tpu.wait_dma2 semaphore(%arg11 : memref<!tpu.dma_semaphore, #tpu.memory_space<semaphore_mem>>) src(%dma_wait3A_400 : memref<80x128xf32, #tpu.memory_space<hbm>>) dst(%dma_wait3A_397 : memref<80x128xf32, #tpu.memory_space<vmem>>)
      %dma_start3A_401 = arith.constant 0 : i32
      %dma_start3A_402 = arith.constant 0 : i32
      %dma_start3A_403 = arith.constant 4 : i32
      %dma_start3A_404 = arith.constant 0 : i32
      %dma_start3A_405 = arith.constant 0 : i32
      %dma_start3A_406 = tpu.memref_slice %arg9[%dma_start3A_401, %dma_start3A_404, %dma_start3A_405] : memref<4x80x128xf32, #tpu.memory_space<vmem>> -> memref<1x80x128xf32, #tpu.memory_space<vmem>>
      %dma_start3A_407 = tpu.memref_squeeze %dma_start3A_406 : memref<1x80x128xf32, #tpu.memory_space<vmem>> -> memref<80x128xf32, #tpu.memory_space<vmem>>
      %dma_start3A_408 = arith.constant 0 : i32
      %dma_start3A_409 = tpu.memref_slice %arg8[%dma_start3A_402, %dma_start3A_403, %dma_start3A_408] : memref<2x8x80xi32, #tpu.memory_space<vmem>> -> memref<1x1x80xi32, #tpu.memory_space<vmem>>
      %dma_start3A_410 = tpu.memref_squeeze %dma_start3A_409 : memref<1x1x80xi32, #tpu.memory_space<vmem>> -> memref<80xi32, #tpu.memory_space<vmem>>
      %dma_start3A_411 = arith.constant 0 : i32
      %dma_start3A_412 = arith.constant 0 : i32
      %dma_start3A_413 = tpu.memref_slice %arg10[%dma_start3A_411, %dma_start3A_412] : memref<10112x128xf32, #tpu.memory_space<vmem_shared>> -> memref<10112x128xf32, #tpu.memory_space<vmem_shared>>
      tpu.enqueue_indirect_dma source(%dma_start3A_407 : memref<80x128xf32, #tpu.memory_space<vmem>>) target(%dma_start3A_413 : memref<10112x128xf32, #tpu.memory_space<vmem_shared>>) offsets(%dma_start3A_410 : memref<80xi32, #tpu.memory_space<vmem>>) semaphore(%arg15 : memref<!tpu.dma_semaphore, #tpu.memory_space<semaphore_mem>>) {add = true}
      %dma_wait3A_414 = arith.constant 3 : i32
      %dma_wait3A_415 = arith.constant 0 : i32
      %dma_wait3A_416 = arith.constant 3 : i32
      %dma_wait3A_417 = arith.constant 0 : i32
      %dma_wait3A_418 = arith.constant 0 : i32
      %dma_wait3A_419 = tpu.memref_slice %arg9[%dma_wait3A_414, %dma_wait3A_417, %dma_wait3A_418] : memref<4x80x128xf32, #tpu.memory_space<vmem>> -> memref<1x80x128xf32, #tpu.memory_space<vmem>>
      %dma_wait3A_420 = tpu.memref_squeeze %dma_wait3A_419 : memref<1x80x128xf32, #tpu.memory_space<vmem>> -> memref<80x128xf32, #tpu.memory_space<vmem>>
      %dma_wait3A_421 = arith.constant 0 : i32
      %dma_wait3A_422 = tpu.memref_slice %arg8[%dma_wait3A_415, %dma_wait3A_416, %dma_wait3A_421] : memref<2x8x80xi32, #tpu.memory_space<vmem>> -> memref<1x1x80xi32, #tpu.memory_space<vmem>>
      %dma_wait3A_423 = tpu.memref_squeeze %dma_wait3A_422 : memref<1x1x80xi32, #tpu.memory_space<vmem>> -> memref<80xi32, #tpu.memory_space<vmem>>
      %dma_wait3A_424 = arith.constant 0 : i32
      %dma_wait3A_425 = arith.constant 0 : i32
      %dma_wait3A_426 = tpu.memref_slice %arg10[%dma_wait3A_424, %dma_wait3A_425] : memref<10112x128xf32, #tpu.memory_space<vmem_shared>> -> memref<10112x128xf32, #tpu.memory_space<vmem_shared>>
      tpu.wait_indirect_dma semaphore(%arg18 : memref<!tpu.dma_semaphore, #tpu.memory_space<semaphore_mem>>) src(%dma_wait3A_420 : memref<80x128xf32, #tpu.memory_space<vmem>>) dst(%dma_wait3A_426 : memref<10112x128xf32, #tpu.memory_space<vmem_shared>>)
      %dma_start3A_427 = arith.constant 0 : i32
      %dma_start3A_428 = arith.constant 7 : i32
      %dma_start3A_429 = arith.constant 3 : i32
      %dma_start3A_430 = arith.constant 0 : i32
      %dma_start3A_431 = arith.constant 0 : i32
      %dma_start3A_432 = tpu.memref_slice %arg9[%dma_start3A_429, %dma_start3A_430, %dma_start3A_431] : memref<4x80x128xf32, #tpu.memory_space<vmem>> -> memref<1x80x128xf32, #tpu.memory_space<vmem>>
      %dma_start3A_433 = tpu.memref_squeeze %dma_start3A_432 : memref<1x80x128xf32, #tpu.memory_space<vmem>> -> memref<80x128xf32, #tpu.memory_space<vmem>>
      %dma_start3A_434 = arith.constant 0 : i32
      %dma_start3A_435 = tpu.memref_slice %arg7[%dma_start3A_427, %dma_start3A_428, %dma_start3A_434] : memref<2x8x80xi32, #tpu.memory_space<vmem>> -> memref<1x1x80xi32, #tpu.memory_space<vmem>>
      %dma_start3A_436 = tpu.memref_squeeze %dma_start3A_435 : memref<1x1x80xi32, #tpu.memory_space<vmem>> -> memref<80xi32, #tpu.memory_space<vmem>>
      %dma_start3A_437 = arith.constant 0 : i32
      %dma_start3A_438 = arith.constant 0 : i32
      %dma_start3A_439 = tpu.memref_slice %arg2[%dma_start3A_437, %dma_start3A_438] : memref<10000x128xf32, #tpu.memory_space<hbm>> -> memref<10000x128xf32, #tpu.memory_space<hbm>>
      tpu.enqueue_indirect_dma source(%dma_start3A_439 : memref<10000x128xf32, #tpu.memory_space<hbm>>) target(%dma_start3A_433 : memref<80x128xf32, #tpu.memory_space<vmem>>) offsets(%dma_start3A_436 : memref<80xi32, #tpu.memory_space<vmem>>) semaphore(%arg14 : memref<!tpu.dma_semaphore, #tpu.memory_space<semaphore_mem>>)
      %dma_wait3A_440 = arith.constant 1 : i32
      %dma_wait3A_441 = arith.constant 0 : i32
      %dma_wait3A_442 = arith.constant 0 : i32
      %dma_wait3A_443 = tpu.memref_slice %arg9[%dma_wait3A_440, %dma_wait3A_441, %dma_wait3A_442] : memref<4x80x128xf32, #tpu.memory_space<vmem>> -> memref<1x80x128xf32, #tpu.memory_space<vmem>>
      %dma_wait3A_444 = tpu.memref_squeeze %dma_wait3A_443 : memref<1x80x128xf32, #tpu.memory_space<vmem>> -> memref<80x128xf32, #tpu.memory_space<vmem>>
      %dma_wait3A_445 = arith.constant 0 : i32
      %dma_wait3A_446 = arith.constant 0 : i32
      %dma_wait3A_447 = tpu.memref_slice %arg5[%dma_wait3A_445, %dma_wait3A_446] : memref<632x128xf32, #tpu.memory_space<hbm>> -> memref<80x128xf32, #tpu.memory_space<hbm>>
      %dma_wait3A_448 = arith.constant 0 : i32
      %dma_wait3A_449 = arith.constant 0 : i32
      %dma_wait3A_450 = tpu.memref_slice %arg9[%dma_wait3A_440, %dma_wait3A_448, %dma_wait3A_449] : memref<4x80x128xf32, #tpu.memory_space<vmem>> -> memref<1x80x128xf32, #tpu.memory_space<vmem>>
      %dma_wait3A_451 = tpu.memref_squeeze %dma_wait3A_450 : memref<1x80x128xf32, #tpu.memory_space<vmem>> -> memref<80x128xf32, #tpu.memory_space<vmem>>
      %dma_wait3A_452 = arith.constant 0 : i32
      %dma_wait3A_453 = arith.constant 0 : i32
      %dma_wait3A_454 = tpu.memref_slice %arg5[%dma_wait3A_452, %dma_wait3A_453] : memref<632x128xf32, #tpu.memory_space<hbm>> -> memref<80x128xf32, #tpu.memory_space<hbm>>
      tpu.wait_dma2 semaphore(%arg12 : memref<!tpu.dma_semaphore, #tpu.memory_space<semaphore_mem>>) src(%dma_wait3A_454 : memref<80x128xf32, #tpu.memory_space<hbm>>) dst(%dma_wait3A_451 : memref<80x128xf32, #tpu.memory_space<vmem>>)
      %dma_start3A_455 = arith.constant 1 : i32
      %dma_start3A_456 = arith.constant 0 : i32
      %dma_start3A_457 = arith.constant 5 : i32
      %dma_start3A_458 = arith.constant 0 : i32
      %dma_start3A_459 = arith.constant 0 : i32
      %dma_start3A_460 = tpu.memref_slice %arg9[%dma_start3A_455, %dma_start3A_458, %dma_start3A_459] : memref<4x80x128xf32, #tpu.memory_space<vmem>> -> memref<1x80x128xf32, #tpu.memory_space<vmem>>
      %dma_start3A_461 = tpu.memref_squeeze %dma_start3A_460 : memref<1x80x128xf32, #tpu.memory_space<vmem>> -> memref<80x128xf32, #tpu.memory_space<vmem>>
      %dma_start3A_462 = arith.constant 0 : i32
      %dma_start3A_463 = tpu.memref_slice %arg8[%dma_start3A_456, %dma_start3A_457, %dma_start3A_462] : memref<2x8x80xi32, #tpu.memory_space<vmem>> -> memref<1x1x80xi32, #tpu.memory_space<vmem>>
      %dma_start3A_464 = tpu.memref_squeeze %dma_start3A_463 : memref<1x1x80xi32, #tpu.memory_space<vmem>> -> memref<80xi32, #tpu.memory_space<vmem>>
      %dma_start3A_465 = arith.constant 0 : i32
      %dma_start3A_466 = arith.constant 0 : i32
      %dma_start3A_467 = tpu.memref_slice %arg10[%dma_start3A_465, %dma_start3A_466] : memref<10112x128xf32, #tpu.memory_space<vmem_shared>> -> memref<10112x128xf32, #tpu.memory_space<vmem_shared>>
      tpu.enqueue_indirect_dma source(%dma_start3A_461 : memref<80x128xf32, #tpu.memory_space<vmem>>) target(%dma_start3A_467 : memref<10112x128xf32, #tpu.memory_space<vmem_shared>>) offsets(%dma_start3A_464 : memref<80xi32, #tpu.memory_space<vmem>>) semaphore(%arg16 : memref<!tpu.dma_semaphore, #tpu.memory_space<semaphore_mem>>) {add = true}
      %dma_wait3A_468 = arith.constant 0 : i32
      %dma_wait3A_469 = arith.constant 0 : i32
      %dma_wait3A_470 = arith.constant 4 : i32
      %dma_wait3A_471 = arith.constant 0 : i32
      %dma_wait3A_472 = arith.constant 0 : i32
      %dma_wait3A_473 = tpu.memref_slice %arg9[%dma_wait3A_468, %dma_wait3A_471, %dma_wait3A_472] : memref<4x80x128xf32, #tpu.memory_space<vmem>> -> memref<1x80x128xf32, #tpu.memory_space<vmem>>
      %dma_wait3A_474 = tpu.memref_squeeze %dma_wait3A_473 : memref<1x80x128xf32, #tpu.memory_space<vmem>> -> memref<80x128xf32, #tpu.memory_space<vmem>>
      %dma_wait3A_475 = arith.constant 0 : i32
      %dma_wait3A_476 = tpu.memref_slice %arg8[%dma_wait3A_469, %dma_wait3A_470, %dma_wait3A_475] : memref<2x8x80xi32, #tpu.memory_space<vmem>> -> memref<1x1x80xi32, #tpu.memory_space<vmem>>
      %dma_wait3A_477 = tpu.memref_squeeze %dma_wait3A_476 : memref<1x1x80xi32, #tpu.memory_space<vmem>> -> memref<80xi32, #tpu.memory_space<vmem>>
      %dma_wait3A_478 = arith.constant 0 : i32
      %dma_wait3A_479 = arith.constant 0 : i32
      %dma_wait3A_480 = tpu.memref_slice %arg10[%dma_wait3A_478, %dma_wait3A_479] : memref<10112x128xf32, #tpu.memory_space<vmem_shared>> -> memref<10112x128xf32, #tpu.memory_space<vmem_shared>>
      tpu.wait_indirect_dma semaphore(%arg15 : memref<!tpu.dma_semaphore, #tpu.memory_space<semaphore_mem>>) src(%dma_wait3A_474 : memref<80x128xf32, #tpu.memory_space<vmem>>) dst(%dma_wait3A_480 : memref<10112x128xf32, #tpu.memory_space<vmem_shared>>)
      %dma_wait3A_481 = arith.constant 0 : i32
      %dma_wait3A_482 = arith.constant 0 : i32
      %dma_wait3A_483 = arith.constant 0 : i32
      %dma_wait3A_484 = tpu.memref_slice %arg7[%dma_wait3A_481, %dma_wait3A_482, %dma_wait3A_483] : memref<2x8x80xi32, #tpu.memory_space<vmem>> -> memref<1x8x80xi32, #tpu.memory_space<vmem>>
      %dma_wait3A_485 = tpu.memref_squeeze %dma_wait3A_484 : memref<1x8x80xi32, #tpu.memory_space<vmem>> -> memref<8x80xi32, #tpu.memory_space<vmem>>
      %dma_wait3A_486 = arith.constant 0 : i32
      %dma_wait3A_487 = arith.constant 0 : i32
      %dma_wait3A_488 = tpu.memref_slice %arg3[%arg0, %arg1, %dma_wait3A_486, %dma_wait3A_487] : memref<2x16x128x80xi32, #tpu.memory_space<hbm>> -> memref<1x1x8x80xi32, #tpu.memory_space<hbm>>
      %dma_wait3A_489 = tpu.memref_squeeze %dma_wait3A_488 : memref<1x1x8x80xi32, #tpu.memory_space<hbm>> -> memref<8x80xi32, #tpu.memory_space<hbm>>
      %dma_wait3A_490 = arith.constant 0 : i32
      %dma_wait3A_491 = arith.constant 0 : i32
      %dma_wait3A_492 = tpu.memref_slice %arg7[%dma_wait3A_481, %dma_wait3A_490, %dma_wait3A_491] : memref<2x8x80xi32, #tpu.memory_space<vmem>> -> memref<1x8x80xi32, #tpu.memory_space<vmem>>
      %dma_wait3A_493 = tpu.memref_squeeze %dma_wait3A_492 : memref<1x8x80xi32, #tpu.memory_space<vmem>> -> memref<8x80xi32, #tpu.memory_space<vmem>>
      %dma_wait3A_494 = arith.constant 0 : i32
      %dma_wait3A_495 = arith.constant 0 : i32
      %dma_wait3A_496 = tpu.memref_slice %arg3[%arg0, %arg1, %dma_wait3A_494, %dma_wait3A_495] : memref<2x16x128x80xi32, #tpu.memory_space<hbm>> -> memref<1x1x8x80xi32, #tpu.memory_space<hbm>>
      %dma_wait3A_497 = tpu.memref_squeeze %dma_wait3A_496 : memref<1x1x8x80xi32, #tpu.memory_space<hbm>> -> memref<8x80xi32, #tpu.memory_space<hbm>>
      tpu.wait_dma2 semaphore(%arg19 : memref<!tpu.dma_semaphore, #tpu.memory_space<semaphore_mem>>) src(%dma_wait3A_497 : memref<8x80xi32, #tpu.memory_space<hbm>>) dst(%dma_wait3A_493 : memref<8x80xi32, #tpu.memory_space<vmem>>)
      %dma_wait3A_498 = arith.constant 0 : i32
      %dma_wait3A_499 = arith.constant 0 : i32
      %dma_wait3A_500 = arith.constant 0 : i32
      %dma_wait3A_501 = tpu.memref_slice %arg8[%dma_wait3A_498, %dma_wait3A_499, %dma_wait3A_500] : memref<2x8x80xi32, #tpu.memory_space<vmem>> -> memref<1x8x80xi32, #tpu.memory_space<vmem>>
      %dma_wait3A_502 = tpu.memref_squeeze %dma_wait3A_501 : memref<1x8x80xi32, #tpu.memory_space<vmem>> -> memref<8x80xi32, #tpu.memory_space<vmem>>
      %dma_wait3A_503 = arith.constant 0 : i32
      %dma_wait3A_504 = arith.constant 0 : i32
      %dma_wait3A_505 = tpu.memref_slice %arg3[%arg0, %arg1, %dma_wait3A_503, %dma_wait3A_504] : memref<2x16x128x80xi32, #tpu.memory_space<hbm>> -> memref<1x1x8x80xi32, #tpu.memory_space<hbm>>
      %dma_wait3A_506 = tpu.memref_squeeze %dma_wait3A_505 : memref<1x1x8x80xi32, #tpu.memory_space<hbm>> -> memref<8x80xi32, #tpu.memory_space<hbm>>
      %dma_wait3A_507 = arith.constant 0 : i32
      %dma_wait3A_508 = arith.constant 0 : i32
      %dma_wait3A_509 = tpu.memref_slice %arg8[%dma_wait3A_498, %dma_wait3A_507, %dma_wait3A_508] : memref<2x8x80xi32, #tpu.memory_space<vmem>> -> memref<1x8x80xi32, #tpu.memory_space<vmem>>
      %dma_wait3A_510 = tpu.memref_squeeze %dma_wait3A_509 : memref<1x8x80xi32, #tpu.memory_space<vmem>> -> memref<8x80xi32, #tpu.memory_space<vmem>>
      %dma_wait3A_511 = arith.constant 0 : i32
      %dma_wait3A_512 = arith.constant 0 : i32
      %dma_wait3A_513 = tpu.memref_slice %arg3[%arg0, %arg1, %dma_wait3A_511, %dma_wait3A_512] : memref<2x16x128x80xi32, #tpu.memory_space<hbm>> -> memref<1x1x8x80xi32, #tpu.memory_space<hbm>>
      %dma_wait3A_514 = tpu.memref_squeeze %dma_wait3A_513 : memref<1x1x8x80xi32, #tpu.memory_space<hbm>> -> memref<8x80xi32, #tpu.memory_space<hbm>>
      tpu.wait_dma2 semaphore(%arg19 : memref<!tpu.dma_semaphore, #tpu.memory_space<semaphore_mem>>) src(%dma_wait3A_514 : memref<8x80xi32, #tpu.memory_space<hbm>>) dst(%dma_wait3A_510 : memref<8x80xi32, #tpu.memory_space<vmem>>)
      %dma_start3A_515 = arith.constant 1 : i32
      %dma_start3A_516 = arith.constant 0 : i32
      %dma_start3A_517 = arith.constant 0 : i32
      %dma_start3A_518 = arith.constant 0 : i32
      %dma_start3A_519 = arith.constant 0 : i32
      %dma_start3A_520 = tpu.memref_slice %arg9[%dma_start3A_517, %dma_start3A_518, %dma_start3A_519] : memref<4x80x128xf32, #tpu.memory_space<vmem>> -> memref<1x80x128xf32, #tpu.memory_space<vmem>>
      %dma_start3A_521 = tpu.memref_squeeze %dma_start3A_520 : memref<1x80x128xf32, #tpu.memory_space<vmem>> -> memref<80x128xf32, #tpu.memory_space<vmem>>
      %dma_start3A_522 = arith.constant 0 : i32
      %dma_start3A_523 = tpu.memref_slice %arg7[%dma_start3A_515, %dma_start3A_516, %dma_start3A_522] : memref<2x8x80xi32, #tpu.memory_space<vmem>> -> memref<1x1x80xi32, #tpu.memory_space<vmem>>
      %dma_start3A_524 = tpu.memref_squeeze %dma_start3A_523 : memref<1x1x80xi32, #tpu.memory_space<vmem>> -> memref<80xi32, #tpu.memory_space<vmem>>
      %dma_start3A_525 = arith.constant 0 : i32
      %dma_start3A_526 = arith.constant 0 : i32
      %dma_start3A_527 = tpu.memref_slice %arg2[%dma_start3A_525, %dma_start3A_526] : memref<10000x128xf32, #tpu.memory_space<hbm>> -> memref<10000x128xf32, #tpu.memory_space<hbm>>
      tpu.enqueue_indirect_dma source(%dma_start3A_527 : memref<10000x128xf32, #tpu.memory_space<hbm>>) target(%dma_start3A_521 : memref<80x128xf32, #tpu.memory_space<vmem>>) offsets(%dma_start3A_524 : memref<80xi32, #tpu.memory_space<vmem>>) semaphore(%arg11 : memref<!tpu.dma_semaphore, #tpu.memory_space<semaphore_mem>>)
      %dma_wait3A_528 = arith.constant 2 : i32
      %dma_wait3A_529 = arith.constant 0 : i32
      %dma_wait3A_530 = arith.constant 0 : i32
      %dma_wait3A_531 = tpu.memref_slice %arg9[%dma_wait3A_528, %dma_wait3A_529, %dma_wait3A_530] : memref<4x80x128xf32, #tpu.memory_space<vmem>> -> memref<1x80x128xf32, #tpu.memory_space<vmem>>
      %dma_wait3A_532 = tpu.memref_squeeze %dma_wait3A_531 : memref<1x80x128xf32, #tpu.memory_space<vmem>> -> memref<80x128xf32, #tpu.memory_space<vmem>>
      %dma_wait3A_533 = arith.constant 0 : i32
      %dma_wait3A_534 = arith.constant 0 : i32
      %dma_wait3A_535 = tpu.memref_slice %arg5[%dma_wait3A_533, %dma_wait3A_534] : memref<632x128xf32, #tpu.memory_space<hbm>> -> memref<80x128xf32, #tpu.memory_space<hbm>>
      %dma_wait3A_536 = arith.constant 0 : i32
      %dma_wait3A_537 = arith.constant 0 : i32
      %dma_wait3A_538 = tpu.memref_slice %arg9[%dma_wait3A_528, %dma_wait3A_536, %dma_wait3A_537] : memref<4x80x128xf32, #tpu.memory_space<vmem>> -> memref<1x80x128xf32, #tpu.memory_space<vmem>>
      %dma_wait3A_539 = tpu.memref_squeeze %dma_wait3A_538 : memref<1x80x128xf32, #tpu.memory_space<vmem>> -> memref<80x128xf32, #tpu.memory_space<vmem>>
      %dma_wait3A_540 = arith.constant 0 : i32
      %dma_wait3A_541 = arith.constant 0 : i32
      %dma_wait3A_542 = tpu.memref_slice %arg5[%dma_wait3A_540, %dma_wait3A_541] : memref<632x128xf32, #tpu.memory_space<hbm>> -> memref<80x128xf32, #tpu.memory_space<hbm>>
      tpu.wait_dma2 semaphore(%arg13 : memref<!tpu.dma_semaphore, #tpu.memory_space<semaphore_mem>>) src(%dma_wait3A_542 : memref<80x128xf32, #tpu.memory_space<hbm>>) dst(%dma_wait3A_539 : memref<80x128xf32, #tpu.memory_space<vmem>>)
      %dma_start3A_543 = arith.constant 2 : i32
      %dma_start3A_544 = arith.constant 0 : i32
      %dma_start3A_545 = arith.constant 6 : i32
      %dma_start3A_546 = arith.constant 0 : i32
      %dma_start3A_547 = arith.constant 0 : i32
      %dma_start3A_548 = tpu.memref_slice %arg9[%dma_start3A_543, %dma_start3A_546, %dma_start3A_547] : memref<4x80x128xf32, #tpu.memory_space<vmem>> -> memref<1x80x128xf32, #tpu.memory_space<vmem>>
      %dma_start3A_549 = tpu.memref_squeeze %dma_start3A_548 : memref<1x80x128xf32, #tpu.memory_space<vmem>> -> memref<80x128xf32, #tpu.memory_space<vmem>>
      %dma_start3A_550 = arith.constant 0 : i32
      %dma_start3A_551 = tpu.memref_slice %arg8[%dma_start3A_544, %dma_start3A_545, %dma_start3A_550] : memref<2x8x80xi32, #tpu.memory_space<vmem>> -> memref<1x1x80xi32, #tpu.memory_space<vmem>>
      %dma_start3A_552 = tpu.memref_squeeze %dma_start3A_551 : memref<1x1x80xi32, #tpu.memory_space<vmem>> -> memref<80xi32, #tpu.memory_space<vmem>>
      %dma_start3A_553 = arith.constant 0 : i32
      %dma_start3A_554 = arith.constant 0 : i32
      %dma_start3A_555 = tpu.memref_slice %arg10[%dma_start3A_553, %dma_start3A_554] : memref<10112x128xf32, #tpu.memory_space<vmem_shared>> -> memref<10112x128xf32, #tpu.memory_space<vmem_shared>>
      tpu.enqueue_indirect_dma source(%dma_start3A_549 : memref<80x128xf32, #tpu.memory_space<vmem>>) target(%dma_start3A_555 : memref<10112x128xf32, #tpu.memory_space<vmem_shared>>) offsets(%dma_start3A_552 : memref<80xi32, #tpu.memory_space<vmem>>) semaphore(%arg17 : memref<!tpu.dma_semaphore, #tpu.memory_space<semaphore_mem>>) {add = true}
      %dma_wait3A_556 = arith.constant 1 : i32
      %dma_wait3A_557 = arith.constant 0 : i32
      %dma_wait3A_558 = arith.constant 5 : i32
      %dma_wait3A_559 = arith.constant 0 : i32
      %dma_wait3A_560 = arith.constant 0 : i32
      %dma_wait3A_561 = tpu.memref_slice %arg9[%dma_wait3A_556, %dma_wait3A_559, %dma_wait3A_560] : memref<4x80x128xf32, #tpu.memory_space<vmem>> -> memref<1x80x128xf32, #tpu.memory_space<vmem>>
      %dma_wait3A_562 = tpu.memref_squeeze %dma_wait3A_561 : memref<1x80x128xf32, #tpu.memory_space<vmem>> -> memref<80x128xf32, #tpu.memory_space<vmem>>
      %dma_wait3A_563 = arith.constant 0 : i32
      %dma_wait3A_564 = tpu.memref_slice %arg8[%dma_wait3A_557, %dma_wait3A_558, %dma_wait3A_563] : memref<2x8x80xi32, #tpu.memory_space<vmem>> -> memref<1x1x80xi32, #tpu.memory_space<vmem>>
      %dma_wait3A_565 = tpu.memref_squeeze %dma_wait3A_564 : memref<1x1x80xi32, #tpu.memory_space<vmem>> -> memref<80xi32, #tpu.memory_space<vmem>>
      %dma_wait3A_566 = arith.constant 0 : i32
      %dma_wait3A_567 = arith.constant 0 : i32
      %dma_wait3A_568 = tpu.memref_slice %arg10[%dma_wait3A_566, %dma_wait3A_567] : memref<10112x128xf32, #tpu.memory_space<vmem_shared>> -> memref<10112x128xf32, #tpu.memory_space<vmem_shared>>
      tpu.wait_indirect_dma semaphore(%arg16 : memref<!tpu.dma_semaphore, #tpu.memory_space<semaphore_mem>>) src(%dma_wait3A_562 : memref<80x128xf32, #tpu.memory_space<vmem>>) dst(%dma_wait3A_568 : memref<10112x128xf32, #tpu.memory_space<vmem_shared>>)
      %dma_start3A_569 = arith.constant 1 : i32
      %dma_start3A_570 = arith.constant 1 : i32
      %dma_start3A_571 = arith.constant 1 : i32
      %dma_start3A_572 = arith.constant 0 : i32
      %dma_start3A_573 = arith.constant 0 : i32
      %dma_start3A_574 = tpu.memref_slice %arg9[%dma_start3A_571, %dma_start3A_572, %dma_start3A_573] : memref<4x80x128xf32, #tpu.memory_space<vmem>> -> memref<1x80x128xf32, #tpu.memory_space<vmem>>
      %dma_start3A_575 = tpu.memref_squeeze %dma_start3A_574 : memref<1x80x128xf32, #tpu.memory_space<vmem>> -> memref<80x128xf32, #tpu.memory_space<vmem>>
      %dma_start3A_576 = arith.constant 0 : i32
      %dma_start3A_577 = tpu.memref_slice %arg7[%dma_start3A_569, %dma_start3A_570, %dma_start3A_576] : memref<2x8x80xi32, #tpu.memory_space<vmem>> -> memref<1x1x80xi32, #tpu.memory_space<vmem>>
      %dma_start3A_578 = tpu.memref_squeeze %dma_start3A_577 : memref<1x1x80xi32, #tpu.memory_space<vmem>> -> memref<80xi32, #tpu.memory_space<vmem>>
      %dma_start3A_579 = arith.constant 0 : i32
      %dma_start3A_580 = arith.constant 0 : i32
      %dma_start3A_581 = tpu.memref_slice %arg2[%dma_start3A_579, %dma_start3A_580] : memref<10000x128xf32, #tpu.memory_space<hbm>> -> memref<10000x128xf32, #tpu.memory_space<hbm>>
      tpu.enqueue_indirect_dma source(%dma_start3A_581 : memref<10000x128xf32, #tpu.memory_space<hbm>>) target(%dma_start3A_575 : memref<80x128xf32, #tpu.memory_space<vmem>>) offsets(%dma_start3A_578 : memref<80xi32, #tpu.memory_space<vmem>>) semaphore(%arg12 : memref<!tpu.dma_semaphore, #tpu.memory_space<semaphore_mem>>)
      %dma_wait3A_582 = arith.constant 3 : i32
      %dma_wait3A_583 = arith.constant 0 : i32
      %dma_wait3A_584 = arith.constant 0 : i32
      %dma_wait3A_585 = tpu.memref_slice %arg9[%dma_wait3A_582, %dma_wait3A_583, %dma_wait3A_584] : memref<4x80x128xf32, #tpu.memory_space<vmem>> -> memref<1x80x128xf32, #tpu.memory_space<vmem>>
      %dma_wait3A_586 = tpu.memref_squeeze %dma_wait3A_585 : memref<1x80x128xf32, #tpu.memory_space<vmem>> -> memref<80x128xf32, #tpu.memory_space<vmem>>
      %dma_wait3A_587 = arith.constant 0 : i32
      %dma_wait3A_588 = arith.constant 0 : i32
      %dma_wait3A_589 = tpu.memref_slice %arg5[%dma_wait3A_587, %dma_wait3A_588] : memref<632x128xf32, #tpu.memory_space<hbm>> -> memref<80x128xf32, #tpu.memory_space<hbm>>
      %dma_wait3A_590 = arith.constant 0 : i32
      %dma_wait3A_591 = arith.constant 0 : i32
      %dma_wait3A_592 = tpu.memref_slice %arg9[%dma_wait3A_582, %dma_wait3A_590, %dma_wait3A_591] : memref<4x80x128xf32, #tpu.memory_space<vmem>> -> memref<1x80x128xf32, #tpu.memory_space<vmem>>
      %dma_wait3A_593 = tpu.memref_squeeze %dma_wait3A_592 : memref<1x80x128xf32, #tpu.memory_space<vmem>> -> memref<80x128xf32, #tpu.memory_space<vmem>>
      %dma_wait3A_594 = arith.constant 0 : i32
      %dma_wait3A_595 = arith.constant 0 : i32
      %dma_wait3A_596 = tpu.memref_slice %arg5[%dma_wait3A_594, %dma_wait3A_595] : memref<632x128xf32, #tpu.memory_space<hbm>> -> memref<80x128xf32, #tpu.memory_space<hbm>>
      tpu.wait_dma2 semaphore(%arg14 : memref<!tpu.dma_semaphore, #tpu.memory_space<semaphore_mem>>) src(%dma_wait3A_596 : memref<80x128xf32, #tpu.memory_space<hbm>>) dst(%dma_wait3A_593 : memref<80x128xf32, #tpu.memory_space<vmem>>)
      %dma_start3A_597 = arith.constant 3 : i32
      %dma_start3A_598 = arith.constant 0 : i32
      %dma_start3A_599 = arith.constant 7 : i32
      %dma_start3A_600 = arith.constant 0 : i32
      %dma_start3A_601 = arith.constant 0 : i32
      %dma_start3A_602 = tpu.memref_slice %arg9[%dma_start3A_597, %dma_start3A_600, %dma_start3A_601] : memref<4x80x128xf32, #tpu.memory_space<vmem>> -> memref<1x80x128xf32, #tpu.memory_space<vmem>>
      %dma_start3A_603 = tpu.memref_squeeze %dma_start3A_602 : memref<1x80x128xf32, #tpu.memory_space<vmem>> -> memref<80x128xf32, #tpu.memory_space<vmem>>
      %dma_start3A_604 = arith.constant 0 : i32
      %dma_start3A_605 = tpu.memref_slice %arg8[%dma_start3A_598, %dma_start3A_599, %dma_start3A_604] : memref<2x8x80xi32, #tpu.memory_space<vmem>> -> memref<1x1x80xi32, #tpu.memory_space<vmem>>
      %dma_start3A_606 = tpu.memref_squeeze %dma_start3A_605 : memref<1x1x80xi32, #tpu.memory_space<vmem>> -> memref<80xi32, #tpu.memory_space<vmem>>
      %dma_start3A_607 = arith.constant 0 : i32
      %dma_start3A_608 = arith.constant 0 : i32
      %dma_start3A_609 = tpu.memref_slice %arg10[%dma_start3A_607, %dma_start3A_608] : memref<10112x128xf32, #tpu.memory_space<vmem_shared>> -> memref<10112x128xf32, #tpu.memory_space<vmem_shared>>
      tpu.enqueue_indirect_dma source(%dma_start3A_603 : memref<80x128xf32, #tpu.memory_space<vmem>>) target(%dma_start3A_609 : memref<10112x128xf32, #tpu.memory_space<vmem_shared>>) offsets(%dma_start3A_606 : memref<80xi32, #tpu.memory_space<vmem>>) semaphore(%arg18 : memref<!tpu.dma_semaphore, #tpu.memory_space<semaphore_mem>>) {add = true}
      %dma_wait3A_610 = arith.constant 2 : i32
      %dma_wait3A_611 = arith.constant 0 : i32
      %dma_wait3A_612 = arith.constant 6 : i32
      %dma_wait3A_613 = arith.constant 0 : i32
      %dma_wait3A_614 = arith.constant 0 : i32
      %dma_wait3A_615 = tpu.memref_slice %arg9[%dma_wait3A_610, %dma_wait3A_613, %dma_wait3A_614] : memref<4x80x128xf32, #tpu.memory_space<vmem>> -> memref<1x80x128xf32, #tpu.memory_space<vmem>>
      %dma_wait3A_616 = tpu.memref_squeeze %dma_wait3A_615 : memref<1x80x128xf32, #tpu.memory_space<vmem>> -> memref<80x128xf32, #tpu.memory_space<vmem>>
      %dma_wait3A_617 = arith.constant 0 : i32
      %dma_wait3A_618 = tpu.memref_slice %arg8[%dma_wait3A_611, %dma_wait3A_612, %dma_wait3A_617] : memref<2x8x80xi32, #tpu.memory_space<vmem>> -> memref<1x1x80xi32, #tpu.memory_space<vmem>>
      %dma_wait3A_619 = tpu.memref_squeeze %dma_wait3A_618 : memref<1x1x80xi32, #tpu.memory_space<vmem>> -> memref<80xi32, #tpu.memory_space<vmem>>
      %dma_wait3A_620 = arith.constant 0 : i32
      %dma_wait3A_621 = arith.constant 0 : i32
      %dma_wait3A_622 = tpu.memref_slice %arg10[%dma_wait3A_620, %dma_wait3A_621] : memref<10112x128xf32, #tpu.memory_space<vmem_shared>> -> memref<10112x128xf32, #tpu.memory_space<vmem_shared>>
      tpu.wait_indirect_dma semaphore(%arg17 : memref<!tpu.dma_semaphore, #tpu.memory_space<semaphore_mem>>) src(%dma_wait3A_616 : memref<80x128xf32, #tpu.memory_space<vmem>>) dst(%dma_wait3A_622 : memref<10112x128xf32, #tpu.memory_space<vmem_shared>>)
      %dma_start3A_623 = arith.constant 1 : i32
      %dma_start3A_624 = arith.constant 2 : i32
      %dma_start3A_625 = arith.constant 2 : i32
      %dma_start3A_626 = arith.constant 0 : i32
      %dma_start3A_627 = arith.constant 0 : i32
      %dma_start3A_628 = tpu.memref_slice %arg9[%dma_start3A_625, %dma_start3A_626, %dma_start3A_627] : memref<4x80x128xf32, #tpu.memory_space<vmem>> -> memref<1x80x128xf32, #tpu.memory_space<vmem>>
      %dma_start3A_629 = tpu.memref_squeeze %dma_start3A_628 : memref<1x80x128xf32, #tpu.memory_space<vmem>> -> memref<80x128xf32, #tpu.memory_space<vmem>>
      %dma_start3A_630 = arith.constant 0 : i32
      %dma_start3A_631 = tpu.memref_slice %arg7[%dma_start3A_623, %dma_start3A_624, %dma_start3A_630] : memref<2x8x80xi32, #tpu.memory_space<vmem>> -> memref<1x1x80xi32, #tpu.memory_space<vmem>>
      %dma_start3A_632 = tpu.memref_squeeze %dma_start3A_631 : memref<1x1x80xi32, #tpu.memory_space<vmem>> -> memref<80xi32, #tpu.memory_space<vmem>>
      %dma_start3A_633 = arith.constant 0 : i32
      %dma_start3A_634 = arith.constant 0 : i32
      %dma_start3A_635 = tpu.memref_slice %arg2[%dma_start3A_633, %dma_start3A_634] : memref<10000x128xf32, #tpu.memory_space<hbm>> -> memref<10000x128xf32, #tpu.memory_space<hbm>>
      tpu.enqueue_indirect_dma source(%dma_start3A_635 : memref<10000x128xf32, #tpu.memory_space<hbm>>) target(%dma_start3A_629 : memref<80x128xf32, #tpu.memory_space<vmem>>) offsets(%dma_start3A_632 : memref<80xi32, #tpu.memory_space<vmem>>) semaphore(%arg13 : memref<!tpu.dma_semaphore, #tpu.memory_space<semaphore_mem>>)
      %dma_wait3A_636 = arith.constant 0 : i32
      %dma_wait3A_637 = arith.constant 0 : i32
      %dma_wait3A_638 = arith.constant 0 : i32
      %dma_wait3A_639 = tpu.memref_slice %arg9[%dma_wait3A_636, %dma_wait3A_637, %dma_wait3A_638] : memref<4x80x128xf32, #tpu.memory_space<vmem>> -> memref<1x80x128xf32, #tpu.memory_space<vmem>>
      %dma_wait3A_640 = tpu.memref_squeeze %dma_wait3A_639 : memref<1x80x128xf32, #tpu.memory_space<vmem>> -> memref<80x128xf32, #tpu.memory_space<vmem>>
      %dma_wait3A_641 = arith.constant 0 : i32
      %dma_wait3A_642 = arith.constant 0 : i32
      %dma_wait3A_643 = tpu.memref_slice %arg5[%dma_wait3A_641, %dma_wait3A_642] : memref<632x128xf32, #tpu.memory_space<hbm>> -> memref<80x128xf32, #tpu.memory_space<hbm>>
      %dma_wait3A_644 = arith.constant 0 : i32
      %dma_wait3A_645 = arith.constant 0 : i32
      %dma_wait3A_646 = tpu.memref_slice %arg9[%dma_wait3A_636, %dma_wait3A_644, %dma_wait3A_645] : memref<4x80x128xf32, #tpu.memory_space<vmem>> -> memref<1x80x128xf32, #tpu.memory_space<vmem>>
      %dma_wait3A_647 = tpu.memref_squeeze %dma_wait3A_646 : memref<1x80x128xf32, #tpu.memory_space<vmem>> -> memref<80x128xf32, #tpu.memory_space<vmem>>
      %dma_wait3A_648 = arith.constant 0 : i32
      %dma_wait3A_649 = arith.constant 0 : i32
      %dma_wait3A_650 = tpu.memref_slice %arg5[%dma_wait3A_648, %dma_wait3A_649] : memref<632x128xf32, #tpu.memory_space<hbm>> -> memref<80x128xf32, #tpu.memory_space<hbm>>
      tpu.wait_dma2 semaphore(%arg11 : memref<!tpu.dma_semaphore, #tpu.memory_space<semaphore_mem>>) src(%dma_wait3A_650 : memref<80x128xf32, #tpu.memory_space<hbm>>) dst(%dma_wait3A_647 : memref<80x128xf32, #tpu.memory_space<vmem>>)
      %dma_start3A_651 = arith.constant 0 : i32
      %dma_start3A_652 = arith.constant 1 : i32
      %dma_start3A_653 = arith.constant 0 : i32
      %dma_start3A_654 = arith.constant 0 : i32
      %dma_start3A_655 = arith.constant 0 : i32
      %dma_start3A_656 = tpu.memref_slice %arg9[%dma_start3A_651, %dma_start3A_654, %dma_start3A_655] : memref<4x80x128xf32, #tpu.memory_space<vmem>> -> memref<1x80x128xf32, #tpu.memory_space<vmem>>
      %dma_start3A_657 = tpu.memref_squeeze %dma_start3A_656 : memref<1x80x128xf32, #tpu.memory_space<vmem>> -> memref<80x128xf32, #tpu.memory_space<vmem>>
      %dma_start3A_658 = arith.constant 0 : i32
      %dma_start3A_659 = tpu.memref_slice %arg8[%dma_start3A_652, %dma_start3A_653, %dma_start3A_658] : memref<2x8x80xi32, #tpu.memory_space<vmem>> -> memref<1x1x80xi32, #tpu.memory_space<vmem>>
      %dma_start3A_660 = tpu.memref_squeeze %dma_start3A_659 : memref<1x1x80xi32, #tpu.memory_space<vmem>> -> memref<80xi32, #tpu.memory_space<vmem>>
      %dma_start3A_661 = arith.constant 0 : i32
      %dma_start3A_662 = arith.constant 0 : i32
      %dma_start3A_663 = tpu.memref_slice %arg10[%dma_start3A_661, %dma_start3A_662] : memref<10112x128xf32, #tpu.memory_space<vmem_shared>> -> memref<10112x128xf32, #tpu.memory_space<vmem_shared>>
      tpu.enqueue_indirect_dma source(%dma_start3A_657 : memref<80x128xf32, #tpu.memory_space<vmem>>) target(%dma_start3A_663 : memref<10112x128xf32, #tpu.memory_space<vmem_shared>>) offsets(%dma_start3A_660 : memref<80xi32, #tpu.memory_space<vmem>>) semaphore(%arg15 : memref<!tpu.dma_semaphore, #tpu.memory_space<semaphore_mem>>) {add = true}
      %dma_wait3A_664 = arith.constant 3 : i32
      %dma_wait3A_665 = arith.constant 0 : i32
      %dma_wait3A_666 = arith.constant 7 : i32
      %dma_wait3A_667 = arith.constant 0 : i32
      %dma_wait3A_668 = arith.constant 0 : i32
      %dma_wait3A_669 = tpu.memref_slice %arg9[%dma_wait3A_664, %dma_wait3A_667, %dma_wait3A_668] : memref<4x80x128xf32, #tpu.memory_space<vmem>> -> memref<1x80x128xf32, #tpu.memory_space<vmem>>
      %dma_wait3A_670 = tpu.memref_squeeze %dma_wait3A_669 : memref<1x80x128xf32, #tpu.memory_space<vmem>> -> memref<80x128xf32, #tpu.memory_space<vmem>>
      %dma_wait3A_671 = arith.constant 0 : i32
      %dma_wait3A_672 = tpu.memref_slice %arg8[%dma_wait3A_665, %dma_wait3A_666, %dma_wait3A_671] : memref<2x8x80xi32, #tpu.memory_space<vmem>> -> memref<1x1x80xi32, #tpu.memory_space<vmem>>
      %dma_wait3A_673 = tpu.memref_squeeze %dma_wait3A_672 : memref<1x1x80xi32, #tpu.memory_space<vmem>> -> memref<80xi32, #tpu.memory_space<vmem>>
      %dma_wait3A_674 = arith.constant 0 : i32
      %dma_wait3A_675 = arith.constant 0 : i32
      %dma_wait3A_676 = tpu.memref_slice %arg10[%dma_wait3A_674, %dma_wait3A_675] : memref<10112x128xf32, #tpu.memory_space<vmem_shared>> -> memref<10112x128xf32, #tpu.memory_space<vmem_shared>>
      tpu.wait_indirect_dma semaphore(%arg18 : memref<!tpu.dma_semaphore, #tpu.memory_space<semaphore_mem>>) src(%dma_wait3A_670 : memref<80x128xf32, #tpu.memory_space<vmem>>) dst(%dma_wait3A_676 : memref<10112x128xf32, #tpu.memory_space<vmem_shared>>)
      %dma_start3A_677 = arith.constant 1 : i32
      %dma_start3A_678 = arith.constant 3 : i32
      %dma_start3A_679 = arith.constant 3 : i32
      %dma_start3A_680 = arith.constant 0 : i32
      %dma_start3A_681 = arith.constant 0 : i32
      %dma_start3A_682 = tpu.memref_slice %arg9[%dma_start3A_679, %dma_start3A_680, %dma_start3A_681] : memref<4x80x128xf32, #tpu.memory_space<vmem>> -> memref<1x80x128xf32, #tpu.memory_space<vmem>>
      %dma_start3A_683 = tpu.memref_squeeze %dma_start3A_682 : memref<1x80x128xf32, #tpu.memory_space<vmem>> -> memref<80x128xf32, #tpu.memory_space<vmem>>
      %dma_start3A_684 = arith.constant 0 : i32
      %dma_start3A_685 = tpu.memref_slice %arg7[%dma_start3A_677, %dma_start3A_678, %dma_start3A_684] : memref<2x8x80xi32, #tpu.memory_space<vmem>> -> memref<1x1x80xi32, #tpu.memory_space<vmem>>
      %dma_start3A_686 = tpu.memref_squeeze %dma_start3A_685 : memref<1x1x80xi32, #tpu.memory_space<vmem>> -> memref<80xi32, #tpu.memory_space<vmem>>
      %dma_start3A_687 = arith.constant 0 : i32
      %dma_start3A_688 = arith.constant 0 : i32
      %dma_start3A_689 = tpu.memref_slice %arg2[%dma_start3A_687, %dma_start3A_688] : memref<10000x128xf32, #tpu.memory_space<hbm>> -> memref<10000x128xf32, #tpu.memory_space<hbm>>
      tpu.enqueue_indirect_dma source(%dma_start3A_689 : memref<10000x128xf32, #tpu.memory_space<hbm>>) target(%dma_start3A_683 : memref<80x128xf32, #tpu.memory_space<vmem>>) offsets(%dma_start3A_686 : memref<80xi32, #tpu.memory_space<vmem>>) semaphore(%arg14 : memref<!tpu.dma_semaphore, #tpu.memory_space<semaphore_mem>>)
      %dma_wait3A_690 = arith.constant 1 : i32
      %dma_wait3A_691 = arith.constant 0 : i32
      %dma_wait3A_692 = arith.constant 0 : i32
      %dma_wait3A_693 = tpu.memref_slice %arg9[%dma_wait3A_690, %dma_wait3A_691, %dma_wait3A_692] : memref<4x80x128xf32, #tpu.memory_space<vmem>> -> memref<1x80x128xf32, #tpu.memory_space<vmem>>
      %dma_wait3A_694 = tpu.memref_squeeze %dma_wait3A_693 : memref<1x80x128xf32, #tpu.memory_space<vmem>> -> memref<80x128xf32, #tpu.memory_space<vmem>>
      %dma_wait3A_695 = arith.constant 0 : i32
      %dma_wait3A_696 = arith.constant 0 : i32
      %dma_wait3A_697 = tpu.memref_slice %arg5[%dma_wait3A_695, %dma_wait3A_696] : memref<632x128xf32, #tpu.memory_space<hbm>> -> memref<80x128xf32, #tpu.memory_space<hbm>>
      %dma_wait3A_698 = arith.constant 0 : i32
      %dma_wait3A_699 = arith.constant 0 : i32
      %dma_wait3A_700 = tpu.memref_slice %arg9[%dma_wait3A_690, %dma_wait3A_698, %dma_wait3A_699] : memref<4x80x128xf32, #tpu.memory_space<vmem>> -> memref<1x80x128xf32, #tpu.memory_space<vmem>>
      %dma_wait3A_701 = tpu.memref_squeeze %dma_wait3A_700 : memref<1x80x128xf32, #tpu.memory_space<vmem>> -> memref<80x128xf32, #tpu.memory_space<vmem>>
      %dma_wait3A_702 = arith.constant 0 : i32
      %dma_wait3A_703 = arith.constant 0 : i32
      %dma_wait3A_704 = tpu.memref_slice %arg5[%dma_wait3A_702, %dma_wait3A_703] : memref<632x128xf32, #tpu.memory_space<hbm>> -> memref<80x128xf32, #tpu.memory_space<hbm>>
      tpu.wait_dma2 semaphore(%arg12 : memref<!tpu.dma_semaphore, #tpu.memory_space<semaphore_mem>>) src(%dma_wait3A_704 : memref<80x128xf32, #tpu.memory_space<hbm>>) dst(%dma_wait3A_701 : memref<80x128xf32, #tpu.memory_space<vmem>>)
      %dma_start3A_705 = arith.constant 1 : i32
      %dma_start3A_706 = arith.constant 1 : i32
      %dma_start3A_707 = arith.constant 1 : i32
      %dma_start3A_708 = arith.constant 0 : i32
      %dma_start3A_709 = arith.constant 0 : i32
      %dma_start3A_710 = tpu.memref_slice %arg9[%dma_start3A_705, %dma_start3A_708, %dma_start3A_709] : memref<4x80x128xf32, #tpu.memory_space<vmem>> -> memref<1x80x128xf32, #tpu.memory_space<vmem>>
      %dma_start3A_711 = tpu.memref_squeeze %dma_start3A_710 : memref<1x80x128xf32, #tpu.memory_space<vmem>> -> memref<80x128xf32, #tpu.memory_space<vmem>>
      %dma_start3A_712 = arith.constant 0 : i32
      %dma_start3A_713 = tpu.memref_slice %arg8[%dma_start3A_706, %dma_start3A_707, %dma_start3A_712] : memref<2x8x80xi32, #tpu.memory_space<vmem>> -> memref<1x1x80xi32, #tpu.memory_space<vmem>>
      %dma_start3A_714 = tpu.memref_squeeze %dma_start3A_713 : memref<1x1x80xi32, #tpu.memory_space<vmem>> -> memref<80xi32, #tpu.memory_space<vmem>>
      %dma_start3A_715 = arith.constant 0 : i32
      %dma_start3A_716 = arith.constant 0 : i32
      %dma_start3A_717 = tpu.memref_slice %arg10[%dma_start3A_715, %dma_start3A_716] : memref<10112x128xf32, #tpu.memory_space<vmem_shared>> -> memref<10112x128xf32, #tpu.memory_space<vmem_shared>>
      tpu.enqueue_indirect_dma source(%dma_start3A_711 : memref<80x128xf32, #tpu.memory_space<vmem>>) target(%dma_start3A_717 : memref<10112x128xf32, #tpu.memory_space<vmem_shared>>) offsets(%dma_start3A_714 : memref<80xi32, #tpu.memory_space<vmem>>) semaphore(%arg16 : memref<!tpu.dma_semaphore, #tpu.memory_space<semaphore_mem>>) {add = true}
      %lt3A = arith.constant 7 : i32
      %lt3A_718 = arith.cmpi slt, %scan3A_129, %lt3A : i32
      %convert_element_type3A_719 = arith.extui %lt3A_718 : i1 to i32
      %cond3A_720 = arith.constant 0 : i32
      %cond3A_721 = arith.cmpi ne, %convert_element_type3A_719, %cond3A_720 : i32
      scf.if %cond3A_721 {
        %add3A_1030 = arith.constant 16 : i32
        %add3A_1031 = arith.addi %multiple_of3A, %add3A_1030 : i32
        %dma_start3A_1032 = arith.constant 0 : i32
        %dma_start3A_1033 = arith.constant 0 : i32
        %dma_start3A_1034 = arith.constant 0 : i32
        %dma_start3A_1035 = tpu.memref_slice %arg7[%dma_start3A_1032, %dma_start3A_1033, %dma_start3A_1034] : memref<2x8x80xi32, #tpu.memory_space<vmem>> -> memref<1x8x80xi32, #tpu.memory_space<vmem>>
        %dma_start3A_1036 = tpu.memref_squeeze %dma_start3A_1035 : memref<1x8x80xi32, #tpu.memory_space<vmem>> -> memref<8x80xi32, #tpu.memory_space<vmem>>
        %dma_start3A_1037 = arith.constant 0 : i32
        %dma_start3A_1038 = tpu.memref_slice %arg3[%arg0, %arg1, %add3A_1031, %dma_start3A_1037] : memref<2x16x128x80xi32, #tpu.memory_space<hbm>> -> memref<1x1x8x80xi32, #tpu.memory_space<hbm>>
        %dma_start3A_1039 = tpu.memref_squeeze %dma_start3A_1038 : memref<1x1x8x80xi32, #tpu.memory_space<hbm>> -> memref<8x80xi32, #tpu.memory_space<hbm>>
        %dma_start3A_1040 = arith.constant 0 : i32
        %dma_start3A_1041 = arith.constant 0 : i32
        %dma_start3A_1042 = tpu.memref_slice %arg7[%dma_start3A_1032, %dma_start3A_1040, %dma_start3A_1041] : memref<2x8x80xi32, #tpu.memory_space<vmem>> -> memref<1x8x80xi32, #tpu.memory_space<vmem>>
        %dma_start3A_1043 = tpu.memref_squeeze %dma_start3A_1042 : memref<1x8x80xi32, #tpu.memory_space<vmem>> -> memref<8x80xi32, #tpu.memory_space<vmem>>
        %dma_start3A_1044 = arith.constant 0 : i32
        %dma_start3A_1045 = tpu.memref_slice %arg3[%arg0, %arg1, %add3A_1031, %dma_start3A_1044] : memref<2x16x128x80xi32, #tpu.memory_space<hbm>> -> memref<1x1x8x80xi32, #tpu.memory_space<hbm>>
        %dma_start3A_1046 = tpu.memref_squeeze %dma_start3A_1045 : memref<1x1x8x80xi32, #tpu.memory_space<hbm>> -> memref<8x80xi32, #tpu.memory_space<hbm>>
        tpu.enqueue_dma source(%dma_start3A_1046 : memref<8x80xi32, #tpu.memory_space<hbm>>) target(%dma_start3A_1043 : memref<8x80xi32, #tpu.memory_space<vmem>>) target_semaphore(%arg19 : memref<!tpu.dma_semaphore, #tpu.memory_space<semaphore_mem>>)
        %dma_start3A_1047 = arith.constant 0 : i32
        %dma_start3A_1048 = arith.constant 0 : i32
        %dma_start3A_1049 = arith.constant 0 : i32
        %dma_start3A_1050 = tpu.memref_slice %arg8[%dma_start3A_1047, %dma_start3A_1048, %dma_start3A_1049] : memref<2x8x80xi32, #tpu.memory_space<vmem>> -> memref<1x8x80xi32, #tpu.memory_space<vmem>>
        %dma_start3A_1051 = tpu.memref_squeeze %dma_start3A_1050 : memref<1x8x80xi32, #tpu.memory_space<vmem>> -> memref<8x80xi32, #tpu.memory_space<vmem>>
        %dma_start3A_1052 = arith.constant 0 : i32
        %dma_start3A_1053 = tpu.memref_slice %arg4[%arg0, %arg1, %add3A_1031, %dma_start3A_1052] : memref<2x16x128x80xi32, #tpu.memory_space<hbm>> -> memref<1x1x8x80xi32, #tpu.memory_space<hbm>>
        %dma_start3A_1054 = tpu.memref_squeeze %dma_start3A_1053 : memref<1x1x8x80xi32, #tpu.memory_space<hbm>> -> memref<8x80xi32, #tpu.memory_space<hbm>>
        %dma_start3A_1055 = arith.constant 0 : i32
        %dma_start3A_1056 = arith.constant 0 : i32
        %dma_start3A_1057 = tpu.memref_slice %arg8[%dma_start3A_1047, %dma_start3A_1055, %dma_start3A_1056] : memref<2x8x80xi32, #tpu.memory_space<vmem>> -> memref<1x8x80xi32, #tpu.memory_space<vmem>>
        %dma_start3A_1058 = tpu.memref_squeeze %dma_start3A_1057 : memref<1x8x80xi32, #tpu.memory_space<vmem>> -> memref<8x80xi32, #tpu.memory_space<vmem>>
        %dma_start3A_1059 = arith.constant 0 : i32
        %dma_start3A_1060 = tpu.memref_slice %arg4[%arg0, %arg1, %add3A_1031, %dma_start3A_1059] : memref<2x16x128x80xi32, #tpu.memory_space<hbm>> -> memref<1x1x8x80xi32, #tpu.memory_space<hbm>>
        %dma_start3A_1061 = tpu.memref_squeeze %dma_start3A_1060 : memref<1x1x8x80xi32, #tpu.memory_space<hbm>> -> memref<8x80xi32, #tpu.memory_space<hbm>>
        tpu.enqueue_dma source(%dma_start3A_1061 : memref<8x80xi32, #tpu.memory_space<hbm>>) target(%dma_start3A_1058 : memref<8x80xi32, #tpu.memory_space<vmem>>) target_semaphore(%arg19 : memref<!tpu.dma_semaphore, #tpu.memory_space<semaphore_mem>>)
      } else {
      }
      %dma_wait3A_722 = arith.constant 0 : i32
      %dma_wait3A_723 = arith.constant 1 : i32
      %dma_wait3A_724 = arith.constant 0 : i32
      %dma_wait3A_725 = arith.constant 0 : i32
      %dma_wait3A_726 = arith.constant 0 : i32
      %dma_wait3A_727 = tpu.memref_slice %arg9[%dma_wait3A_722, %dma_wait3A_725, %dma_wait3A_726] : memref<4x80x128xf32, #tpu.memory_space<vmem>> -> memref<1x80x128xf32, #tpu.memory_space<vmem>>
      %dma_wait3A_728 = tpu.memref_squeeze %dma_wait3A_727 : memref<1x80x128xf32, #tpu.memory_space<vmem>> -> memref<80x128xf32, #tpu.memory_space<vmem>>
      %dma_wait3A_729 = arith.constant 0 : i32
      %dma_wait3A_730 = tpu.memref_slice %arg8[%dma_wait3A_723, %dma_wait3A_724, %dma_wait3A_729] : memref<2x8x80xi32, #tpu.memory_space<vmem>> -> memref<1x1x80xi32, #tpu.memory_space<vmem>>
      %dma_wait3A_731 = tpu.memref_squeeze %dma_wait3A_730 : memref<1x1x80xi32, #tpu.memory_space<vmem>> -> memref<80xi32, #tpu.memory_space<vmem>>
      %dma_wait3A_732 = arith.constant 0 : i32
      %dma_wait3A_733 = arith.constant 0 : i32
      %dma_wait3A_734 = tpu.memref_slice %arg10[%dma_wait3A_732, %dma_wait3A_733] : memref<10112x128xf32, #tpu.memory_space<vmem_shared>> -> memref<10112x128xf32, #tpu.memory_space<vmem_shared>>
      tpu.wait_indirect_dma semaphore(%arg15 : memref<!tpu.dma_semaphore, #tpu.memory_space<semaphore_mem>>) src(%dma_wait3A_728 : memref<80x128xf32, #tpu.memory_space<vmem>>) dst(%dma_wait3A_734 : memref<10112x128xf32, #tpu.memory_space<vmem_shared>>)
      %dma_start3A_735 = arith.constant 1 : i32
      %dma_start3A_736 = arith.constant 4 : i32
      %dma_start3A_737 = arith.constant 0 : i32
      %dma_start3A_738 = arith.constant 0 : i32
      %dma_start3A_739 = arith.constant 0 : i32
      %dma_start3A_740 = tpu.memref_slice %arg9[%dma_start3A_737, %dma_start3A_738, %dma_start3A_739] : memref<4x80x128xf32, #tpu.memory_space<vmem>> -> memref<1x80x128xf32, #tpu.memory_space<vmem>>
      %dma_start3A_741 = tpu.memref_squeeze %dma_start3A_740 : memref<1x80x128xf32, #tpu.memory_space<vmem>> -> memref<80x128xf32, #tpu.memory_space<vmem>>
      %dma_start3A_742 = arith.constant 0 : i32
      %dma_start3A_743 = tpu.memref_slice %arg7[%dma_start3A_735, %dma_start3A_736, %dma_start3A_742] : memref<2x8x80xi32, #tpu.memory_space<vmem>> -> memref<1x1x80xi32, #tpu.memory_space<vmem>>
      %dma_start3A_744 = tpu.memref_squeeze %dma_start3A_743 : memref<1x1x80xi32, #tpu.memory_space<vmem>> -> memref<80xi32, #tpu.memory_space<vmem>>
      %dma_start3A_745 = arith.constant 0 : i32
      %dma_start3A_746 = arith.constant 0 : i32
      %dma_start3A_747 = tpu.memref_slice %arg2[%dma_start3A_745, %dma_start3A_746] : memref<10000x128xf32, #tpu.memory_space<hbm>> -> memref<10000x128xf32, #tpu.memory_space<hbm>>
      tpu.enqueue_indirect_dma source(%dma_start3A_747 : memref<10000x128xf32, #tpu.memory_space<hbm>>) target(%dma_start3A_741 : memref<80x128xf32, #tpu.memory_space<vmem>>) offsets(%dma_start3A_744 : memref<80xi32, #tpu.memory_space<vmem>>) semaphore(%arg11 : memref<!tpu.dma_semaphore, #tpu.memory_space<semaphore_mem>>)
      %dma_wait3A_748 = arith.constant 2 : i32
      %dma_wait3A_749 = arith.constant 0 : i32
      %dma_wait3A_750 = arith.constant 0 : i32
      %dma_wait3A_751 = tpu.memref_slice %arg9[%dma_wait3A_748, %dma_wait3A_749, %dma_wait3A_750] : memref<4x80x128xf32, #tpu.memory_space<vmem>> -> memref<1x80x128xf32, #tpu.memory_space<vmem>>
      %dma_wait3A_752 = tpu.memref_squeeze %dma_wait3A_751 : memref<1x80x128xf32, #tpu.memory_space<vmem>> -> memref<80x128xf32, #tpu.memory_space<vmem>>
      %dma_wait3A_753 = arith.constant 0 : i32
      %dma_wait3A_754 = arith.constant 0 : i32
      %dma_wait3A_755 = tpu.memref_slice %arg5[%dma_wait3A_753, %dma_wait3A_754] : memref<632x128xf32, #tpu.memory_space<hbm>> -> memref<80x128xf32, #tpu.memory_space<hbm>>
      %dma_wait3A_756 = arith.constant 0 : i32
      %dma_wait3A_757 = arith.constant 0 : i32
      %dma_wait3A_758 = tpu.memref_slice %arg9[%dma_wait3A_748, %dma_wait3A_756, %dma_wait3A_757] : memref<4x80x128xf32, #tpu.memory_space<vmem>> -> memref<1x80x128xf32, #tpu.memory_space<vmem>>
      %dma_wait3A_759 = tpu.memref_squeeze %dma_wait3A_758 : memref<1x80x128xf32, #tpu.memory_space<vmem>> -> memref<80x128xf32, #tpu.memory_space<vmem>>
      %dma_wait3A_760 = arith.constant 0 : i32
      %dma_wait3A_761 = arith.constant 0 : i32
      %dma_wait3A_762 = tpu.memref_slice %arg5[%dma_wait3A_760, %dma_wait3A_761] : memref<632x128xf32, #tpu.memory_space<hbm>> -> memref<80x128xf32, #tpu.memory_space<hbm>>
      tpu.wait_dma2 semaphore(%arg13 : memref<!tpu.dma_semaphore, #tpu.memory_space<semaphore_mem>>) src(%dma_wait3A_762 : memref<80x128xf32, #tpu.memory_space<hbm>>) dst(%dma_wait3A_759 : memref<80x128xf32, #tpu.memory_space<vmem>>)
      %dma_start3A_763 = arith.constant 2 : i32
      %dma_start3A_764 = arith.constant 1 : i32
      %dma_start3A_765 = arith.constant 2 : i32
      %dma_start3A_766 = arith.constant 0 : i32
      %dma_start3A_767 = arith.constant 0 : i32
      %dma_start3A_768 = tpu.memref_slice %arg9[%dma_start3A_763, %dma_start3A_766, %dma_start3A_767] : memref<4x80x128xf32, #tpu.memory_space<vmem>> -> memref<1x80x128xf32, #tpu.memory_space<vmem>>
      %dma_start3A_769 = tpu.memref_squeeze %dma_start3A_768 : memref<1x80x128xf32, #tpu.memory_space<vmem>> -> memref<80x128xf32, #tpu.memory_space<vmem>>
      %dma_start3A_770 = arith.constant 0 : i32
      %dma_start3A_771 = tpu.memref_slice %arg8[%dma_start3A_764, %dma_start3A_765, %dma_start3A_770] : memref<2x8x80xi32, #tpu.memory_space<vmem>> -> memref<1x1x80xi32, #tpu.memory_space<vmem>>
      %dma_start3A_772 = tpu.memref_squeeze %dma_start3A_771 : memref<1x1x80xi32, #tpu.memory_space<vmem>> -> memref<80xi32, #tpu.memory_space<vmem>>
      %dma_start3A_773 = arith.constant 0 : i32
      %dma_start3A_774 = arith.constant 0 : i32
      %dma_start3A_775 = tpu.memref_slice %arg10[%dma_start3A_773, %dma_start3A_774] : memref<10112x128xf32, #tpu.memory_space<vmem_shared>> -> memref<10112x128xf32, #tpu.memory_space<vmem_shared>>
      tpu.enqueue_indirect_dma source(%dma_start3A_769 : memref<80x128xf32, #tpu.memory_space<vmem>>) target(%dma_start3A_775 : memref<10112x128xf32, #tpu.memory_space<vmem_shared>>) offsets(%dma_start3A_772 : memref<80xi32, #tpu.memory_space<vmem>>) semaphore(%arg17 : memref<!tpu.dma_semaphore, #tpu.memory_space<semaphore_mem>>) {add = true}
      %dma_wait3A_776 = arith.constant 1 : i32
      %dma_wait3A_777 = arith.constant 1 : i32
      %dma_wait3A_778 = arith.constant 1 : i32
      %dma_wait3A_779 = arith.constant 0 : i32
      %dma_wait3A_780 = arith.constant 0 : i32
      %dma_wait3A_781 = tpu.memref_slice %arg9[%dma_wait3A_776, %dma_wait3A_779, %dma_wait3A_780] : memref<4x80x128xf32, #tpu.memory_space<vmem>> -> memref<1x80x128xf32, #tpu.memory_space<vmem>>
      %dma_wait3A_782 = tpu.memref_squeeze %dma_wait3A_781 : memref<1x80x128xf32, #tpu.memory_space<vmem>> -> memref<80x128xf32, #tpu.memory_space<vmem>>
      %dma_wait3A_783 = arith.constant 0 : i32
      %dma_wait3A_784 = tpu.memref_slice %arg8[%dma_wait3A_777, %dma_wait3A_778, %dma_wait3A_783] : memref<2x8x80xi32, #tpu.memory_space<vmem>> -> memref<1x1x80xi32, #tpu.memory_space<vmem>>
      %dma_wait3A_785 = tpu.memref_squeeze %dma_wait3A_784 : memref<1x1x80xi32, #tpu.memory_space<vmem>> -> memref<80xi32, #tpu.memory_space<vmem>>
      %dma_wait3A_786 = arith.constant 0 : i32
      %dma_wait3A_787 = arith.constant 0 : i32
      %dma_wait3A_788 = tpu.memref_slice %arg10[%dma_wait3A_786, %dma_wait3A_787] : memref<10112x128xf32, #tpu.memory_space<vmem_shared>> -> memref<10112x128xf32, #tpu.memory_space<vmem_shared>>
      tpu.wait_indirect_dma semaphore(%arg16 : memref<!tpu.dma_semaphore, #tpu.memory_space<semaphore_mem>>) src(%dma_wait3A_782 : memref<80x128xf32, #tpu.memory_space<vmem>>) dst(%dma_wait3A_788 : memref<10112x128xf32, #tpu.memory_space<vmem_shared>>)
      %dma_start3A_789 = arith.constant 1 : i32
      %dma_start3A_790 = arith.constant 5 : i32
      %dma_start3A_791 = arith.constant 1 : i32
      %dma_start3A_792 = arith.constant 0 : i32
      %dma_start3A_793 = arith.constant 0 : i32
      %dma_start3A_794 = tpu.memref_slice %arg9[%dma_start3A_791, %dma_start3A_792, %dma_start3A_793] : memref<4x80x128xf32, #tpu.memory_space<vmem>> -> memref<1x80x128xf32, #tpu.memory_space<vmem>>
      %dma_start3A_795 = tpu.memref_squeeze %dma_start3A_794 : memref<1x80x128xf32, #tpu.memory_space<vmem>> -> memref<80x128xf32, #tpu.memory_space<vmem>>
      %dma_start3A_796 = arith.constant 0 : i32
      %dma_start3A_797 = tpu.memref_slice %arg7[%dma_start3A_789, %dma_start3A_790, %dma_start3A_796] : memref<2x8x80xi32, #tpu.memory_space<vmem>> -> memref<1x1x80xi32, #tpu.memory_space<vmem>>
      %dma_start3A_798 = tpu.memref_squeeze %dma_start3A_797 : memref<1x1x80xi32, #tpu.memory_space<vmem>> -> memref<80xi32, #tpu.memory_space<vmem>>
      %dma_start3A_799 = arith.constant 0 : i32
      %dma_start3A_800 = arith.constant 0 : i32
      %dma_start3A_801 = tpu.memref_slice %arg2[%dma_start3A_799, %dma_start3A_800] : memref<10000x128xf32, #tpu.memory_space<hbm>> -> memref<10000x128xf32, #tpu.memory_space<hbm>>
      tpu.enqueue_indirect_dma source(%dma_start3A_801 : memref<10000x128xf32, #tpu.memory_space<hbm>>) target(%dma_start3A_795 : memref<80x128xf32, #tpu.memory_space<vmem>>) offsets(%dma_start3A_798 : memref<80xi32, #tpu.memory_space<vmem>>) semaphore(%arg12 : memref<!tpu.dma_semaphore, #tpu.memory_space<semaphore_mem>>)
      %dma_wait3A_802 = arith.constant 3 : i32
      %dma_wait3A_803 = arith.constant 0 : i32
      %dma_wait3A_804 = arith.constant 0 : i32
      %dma_wait3A_805 = tpu.memref_slice %arg9[%dma_wait3A_802, %dma_wait3A_803, %dma_wait3A_804] : memref<4x80x128xf32, #tpu.memory_space<vmem>> -> memref<1x80x128xf32, #tpu.memory_space<vmem>>
      %dma_wait3A_806 = tpu.memref_squeeze %dma_wait3A_805 : memref<1x80x128xf32, #tpu.memory_space<vmem>> -> memref<80x128xf32, #tpu.memory_space<vmem>>
      %dma_wait3A_807 = arith.constant 0 : i32
      %dma_wait3A_808 = arith.constant 0 : i32
      %dma_wait3A_809 = tpu.memref_slice %arg5[%dma_wait3A_807, %dma_wait3A_808] : memref<632x128xf32, #tpu.memory_space<hbm>> -> memref<80x128xf32, #tpu.memory_space<hbm>>
      %dma_wait3A_810 = arith.constant 0 : i32
      %dma_wait3A_811 = arith.constant 0 : i32
      %dma_wait3A_812 = tpu.memref_slice %arg9[%dma_wait3A_802, %dma_wait3A_810, %dma_wait3A_811] : memref<4x80x128xf32, #tpu.memory_space<vmem>> -> memref<1x80x128xf32, #tpu.memory_space<vmem>>
      %dma_wait3A_813 = tpu.memref_squeeze %dma_wait3A_812 : memref<1x80x128xf32, #tpu.memory_space<vmem>> -> memref<80x128xf32, #tpu.memory_space<vmem>>
      %dma_wait3A_814 = arith.constant 0 : i32
      %dma_wait3A_815 = arith.constant 0 : i32
      %dma_wait3A_816 = tpu.memref_slice %arg5[%dma_wait3A_814, %dma_wait3A_815] : memref<632x128xf32, #tpu.memory_space<hbm>> -> memref<80x128xf32, #tpu.memory_space<hbm>>
      tpu.wait_dma2 semaphore(%arg14 : memref<!tpu.dma_semaphore, #tpu.memory_space<semaphore_mem>>) src(%dma_wait3A_816 : memref<80x128xf32, #tpu.memory_space<hbm>>) dst(%dma_wait3A_813 : memref<80x128xf32, #tpu.memory_space<vmem>>)
      %dma_start3A_817 = arith.constant 3 : i32
      %dma_start3A_818 = arith.constant 1 : i32
      %dma_start3A_819 = arith.constant 3 : i32
      %dma_start3A_820 = arith.constant 0 : i32
      %dma_start3A_821 = arith.constant 0 : i32
      %dma_start3A_822 = tpu.memref_slice %arg9[%dma_start3A_817, %dma_start3A_820, %dma_start3A_821] : memref<4x80x128xf32, #tpu.memory_space<vmem>> -> memref<1x80x128xf32, #tpu.memory_space<vmem>>
      %dma_start3A_823 = tpu.memref_squeeze %dma_start3A_822 : memref<1x80x128xf32, #tpu.memory_space<vmem>> -> memref<80x128xf32, #tpu.memory_space<vmem>>
      %dma_start3A_824 = arith.constant 0 : i32
      %dma_start3A_825 = tpu.memref_slice %arg8[%dma_start3A_818, %dma_start3A_819, %dma_start3A_824] : memref<2x8x80xi32, #tpu.memory_space<vmem>> -> memref<1x1x80xi32, #tpu.memory_space<vmem>>
      %dma_start3A_826 = tpu.memref_squeeze %dma_start3A_825 : memref<1x1x80xi32, #tpu.memory_space<vmem>> -> memref<80xi32, #tpu.memory_space<vmem>>
      %dma_start3A_827 = arith.constant 0 : i32
      %dma_start3A_828 = arith.constant 0 : i32
      %dma_start3A_829 = tpu.memref_slice %arg10[%dma_start3A_827, %dma_start3A_828] : memref<10112x128xf32, #tpu.memory_space<vmem_shared>> -> memref<10112x128xf32, #tpu.memory_space<vmem_shared>>
      tpu.enqueue_indirect_dma source(%dma_start3A_823 : memref<80x128xf32, #tpu.memory_space<vmem>>) target(%dma_start3A_829 : memref<10112x128xf32, #tpu.memory_space<vmem_shared>>) offsets(%dma_start3A_826 : memref<80xi32, #tpu.memory_space<vmem>>) semaphore(%arg18 : memref<!tpu.dma_semaphore, #tpu.memory_space<semaphore_mem>>) {add = true}
      %dma_wait3A_830 = arith.constant 2 : i32
      %dma_wait3A_831 = arith.constant 1 : i32
      %dma_wait3A_832 = arith.constant 2 : i32
      %dma_wait3A_833 = arith.constant 0 : i32
      %dma_wait3A_834 = arith.constant 0 : i32
      %dma_wait3A_835 = tpu.memref_slice %arg9[%dma_wait3A_830, %dma_wait3A_833, %dma_wait3A_834] : memref<4x80x128xf32, #tpu.memory_space<vmem>> -> memref<1x80x128xf32, #tpu.memory_space<vmem>>
      %dma_wait3A_836 = tpu.memref_squeeze %dma_wait3A_835 : memref<1x80x128xf32, #tpu.memory_space<vmem>> -> memref<80x128xf32, #tpu.memory_space<vmem>>
      %dma_wait3A_837 = arith.constant 0 : i32
      %dma_wait3A_838 = tpu.memref_slice %arg8[%dma_wait3A_831, %dma_wait3A_832, %dma_wait3A_837] : memref<2x8x80xi32, #tpu.memory_space<vmem>> -> memref<1x1x80xi32, #tpu.memory_space<vmem>>
      %dma_wait3A_839 = tpu.memref_squeeze %dma_wait3A_838 : memref<1x1x80xi32, #tpu.memory_space<vmem>> -> memref<80xi32, #tpu.memory_space<vmem>>
      %dma_wait3A_840 = arith.constant 0 : i32
      %dma_wait3A_841 = arith.constant 0 : i32
      %dma_wait3A_842 = tpu.memref_slice %arg10[%dma_wait3A_840, %dma_wait3A_841] : memref<10112x128xf32, #tpu.memory_space<vmem_shared>> -> memref<10112x128xf32, #tpu.memory_space<vmem_shared>>
      tpu.wait_indirect_dma semaphore(%arg17 : memref<!tpu.dma_semaphore, #tpu.memory_space<semaphore_mem>>) src(%dma_wait3A_836 : memref<80x128xf32, #tpu.memory_space<vmem>>) dst(%dma_wait3A_842 : memref<10112x128xf32, #tpu.memory_space<vmem_shared>>)
      %dma_start3A_843 = arith.constant 1 : i32
      %dma_start3A_844 = arith.constant 6 : i32
      %dma_start3A_845 = arith.constant 2 : i32
      %dma_start3A_846 = arith.constant 0 : i32
      %dma_start3A_847 = arith.constant 0 : i32
      %dma_start3A_848 = tpu.memref_slice %arg9[%dma_start3A_845, %dma_start3A_846, %dma_start3A_847] : memref<4x80x128xf32, #tpu.memory_space<vmem>> -> memref<1x80x128xf32, #tpu.memory_space<vmem>>
      %dma_start3A_849 = tpu.memref_squeeze %dma_start3A_848 : memref<1x80x128xf32, #tpu.memory_space<vmem>> -> memref<80x128xf32, #tpu.memory_space<vmem>>
      %dma_start3A_850 = arith.constant 0 : i32
      %dma_start3A_851 = tpu.memref_slice %arg7[%dma_start3A_843, %dma_start3A_844, %dma_start3A_850] : memref<2x8x80xi32, #tpu.memory_space<vmem>> -> memref<1x1x80xi32, #tpu.memory_space<vmem>>
      %dma_start3A_852 = tpu.memref_squeeze %dma_start3A_851 : memref<1x1x80xi32, #tpu.memory_space<vmem>> -> memref<80xi32, #tpu.memory_space<vmem>>
      %dma_start3A_853 = arith.constant 0 : i32
      %dma_start3A_854 = arith.constant 0 : i32
      %dma_start3A_855 = tpu.memref_slice %arg2[%dma_start3A_853, %dma_start3A_854] : memref<10000x128xf32, #tpu.memory_space<hbm>> -> memref<10000x128xf32, #tpu.memory_space<hbm>>
      tpu.enqueue_indirect_dma source(%dma_start3A_855 : memref<10000x128xf32, #tpu.memory_space<hbm>>) target(%dma_start3A_849 : memref<80x128xf32, #tpu.memory_space<vmem>>) offsets(%dma_start3A_852 : memref<80xi32, #tpu.memory_space<vmem>>) semaphore(%arg13 : memref<!tpu.dma_semaphore, #tpu.memory_space<semaphore_mem>>)
      %dma_wait3A_856 = arith.constant 0 : i32
      %dma_wait3A_857 = arith.constant 0 : i32
      %dma_wait3A_858 = arith.constant 0 : i32
      %dma_wait3A_859 = tpu.memref_slice %arg9[%dma_wait3A_856, %dma_wait3A_857, %dma_wait3A_858] : memref<4x80x128xf32, #tpu.memory_space<vmem>> -> memref<1x80x128xf32, #tpu.memory_space<vmem>>
      %dma_wait3A_860 = tpu.memref_squeeze %dma_wait3A_859 : memref<1x80x128xf32, #tpu.memory_space<vmem>> -> memref<80x128xf32, #tpu.memory_space<vmem>>
      %dma_wait3A_861 = arith.constant 0 : i32
      %dma_wait3A_862 = arith.constant 0 : i32
      %dma_wait3A_863 = tpu.memref_slice %arg5[%dma_wait3A_861, %dma_wait3A_862] : memref<632x128xf32, #tpu.memory_space<hbm>> -> memref<80x128xf32, #tpu.memory_space<hbm>>
      %dma_wait3A_864 = arith.constant 0 : i32
      %dma_wait3A_865 = arith.constant 0 : i32
      %dma_wait3A_866 = tpu.memref_slice %arg9[%dma_wait3A_856, %dma_wait3A_864, %dma_wait3A_865] : memref<4x80x128xf32, #tpu.memory_space<vmem>> -> memref<1x80x128xf32, #tpu.memory_space<vmem>>
      %dma_wait3A_867 = tpu.memref_squeeze %dma_wait3A_866 : memref<1x80x128xf32, #tpu.memory_space<vmem>> -> memref<80x128xf32, #tpu.memory_space<vmem>>
      %dma_wait3A_868 = arith.constant 0 : i32
      %dma_wait3A_869 = arith.constant 0 : i32
      %dma_wait3A_870 = tpu.memref_slice %arg5[%dma_wait3A_868, %dma_wait3A_869] : memref<632x128xf32, #tpu.memory_space<hbm>> -> memref<80x128xf32, #tpu.memory_space<hbm>>
      tpu.wait_dma2 semaphore(%arg11 : memref<!tpu.dma_semaphore, #tpu.memory_space<semaphore_mem>>) src(%dma_wait3A_870 : memref<80x128xf32, #tpu.memory_space<hbm>>) dst(%dma_wait3A_867 : memref<80x128xf32, #tpu.memory_space<vmem>>)
      %dma_start3A_871 = arith.constant 0 : i32
      %dma_start3A_872 = arith.constant 1 : i32
      %dma_start3A_873 = arith.constant 4 : i32
      %dma_start3A_874 = arith.constant 0 : i32
      %dma_start3A_875 = arith.constant 0 : i32
      %dma_start3A_876 = tpu.memref_slice %arg9[%dma_start3A_871, %dma_start3A_874, %dma_start3A_875] : memref<4x80x128xf32, #tpu.memory_space<vmem>> -> memref<1x80x128xf32, #tpu.memory_space<vmem>>
      %dma_start3A_877 = tpu.memref_squeeze %dma_start3A_876 : memref<1x80x128xf32, #tpu.memory_space<vmem>> -> memref<80x128xf32, #tpu.memory_space<vmem>>
      %dma_start3A_878 = arith.constant 0 : i32
      %dma_start3A_879 = tpu.memref_slice %arg8[%dma_start3A_872, %dma_start3A_873, %dma_start3A_878] : memref<2x8x80xi32, #tpu.memory_space<vmem>> -> memref<1x1x80xi32, #tpu.memory_space<vmem>>
      %dma_start3A_880 = tpu.memref_squeeze %dma_start3A_879 : memref<1x1x80xi32, #tpu.memory_space<vmem>> -> memref<80xi32, #tpu.memory_space<vmem>>
      %dma_start3A_881 = arith.constant 0 : i32
      %dma_start3A_882 = arith.constant 0 : i32
      %dma_start3A_883 = tpu.memref_slice %arg10[%dma_start3A_881, %dma_start3A_882] : memref<10112x128xf32, #tpu.memory_space<vmem_shared>> -> memref<10112x128xf32, #tpu.memory_space<vmem_shared>>
      tpu.enqueue_indirect_dma source(%dma_start3A_877 : memref<80x128xf32, #tpu.memory_space<vmem>>) target(%dma_start3A_883 : memref<10112x128xf32, #tpu.memory_space<vmem_shared>>) offsets(%dma_start3A_880 : memref<80xi32, #tpu.memory_space<vmem>>) semaphore(%arg15 : memref<!tpu.dma_semaphore, #tpu.memory_space<semaphore_mem>>) {add = true}
      %dma_wait3A_884 = arith.constant 3 : i32
      %dma_wait3A_885 = arith.constant 1 : i32
      %dma_wait3A_886 = arith.constant 3 : i32
      %dma_wait3A_887 = arith.constant 0 : i32
      %dma_wait3A_888 = arith.constant 0 : i32
      %dma_wait3A_889 = tpu.memref_slice %arg9[%dma_wait3A_884, %dma_wait3A_887, %dma_wait3A_888] : memref<4x80x128xf32, #tpu.memory_space<vmem>> -> memref<1x80x128xf32, #tpu.memory_space<vmem>>
      %dma_wait3A_890 = tpu.memref_squeeze %dma_wait3A_889 : memref<1x80x128xf32, #tpu.memory_space<vmem>> -> memref<80x128xf32, #tpu.memory_space<vmem>>
      %dma_wait3A_891 = arith.constant 0 : i32
      %dma_wait3A_892 = tpu.memref_slice %arg8[%dma_wait3A_885, %dma_wait3A_886, %dma_wait3A_891] : memref<2x8x80xi32, #tpu.memory_space<vmem>> -> memref<1x1x80xi32, #tpu.memory_space<vmem>>
      %dma_wait3A_893 = tpu.memref_squeeze %dma_wait3A_892 : memref<1x1x80xi32, #tpu.memory_space<vmem>> -> memref<80xi32, #tpu.memory_space<vmem>>
      %dma_wait3A_894 = arith.constant 0 : i32
      %dma_wait3A_895 = arith.constant 0 : i32
      %dma_wait3A_896 = tpu.memref_slice %arg10[%dma_wait3A_894, %dma_wait3A_895] : memref<10112x128xf32, #tpu.memory_space<vmem_shared>> -> memref<10112x128xf32, #tpu.memory_space<vmem_shared>>
      tpu.wait_indirect_dma semaphore(%arg18 : memref<!tpu.dma_semaphore, #tpu.memory_space<semaphore_mem>>) src(%dma_wait3A_890 : memref<80x128xf32, #tpu.memory_space<vmem>>) dst(%dma_wait3A_896 : memref<10112x128xf32, #tpu.memory_space<vmem_shared>>)
      %dma_start3A_897 = arith.constant 1 : i32
      %dma_start3A_898 = arith.constant 7 : i32
      %dma_start3A_899 = arith.constant 3 : i32
      %dma_start3A_900 = arith.constant 0 : i32
      %dma_start3A_901 = arith.constant 0 : i32
      %dma_start3A_902 = tpu.memref_slice %arg9[%dma_start3A_899, %dma_start3A_900, %dma_start3A_901] : memref<4x80x128xf32, #tpu.memory_space<vmem>> -> memref<1x80x128xf32, #tpu.memory_space<vmem>>
      %dma_start3A_903 = tpu.memref_squeeze %dma_start3A_902 : memref<1x80x128xf32, #tpu.memory_space<vmem>> -> memref<80x128xf32, #tpu.memory_space<vmem>>
      %dma_start3A_904 = arith.constant 0 : i32
      %dma_start3A_905 = tpu.memref_slice %arg7[%dma_start3A_897, %dma_start3A_898, %dma_start3A_904] : memref<2x8x80xi32, #tpu.memory_space<vmem>> -> memref<1x1x80xi32, #tpu.memory_space<vmem>>
      %dma_start3A_906 = tpu.memref_squeeze %dma_start3A_905 : memref<1x1x80xi32, #tpu.memory_space<vmem>> -> memref<80xi32, #tpu.memory_space<vmem>>
      %dma_start3A_907 = arith.constant 0 : i32
      %dma_start3A_908 = arith.constant 0 : i32
      %dma_start3A_909 = tpu.memref_slice %arg2[%dma_start3A_907, %dma_start3A_908] : memref<10000x128xf32, #tpu.memory_space<hbm>> -> memref<10000x128xf32, #tpu.memory_space<hbm>>
      tpu.enqueue_indirect_dma source(%dma_start3A_909 : memref<10000x128xf32, #tpu.memory_space<hbm>>) target(%dma_start3A_903 : memref<80x128xf32, #tpu.memory_space<vmem>>) offsets(%dma_start3A_906 : memref<80xi32, #tpu.memory_space<vmem>>) semaphore(%arg14 : memref<!tpu.dma_semaphore, #tpu.memory_space<semaphore_mem>>)
      %dma_wait3A_910 = arith.constant 1 : i32
      %dma_wait3A_911 = arith.constant 0 : i32
      %dma_wait3A_912 = arith.constant 0 : i32
      %dma_wait3A_913 = tpu.memref_slice %arg9[%dma_wait3A_910, %dma_wait3A_911, %dma_wait3A_912] : memref<4x80x128xf32, #tpu.memory_space<vmem>> -> memref<1x80x128xf32, #tpu.memory_space<vmem>>
      %dma_wait3A_914 = tpu.memref_squeeze %dma_wait3A_913 : memref<1x80x128xf32, #tpu.memory_space<vmem>> -> memref<80x128xf32, #tpu.memory_space<vmem>>
      %dma_wait3A_915 = arith.constant 0 : i32
      %dma_wait3A_916 = arith.constant 0 : i32
      %dma_wait3A_917 = tpu.memref_slice %arg5[%dma_wait3A_915, %dma_wait3A_916] : memref<632x128xf32, #tpu.memory_space<hbm>> -> memref<80x128xf32, #tpu.memory_space<hbm>>
      %dma_wait3A_918 = arith.constant 0 : i32
      %dma_wait3A_919 = arith.constant 0 : i32
      %dma_wait3A_920 = tpu.memref_slice %arg9[%dma_wait3A_910, %dma_wait3A_918, %dma_wait3A_919] : memref<4x80x128xf32, #tpu.memory_space<vmem>> -> memref<1x80x128xf32, #tpu.memory_space<vmem>>
      %dma_wait3A_921 = tpu.memref_squeeze %dma_wait3A_920 : memref<1x80x128xf32, #tpu.memory_space<vmem>> -> memref<80x128xf32, #tpu.memory_space<vmem>>
      %dma_wait3A_922 = arith.constant 0 : i32
      %dma_wait3A_923 = arith.constant 0 : i32
      %dma_wait3A_924 = tpu.memref_slice %arg5[%dma_wait3A_922, %dma_wait3A_923] : memref<632x128xf32, #tpu.memory_space<hbm>> -> memref<80x128xf32, #tpu.memory_space<hbm>>
      tpu.wait_dma2 semaphore(%arg12 : memref<!tpu.dma_semaphore, #tpu.memory_space<semaphore_mem>>) src(%dma_wait3A_924 : memref<80x128xf32, #tpu.memory_space<hbm>>) dst(%dma_wait3A_921 : memref<80x128xf32, #tpu.memory_space<vmem>>)
      %dma_start3A_925 = arith.constant 1 : i32
      %dma_start3A_926 = arith.constant 1 : i32
      %dma_start3A_927 = arith.constant 5 : i32
      %dma_start3A_928 = arith.constant 0 : i32
      %dma_start3A_929 = arith.constant 0 : i32
      %dma_start3A_930 = tpu.memref_slice %arg9[%dma_start3A_925, %dma_start3A_928, %dma_start3A_929] : memref<4x80x128xf32, #tpu.memory_space<vmem>> -> memref<1x80x128xf32, #tpu.memory_space<vmem>>
      %dma_start3A_931 = tpu.memref_squeeze %dma_start3A_930 : memref<1x80x128xf32, #tpu.memory_space<vmem>> -> memref<80x128xf32, #tpu.memory_space<vmem>>
      %dma_start3A_932 = arith.constant 0 : i32
      %dma_start3A_933 = tpu.memref_slice %arg8[%dma_start3A_926, %dma_start3A_927, %dma_start3A_932] : memref<2x8x80xi32, #tpu.memory_space<vmem>> -> memref<1x1x80xi32, #tpu.memory_space<vmem>>
      %dma_start3A_934 = tpu.memref_squeeze %dma_start3A_933 : memref<1x1x80xi32, #tpu.memory_space<vmem>> -> memref<80xi32, #tpu.memory_space<vmem>>
      %dma_start3A_935 = arith.constant 0 : i32
      %dma_start3A_936 = arith.constant 0 : i32
      %dma_start3A_937 = tpu.memref_slice %arg10[%dma_start3A_935, %dma_start3A_936] : memref<10112x128xf32, #tpu.memory_space<vmem_shared>> -> memref<10112x128xf32, #tpu.memory_space<vmem_shared>>
      tpu.enqueue_indirect_dma source(%dma_start3A_931 : memref<80x128xf32, #tpu.memory_space<vmem>>) target(%dma_start3A_937 : memref<10112x128xf32, #tpu.memory_space<vmem_shared>>) offsets(%dma_start3A_934 : memref<80xi32, #tpu.memory_space<vmem>>) semaphore(%arg16 : memref<!tpu.dma_semaphore, #tpu.memory_space<semaphore_mem>>) {add = true}
      %dma_wait3A_938 = arith.constant 0 : i32
      %dma_wait3A_939 = arith.constant 1 : i32
      %dma_wait3A_940 = arith.constant 4 : i32
      %dma_wait3A_941 = arith.constant 0 : i32
      %dma_wait3A_942 = arith.constant 0 : i32
      %dma_wait3A_943 = tpu.memref_slice %arg9[%dma_wait3A_938, %dma_wait3A_941, %dma_wait3A_942] : memref<4x80x128xf32, #tpu.memory_space<vmem>> -> memref<1x80x128xf32, #tpu.memory_space<vmem>>
      %dma_wait3A_944 = tpu.memref_squeeze %dma_wait3A_943 : memref<1x80x128xf32, #tpu.memory_space<vmem>> -> memref<80x128xf32, #tpu.memory_space<vmem>>
      %dma_wait3A_945 = arith.constant 0 : i32
      %dma_wait3A_946 = tpu.memref_slice %arg8[%dma_wait3A_939, %dma_wait3A_940, %dma_wait3A_945] : memref<2x8x80xi32, #tpu.memory_space<vmem>> -> memref<1x1x80xi32, #tpu.memory_space<vmem>>
      %dma_wait3A_947 = tpu.memref_squeeze %dma_wait3A_946 : memref<1x1x80xi32, #tpu.memory_space<vmem>> -> memref<80xi32, #tpu.memory_space<vmem>>
      %dma_wait3A_948 = arith.constant 0 : i32
      %dma_wait3A_949 = arith.constant 0 : i32
      %dma_wait3A_950 = tpu.memref_slice %arg10[%dma_wait3A_948, %dma_wait3A_949] : memref<10112x128xf32, #tpu.memory_space<vmem_shared>> -> memref<10112x128xf32, #tpu.memory_space<vmem_shared>>
      tpu.wait_indirect_dma semaphore(%arg15 : memref<!tpu.dma_semaphore, #tpu.memory_space<semaphore_mem>>) src(%dma_wait3A_944 : memref<80x128xf32, #tpu.memory_space<vmem>>) dst(%dma_wait3A_950 : memref<10112x128xf32, #tpu.memory_space<vmem_shared>>)
      %lt3A_951 = arith.constant 7 : i32
      %lt3A_952 = arith.cmpi slt, %scan3A_129, %lt3A_951 : i32
      %convert_element_type3A_953 = arith.extui %lt3A_952 : i1 to i32
      %cond3A_954 = arith.constant 0 : i32
      %cond3A_955 = arith.cmpi ne, %convert_element_type3A_953, %cond3A_954 : i32
      scf.if %cond3A_955 {
        %dma_wait3A_1030 = arith.constant 0 : i32
        %dma_wait3A_1031 = arith.constant 0 : i32
        %dma_wait3A_1032 = arith.constant 0 : i32
        %dma_wait3A_1033 = tpu.memref_slice %arg7[%dma_wait3A_1030, %dma_wait3A_1031, %dma_wait3A_1032] : memref<2x8x80xi32, #tpu.memory_space<vmem>> -> memref<1x8x80xi32, #tpu.memory_space<vmem>>
        %dma_wait3A_1034 = tpu.memref_squeeze %dma_wait3A_1033 : memref<1x8x80xi32, #tpu.memory_space<vmem>> -> memref<8x80xi32, #tpu.memory_space<vmem>>
        %dma_wait3A_1035 = arith.constant 0 : i32
        %dma_wait3A_1036 = arith.constant 0 : i32
        %dma_wait3A_1037 = tpu.memref_slice %arg3[%arg0, %arg1, %dma_wait3A_1035, %dma_wait3A_1036] : memref<2x16x128x80xi32, #tpu.memory_space<hbm>> -> memref<1x1x8x80xi32, #tpu.memory_space<hbm>>
        %dma_wait3A_1038 = tpu.memref_squeeze %dma_wait3A_1037 : memref<1x1x8x80xi32, #tpu.memory_space<hbm>> -> memref<8x80xi32, #tpu.memory_space<hbm>>
        %dma_wait3A_1039 = arith.constant 0 : i32
        %dma_wait3A_1040 = arith.constant 0 : i32
        %dma_wait3A_1041 = tpu.memref_slice %arg7[%dma_wait3A_1030, %dma_wait3A_1039, %dma_wait3A_1040] : memref<2x8x80xi32, #tpu.memory_space<vmem>> -> memref<1x8x80xi32, #tpu.memory_space<vmem>>
        %dma_wait3A_1042 = tpu.memref_squeeze %dma_wait3A_1041 : memref<1x8x80xi32, #tpu.memory_space<vmem>> -> memref<8x80xi32, #tpu.memory_space<vmem>>
        %dma_wait3A_1043 = arith.constant 0 : i32
        %dma_wait3A_1044 = arith.constant 0 : i32
        %dma_wait3A_1045 = tpu.memref_slice %arg3[%arg0, %arg1, %dma_wait3A_1043, %dma_wait3A_1044] : memref<2x16x128x80xi32, #tpu.memory_space<hbm>> -> memref<1x1x8x80xi32, #tpu.memory_space<hbm>>
        %dma_wait3A_1046 = tpu.memref_squeeze %dma_wait3A_1045 : memref<1x1x8x80xi32, #tpu.memory_space<hbm>> -> memref<8x80xi32, #tpu.memory_space<hbm>>
        tpu.wait_dma2 semaphore(%arg19 : memref<!tpu.dma_semaphore, #tpu.memory_space<semaphore_mem>>) src(%dma_wait3A_1046 : memref<8x80xi32, #tpu.memory_space<hbm>>) dst(%dma_wait3A_1042 : memref<8x80xi32, #tpu.memory_space<vmem>>)
        %dma_wait3A_1047 = arith.constant 0 : i32
        %dma_wait3A_1048 = arith.constant 0 : i32
        %dma_wait3A_1049 = arith.constant 0 : i32
        %dma_wait3A_1050 = tpu.memref_slice %arg8[%dma_wait3A_1047, %dma_wait3A_1048, %dma_wait3A_1049] : memref<2x8x80xi32, #tpu.memory_space<vmem>> -> memref<1x8x80xi32, #tpu.memory_space<vmem>>
        %dma_wait3A_1051 = tpu.memref_squeeze %dma_wait3A_1050 : memref<1x8x80xi32, #tpu.memory_space<vmem>> -> memref<8x80xi32, #tpu.memory_space<vmem>>
        %dma_wait3A_1052 = arith.constant 0 : i32
        %dma_wait3A_1053 = arith.constant 0 : i32
        %dma_wait3A_1054 = tpu.memref_slice %arg3[%arg0, %arg1, %dma_wait3A_1052, %dma_wait3A_1053] : memref<2x16x128x80xi32, #tpu.memory_space<hbm>> -> memref<1x1x8x80xi32, #tpu.memory_space<hbm>>
        %dma_wait3A_1055 = tpu.memref_squeeze %dma_wait3A_1054 : memref<1x1x8x80xi32, #tpu.memory_space<hbm>> -> memref<8x80xi32, #tpu.memory_space<hbm>>
        %dma_wait3A_1056 = arith.constant 0 : i32
        %dma_wait3A_1057 = arith.constant 0 : i32
        %dma_wait3A_1058 = tpu.memref_slice %arg8[%dma_wait3A_1047, %dma_wait3A_1056, %dma_wait3A_1057] : memref<2x8x80xi32, #tpu.memory_space<vmem>> -> memref<1x8x80xi32, #tpu.memory_space<vmem>>
        %dma_wait3A_1059 = tpu.memref_squeeze %dma_wait3A_1058 : memref<1x8x80xi32, #tpu.memory_space<vmem>> -> memref<8x80xi32, #tpu.memory_space<vmem>>
        %dma_wait3A_1060 = arith.constant 0 : i32
        %dma_wait3A_1061 = arith.constant 0 : i32
        %dma_wait3A_1062 = tpu.memref_slice %arg3[%arg0, %arg1, %dma_wait3A_1060, %dma_wait3A_1061] : memref<2x16x128x80xi32, #tpu.memory_space<hbm>> -> memref<1x1x8x80xi32, #tpu.memory_space<hbm>>
        %dma_wait3A_1063 = tpu.memref_squeeze %dma_wait3A_1062 : memref<1x1x8x80xi32, #tpu.memory_space<hbm>> -> memref<8x80xi32, #tpu.memory_space<hbm>>
        tpu.wait_dma2 semaphore(%arg19 : memref<!tpu.dma_semaphore, #tpu.memory_space<semaphore_mem>>) src(%dma_wait3A_1063 : memref<8x80xi32, #tpu.memory_space<hbm>>) dst(%dma_wait3A_1059 : memref<8x80xi32, #tpu.memory_space<vmem>>)
        %dma_start3A_1064 = arith.constant 0 : i32
        %dma_start3A_1065 = arith.constant 0 : i32
        %dma_start3A_1066 = arith.constant 0 : i32
        %dma_start3A_1067 = arith.constant 0 : i32
        %dma_start3A_1068 = arith.constant 0 : i32
        %dma_start3A_1069 = tpu.memref_slice %arg9[%dma_start3A_1066, %dma_start3A_1067, %dma_start3A_1068] : memref<4x80x128xf32, #tpu.memory_space<vmem>> -> memref<1x80x128xf32, #tpu.memory_space<vmem>>
        %dma_start3A_1070 = tpu.memref_squeeze %dma_start3A_1069 : memref<1x80x128xf32, #tpu.memory_space<vmem>> -> memref<80x128xf32, #tpu.memory_space<vmem>>
        %dma_start3A_1071 = arith.constant 0 : i32
        %dma_start3A_1072 = tpu.memref_slice %arg7[%dma_start3A_1064, %dma_start3A_1065, %dma_start3A_1071] : memref<2x8x80xi32, #tpu.memory_space<vmem>> -> memref<1x1x80xi32, #tpu.memory_space<vmem>>
        %dma_start3A_1073 = tpu.memref_squeeze %dma_start3A_1072 : memref<1x1x80xi32, #tpu.memory_space<vmem>> -> memref<80xi32, #tpu.memory_space<vmem>>
        %dma_start3A_1074 = arith.constant 0 : i32
        %dma_start3A_1075 = arith.constant 0 : i32
        %dma_start3A_1076 = tpu.memref_slice %arg2[%dma_start3A_1074, %dma_start3A_1075] : memref<10000x128xf32, #tpu.memory_space<hbm>> -> memref<10000x128xf32, #tpu.memory_space<hbm>>
        tpu.enqueue_indirect_dma source(%dma_start3A_1076 : memref<10000x128xf32, #tpu.memory_space<hbm>>) target(%dma_start3A_1070 : memref<80x128xf32, #tpu.memory_space<vmem>>) offsets(%dma_start3A_1073 : memref<80xi32, #tpu.memory_space<vmem>>) semaphore(%arg11 : memref<!tpu.dma_semaphore, #tpu.memory_space<semaphore_mem>>)
      } else {
      }
      %dma_wait3A_956 = arith.constant 2 : i32
      %dma_wait3A_957 = arith.constant 0 : i32
      %dma_wait3A_958 = arith.constant 0 : i32
      %dma_wait3A_959 = tpu.memref_slice %arg9[%dma_wait3A_956, %dma_wait3A_957, %dma_wait3A_958] : memref<4x80x128xf32, #tpu.memory_space<vmem>> -> memref<1x80x128xf32, #tpu.memory_space<vmem>>
      %dma_wait3A_960 = tpu.memref_squeeze %dma_wait3A_959 : memref<1x80x128xf32, #tpu.memory_space<vmem>> -> memref<80x128xf32, #tpu.memory_space<vmem>>
      %dma_wait3A_961 = arith.constant 0 : i32
      %dma_wait3A_962 = arith.constant 0 : i32
      %dma_wait3A_963 = tpu.memref_slice %arg5[%dma_wait3A_961, %dma_wait3A_962] : memref<632x128xf32, #tpu.memory_space<hbm>> -> memref<80x128xf32, #tpu.memory_space<hbm>>
      %dma_wait3A_964 = arith.constant 0 : i32
      %dma_wait3A_965 = arith.constant 0 : i32
      %dma_wait3A_966 = tpu.memref_slice %arg9[%dma_wait3A_956, %dma_wait3A_964, %dma_wait3A_965] : memref<4x80x128xf32, #tpu.memory_space<vmem>> -> memref<1x80x128xf32, #tpu.memory_space<vmem>>
      %dma_wait3A_967 = tpu.memref_squeeze %dma_wait3A_966 : memref<1x80x128xf32, #tpu.memory_space<vmem>> -> memref<80x128xf32, #tpu.memory_space<vmem>>
      %dma_wait3A_968 = arith.constant 0 : i32
      %dma_wait3A_969 = arith.constant 0 : i32
      %dma_wait3A_970 = tpu.memref_slice %arg5[%dma_wait3A_968, %dma_wait3A_969] : memref<632x128xf32, #tpu.memory_space<hbm>> -> memref<80x128xf32, #tpu.memory_space<hbm>>
      tpu.wait_dma2 semaphore(%arg13 : memref<!tpu.dma_semaphore, #tpu.memory_space<semaphore_mem>>) src(%dma_wait3A_970 : memref<80x128xf32, #tpu.memory_space<hbm>>) dst(%dma_wait3A_967 : memref<80x128xf32, #tpu.memory_space<vmem>>)
      %dma_start3A_971 = arith.constant 2 : i32
      %dma_start3A_972 = arith.constant 1 : i32
      %dma_start3A_973 = arith.constant 6 : i32
      %dma_start3A_974 = arith.constant 0 : i32
      %dma_start3A_975 = arith.constant 0 : i32
      %dma_start3A_976 = tpu.memref_slice %arg9[%dma_start3A_971, %dma_start3A_974, %dma_start3A_975] : memref<4x80x128xf32, #tpu.memory_space<vmem>> -> memref<1x80x128xf32, #tpu.memory_space<vmem>>
      %dma_start3A_977 = tpu.memref_squeeze %dma_start3A_976 : memref<1x80x128xf32, #tpu.memory_space<vmem>> -> memref<80x128xf32, #tpu.memory_space<vmem>>
      %dma_start3A_978 = arith.constant 0 : i32
      %dma_start3A_979 = tpu.memref_slice %arg8[%dma_start3A_972, %dma_start3A_973, %dma_start3A_978] : memref<2x8x80xi32, #tpu.memory_space<vmem>> -> memref<1x1x80xi32, #tpu.memory_space<vmem>>
      %dma_start3A_980 = tpu.memref_squeeze %dma_start3A_979 : memref<1x1x80xi32, #tpu.memory_space<vmem>> -> memref<80xi32, #tpu.memory_space<vmem>>
      %dma_start3A_981 = arith.constant 0 : i32
      %dma_start3A_982 = arith.constant 0 : i32
      %dma_start3A_983 = tpu.memref_slice %arg10[%dma_start3A_981, %dma_start3A_982] : memref<10112x128xf32, #tpu.memory_space<vmem_shared>> -> memref<10112x128xf32, #tpu.memory_space<vmem_shared>>
      tpu.enqueue_indirect_dma source(%dma_start3A_977 : memref<80x128xf32, #tpu.memory_space<vmem>>) target(%dma_start3A_983 : memref<10112x128xf32, #tpu.memory_space<vmem_shared>>) offsets(%dma_start3A_980 : memref<80xi32, #tpu.memory_space<vmem>>) semaphore(%arg17 : memref<!tpu.dma_semaphore, #tpu.memory_space<semaphore_mem>>) {add = true}
      %dma_wait3A_984 = arith.constant 1 : i32
      %dma_wait3A_985 = arith.constant 1 : i32
      %dma_wait3A_986 = arith.constant 5 : i32
      %dma_wait3A_987 = arith.constant 0 : i32
      %dma_wait3A_988 = arith.constant 0 : i32
      %dma_wait3A_989 = tpu.memref_slice %arg9[%dma_wait3A_984, %dma_wait3A_987, %dma_wait3A_988] : memref<4x80x128xf32, #tpu.memory_space<vmem>> -> memref<1x80x128xf32, #tpu.memory_space<vmem>>
      %dma_wait3A_990 = tpu.memref_squeeze %dma_wait3A_989 : memref<1x80x128xf32, #tpu.memory_space<vmem>> -> memref<80x128xf32, #tpu.memory_space<vmem>>
      %dma_wait3A_991 = arith.constant 0 : i32
      %dma_wait3A_992 = tpu.memref_slice %arg8[%dma_wait3A_985, %dma_wait3A_986, %dma_wait3A_991] : memref<2x8x80xi32, #tpu.memory_space<vmem>> -> memref<1x1x80xi32, #tpu.memory_space<vmem>>
      %dma_wait3A_993 = tpu.memref_squeeze %dma_wait3A_992 : memref<1x1x80xi32, #tpu.memory_space<vmem>> -> memref<80xi32, #tpu.memory_space<vmem>>
      %dma_wait3A_994 = arith.constant 0 : i32
      %dma_wait3A_995 = arith.constant 0 : i32
      %dma_wait3A_996 = tpu.memref_slice %arg10[%dma_wait3A_994, %dma_wait3A_995] : memref<10112x128xf32, #tpu.memory_space<vmem_shared>> -> memref<10112x128xf32, #tpu.memory_space<vmem_shared>>
      tpu.wait_indirect_dma semaphore(%arg16 : memref<!tpu.dma_semaphore, #tpu.memory_space<semaphore_mem>>) src(%dma_wait3A_990 : memref<80x128xf32, #tpu.memory_space<vmem>>) dst(%dma_wait3A_996 : memref<10112x128xf32, #tpu.memory_space<vmem_shared>>)
      %lt3A_997 = arith.constant 7 : i32
      %lt3A_998 = arith.cmpi slt, %scan3A_129, %lt3A_997 : i32
      %convert_element_type3A_999 = arith.extui %lt3A_998 : i1 to i32
      %cond3A_1000 = arith.constant 0 : i32
      %cond3A_1001 = arith.cmpi ne, %convert_element_type3A_999, %cond3A_1000 : i32
      scf.if %cond3A_1001 {
        %dma_start3A_1030 = arith.constant 0 : i32
        %dma_start3A_1031 = arith.constant 1 : i32
        %dma_start3A_1032 = arith.constant 1 : i32
        %dma_start3A_1033 = arith.constant 0 : i32
        %dma_start3A_1034 = arith.constant 0 : i32
        %dma_start3A_1035 = tpu.memref_slice %arg9[%dma_start3A_1032, %dma_start3A_1033, %dma_start3A_1034] : memref<4x80x128xf32, #tpu.memory_space<vmem>> -> memref<1x80x128xf32, #tpu.memory_space<vmem>>
        %dma_start3A_1036 = tpu.memref_squeeze %dma_start3A_1035 : memref<1x80x128xf32, #tpu.memory_space<vmem>> -> memref<80x128xf32, #tpu.memory_space<vmem>>
        %dma_start3A_1037 = arith.constant 0 : i32
        %dma_start3A_1038 = tpu.memref_slice %arg7[%dma_start3A_1030, %dma_start3A_1031, %dma_start3A_1037] : memref<2x8x80xi32, #tpu.memory_space<vmem>> -> memref<1x1x80xi32, #tpu.memory_space<vmem>>
        %dma_start3A_1039 = tpu.memref_squeeze %dma_start3A_1038 : memref<1x1x80xi32, #tpu.memory_space<vmem>> -> memref<80xi32, #tpu.memory_space<vmem>>
        %dma_start3A_1040 = arith.constant 0 : i32
        %dma_start3A_1041 = arith.constant 0 : i32
        %dma_start3A_1042 = tpu.memref_slice %arg2[%dma_start3A_1040, %dma_start3A_1041] : memref<10000x128xf32, #tpu.memory_space<hbm>> -> memref<10000x128xf32, #tpu.memory_space<hbm>>
        tpu.enqueue_indirect_dma source(%dma_start3A_1042 : memref<10000x128xf32, #tpu.memory_space<hbm>>) target(%dma_start3A_1036 : memref<80x128xf32, #tpu.memory_space<vmem>>) offsets(%dma_start3A_1039 : memref<80xi32, #tpu.memory_space<vmem>>) semaphore(%arg12 : memref<!tpu.dma_semaphore, #tpu.memory_space<semaphore_mem>>)
      } else {
      }
      %dma_wait3A_1002 = arith.constant 3 : i32
      %dma_wait3A_1003 = arith.constant 0 : i32
      %dma_wait3A_1004 = arith.constant 0 : i32
      %dma_wait3A_1005 = tpu.memref_slice %arg9[%dma_wait3A_1002, %dma_wait3A_1003, %dma_wait3A_1004] : memref<4x80x128xf32, #tpu.memory_space<vmem>> -> memref<1x80x128xf32, #tpu.memory_space<vmem>>
      %dma_wait3A_1006 = tpu.memref_squeeze %dma_wait3A_1005 : memref<1x80x128xf32, #tpu.memory_space<vmem>> -> memref<80x128xf32, #tpu.memory_space<vmem>>
      %dma_wait3A_1007 = arith.constant 0 : i32
      %dma_wait3A_1008 = arith.constant 0 : i32
      %dma_wait3A_1009 = tpu.memref_slice %arg5[%dma_wait3A_1007, %dma_wait3A_1008] : memref<632x128xf32, #tpu.memory_space<hbm>> -> memref<80x128xf32, #tpu.memory_space<hbm>>
      %dma_wait3A_1010 = arith.constant 0 : i32
      %dma_wait3A_1011 = arith.constant 0 : i32
      %dma_wait3A_1012 = tpu.memref_slice %arg9[%dma_wait3A_1002, %dma_wait3A_1010, %dma_wait3A_1011] : memref<4x80x128xf32, #tpu.memory_space<vmem>> -> memref<1x80x128xf32, #tpu.memory_space<vmem>>
      %dma_wait3A_1013 = tpu.memref_squeeze %dma_wait3A_1012 : memref<1x80x128xf32, #tpu.memory_space<vmem>> -> memref<80x128xf32, #tpu.memory_space<vmem>>
      %dma_wait3A_1014 = arith.constant 0 : i32
      %dma_wait3A_1015 = arith.constant 0 : i32
      %dma_wait3A_1016 = tpu.memref_slice %arg5[%dma_wait3A_1014, %dma_wait3A_1015] : memref<632x128xf32, #tpu.memory_space<hbm>> -> memref<80x128xf32, #tpu.memory_space<hbm>>
      tpu.wait_dma2 semaphore(%arg14 : memref<!tpu.dma_semaphore, #tpu.memory_space<semaphore_mem>>) src(%dma_wait3A_1016 : memref<80x128xf32, #tpu.memory_space<hbm>>) dst(%dma_wait3A_1013 : memref<80x128xf32, #tpu.memory_space<vmem>>)
      %dma_start3A_1017 = arith.constant 3 : i32
      %dma_start3A_1018 = arith.constant 1 : i32
      %dma_start3A_1019 = arith.constant 7 : i32
      %dma_start3A_1020 = arith.constant 0 : i32
      %dma_start3A_1021 = arith.constant 0 : i32
      %dma_start3A_1022 = tpu.memref_slice %arg9[%dma_start3A_1017, %dma_start3A_1020, %dma_start3A_1021] : memref<4x80x128xf32, #tpu.memory_space<vmem>> -> memref<1x80x128xf32, #tpu.memory_space<vmem>>
      %dma_start3A_1023 = tpu.memref_squeeze %dma_start3A_1022 : memref<1x80x128xf32, #tpu.memory_space<vmem>> -> memref<80x128xf32, #tpu.memory_space<vmem>>
      %dma_start3A_1024 = arith.constant 0 : i32
      %dma_start3A_1025 = tpu.memref_slice %arg8[%dma_start3A_1018, %dma_start3A_1019, %dma_start3A_1024] : memref<2x8x80xi32, #tpu.memory_space<vmem>> -> memref<1x1x80xi32, #tpu.memory_space<vmem>>
      %dma_start3A_1026 = tpu.memref_squeeze %dma_start3A_1025 : memref<1x1x80xi32, #tpu.memory_space<vmem>> -> memref<80xi32, #tpu.memory_space<vmem>>
      %dma_start3A_1027 = arith.constant 0 : i32
      %dma_start3A_1028 = arith.constant 0 : i32
      %dma_start3A_1029 = tpu.memref_slice %arg10[%dma_start3A_1027, %dma_start3A_1028] : memref<10112x128xf32, #tpu.memory_space<vmem_shared>> -> memref<10112x128xf32, #tpu.memory_space<vmem_shared>>
      tpu.enqueue_indirect_dma source(%dma_start3A_1023 : memref<80x128xf32, #tpu.memory_space<vmem>>) target(%dma_start3A_1029 : memref<10112x128xf32, #tpu.memory_space<vmem_shared>>) offsets(%dma_start3A_1026 : memref<80xi32, #tpu.memory_space<vmem>>) semaphore(%arg18 : memref<!tpu.dma_semaphore, #tpu.memory_space<semaphore_mem>>) {add = true}
    }
    %scan3A_97 = arith.constant 8 : i32
    %dma_wait3A_98 = arith.constant 2 : i32
    %dma_wait3A_99 = arith.constant 1 : i32
    %dma_wait3A_100 = arith.constant 6 : i32
    %dma_wait3A_101 = arith.constant 0 : i32
    %dma_wait3A_102 = arith.constant 0 : i32
    %dma_wait3A_103 = tpu.memref_slice %arg9[%dma_wait3A_98, %dma_wait3A_101, %dma_wait3A_102] : memref<4x80x128xf32, #tpu.memory_space<vmem>> -> memref<1x80x128xf32, #tpu.memory_space<vmem>>
    %dma_wait3A_104 = tpu.memref_squeeze %dma_wait3A_103 : memref<1x80x128xf32, #tpu.memory_space<vmem>> -> memref<80x128xf32, #tpu.memory_space<vmem>>
    %dma_wait3A_105 = arith.constant 0 : i32
    %dma_wait3A_106 = tpu.memref_slice %arg8[%dma_wait3A_99, %dma_wait3A_100, %dma_wait3A_105] : memref<2x8x80xi32, #tpu.memory_space<vmem>> -> memref<1x1x80xi32, #tpu.memory_space<vmem>>
    %dma_wait3A_107 = tpu.memref_squeeze %dma_wait3A_106 : memref<1x1x80xi32, #tpu.memory_space<vmem>> -> memref<80xi32, #tpu.memory_space<vmem>>
    %dma_wait3A_108 = arith.constant 0 : i32
    %dma_wait3A_109 = arith.constant 0 : i32
    %dma_wait3A_110 = tpu.memref_slice %arg10[%dma_wait3A_108, %dma_wait3A_109] : memref<10112x128xf32, #tpu.memory_space<vmem_shared>> -> memref<10112x128xf32, #tpu.memory_space<vmem_shared>>
    tpu.wait_indirect_dma semaphore(%arg17 : memref<!tpu.dma_semaphore, #tpu.memory_space<semaphore_mem>>) src(%dma_wait3A_104 : memref<80x128xf32, #tpu.memory_space<vmem>>) dst(%dma_wait3A_110 : memref<10112x128xf32, #tpu.memory_space<vmem_shared>>)
    %dma_wait3A_111 = arith.constant 3 : i32
    %dma_wait3A_112 = arith.constant 1 : i32
    %dma_wait3A_113 = arith.constant 7 : i32
    %dma_wait3A_114 = arith.constant 0 : i32
    %dma_wait3A_115 = arith.constant 0 : i32
    %dma_wait3A_116 = tpu.memref_slice %arg9[%dma_wait3A_111, %dma_wait3A_114, %dma_wait3A_115] : memref<4x80x128xf32, #tpu.memory_space<vmem>> -> memref<1x80x128xf32, #tpu.memory_space<vmem>>
    %dma_wait3A_117 = tpu.memref_squeeze %dma_wait3A_116 : memref<1x80x128xf32, #tpu.memory_space<vmem>> -> memref<80x128xf32, #tpu.memory_space<vmem>>
    %dma_wait3A_118 = arith.constant 0 : i32
    %dma_wait3A_119 = tpu.memref_slice %arg8[%dma_wait3A_112, %dma_wait3A_113, %dma_wait3A_118] : memref<2x8x80xi32, #tpu.memory_space<vmem>> -> memref<1x1x80xi32, #tpu.memory_space<vmem>>
    %dma_wait3A_120 = tpu.memref_squeeze %dma_wait3A_119 : memref<1x1x80xi32, #tpu.memory_space<vmem>> -> memref<80xi32, #tpu.memory_space<vmem>>
    %dma_wait3A_121 = arith.constant 0 : i32
    %dma_wait3A_122 = arith.constant 0 : i32
    %dma_wait3A_123 = tpu.memref_slice %arg10[%dma_wait3A_121, %dma_wait3A_122] : memref<10112x128xf32, #tpu.memory_space<vmem_shared>> -> memref<10112x128xf32, #tpu.memory_space<vmem_shared>>
    tpu.wait_indirect_dma semaphore(%arg18 : memref<!tpu.dma_semaphore, #tpu.memory_space<semaphore_mem>>) src(%dma_wait3A_117 : memref<80x128xf32, #tpu.memory_space<vmem>>) dst(%dma_wait3A_123 : memref<10112x128xf32, #tpu.memory_space<vmem_shared>>)
    %barrier3A_124 = arith.constant 0 : index
    tpu.barrier barrier_id(%barrier3A_124)
    %mul3A_125 = arith.constant 632 : i32
    %mul3A_126 = arith.muli %arg1, %mul3A_125 : i32
    %mul3A_127 = arith.constant 632 : i32
    %mul3A_128 = arith.muli %arg1, %mul3A_127 : i32
    "tpu.region"() ({
      %run_scoped3A = tpu.sem_alloc : memref<!tpu.dma_semaphore, #tpu.memory_space<semaphore_mem>>
      %dma_start3A_129 = arith.constant 0 : i32
      %dma_start3A_130 = tpu.memref_slice %arg6[%arg0, %mul3A_128, %dma_start3A_129] : memref<2x10112x128xf32, #tpu.memory_space<hbm>> -> memref<1x632x128xf32, #tpu.memory_space<hbm>>
      %dma_start3A_131 = tpu.memref_squeeze %dma_start3A_130 : memref<1x632x128xf32, #tpu.memory_space<hbm>> -> memref<632x128xf32, #tpu.memory_space<hbm>>
      %dma_start3A_132 = arith.constant 0 : i32
      %dma_start3A_133 = tpu.memref_slice %arg10[%mul3A_126, %dma_start3A_132] : memref<10112x128xf32, #tpu.memory_space<vmem_shared>> -> memref<632x128xf32, #tpu.memory_space<vmem_shared>>
      tpu.enqueue_dma source(%dma_start3A_133 : memref<632x128xf32, #tpu.memory_space<vmem_shared>>) target(%dma_start3A_131 : memref<632x128xf32, #tpu.memory_space<hbm>>) target_semaphore(%run_scoped3A : memref<!tpu.dma_semaphore, #tpu.memory_space<semaphore_mem>>)
      %dma_wait3A_134 = arith.constant 0 : i32
      %dma_wait3A_135 = tpu.memref_slice %arg6[%arg0, %mul3A_128, %dma_wait3A_134] : memref<2x10112x128xf32, #tpu.memory_space<hbm>> -> memref<1x632x128xf32, #tpu.memory_space<hbm>>
      %dma_wait3A_136 = tpu.memref_squeeze %dma_wait3A_135 : memref<1x632x128xf32, #tpu.memory_space<hbm>> -> memref<632x128xf32, #tpu.memory_space<hbm>>
      %dma_wait3A_137 = arith.constant 0 : i32
      %dma_wait3A_138 = tpu.memref_slice %arg10[%mul3A_126, %dma_wait3A_137] : memref<10112x128xf32, #tpu.memory_space<vmem_shared>> -> memref<632x128xf32, #tpu.memory_space<vmem_shared>>
      tpu.wait_dma2 semaphore(%run_scoped3A : memref<!tpu.dma_semaphore, #tpu.memory_space<semaphore_mem>>) src(%dma_wait3A_138 : memref<632x128xf32, #tpu.memory_space<vmem_shared>>) dst(%dma_wait3A_136 : memref<632x128xf32, #tpu.memory_space<hbm>>)
      tpu.yield
    }) : () -> ()
    return
  }
}

#map = affine_map<(d0, d1) -> (0, 0)>
#map1 = affine_map<(d0, d1) -> (0, 0, 0, 0)>
#map2 = affine_map<(d0, d1) -> (0, 0, 0)>
module attributes {stable_mosaic.version = 14 : i64} {
  func.func @agg(%arg0: i32, %arg1: i32, %arg2: memref<10000x128xf32, #tpu.memory_space<hbm>>, %arg3: memref<2x16x128x80xi32, #tpu.memory_space<hbm>>, %arg4: memref<2x16x128x80xi32, #tpu.memory_space<hbm>>, %arg5: memref<632x128xf32, #tpu.memory_space<hbm>>, %arg6: memref<2x10112x128xf32, #tpu.memory_space<hbm>>, %arg7: memref<2x8x80xi32, #tpu.memory_space<vmem>>, %arg8: memref<2x8x80xi32, #tpu.memory_space<vmem>>, %arg9: memref<4x80x128xf32, #tpu.memory_space<vmem>>, %arg10: memref<10112x128xf32, #tpu.memory_space<vmem_shared>>, %arg11: memref<!tpu.dma_semaphore, #tpu.memory_space<semaphore_mem>>, %arg12: memref<!tpu.dma_semaphore, #tpu.memory_space<semaphore_mem>>, %arg13: memref<!tpu.dma_semaphore, #tpu.memory_space<semaphore_mem>>, %arg14: memref<!tpu.dma_semaphore, #tpu.memory_space<semaphore_mem>>, %arg15: memref<!tpu.dma_semaphore, #tpu.memory_space<semaphore_mem>>, %arg16: memref<!tpu.dma_semaphore, #tpu.memory_space<semaphore_mem>>, %arg17: memref<!tpu.dma_semaphore, #tpu.memory_space<semaphore_mem>>, %arg18: memref<!tpu.dma_semaphore, #tpu.memory_space<semaphore_mem>>, %arg19: memref<!tpu.dma_semaphore, #tpu.memory_space<semaphore_mem>>) attributes {dimension_semantics = [#tpu.dimension_semantics<core_parallel>, #tpu.dimension_semantics<subcore_parallel>], iteration_bounds = array<i64: 2, 16>, scalar_prefetch = 0 : i64, scratch_operands = 13 : i64, tpu.core_type = #tpu.core_type<sc_vector_subcore>, window_params = [{transform_indices = #map}, {transform_indices = #map1}, {transform_indices = #map1}, {transform_indices = #map}, {transform_indices = #map2}]} {
    %dma_start3A = arith.constant 0 : i32
    %dma_start3A_0 = arith.constant 0 : i32
    %dma_start3A_1 = arith.constant 0 : i32
    %dma_start3A_2 = tpu.memref_slice %arg7[%dma_start3A, %dma_start3A_0, %dma_start3A_1] : memref<2x8x80xi32, #tpu.memory_space<vmem>> -> memref<1x8x80xi32, #tpu.memory_space<vmem>>
    %dma_start3A_3 = tpu.memref_squeeze %dma_start3A_2 : memref<1x8x80xi32, #tpu.memory_space<vmem>> -> memref<8x80xi32, #tpu.memory_space<vmem>>
    %dma_start3A_4 = arith.constant 0 : i32
    %dma_start3A_5 = arith.constant 0 : i32
    %dma_start3A_6 = tpu.memref_slice %arg3[%arg0, %arg1, %dma_start3A_4, %dma_start3A_5] : memref<2x16x128x80xi32, #tpu.memory_space<hbm>> -> memref<1x1x8x80xi32, #tpu.memory_space<hbm>>
    %dma_start3A_7 = tpu.memref_squeeze %dma_start3A_6 : memref<1x1x8x80xi32, #tpu.memory_space<hbm>> -> memref<8x80xi32, #tpu.memory_space<hbm>>
    %dma_start3A_8 = arith.constant 0 : i32
    %dma_start3A_9 = arith.constant 0 : i32
    %dma_start3A_10 = tpu.memref_slice %arg7[%dma_start3A, %dma_start3A_8, %dma_start3A_9] : memref<2x8x80xi32, #tpu.memory_space<vmem>> -> memref<1x8x80xi32, #tpu.memory_space<vmem>>
    %dma_start3A_11 = tpu.memref_squeeze %dma_start3A_10 : memref<1x8x80xi32, #tpu.memory_space<vmem>> -> memref<8x80xi32, #tpu.memory_space<vmem>>
    %dma_start3A_12 = arith.constant 0 : i32
    %dma_start3A_13 = arith.constant 0 : i32
    %dma_start3A_14 = tpu.memref_slice %arg3[%arg0, %arg1, %dma_start3A_12, %dma_start3A_13] : memref<2x16x128x80xi32, #tpu.memory_space<hbm>> -> memref<1x1x8x80xi32, #tpu.memory_space<hbm>>
    %dma_start3A_15 = tpu.memref_squeeze %dma_start3A_14 : memref<1x1x8x80xi32, #tpu.memory_space<hbm>> -> memref<8x80xi32, #tpu.memory_space<hbm>>
    tpu.enqueue_dma source(%dma_start3A_15 : memref<8x80xi32, #tpu.memory_space<hbm>>) target(%dma_start3A_11 : memref<8x80xi32, #tpu.memory_space<vmem>>) target_semaphore(%arg19 : memref<!tpu.dma_semaphore, #tpu.memory_space<semaphore_mem>>)
    %dma_start3A_16 = arith.constant 0 : i32
    %dma_start3A_17 = arith.constant 0 : i32
    %dma_start3A_18 = arith.constant 0 : i32
    %dma_start3A_19 = tpu.memref_slice %arg8[%dma_start3A_16, %dma_start3A_17, %dma_start3A_18] : memref<2x8x80xi32, #tpu.memory_space<vmem>> -> memref<1x8x80xi32, #tpu.memory_space<vmem>>
    %dma_start3A_20 = tpu.memref_squeeze %dma_start3A_19 : memref<1x8x80xi32, #tpu.memory_space<vmem>> -> memref<8x80xi32, #tpu.memory_space<vmem>>
    %dma_start3A_21 = arith.constant 0 : i32
    %dma_start3A_22 = arith.constant 0 : i32
    %dma_start3A_23 = tpu.memref_slice %arg4[%arg0, %arg1, %dma_start3A_21, %dma_start3A_22] : memref<2x16x128x80xi32, #tpu.memory_space<hbm>> -> memref<1x1x8x80xi32, #tpu.memory_space<hbm>>
    %dma_start3A_24 = tpu.memref_squeeze %dma_start3A_23 : memref<1x1x8x80xi32, #tpu.memory_space<hbm>> -> memref<8x80xi32, #tpu.memory_space<hbm>>
    %dma_start3A_25 = arith.constant 0 : i32
    %dma_start3A_26 = arith.constant 0 : i32
    %dma_start3A_27 = tpu.memref_slice %arg8[%dma_start3A_16, %dma_start3A_25, %dma_start3A_26] : memref<2x8x80xi32, #tpu.memory_space<vmem>> -> memref<1x8x80xi32, #tpu.memory_space<vmem>>
    %dma_start3A_28 = tpu.memref_squeeze %dma_start3A_27 : memref<1x8x80xi32, #tpu.memory_space<vmem>> -> memref<8x80xi32, #tpu.memory_space<vmem>>
    %dma_start3A_29 = arith.constant 0 : i32
    %dma_start3A_30 = arith.constant 0 : i32
    %dma_start3A_31 = tpu.memref_slice %arg4[%arg0, %arg1, %dma_start3A_29, %dma_start3A_30] : memref<2x16x128x80xi32, #tpu.memory_space<hbm>> -> memref<1x1x8x80xi32, #tpu.memory_space<hbm>>
    %dma_start3A_32 = tpu.memref_squeeze %dma_start3A_31 : memref<1x1x8x80xi32, #tpu.memory_space<hbm>> -> memref<8x80xi32, #tpu.memory_space<hbm>>
    tpu.enqueue_dma source(%dma_start3A_32 : memref<8x80xi32, #tpu.memory_space<hbm>>) target(%dma_start3A_28 : memref<8x80xi32, #tpu.memory_space<vmem>>) target_semaphore(%arg19 : memref<!tpu.dma_semaphore, #tpu.memory_space<semaphore_mem>>)
    %dma_wait3A = arith.constant 0 : i32
    %dma_wait3A_33 = arith.constant 0 : i32
    %dma_wait3A_34 = arith.constant 0 : i32
    %dma_wait3A_35 = tpu.memref_slice %arg7[%dma_wait3A, %dma_wait3A_33, %dma_wait3A_34] : memref<2x8x80xi32, #tpu.memory_space<vmem>> -> memref<1x8x80xi32, #tpu.memory_space<vmem>>
    %dma_wait3A_36 = tpu.memref_squeeze %dma_wait3A_35 : memref<1x8x80xi32, #tpu.memory_space<vmem>> -> memref<8x80xi32, #tpu.memory_space<vmem>>
    %dma_wait3A_37 = arith.constant 0 : i32
    %dma_wait3A_38 = arith.constant 0 : i32
    %dma_wait3A_39 = tpu.memref_slice %arg3[%arg0, %arg1, %dma_wait3A_37, %dma_wait3A_38] : memref<2x16x128x80xi32, #tpu.memory_space<hbm>> -> memref<1x1x8x80xi32, #tpu.memory_space<hbm>>
    %dma_wait3A_40 = tpu.memref_squeeze %dma_wait3A_39 : memref<1x1x8x80xi32, #tpu.memory_space<hbm>> -> memref<8x80xi32, #tpu.memory_space<hbm>>
    %dma_wait3A_41 = arith.constant 0 : i32
    %dma_wait3A_42 = arith.constant 0 : i32
    %dma_wait3A_43 = tpu.memref_slice %arg7[%dma_wait3A, %dma_wait3A_41, %dma_wait3A_42] : memref<2x8x80xi32, #tpu.memory_space<vmem>> -> memref<1x8x80xi32, #tpu.memory_space<vmem>>
    %dma_wait3A_44 = tpu.memref_squeeze %dma_wait3A_43 : memref<1x8x80xi32, #tpu.memory_space<vmem>> -> memref<8x80xi32, #tpu.memory_space<vmem>>
    %dma_wait3A_45 = arith.constant 0 : i32
    %dma_wait3A_46 = arith.constant 0 : i32
    %dma_wait3A_47 = tpu.memref_slice %arg3[%arg0, %arg1, %dma_wait3A_45, %dma_wait3A_46] : memref<2x16x128x80xi32, #tpu.memory_space<hbm>> -> memref<1x1x8x80xi32, #tpu.memory_space<hbm>>
    %dma_wait3A_48 = tpu.memref_squeeze %dma_wait3A_47 : memref<1x1x8x80xi32, #tpu.memory_space<hbm>> -> memref<8x80xi32, #tpu.memory_space<hbm>>
    tpu.wait_dma2 semaphore(%arg19 : memref<!tpu.dma_semaphore, #tpu.memory_space<semaphore_mem>>) src(%dma_wait3A_48 : memref<8x80xi32, #tpu.memory_space<hbm>>) dst(%dma_wait3A_44 : memref<8x80xi32, #tpu.memory_space<vmem>>)
    %dma_wait3A_49 = arith.constant 0 : i32
    %dma_wait3A_50 = arith.constant 0 : i32
    %dma_wait3A_51 = arith.constant 0 : i32
    %dma_wait3A_52 = tpu.memref_slice %arg8[%dma_wait3A_49, %dma_wait3A_50, %dma_wait3A_51] : memref<2x8x80xi32, #tpu.memory_space<vmem>> -> memref<1x8x80xi32, #tpu.memory_space<vmem>>
    %dma_wait3A_53 = tpu.memref_squeeze %dma_wait3A_52 : memref<1x8x80xi32, #tpu.memory_space<vmem>> -> memref<8x80xi32, #tpu.memory_space<vmem>>
    %dma_wait3A_54 = arith.constant 0 : i32
    %dma_wait3A_55 = arith.constant 0 : i32
    %dma_wait3A_56 = tpu.memref_slice %arg3[%arg0, %arg1, %dma_wait3A_54, %dma_wait3A_55] : memref<2x16x128x80xi32, #tpu.memory_space<hbm>> -> memref<1x1x8x80xi32, #tpu.memory_space<hbm>>
    %dma_wait3A_57 = tpu.memref_squeeze %dma_wait3A_56 : memref<1x1x8x80xi32, #tpu.memory_space<hbm>> -> memref<8x80xi32, #tpu.memory_space<hbm>>
    %dma_wait3A_58 = arith.constant 0 : i32
    %dma_wait3A_59 = arith.constant 0 : i32
    %dma_wait3A_60 = tpu.memref_slice %arg8[%dma_wait3A_49, %dma_wait3A_58, %dma_wait3A_59] : memref<2x8x80xi32, #tpu.memory_space<vmem>> -> memref<1x8x80xi32, #tpu.memory_space<vmem>>
    %dma_wait3A_61 = tpu.memref_squeeze %dma_wait3A_60 : memref<1x8x80xi32, #tpu.memory_space<vmem>> -> memref<8x80xi32, #tpu.memory_space<vmem>>
    %dma_wait3A_62 = arith.constant 0 : i32
    %dma_wait3A_63 = arith.constant 0 : i32
    %dma_wait3A_64 = tpu.memref_slice %arg3[%arg0, %arg1, %dma_wait3A_62, %dma_wait3A_63] : memref<2x16x128x80xi32, #tpu.memory_space<hbm>> -> memref<1x1x8x80xi32, #tpu.memory_space<hbm>>
    %dma_wait3A_65 = tpu.memref_squeeze %dma_wait3A_64 : memref<1x1x8x80xi32, #tpu.memory_space<hbm>> -> memref<8x80xi32, #tpu.memory_space<hbm>>
    tpu.wait_dma2 semaphore(%arg19 : memref<!tpu.dma_semaphore, #tpu.memory_space<semaphore_mem>>) src(%dma_wait3A_65 : memref<8x80xi32, #tpu.memory_space<hbm>>) dst(%dma_wait3A_61 : memref<8x80xi32, #tpu.memory_space<vmem>>)
    %dma_start3A_66 = arith.constant 0 : i32
    %dma_start3A_67 = arith.constant 0 : i32
    %dma_start3A_68 = arith.constant 0 : i32
    %dma_start3A_69 = arith.constant 0 : i32
    %dma_start3A_70 = arith.constant 0 : i32
    %dma_start3A_71 = tpu.memref_slice %arg9[%dma_start3A_68, %dma_start3A_69, %dma_start3A_70] : memref<4x80x128xf32, #tpu.memory_space<vmem>> -> memref<1x80x128xf32, #tpu.memory_space<vmem>>
    %dma_start3A_72 = tpu.memref_squeeze %dma_start3A_71 : memref<1x80x128xf32, #tpu.memory_space<vmem>> -> memref<80x128xf32, #tpu.memory_space<vmem>>
    %dma_start3A_73 = arith.constant 0 : i32
    %dma_start3A_74 = tpu.memref_slice %arg7[%dma_start3A_66, %dma_start3A_67, %dma_start3A_73] : memref<2x8x80xi32, #tpu.memory_space<vmem>> -> memref<1x1x80xi32, #tpu.memory_space<vmem>>
    %dma_start3A_75 = tpu.memref_squeeze %dma_start3A_74 : memref<1x1x80xi32, #tpu.memory_space<vmem>> -> memref<80xi32, #tpu.memory_space<vmem>>
    %dma_start3A_76 = arith.constant 0 : i32
    %dma_start3A_77 = arith.constant 0 : i32
    %dma_start3A_78 = tpu.memref_slice %arg2[%dma_start3A_76, %dma_start3A_77] : memref<10000x128xf32, #tpu.memory_space<hbm>> -> memref<10000x128xf32, #tpu.memory_space<hbm>>
    tpu.enqueue_indirect_dma source(%dma_start3A_78 : memref<10000x128xf32, #tpu.memory_space<hbm>>) target(%dma_start3A_72 : memref<80x128xf32, #tpu.memory_space<vmem>>) offsets(%dma_start3A_75 : memref<80xi32, #tpu.memory_space<vmem>>) semaphore(%arg11 : memref<!tpu.dma_semaphore, #tpu.memory_space<semaphore_mem>>)
    %dma_start3A_79 = arith.constant 0 : i32
    %dma_start3A_80 = arith.constant 1 : i32
    %dma_start3A_81 = arith.constant 1 : i32
    %dma_start3A_82 = arith.constant 0 : i32
    %dma_start3A_83 = arith.constant 0 : i32
    %dma_start3A_84 = tpu.memref_slice %arg9[%dma_start3A_81, %dma_start3A_82, %dma_start3A_83] : memref<4x80x128xf32, #tpu.memory_space<vmem>> -> memref<1x80x128xf32, #tpu.memory_space<vmem>>
    %dma_start3A_85 = tpu.memref_squeeze %dma_start3A_84 : memref<1x80x128xf32, #tpu.memory_space<vmem>> -> memref<80x128xf32, #tpu.memory_space<vmem>>
    %dma_start3A_86 = arith.constant 0 : i32
    %dma_start3A_87 = tpu.memref_slice %arg7[%dma_start3A_79, %dma_start3A_80, %dma_start3A_86] : memref<2x8x80xi32, #tpu.memory_space<vmem>> -> memref<1x1x80xi32, #tpu.memory_space<vmem>>
    %dma_start3A_88 = tpu.memref_squeeze %dma_start3A_87 : memref<1x1x80xi32, #tpu.memory_space<vmem>> -> memref<80xi32, #tpu.memory_space<vmem>>
    %dma_start3A_89 = arith.constant 0 : i32
    %dma_start3A_90 = arith.constant 0 : i32
    %dma_start3A_91 = tpu.memref_slice %arg2[%dma_start3A_89, %dma_start3A_90] : memref<10000x128xf32, #tpu.memory_space<hbm>> -> memref<10000x128xf32, #tpu.memory_space<hbm>>
    tpu.enqueue_indirect_dma source(%dma_start3A_91 : memref<10000x128xf32, #tpu.memory_space<hbm>>) target(%dma_start3A_85 : memref<80x128xf32, #tpu.memory_space<vmem>>) offsets(%dma_start3A_88 : memref<80xi32, #tpu.memory_space<vmem>>) semaphore(%arg12 : memref<!tpu.dma_semaphore, #tpu.memory_space<semaphore_mem>>)
    %mul3A = arith.constant 632 : i32
    %mul3A_92 = arith.muli %arg1, %mul3A : i32
    "tpu.region"() ({
      %run_scoped3A = tpu.sem_alloc : memref<!tpu.dma_semaphore, #tpu.memory_space<semaphore_mem>>
      %dma_start3A_129 = arith.constant 0 : i32
      %dma_start3A_130 = tpu.memref_slice %arg10[%mul3A_92, %dma_start3A_129] : memref<10112x128xf32, #tpu.memory_space<vmem_shared>> -> memref<632x128xf32, #tpu.memory_space<vmem_shared>>
      tpu.enqueue_dma source(%arg5 : memref<632x128xf32, #tpu.memory_space<hbm>>) target(%dma_start3A_130 : memref<632x128xf32, #tpu.memory_space<vmem_shared>>) target_semaphore(%run_scoped3A : memref<!tpu.dma_semaphore, #tpu.memory_space<semaphore_mem>>)
      %dma_wait3A_131 = arith.constant 0 : i32
      %dma_wait3A_132 = tpu.memref_slice %arg10[%mul3A_92, %dma_wait3A_131] : memref<10112x128xf32, #tpu.memory_space<vmem_shared>> -> memref<632x128xf32, #tpu.memory_space<vmem_shared>>
      tpu.wait_dma2 semaphore(%run_scoped3A : memref<!tpu.dma_semaphore, #tpu.memory_space<semaphore_mem>>) src(%arg5 : memref<632x128xf32, #tpu.memory_space<hbm>>) dst(%dma_wait3A_132 : memref<632x128xf32, #tpu.memory_space<vmem_shared>>)
      tpu.yield
    }) : () -> ()
    %barrier3A = arith.constant 0 : index
    tpu.barrier barrier_id(%barrier3A)
    %scan3A = arith.constant 0 : i32
    %scan3A_93 = arith.constant 0 : i32
    %scan3A_94 = arith.constant 8 : i32
    %scan3A_95 = arith.addi %scan3A_93, %scan3A_94 : i32
    %scan3A_96 = arith.constant 1 : i32
    scf.for %scan3A_129 = %scan3A_93 to %scan3A_95 step %scan3A_96  : i32 {
      %mul3A_130 = arith.constant 16 : i32
      %mul3A_131 = arith.muli %scan3A_129, %mul3A_130 : i32
      %multiple_of3A = tpu.assume_multiple %mul3A_131, 16 : i32
      %gt3A = arith.constant 0 : i32
      %gt3A_132 = arith.cmpi sgt, %scan3A_129, %gt3A : i32
      %convert_element_type3A = arith.extui %gt3A_132 : i1 to i32
      %cond3A = arith.constant 0 : i32
      %cond3A_133 = arith.cmpi ne, %convert_element_type3A, %cond3A : i32
      scf.if %cond3A_133 {
        %dma_wait3A_1030 = arith.constant 2 : i32
        %dma_wait3A_1031 = arith.constant 1 : i32
        %dma_wait3A_1032 = arith.constant 6 : i32
        %dma_wait3A_1033 = arith.constant 0 : i32
        %dma_wait3A_1034 = arith.constant 0 : i32
        %dma_wait3A_1035 = tpu.memref_slice %arg9[%dma_wait3A_1030, %dma_wait3A_1033, %dma_wait3A_1034] : memref<4x80x128xf32, #tpu.memory_space<vmem>> -> memref<1x80x128xf32, #tpu.memory_space<vmem>>
        %dma_wait3A_1036 = tpu.memref_squeeze %dma_wait3A_1035 : memref<1x80x128xf32, #tpu.memory_space<vmem>> -> memref<80x128xf32, #tpu.memory_space<vmem>>
        %dma_wait3A_1037 = arith.constant 0 : i32
        %dma_wait3A_1038 = tpu.memref_slice %arg8[%dma_wait3A_1031, %dma_wait3A_1032, %dma_wait3A_1037] : memref<2x8x80xi32, #tpu.memory_space<vmem>> -> memref<1x1x80xi32, #tpu.memory_space<vmem>>
        %dma_wait3A_1039 = tpu.memref_squeeze %dma_wait3A_1038 : memref<1x1x80xi32, #tpu.memory_space<vmem>> -> memref<80xi32, #tpu.memory_space<vmem>>
        %dma_wait3A_1040 = arith.constant 0 : i32
        %dma_wait3A_1041 = arith.constant 0 : i32
        %dma_wait3A_1042 = tpu.memref_slice %arg10[%dma_wait3A_1040, %dma_wait3A_1041] : memref<10112x128xf32, #tpu.memory_space<vmem_shared>> -> memref<10112x128xf32, #tpu.memory_space<vmem_shared>>
        tpu.wait_indirect_dma semaphore(%arg17 : memref<!tpu.dma_semaphore, #tpu.memory_space<semaphore_mem>>) src(%dma_wait3A_1036 : memref<80x128xf32, #tpu.memory_space<vmem>>) dst(%dma_wait3A_1042 : memref<10112x128xf32, #tpu.memory_space<vmem_shared>>)
      } else {
      }
      %dma_start3A_134 = arith.constant 0 : i32
      %dma_start3A_135 = arith.constant 2 : i32
      %dma_start3A_136 = arith.constant 2 : i32
      %dma_start3A_137 = arith.constant 0 : i32
      %dma_start3A_138 = arith.constant 0 : i32
      %dma_start3A_139 = tpu.memref_slice %arg9[%dma_start3A_136, %dma_start3A_137, %dma_start3A_138] : memref<4x80x128xf32, #tpu.memory_space<vmem>> -> memref<1x80x128xf32, #tpu.memory_space<vmem>>
      %dma_start3A_140 = tpu.memref_squeeze %dma_start3A_139 : memref<1x80x128xf32, #tpu.memory_space<vmem>> -> memref<80x128xf32, #tpu.memory_space<vmem>>
      %dma_start3A_141 = arith.constant 0 : i32
      %dma_start3A_142 = tpu.memref_slice %arg7[%dma_start3A_134, %dma_start3A_135, %dma_start3A_141] : memref<2x8x80xi32, #tpu.memory_space<vmem>> -> memref<1x1x80xi32, #tpu.memory_space<vmem>>
      %dma_start3A_143 = tpu.memref_squeeze %dma_start3A_142 : memref<1x1x80xi32, #tpu.memory_space<vmem>> -> memref<80xi32, #tpu.memory_space<vmem>>
      %dma_start3A_144 = arith.constant 0 : i32
      %dma_start3A_145 = arith.constant 0 : i32
      %dma_start3A_146 = tpu.memref_slice %arg2[%dma_start3A_144, %dma_start3A_145] : memref<10000x128xf32, #tpu.memory_space<hbm>> -> memref<10000x128xf32, #tpu.memory_space<hbm>>
      tpu.enqueue_indirect_dma source(%dma_start3A_146 : memref<10000x128xf32, #tpu.memory_space<hbm>>) target(%dma_start3A_140 : memref<80x128xf32, #tpu.memory_space<vmem>>) offsets(%dma_start3A_143 : memref<80xi32, #tpu.memory_space<vmem>>) semaphore(%arg13 : memref<!tpu.dma_semaphore, #tpu.memory_space<semaphore_mem>>)
      %dma_wait3A_147 = arith.constant 0 : i32
      %dma_wait3A_148 = arith.constant 0 : i32
      %dma_wait3A_149 = arith.constant 0 : i32
      %dma_wait3A_150 = tpu.memref_slice %arg9[%dma_wait3A_147, %dma_wait3A_148, %dma_wait3A_149] : memref<4x80x128xf32, #tpu.memory_space<vmem>> -> memref<1x80x128xf32, #tpu.memory_space<vmem>>
      %dma_wait3A_151 = tpu.memref_squeeze %dma_wait3A_150 : memref<1x80x128xf32, #tpu.memory_space<vmem>> -> memref<80x128xf32, #tpu.memory_space<vmem>>
      %dma_wait3A_152 = arith.constant 0 : i32
      %dma_wait3A_153 = arith.constant 0 : i32
      %dma_wait3A_154 = tpu.memref_slice %arg5[%dma_wait3A_152, %dma_wait3A_153] : memref<632x128xf32, #tpu.memory_space<hbm>> -> memref<80x128xf32, #tpu.memory_space<hbm>>
      %dma_wait3A_155 = arith.constant 0 : i32
      %dma_wait3A_156 = arith.constant 0 : i32
      %dma_wait3A_157 = tpu.memref_slice %arg9[%dma_wait3A_147, %dma_wait3A_155, %dma_wait3A_156] : memref<4x80x128xf32, #tpu.memory_space<vmem>> -> memref<1x80x128xf32, #tpu.memory_space<vmem>>
      %dma_wait3A_158 = tpu.memref_squeeze %dma_wait3A_157 : memref<1x80x128xf32, #tpu.memory_space<vmem>> -> memref<80x128xf32, #tpu.memory_space<vmem>>
      %dma_wait3A_159 = arith.constant 0 : i32
      %dma_wait3A_160 = arith.constant 0 : i32
      %dma_wait3A_161 = tpu.memref_slice %arg5[%dma_wait3A_159, %dma_wait3A_160] : memref<632x128xf32, #tpu.memory_space<hbm>> -> memref<80x128xf32, #tpu.memory_space<hbm>>
      tpu.wait_dma2 semaphore(%arg11 : memref<!tpu.dma_semaphore, #tpu.memory_space<semaphore_mem>>) src(%dma_wait3A_161 : memref<80x128xf32, #tpu.memory_space<hbm>>) dst(%dma_wait3A_158 : memref<80x128xf32, #tpu.memory_space<vmem>>)
      %dma_start3A_162 = arith.constant 0 : i32
      %dma_start3A_163 = arith.constant 0 : i32
      %dma_start3A_164 = arith.constant 0 : i32
      %dma_start3A_165 = arith.constant 0 : i32
      %dma_start3A_166 = arith.constant 0 : i32
      %dma_start3A_167 = tpu.memref_slice %arg9[%dma_start3A_162, %dma_start3A_165, %dma_start3A_166] : memref<4x80x128xf32, #tpu.memory_space<vmem>> -> memref<1x80x128xf32, #tpu.memory_space<vmem>>
      %dma_start3A_168 = tpu.memref_squeeze %dma_start3A_167 : memref<1x80x128xf32, #tpu.memory_space<vmem>> -> memref<80x128xf32, #tpu.memory_space<vmem>>
      %dma_start3A_169 = arith.constant 0 : i32
      %dma_start3A_170 = tpu.memref_slice %arg8[%dma_start3A_163, %dma_start3A_164, %dma_start3A_169] : memref<2x8x80xi32, #tpu.memory_space<vmem>> -> memref<1x1x80xi32, #tpu.memory_space<vmem>>
      %dma_start3A_171 = tpu.memref_squeeze %dma_start3A_170 : memref<1x1x80xi32, #tpu.memory_space<vmem>> -> memref<80xi32, #tpu.memory_space<vmem>>
      %dma_start3A_172 = arith.constant 0 : i32
      %dma_start3A_173 = arith.constant 0 : i32
      %dma_start3A_174 = tpu.memref_slice %arg10[%dma_start3A_172, %dma_start3A_173] : memref<10112x128xf32, #tpu.memory_space<vmem_shared>> -> memref<10112x128xf32, #tpu.memory_space<vmem_shared>>
      tpu.enqueue_indirect_dma source(%dma_start3A_168 : memref<80x128xf32, #tpu.memory_space<vmem>>) target(%dma_start3A_174 : memref<10112x128xf32, #tpu.memory_space<vmem_shared>>) offsets(%dma_start3A_171 : memref<80xi32, #tpu.memory_space<vmem>>) semaphore(%arg15 : memref<!tpu.dma_semaphore, #tpu.memory_space<semaphore_mem>>) {add = true}
      %gt3A_175 = arith.constant 0 : i32
      %gt3A_176 = arith.cmpi sgt, %scan3A_129, %gt3A_175 : i32
      %convert_element_type3A_177 = arith.extui %gt3A_176 : i1 to i32
      %cond3A_178 = arith.constant 0 : i32
      %cond3A_179 = arith.cmpi ne, %convert_element_type3A_177, %cond3A_178 : i32
      scf.if %cond3A_179 {
        %dma_wait3A_1030 = arith.constant 3 : i32
        %dma_wait3A_1031 = arith.constant 1 : i32
        %dma_wait3A_1032 = arith.constant 7 : i32
        %dma_wait3A_1033 = arith.constant 0 : i32
        %dma_wait3A_1034 = arith.constant 0 : i32
        %dma_wait3A_1035 = tpu.memref_slice %arg9[%dma_wait3A_1030, %dma_wait3A_1033, %dma_wait3A_1034] : memref<4x80x128xf32, #tpu.memory_space<vmem>> -> memref<1x80x128xf32, #tpu.memory_space<vmem>>
        %dma_wait3A_1036 = tpu.memref_squeeze %dma_wait3A_1035 : memref<1x80x128xf32, #tpu.memory_space<vmem>> -> memref<80x128xf32, #tpu.memory_space<vmem>>
        %dma_wait3A_1037 = arith.constant 0 : i32
        %dma_wait3A_1038 = tpu.memref_slice %arg8[%dma_wait3A_1031, %dma_wait3A_1032, %dma_wait3A_1037] : memref<2x8x80xi32, #tpu.memory_space<vmem>> -> memref<1x1x80xi32, #tpu.memory_space<vmem>>
        %dma_wait3A_1039 = tpu.memref_squeeze %dma_wait3A_1038 : memref<1x1x80xi32, #tpu.memory_space<vmem>> -> memref<80xi32, #tpu.memory_space<vmem>>
        %dma_wait3A_1040 = arith.constant 0 : i32
        %dma_wait3A_1041 = arith.constant 0 : i32
        %dma_wait3A_1042 = tpu.memref_slice %arg10[%dma_wait3A_1040, %dma_wait3A_1041] : memref<10112x128xf32, #tpu.memory_space<vmem_shared>> -> memref<10112x128xf32, #tpu.memory_space<vmem_shared>>
        tpu.wait_indirect_dma semaphore(%arg18 : memref<!tpu.dma_semaphore, #tpu.memory_space<semaphore_mem>>) src(%dma_wait3A_1036 : memref<80x128xf32, #tpu.memory_space<vmem>>) dst(%dma_wait3A_1042 : memref<10112x128xf32, #tpu.memory_space<vmem_shared>>)
      } else {
      }
      %dma_start3A_180 = arith.constant 0 : i32
      %dma_start3A_181 = arith.constant 3 : i32
      %dma_start3A_182 = arith.constant 3 : i32
      %dma_start3A_183 = arith.constant 0 : i32
      %dma_start3A_184 = arith.constant 0 : i32
      %dma_start3A_185 = tpu.memref_slice %arg9[%dma_start3A_182, %dma_start3A_183, %dma_start3A_184] : memref<4x80x128xf32, #tpu.memory_space<vmem>> -> memref<1x80x128xf32, #tpu.memory_space<vmem>>
      %dma_start3A_186 = tpu.memref_squeeze %dma_start3A_185 : memref<1x80x128xf32, #tpu.memory_space<vmem>> -> memref<80x128xf32, #tpu.memory_space<vmem>>
      %dma_start3A_187 = arith.constant 0 : i32
      %dma_start3A_188 = tpu.memref_slice %arg7[%dma_start3A_180, %dma_start3A_181, %dma_start3A_187] : memref<2x8x80xi32, #tpu.memory_space<vmem>> -> memref<1x1x80xi32, #tpu.memory_space<vmem>>
      %dma_start3A_189 = tpu.memref_squeeze %dma_start3A_188 : memref<1x1x80xi32, #tpu.memory_space<vmem>> -> memref<80xi32, #tpu.memory_space<vmem>>
      %dma_start3A_190 = arith.constant 0 : i32
      %dma_start3A_191 = arith.constant 0 : i32
      %dma_start3A_192 = tpu.memref_slice %arg2[%dma_start3A_190, %dma_start3A_191] : memref<10000x128xf32, #tpu.memory_space<hbm>> -> memref<10000x128xf32, #tpu.memory_space<hbm>>
      tpu.enqueue_indirect_dma source(%dma_start3A_192 : memref<10000x128xf32, #tpu.memory_space<hbm>>) target(%dma_start3A_186 : memref<80x128xf32, #tpu.memory_space<vmem>>) offsets(%dma_start3A_189 : memref<80xi32, #tpu.memory_space<vmem>>) semaphore(%arg14 : memref<!tpu.dma_semaphore, #tpu.memory_space<semaphore_mem>>)
      %dma_wait3A_193 = arith.constant 1 : i32
      %dma_wait3A_194 = arith.constant 0 : i32
      %dma_wait3A_195 = arith.constant 0 : i32
      %dma_wait3A_196 = tpu.memref_slice %arg9[%dma_wait3A_193, %dma_wait3A_194, %dma_wait3A_195] : memref<4x80x128xf32, #tpu.memory_space<vmem>> -> memref<1x80x128xf32, #tpu.memory_space<vmem>>
      %dma_wait3A_197 = tpu.memref_squeeze %dma_wait3A_196 : memref<1x80x128xf32, #tpu.memory_space<vmem>> -> memref<80x128xf32, #tpu.memory_space<vmem>>
      %dma_wait3A_198 = arith.constant 0 : i32
      %dma_wait3A_199 = arith.constant 0 : i32
      %dma_wait3A_200 = tpu.memref_slice %arg5[%dma_wait3A_198, %dma_wait3A_199] : memref<632x128xf32, #tpu.memory_space<hbm>> -> memref<80x128xf32, #tpu.memory_space<hbm>>
      %dma_wait3A_201 = arith.constant 0 : i32
      %dma_wait3A_202 = arith.constant 0 : i32
      %dma_wait3A_203 = tpu.memref_slice %arg9[%dma_wait3A_193, %dma_wait3A_201, %dma_wait3A_202] : memref<4x80x128xf32, #tpu.memory_space<vmem>> -> memref<1x80x128xf32, #tpu.memory_space<vmem>>
      %dma_wait3A_204 = tpu.memref_squeeze %dma_wait3A_203 : memref<1x80x128xf32, #tpu.memory_space<vmem>> -> memref<80x128xf32, #tpu.memory_space<vmem>>
      %dma_wait3A_205 = arith.constant 0 : i32
      %dma_wait3A_206 = arith.constant 0 : i32
      %dma_wait3A_207 = tpu.memref_slice %arg5[%dma_wait3A_205, %dma_wait3A_206] : memref<632x128xf32, #tpu.memory_space<hbm>> -> memref<80x128xf32, #tpu.memory_space<hbm>>
      tpu.wait_dma2 semaphore(%arg12 : memref<!tpu.dma_semaphore, #tpu.memory_space<semaphore_mem>>) src(%dma_wait3A_207 : memref<80x128xf32, #tpu.memory_space<hbm>>) dst(%dma_wait3A_204 : memref<80x128xf32, #tpu.memory_space<vmem>>)
      %dma_start3A_208 = arith.constant 1 : i32
      %dma_start3A_209 = arith.constant 0 : i32
      %dma_start3A_210 = arith.constant 1 : i32
      %dma_start3A_211 = arith.constant 0 : i32
      %dma_start3A_212 = arith.constant 0 : i32
      %dma_start3A_213 = tpu.memref_slice %arg9[%dma_start3A_208, %dma_start3A_211, %dma_start3A_212] : memref<4x80x128xf32, #tpu.memory_space<vmem>> -> memref<1x80x128xf32, #tpu.memory_space<vmem>>
      %dma_start3A_214 = tpu.memref_squeeze %dma_start3A_213 : memref<1x80x128xf32, #tpu.memory_space<vmem>> -> memref<80x128xf32, #tpu.memory_space<vmem>>
      %dma_start3A_215 = arith.constant 0 : i32
      %dma_start3A_216 = tpu.memref_slice %arg8[%dma_start3A_209, %dma_start3A_210, %dma_start3A_215] : memref<2x8x80xi32, #tpu.memory_space<vmem>> -> memref<1x1x80xi32, #tpu.memory_space<vmem>>
      %dma_start3A_217 = tpu.memref_squeeze %dma_start3A_216 : memref<1x1x80xi32, #tpu.memory_space<vmem>> -> memref<80xi32, #tpu.memory_space<vmem>>
      %dma_start3A_218 = arith.constant 0 : i32
      %dma_start3A_219 = arith.constant 0 : i32
      %dma_start3A_220 = tpu.memref_slice %arg10[%dma_start3A_218, %dma_start3A_219] : memref<10112x128xf32, #tpu.memory_space<vmem_shared>> -> memref<10112x128xf32, #tpu.memory_space<vmem_shared>>
      tpu.enqueue_indirect_dma source(%dma_start3A_214 : memref<80x128xf32, #tpu.memory_space<vmem>>) target(%dma_start3A_220 : memref<10112x128xf32, #tpu.memory_space<vmem_shared>>) offsets(%dma_start3A_217 : memref<80xi32, #tpu.memory_space<vmem>>) semaphore(%arg16 : memref<!tpu.dma_semaphore, #tpu.memory_space<semaphore_mem>>) {add = true}
      %add3A = arith.constant 8 : i32
      %add3A_221 = arith.addi %multiple_of3A, %add3A : i32
      %dma_start3A_222 = arith.constant 1 : i32
      %dma_start3A_223 = arith.constant 0 : i32
      %dma_start3A_224 = arith.constant 0 : i32
      %dma_start3A_225 = tpu.memref_slice %arg7[%dma_start3A_222, %dma_start3A_223, %dma_start3A_224] : memref<2x8x80xi32, #tpu.memory_space<vmem>> -> memref<1x8x80xi32, #tpu.memory_space<vmem>>
      %dma_start3A_226 = tpu.memref_squeeze %dma_start3A_225 : memref<1x8x80xi32, #tpu.memory_space<vmem>> -> memref<8x80xi32, #tpu.memory_space<vmem>>
      %dma_start3A_227 = arith.constant 0 : i32
      %dma_start3A_228 = tpu.memref_slice %arg3[%arg0, %arg1, %add3A_221, %dma_start3A_227] : memref<2x16x128x80xi32, #tpu.memory_space<hbm>> -> memref<1x1x8x80xi32, #tpu.memory_space<hbm>>
      %dma_start3A_229 = tpu.memref_squeeze %dma_start3A_228 : memref<1x1x8x80xi32, #tpu.memory_space<hbm>> -> memref<8x80xi32, #tpu.memory_space<hbm>>
      %dma_start3A_230 = arith.constant 0 : i32
      %dma_start3A_231 = arith.constant 0 : i32
      %dma_start3A_232 = tpu.memref_slice %arg7[%dma_start3A_222, %dma_start3A_230, %dma_start3A_231] : memref<2x8x80xi32, #tpu.memory_space<vmem>> -> memref<1x8x80xi32, #tpu.memory_space<vmem>>
      %dma_start3A_233 = tpu.memref_squeeze %dma_start3A_232 : memref<1x8x80xi32, #tpu.memory_space<vmem>> -> memref<8x80xi32, #tpu.memory_space<vmem>>
      %dma_start3A_234 = arith.constant 0 : i32
      %dma_start3A_235 = tpu.memref_slice %arg3[%arg0, %arg1, %add3A_221, %dma_start3A_234] : memref<2x16x128x80xi32, #tpu.memory_space<hbm>> -> memref<1x1x8x80xi32, #tpu.memory_space<hbm>>
      %dma_start3A_236 = tpu.memref_squeeze %dma_start3A_235 : memref<1x1x8x80xi32, #tpu.memory_space<hbm>> -> memref<8x80xi32, #tpu.memory_space<hbm>>
      tpu.enqueue_dma source(%dma_start3A_236 : memref<8x80xi32, #tpu.memory_space<hbm>>) target(%dma_start3A_233 : memref<8x80xi32, #tpu.memory_space<vmem>>) target_semaphore(%arg19 : memref<!tpu.dma_semaphore, #tpu.memory_space<semaphore_mem>>)
      %dma_start3A_237 = arith.constant 1 : i32
      %dma_start3A_238 = arith.constant 0 : i32
      %dma_start3A_239 = arith.constant 0 : i32
      %dma_start3A_240 = tpu.memref_slice %arg8[%dma_start3A_237, %dma_start3A_238, %dma_start3A_239] : memref<2x8x80xi32, #tpu.memory_space<vmem>> -> memref<1x8x80xi32, #tpu.memory_space<vmem>>
      %dma_start3A_241 = tpu.memref_squeeze %dma_start3A_240 : memref<1x8x80xi32, #tpu.memory_space<vmem>> -> memref<8x80xi32, #tpu.memory_space<vmem>>
      %dma_start3A_242 = arith.constant 0 : i32
      %dma_start3A_243 = tpu.memref_slice %arg4[%arg0, %arg1, %add3A_221, %dma_start3A_242] : memref<2x16x128x80xi32, #tpu.memory_space<hbm>> -> memref<1x1x8x80xi32, #tpu.memory_space<hbm>>
      %dma_start3A_244 = tpu.memref_squeeze %dma_start3A_243 : memref<1x1x8x80xi32, #tpu.memory_space<hbm>> -> memref<8x80xi32, #tpu.memory_space<hbm>>
      %dma_start3A_245 = arith.constant 0 : i32
      %dma_start3A_246 = arith.constant 0 : i32
      %dma_start3A_247 = tpu.memref_slice %arg8[%dma_start3A_237, %dma_start3A_245, %dma_start3A_246] : memref<2x8x80xi32, #tpu.memory_space<vmem>> -> memref<1x8x80xi32, #tpu.memory_space<vmem>>
      %dma_start3A_248 = tpu.memref_squeeze %dma_start3A_247 : memref<1x8x80xi32, #tpu.memory_space<vmem>> -> memref<8x80xi32, #tpu.memory_space<vmem>>
      %dma_start3A_249 = arith.constant 0 : i32
      %dma_start3A_250 = tpu.memref_slice %arg4[%arg0, %arg1, %add3A_221, %dma_start3A_249] : memref<2x16x128x80xi32, #tpu.memory_space<hbm>> -> memref<1x1x8x80xi32, #tpu.memory_space<hbm>>
      %dma_start3A_251 = tpu.memref_squeeze %dma_start3A_250 : memref<1x1x8x80xi32, #tpu.memory_space<hbm>> -> memref<8x80xi32, #tpu.memory_space<hbm>>
      tpu.enqueue_dma source(%dma_start3A_251 : memref<8x80xi32, #tpu.memory_space<hbm>>) target(%dma_start3A_248 : memref<8x80xi32, #tpu.memory_space<vmem>>) target_semaphore(%arg19 : memref<!tpu.dma_semaphore, #tpu.memory_space<semaphore_mem>>)
      %dma_wait3A_252 = arith.constant 0 : i32
      %dma_wait3A_253 = arith.constant 0 : i32
      %dma_wait3A_254 = arith.constant 0 : i32
      %dma_wait3A_255 = arith.constant 0 : i32
      %dma_wait3A_256 = arith.constant 0 : i32
      %dma_wait3A_257 = tpu.memref_slice %arg9[%dma_wait3A_252, %dma_wait3A_255, %dma_wait3A_256] : memref<4x80x128xf32, #tpu.memory_space<vmem>> -> memref<1x80x128xf32, #tpu.memory_space<vmem>>
      %dma_wait3A_258 = tpu.memref_squeeze %dma_wait3A_257 : memref<1x80x128xf32, #tpu.memory_space<vmem>> -> memref<80x128xf32, #tpu.memory_space<vmem>>
      %dma_wait3A_259 = arith.constant 0 : i32
      %dma_wait3A_260 = tpu.memref_slice %arg8[%dma_wait3A_253, %dma_wait3A_254, %dma_wait3A_259] : memref<2x8x80xi32, #tpu.memory_space<vmem>> -> memref<1x1x80xi32, #tpu.memory_space<vmem>>
      %dma_wait3A_261 = tpu.memref_squeeze %dma_wait3A_260 : memref<1x1x80xi32, #tpu.memory_space<vmem>> -> memref<80xi32, #tpu.memory_space<vmem>>
      %dma_wait3A_262 = arith.constant 0 : i32
      %dma_wait3A_263 = arith.constant 0 : i32
      %dma_wait3A_264 = tpu.memref_slice %arg10[%dma_wait3A_262, %dma_wait3A_263] : memref<10112x128xf32, #tpu.memory_space<vmem_shared>> -> memref<10112x128xf32, #tpu.memory_space<vmem_shared>>
      tpu.wait_indirect_dma semaphore(%arg15 : memref<!tpu.dma_semaphore, #tpu.memory_space<semaphore_mem>>) src(%dma_wait3A_258 : memref<80x128xf32, #tpu.memory_space<vmem>>) dst(%dma_wait3A_264 : memref<10112x128xf32, #tpu.memory_space<vmem_shared>>)
      %dma_start3A_265 = arith.constant 0 : i32
      %dma_start3A_266 = arith.constant 4 : i32
      %dma_start3A_267 = arith.constant 0 : i32
      %dma_start3A_268 = arith.constant 0 : i32
      %dma_start3A_269 = arith.constant 0 : i32
      %dma_start3A_270 = tpu.memref_slice %arg9[%dma_start3A_267, %dma_start3A_268, %dma_start3A_269] : memref<4x80x128xf32, #tpu.memory_space<vmem>> -> memref<1x80x128xf32, #tpu.memory_space<vmem>>
      %dma_start3A_271 = tpu.memref_squeeze %dma_start3A_270 : memref<1x80x128xf32, #tpu.memory_space<vmem>> -> memref<80x128xf32, #tpu.memory_space<vmem>>
      %dma_start3A_272 = arith.constant 0 : i32
      %dma_start3A_273 = tpu.memref_slice %arg7[%dma_start3A_265, %dma_start3A_266, %dma_start3A_272] : memref<2x8x80xi32, #tpu.memory_space<vmem>> -> memref<1x1x80xi32, #tpu.memory_space<vmem>>
      %dma_start3A_274 = tpu.memref_squeeze %dma_start3A_273 : memref<1x1x80xi32, #tpu.memory_space<vmem>> -> memref<80xi32, #tpu.memory_space<vmem>>
      %dma_start3A_275 = arith.constant 0 : i32
      %dma_start3A_276 = arith.constant 0 : i32
      %dma_start3A_277 = tpu.memref_slice %arg2[%dma_start3A_275, %dma_start3A_276] : memref<10000x128xf32, #tpu.memory_space<hbm>> -> memref<10000x128xf32, #tpu.memory_space<hbm>>
      tpu.enqueue_indirect_dma source(%dma_start3A_277 : memref<10000x128xf32, #tpu.memory_space<hbm>>) target(%dma_start3A_271 : memref<80x128xf32, #tpu.memory_space<vmem>>) offsets(%dma_start3A_274 : memref<80xi32, #tpu.memory_space<vmem>>) semaphore(%arg11 : memref<!tpu.dma_semaphore, #tpu.memory_space<semaphore_mem>>)
      %dma_wait3A_278 = arith.constant 2 : i32
      %dma_wait3A_279 = arith.constant 0 : i32
      %dma_wait3A_280 = arith.constant 0 : i32
      %dma_wait3A_281 = tpu.memref_slice %arg9[%dma_wait3A_278, %dma_wait3A_279, %dma_wait3A_280] : memref<4x80x128xf32, #tpu.memory_space<vmem>> -> memref<1x80x128xf32, #tpu.memory_space<vmem>>
      %dma_wait3A_282 = tpu.memref_squeeze %dma_wait3A_281 : memref<1x80x128xf32, #tpu.memory_space<vmem>> -> memref<80x128xf32, #tpu.memory_space<vmem>>
      %dma_wait3A_283 = arith.constant 0 : i32
      %dma_wait3A_284 = arith.constant 0 : i32
      %dma_wait3A_285 = tpu.memref_slice %arg5[%dma_wait3A_283, %dma_wait3A_284] : memref<632x128xf32, #tpu.memory_space<hbm>> -> memref<80x128xf32, #tpu.memory_space<hbm>>
      %dma_wait3A_286 = arith.constant 0 : i32
      %dma_wait3A_287 = arith.constant 0 : i32
      %dma_wait3A_288 = tpu.memref_slice %arg9[%dma_wait3A_278, %dma_wait3A_286, %dma_wait3A_287] : memref<4x80x128xf32, #tpu.memory_space<vmem>> -> memref<1x80x128xf32, #tpu.memory_space<vmem>>
      %dma_wait3A_289 = tpu.memref_squeeze %dma_wait3A_288 : memref<1x80x128xf32, #tpu.memory_space<vmem>> -> memref<80x128xf32, #tpu.memory_space<vmem>>
      %dma_wait3A_290 = arith.constant 0 : i32
      %dma_wait3A_291 = arith.constant 0 : i32
      %dma_wait3A_292 = tpu.memref_slice %arg5[%dma_wait3A_290, %dma_wait3A_291] : memref<632x128xf32, #tpu.memory_space<hbm>> -> memref<80x128xf32, #tpu.memory_space<hbm>>
      tpu.wait_dma2 semaphore(%arg13 : memref<!tpu.dma_semaphore, #tpu.memory_space<semaphore_mem>>) src(%dma_wait3A_292 : memref<80x128xf32, #tpu.memory_space<hbm>>) dst(%dma_wait3A_289 : memref<80x128xf32, #tpu.memory_space<vmem>>)
      %dma_start3A_293 = arith.constant 2 : i32
      %dma_start3A_294 = arith.constant 0 : i32
      %dma_start3A_295 = arith.constant 2 : i32
      %dma_start3A_296 = arith.constant 0 : i32
      %dma_start3A_297 = arith.constant 0 : i32
      %dma_start3A_298 = tpu.memref_slice %arg9[%dma_start3A_293, %dma_start3A_296, %dma_start3A_297] : memref<4x80x128xf32, #tpu.memory_space<vmem>> -> memref<1x80x128xf32, #tpu.memory_space<vmem>>
      %dma_start3A_299 = tpu.memref_squeeze %dma_start3A_298 : memref<1x80x128xf32, #tpu.memory_space<vmem>> -> memref<80x128xf32, #tpu.memory_space<vmem>>
      %dma_start3A_300 = arith.constant 0 : i32
      %dma_start3A_301 = tpu.memref_slice %arg8[%dma_start3A_294, %dma_start3A_295, %dma_start3A_300] : memref<2x8x80xi32, #tpu.memory_space<vmem>> -> memref<1x1x80xi32, #tpu.memory_space<vmem>>
      %dma_start3A_302 = tpu.memref_squeeze %dma_start3A_301 : memref<1x1x80xi32, #tpu.memory_space<vmem>> -> memref<80xi32, #tpu.memory_space<vmem>>
      %dma_start3A_303 = arith.constant 0 : i32
      %dma_start3A_304 = arith.constant 0 : i32
      %dma_start3A_305 = tpu.memref_slice %arg10[%dma_start3A_303, %dma_start3A_304] : memref<10112x128xf32, #tpu.memory_space<vmem_shared>> -> memref<10112x128xf32, #tpu.memory_space<vmem_shared>>
      tpu.enqueue_indirect_dma source(%dma_start3A_299 : memref<80x128xf32, #tpu.memory_space<vmem>>) target(%dma_start3A_305 : memref<10112x128xf32, #tpu.memory_space<vmem_shared>>) offsets(%dma_start3A_302 : memref<80xi32, #tpu.memory_space<vmem>>) semaphore(%arg17 : memref<!tpu.dma_semaphore, #tpu.memory_space<semaphore_mem>>) {add = true}
      %dma_wait3A_306 = arith.constant 1 : i32
      %dma_wait3A_307 = arith.constant 0 : i32
      %dma_wait3A_308 = arith.constant 1 : i32
      %dma_wait3A_309 = arith.constant 0 : i32
      %dma_wait3A_310 = arith.constant 0 : i32
      %dma_wait3A_311 = tpu.memref_slice %arg9[%dma_wait3A_306, %dma_wait3A_309, %dma_wait3A_310] : memref<4x80x128xf32, #tpu.memory_space<vmem>> -> memref<1x80x128xf32, #tpu.memory_space<vmem>>
      %dma_wait3A_312 = tpu.memref_squeeze %dma_wait3A_311 : memref<1x80x128xf32, #tpu.memory_space<vmem>> -> memref<80x128xf32, #tpu.memory_space<vmem>>
      %dma_wait3A_313 = arith.constant 0 : i32
      %dma_wait3A_314 = tpu.memref_slice %arg8[%dma_wait3A_307, %dma_wait3A_308, %dma_wait3A_313] : memref<2x8x80xi32, #tpu.memory_space<vmem>> -> memref<1x1x80xi32, #tpu.memory_space<vmem>>
      %dma_wait3A_315 = tpu.memref_squeeze %dma_wait3A_314 : memref<1x1x80xi32, #tpu.memory_space<vmem>> -> memref<80xi32, #tpu.memory_space<vmem>>
      %dma_wait3A_316 = arith.constant 0 : i32
      %dma_wait3A_317 = arith.constant 0 : i32
      %dma_wait3A_318 = tpu.memref_slice %arg10[%dma_wait3A_316, %dma_wait3A_317] : memref<10112x128xf32, #tpu.memory_space<vmem_shared>> -> memref<10112x128xf32, #tpu.memory_space<vmem_shared>>
      tpu.wait_indirect_dma semaphore(%arg16 : memref<!tpu.dma_semaphore, #tpu.memory_space<semaphore_mem>>) src(%dma_wait3A_312 : memref<80x128xf32, #tpu.memory_space<vmem>>) dst(%dma_wait3A_318 : memref<10112x128xf32, #tpu.memory_space<vmem_shared>>)
      %dma_start3A_319 = arith.constant 0 : i32
      %dma_start3A_320 = arith.constant 5 : i32
      %dma_start3A_321 = arith.constant 1 : i32
      %dma_start3A_322 = arith.constant 0 : i32
      %dma_start3A_323 = arith.constant 0 : i32
      %dma_start3A_324 = tpu.memref_slice %arg9[%dma_start3A_321, %dma_start3A_322, %dma_start3A_323] : memref<4x80x128xf32, #tpu.memory_space<vmem>> -> memref<1x80x128xf32, #tpu.memory_space<vmem>>
      %dma_start3A_325 = tpu.memref_squeeze %dma_start3A_324 : memref<1x80x128xf32, #tpu.memory_space<vmem>> -> memref<80x128xf32, #tpu.memory_space<vmem>>
      %dma_start3A_326 = arith.constant 0 : i32
      %dma_start3A_327 = tpu.memref_slice %arg7[%dma_start3A_319, %dma_start3A_320, %dma_start3A_326] : memref<2x8x80xi32, #tpu.memory_space<vmem>> -> memref<1x1x80xi32, #tpu.memory_space<vmem>>
      %dma_start3A_328 = tpu.memref_squeeze %dma_start3A_327 : memref<1x1x80xi32, #tpu.memory_space<vmem>> -> memref<80xi32, #tpu.memory_space<vmem>>
      %dma_start3A_329 = arith.constant 0 : i32
      %dma_start3A_330 = arith.constant 0 : i32
      %dma_start3A_331 = tpu.memref_slice %arg2[%dma_start3A_329, %dma_start3A_330] : memref<10000x128xf32, #tpu.memory_space<hbm>> -> memref<10000x128xf32, #tpu.memory_space<hbm>>
      tpu.enqueue_indirect_dma source(%dma_start3A_331 : memref<10000x128xf32, #tpu.memory_space<hbm>>) target(%dma_start3A_325 : memref<80x128xf32, #tpu.memory_space<vmem>>) offsets(%dma_start3A_328 : memref<80xi32, #tpu.memory_space<vmem>>) semaphore(%arg12 : memref<!tpu.dma_semaphore, #tpu.memory_space<semaphore_mem>>)
      %dma_wait3A_332 = arith.constant 3 : i32
      %dma_wait3A_333 = arith.constant 0 : i32
      %dma_wait3A_334 = arith.constant 0 : i32
      %dma_wait3A_335 = tpu.memref_slice %arg9[%dma_wait3A_332, %dma_wait3A_333, %dma_wait3A_334] : memref<4x80x128xf32, #tpu.memory_space<vmem>> -> memref<1x80x128xf32, #tpu.memory_space<vmem>>
      %dma_wait3A_336 = tpu.memref_squeeze %dma_wait3A_335 : memref<1x80x128xf32, #tpu.memory_space<vmem>> -> memref<80x128xf32, #tpu.memory_space<vmem>>
      %dma_wait3A_337 = arith.constant 0 : i32
      %dma_wait3A_338 = arith.constant 0 : i32
      %dma_wait3A_339 = tpu.memref_slice %arg5[%dma_wait3A_337, %dma_wait3A_338] : memref<632x128xf32, #tpu.memory_space<hbm>> -> memref<80x128xf32, #tpu.memory_space<hbm>>
      %dma_wait3A_340 = arith.constant 0 : i32
      %dma_wait3A_341 = arith.constant 0 : i32
      %dma_wait3A_342 = tpu.memref_slice %arg9[%dma_wait3A_332, %dma_wait3A_340, %dma_wait3A_341] : memref<4x80x128xf32, #tpu.memory_space<vmem>> -> memref<1x80x128xf32, #tpu.memory_space<vmem>>
      %dma_wait3A_343 = tpu.memref_squeeze %dma_wait3A_342 : memref<1x80x128xf32, #tpu.memory_space<vmem>> -> memref<80x128xf32, #tpu.memory_space<vmem>>
      %dma_wait3A_344 = arith.constant 0 : i32
      %dma_wait3A_345 = arith.constant 0 : i32
      %dma_wait3A_346 = tpu.memref_slice %arg5[%dma_wait3A_344, %dma_wait3A_345] : memref<632x128xf32, #tpu.memory_space<hbm>> -> memref<80x128xf32, #tpu.memory_space<hbm>>
      tpu.wait_dma2 semaphore(%arg14 : memref<!tpu.dma_semaphore, #tpu.memory_space<semaphore_mem>>) src(%dma_wait3A_346 : memref<80x128xf32, #tpu.memory_space<hbm>>) dst(%dma_wait3A_343 : memref<80x128xf32, #tpu.memory_space<vmem>>)
      %dma_start3A_347 = arith.constant 3 : i32
      %dma_start3A_348 = arith.constant 0 : i32
      %dma_start3A_349 = arith.constant 3 : i32
      %dma_start3A_350 = arith.constant 0 : i32
      %dma_start3A_351 = arith.constant 0 : i32
      %dma_start3A_352 = tpu.memref_slice %arg9[%dma_start3A_347, %dma_start3A_350, %dma_start3A_351] : memref<4x80x128xf32, #tpu.memory_space<vmem>> -> memref<1x80x128xf32, #tpu.memory_space<vmem>>
      %dma_start3A_353 = tpu.memref_squeeze %dma_start3A_352 : memref<1x80x128xf32, #tpu.memory_space<vmem>> -> memref<80x128xf32, #tpu.memory_space<vmem>>
      %dma_start3A_354 = arith.constant 0 : i32
      %dma_start3A_355 = tpu.memref_slice %arg8[%dma_start3A_348, %dma_start3A_349, %dma_start3A_354] : memref<2x8x80xi32, #tpu.memory_space<vmem>> -> memref<1x1x80xi32, #tpu.memory_space<vmem>>
      %dma_start3A_356 = tpu.memref_squeeze %dma_start3A_355 : memref<1x1x80xi32, #tpu.memory_space<vmem>> -> memref<80xi32, #tpu.memory_space<vmem>>
      %dma_start3A_357 = arith.constant 0 : i32
      %dma_start3A_358 = arith.constant 0 : i32
      %dma_start3A_359 = tpu.memref_slice %arg10[%dma_start3A_357, %dma_start3A_358] : memref<10112x128xf32, #tpu.memory_space<vmem_shared>> -> memref<10112x128xf32, #tpu.memory_space<vmem_shared>>
      tpu.enqueue_indirect_dma source(%dma_start3A_353 : memref<80x128xf32, #tpu.memory_space<vmem>>) target(%dma_start3A_359 : memref<10112x128xf32, #tpu.memory_space<vmem_shared>>) offsets(%dma_start3A_356 : memref<80xi32, #tpu.memory_space<vmem>>) semaphore(%arg18 : memref<!tpu.dma_semaphore, #tpu.memory_space<semaphore_mem>>) {add = true}
      %dma_wait3A_360 = arith.constant 2 : i32
      %dma_wait3A_361 = arith.constant 0 : i32
      %dma_wait3A_362 = arith.constant 2 : i32
      %dma_wait3A_363 = arith.constant 0 : i32
      %dma_wait3A_364 = arith.constant 0 : i32
      %dma_wait3A_365 = tpu.memref_slice %arg9[%dma_wait3A_360, %dma_wait3A_363, %dma_wait3A_364] : memref<4x80x128xf32, #tpu.memory_space<vmem>> -> memref<1x80x128xf32, #tpu.memory_space<vmem>>
      %dma_wait3A_366 = tpu.memref_squeeze %dma_wait3A_365 : memref<1x80x128xf32, #tpu.memory_space<vmem>> -> memref<80x128xf32, #tpu.memory_space<vmem>>
      %dma_wait3A_367 = arith.constant 0 : i32
      %dma_wait3A_368 = tpu.memref_slice %arg8[%dma_wait3A_361, %dma_wait3A_362, %dma_wait3A_367] : memref<2x8x80xi32, #tpu.memory_space<vmem>> -> memref<1x1x80xi32, #tpu.memory_space<vmem>>
      %dma_wait3A_369 = tpu.memref_squeeze %dma_wait3A_368 : memref<1x1x80xi32, #tpu.memory_space<vmem>> -> memref<80xi32, #tpu.memory_space<vmem>>
      %dma_wait3A_370 = arith.constant 0 : i32
      %dma_wait3A_371 = arith.constant 0 : i32
      %dma_wait3A_372 = tpu.memref_slice %arg10[%dma_wait3A_370, %dma_wait3A_371] : memref<10112x128xf32, #tpu.memory_space<vmem_shared>> -> memref<10112x128xf32, #tpu.memory_space<vmem_shared>>
      tpu.wait_indirect_dma semaphore(%arg17 : memref<!tpu.dma_semaphore, #tpu.memory_space<semaphore_mem>>) src(%dma_wait3A_366 : memref<80x128xf32, #tpu.memory_space<vmem>>) dst(%dma_wait3A_372 : memref<10112x128xf32, #tpu.memory_space<vmem_shared>>)
      %dma_start3A_373 = arith.constant 0 : i32
      %dma_start3A_374 = arith.constant 6 : i32
      %dma_start3A_375 = arith.constant 2 : i32
      %dma_start3A_376 = arith.constant 0 : i32
      %dma_start3A_377 = arith.constant 0 : i32
      %dma_start3A_378 = tpu.memref_slice %arg9[%dma_start3A_375, %dma_start3A_376, %dma_start3A_377] : memref<4x80x128xf32, #tpu.memory_space<vmem>> -> memref<1x80x128xf32, #tpu.memory_space<vmem>>
      %dma_start3A_379 = tpu.memref_squeeze %dma_start3A_378 : memref<1x80x128xf32, #tpu.memory_space<vmem>> -> memref<80x128xf32, #tpu.memory_space<vmem>>
      %dma_start3A_380 = arith.constant 0 : i32
      %dma_start3A_381 = tpu.memref_slice %arg7[%dma_start3A_373, %dma_start3A_374, %dma_start3A_380] : memref<2x8x80xi32, #tpu.memory_space<vmem>> -> memref<1x1x80xi32, #tpu.memory_space<vmem>>
      %dma_start3A_382 = tpu.memref_squeeze %dma_start3A_381 : memref<1x1x80xi32, #tpu.memory_space<vmem>> -> memref<80xi32, #tpu.memory_space<vmem>>
      %dma_start3A_383 = arith.constant 0 : i32
      %dma_start3A_384 = arith.constant 0 : i32
      %dma_start3A_385 = tpu.memref_slice %arg2[%dma_start3A_383, %dma_start3A_384] : memref<10000x128xf32, #tpu.memory_space<hbm>> -> memref<10000x128xf32, #tpu.memory_space<hbm>>
      tpu.enqueue_indirect_dma source(%dma_start3A_385 : memref<10000x128xf32, #tpu.memory_space<hbm>>) target(%dma_start3A_379 : memref<80x128xf32, #tpu.memory_space<vmem>>) offsets(%dma_start3A_382 : memref<80xi32, #tpu.memory_space<vmem>>) semaphore(%arg13 : memref<!tpu.dma_semaphore, #tpu.memory_space<semaphore_mem>>)
      %dma_wait3A_386 = arith.constant 0 : i32
      %dma_wait3A_387 = arith.constant 0 : i32
      %dma_wait3A_388 = arith.constant 0 : i32
      %dma_wait3A_389 = tpu.memref_slice %arg9[%dma_wait3A_386, %dma_wait3A_387, %dma_wait3A_388] : memref<4x80x128xf32, #tpu.memory_space<vmem>> -> memref<1x80x128xf32, #tpu.memory_space<vmem>>
      %dma_wait3A_390 = tpu.memref_squeeze %dma_wait3A_389 : memref<1x80x128xf32, #tpu.memory_space<vmem>> -> memref<80x128xf32, #tpu.memory_space<vmem>>
      %dma_wait3A_391 = arith.constant 0 : i32
      %dma_wait3A_392 = arith.constant 0 : i32
      %dma_wait3A_393 = tpu.memref_slice %arg5[%dma_wait3A_391, %dma_wait3A_392] : memref<632x128xf32, #tpu.memory_space<hbm>> -> memref<80x128xf32, #tpu.memory_space<hbm>>
      %dma_wait3A_394 = arith.constant 0 : i32
      %dma_wait3A_395 = arith.constant 0 : i32
      %dma_wait3A_396 = tpu.memref_slice %arg9[%dma_wait3A_386, %dma_wait3A_394, %dma_wait3A_395] : memref<4x80x128xf32, #tpu.memory_space<vmem>> -> memref<1x80x128xf32, #tpu.memory_space<vmem>>
      %dma_wait3A_397 = tpu.memref_squeeze %dma_wait3A_396 : memref<1x80x128xf32, #tpu.memory_space<vmem>> -> memref<80x128xf32, #tpu.memory_space<vmem>>
      %dma_wait3A_398 = arith.constant 0 : i32
      %dma_wait3A_399 = arith.constant 0 : i32
      %dma_wait3A_400 = tpu.memref_slice %arg5[%dma_wait3A_398, %dma_wait3A_399] : memref<632x128xf32, #tpu.memory_space<hbm>> -> memref<80x128xf32, #tpu.memory_space<hbm>>
      tpu.wait_dma2 semaphore(%arg11 : memref<!tpu.dma_semaphore, #tpu.memory_space<semaphore_mem>>) src(%dma_wait3A_400 : memref<80x128xf32, #tpu.memory_space<hbm>>) dst(%dma_wait3A_397 : memref<80x128xf32, #tpu.memory_space<vmem>>)
      %dma_start3A_401 = arith.constant 0 : i32
      %dma_start3A_402 = arith.constant 0 : i32
      %dma_start3A_403 = arith.constant 4 : i32
      %dma_start3A_404 = arith.constant 0 : i32
      %dma_start3A_405 = arith.constant 0 : i32
      %dma_start3A_406 = tpu.memref_slice %arg9[%dma_start3A_401, %dma_start3A_404, %dma_start3A_405] : memref<4x80x128xf32, #tpu.memory_space<vmem>> -> memref<1x80x128xf32, #tpu.memory_space<vmem>>
      %dma_start3A_407 = tpu.memref_squeeze %dma_start3A_406 : memref<1x80x128xf32, #tpu.memory_space<vmem>> -> memref<80x128xf32, #tpu.memory_space<vmem>>
      %dma_start3A_408 = arith.constant 0 : i32
      %dma_start3A_409 = tpu.memref_slice %arg8[%dma_start3A_402, %dma_start3A_403, %dma_start3A_408] : memref<2x8x80xi32, #tpu.memory_space<vmem>> -> memref<1x1x80xi32, #tpu.memory_space<vmem>>
      %dma_start3A_410 = tpu.memref_squeeze %dma_start3A_409 : memref<1x1x80xi32, #tpu.memory_space<vmem>> -> memref<80xi32, #tpu.memory_space<vmem>>
      %dma_start3A_411 = arith.constant 0 : i32
      %dma_start3A_412 = arith.constant 0 : i32
      %dma_start3A_413 = tpu.memref_slice %arg10[%dma_start3A_411, %dma_start3A_412] : memref<10112x128xf32, #tpu.memory_space<vmem_shared>> -> memref<10112x128xf32, #tpu.memory_space<vmem_shared>>
      tpu.enqueue_indirect_dma source(%dma_start3A_407 : memref<80x128xf32, #tpu.memory_space<vmem>>) target(%dma_start3A_413 : memref<10112x128xf32, #tpu.memory_space<vmem_shared>>) offsets(%dma_start3A_410 : memref<80xi32, #tpu.memory_space<vmem>>) semaphore(%arg15 : memref<!tpu.dma_semaphore, #tpu.memory_space<semaphore_mem>>) {add = true}
      %dma_wait3A_414 = arith.constant 3 : i32
      %dma_wait3A_415 = arith.constant 0 : i32
      %dma_wait3A_416 = arith.constant 3 : i32
      %dma_wait3A_417 = arith.constant 0 : i32
      %dma_wait3A_418 = arith.constant 0 : i32
      %dma_wait3A_419 = tpu.memref_slice %arg9[%dma_wait3A_414, %dma_wait3A_417, %dma_wait3A_418] : memref<4x80x128xf32, #tpu.memory_space<vmem>> -> memref<1x80x128xf32, #tpu.memory_space<vmem>>
      %dma_wait3A_420 = tpu.memref_squeeze %dma_wait3A_419 : memref<1x80x128xf32, #tpu.memory_space<vmem>> -> memref<80x128xf32, #tpu.memory_space<vmem>>
      %dma_wait3A_421 = arith.constant 0 : i32
      %dma_wait3A_422 = tpu.memref_slice %arg8[%dma_wait3A_415, %dma_wait3A_416, %dma_wait3A_421] : memref<2x8x80xi32, #tpu.memory_space<vmem>> -> memref<1x1x80xi32, #tpu.memory_space<vmem>>
      %dma_wait3A_423 = tpu.memref_squeeze %dma_wait3A_422 : memref<1x1x80xi32, #tpu.memory_space<vmem>> -> memref<80xi32, #tpu.memory_space<vmem>>
      %dma_wait3A_424 = arith.constant 0 : i32
      %dma_wait3A_425 = arith.constant 0 : i32
      %dma_wait3A_426 = tpu.memref_slice %arg10[%dma_wait3A_424, %dma_wait3A_425] : memref<10112x128xf32, #tpu.memory_space<vmem_shared>> -> memref<10112x128xf32, #tpu.memory_space<vmem_shared>>
      tpu.wait_indirect_dma semaphore(%arg18 : memref<!tpu.dma_semaphore, #tpu.memory_space<semaphore_mem>>) src(%dma_wait3A_420 : memref<80x128xf32, #tpu.memory_space<vmem>>) dst(%dma_wait3A_426 : memref<10112x128xf32, #tpu.memory_space<vmem_shared>>)
      %dma_start3A_427 = arith.constant 0 : i32
      %dma_start3A_428 = arith.constant 7 : i32
      %dma_start3A_429 = arith.constant 3 : i32
      %dma_start3A_430 = arith.constant 0 : i32
      %dma_start3A_431 = arith.constant 0 : i32
      %dma_start3A_432 = tpu.memref_slice %arg9[%dma_start3A_429, %dma_start3A_430, %dma_start3A_431] : memref<4x80x128xf32, #tpu.memory_space<vmem>> -> memref<1x80x128xf32, #tpu.memory_space<vmem>>
      %dma_start3A_433 = tpu.memref_squeeze %dma_start3A_432 : memref<1x80x128xf32, #tpu.memory_space<vmem>> -> memref<80x128xf32, #tpu.memory_space<vmem>>
      %dma_start3A_434 = arith.constant 0 : i32
      %dma_start3A_435 = tpu.memref_slice %arg7[%dma_start3A_427, %dma_start3A_428, %dma_start3A_434] : memref<2x8x80xi32, #tpu.memory_space<vmem>> -> memref<1x1x80xi32, #tpu.memory_space<vmem>>
      %dma_start3A_436 = tpu.memref_squeeze %dma_start3A_435 : memref<1x1x80xi32, #tpu.memory_space<vmem>> -> memref<80xi32, #tpu.memory_space<vmem>>
      %dma_start3A_437 = arith.constant 0 : i32
      %dma_start3A_438 = arith.constant 0 : i32
      %dma_start3A_439 = tpu.memref_slice %arg2[%dma_start3A_437, %dma_start3A_438] : memref<10000x128xf32, #tpu.memory_space<hbm>> -> memref<10000x128xf32, #tpu.memory_space<hbm>>
      tpu.enqueue_indirect_dma source(%dma_start3A_439 : memref<10000x128xf32, #tpu.memory_space<hbm>>) target(%dma_start3A_433 : memref<80x128xf32, #tpu.memory_space<vmem>>) offsets(%dma_start3A_436 : memref<80xi32, #tpu.memory_space<vmem>>) semaphore(%arg14 : memref<!tpu.dma_semaphore, #tpu.memory_space<semaphore_mem>>)
      %dma_wait3A_440 = arith.constant 1 : i32
      %dma_wait3A_441 = arith.constant 0 : i32
      %dma_wait3A_442 = arith.constant 0 : i32
      %dma_wait3A_443 = tpu.memref_slice %arg9[%dma_wait3A_440, %dma_wait3A_441, %dma_wait3A_442] : memref<4x80x128xf32, #tpu.memory_space<vmem>> -> memref<1x80x128xf32, #tpu.memory_space<vmem>>
      %dma_wait3A_444 = tpu.memref_squeeze %dma_wait3A_443 : memref<1x80x128xf32, #tpu.memory_space<vmem>> -> memref<80x128xf32, #tpu.memory_space<vmem>>
      %dma_wait3A_445 = arith.constant 0 : i32
      %dma_wait3A_446 = arith.constant 0 : i32
      %dma_wait3A_447 = tpu.memref_slice %arg5[%dma_wait3A_445, %dma_wait3A_446] : memref<632x128xf32, #tpu.memory_space<hbm>> -> memref<80x128xf32, #tpu.memory_space<hbm>>
      %dma_wait3A_448 = arith.constant 0 : i32
      %dma_wait3A_449 = arith.constant 0 : i32
      %dma_wait3A_450 = tpu.memref_slice %arg9[%dma_wait3A_440, %dma_wait3A_448, %dma_wait3A_449] : memref<4x80x128xf32, #tpu.memory_space<vmem>> -> memref<1x80x128xf32, #tpu.memory_space<vmem>>
      %dma_wait3A_451 = tpu.memref_squeeze %dma_wait3A_450 : memref<1x80x128xf32, #tpu.memory_space<vmem>> -> memref<80x128xf32, #tpu.memory_space<vmem>>
      %dma_wait3A_452 = arith.constant 0 : i32
      %dma_wait3A_453 = arith.constant 0 : i32
      %dma_wait3A_454 = tpu.memref_slice %arg5[%dma_wait3A_452, %dma_wait3A_453] : memref<632x128xf32, #tpu.memory_space<hbm>> -> memref<80x128xf32, #tpu.memory_space<hbm>>
      tpu.wait_dma2 semaphore(%arg12 : memref<!tpu.dma_semaphore, #tpu.memory_space<semaphore_mem>>) src(%dma_wait3A_454 : memref<80x128xf32, #tpu.memory_space<hbm>>) dst(%dma_wait3A_451 : memref<80x128xf32, #tpu.memory_space<vmem>>)
      %dma_start3A_455 = arith.constant 1 : i32
      %dma_start3A_456 = arith.constant 0 : i32
      %dma_start3A_457 = arith.constant 5 : i32
      %dma_start3A_458 = arith.constant 0 : i32
      %dma_start3A_459 = arith.constant 0 : i32
      %dma_start3A_460 = tpu.memref_slice %arg9[%dma_start3A_455, %dma_start3A_458, %dma_start3A_459] : memref<4x80x128xf32, #tpu.memory_space<vmem>> -> memref<1x80x128xf32, #tpu.memory_space<vmem>>
      %dma_start3A_461 = tpu.memref_squeeze %dma_start3A_460 : memref<1x80x128xf32, #tpu.memory_space<vmem>> -> memref<80x128xf32, #tpu.memory_space<vmem>>
      %dma_start3A_462 = arith.constant 0 : i32
      %dma_start3A_463 = tpu.memref_slice %arg8[%dma_start3A_456, %dma_start3A_457, %dma_start3A_462] : memref<2x8x80xi32, #tpu.memory_space<vmem>> -> memref<1x1x80xi32, #tpu.memory_space<vmem>>
      %dma_start3A_464 = tpu.memref_squeeze %dma_start3A_463 : memref<1x1x80xi32, #tpu.memory_space<vmem>> -> memref<80xi32, #tpu.memory_space<vmem>>
      %dma_start3A_465 = arith.constant 0 : i32
      %dma_start3A_466 = arith.constant 0 : i32
      %dma_start3A_467 = tpu.memref_slice %arg10[%dma_start3A_465, %dma_start3A_466] : memref<10112x128xf32, #tpu.memory_space<vmem_shared>> -> memref<10112x128xf32, #tpu.memory_space<vmem_shared>>
      tpu.enqueue_indirect_dma source(%dma_start3A_461 : memref<80x128xf32, #tpu.memory_space<vmem>>) target(%dma_start3A_467 : memref<10112x128xf32, #tpu.memory_space<vmem_shared>>) offsets(%dma_start3A_464 : memref<80xi32, #tpu.memory_space<vmem>>) semaphore(%arg16 : memref<!tpu.dma_semaphore, #tpu.memory_space<semaphore_mem>>) {add = true}
      %dma_wait3A_468 = arith.constant 0 : i32
      %dma_wait3A_469 = arith.constant 0 : i32
      %dma_wait3A_470 = arith.constant 4 : i32
      %dma_wait3A_471 = arith.constant 0 : i32
      %dma_wait3A_472 = arith.constant 0 : i32
      %dma_wait3A_473 = tpu.memref_slice %arg9[%dma_wait3A_468, %dma_wait3A_471, %dma_wait3A_472] : memref<4x80x128xf32, #tpu.memory_space<vmem>> -> memref<1x80x128xf32, #tpu.memory_space<vmem>>
      %dma_wait3A_474 = tpu.memref_squeeze %dma_wait3A_473 : memref<1x80x128xf32, #tpu.memory_space<vmem>> -> memref<80x128xf32, #tpu.memory_space<vmem>>
      %dma_wait3A_475 = arith.constant 0 : i32
      %dma_wait3A_476 = tpu.memref_slice %arg8[%dma_wait3A_469, %dma_wait3A_470, %dma_wait3A_475] : memref<2x8x80xi32, #tpu.memory_space<vmem>> -> memref<1x1x80xi32, #tpu.memory_space<vmem>>
      %dma_wait3A_477 = tpu.memref_squeeze %dma_wait3A_476 : memref<1x1x80xi32, #tpu.memory_space<vmem>> -> memref<80xi32, #tpu.memory_space<vmem>>
      %dma_wait3A_478 = arith.constant 0 : i32
      %dma_wait3A_479 = arith.constant 0 : i32
      %dma_wait3A_480 = tpu.memref_slice %arg10[%dma_wait3A_478, %dma_wait3A_479] : memref<10112x128xf32, #tpu.memory_space<vmem_shared>> -> memref<10112x128xf32, #tpu.memory_space<vmem_shared>>
      tpu.wait_indirect_dma semaphore(%arg15 : memref<!tpu.dma_semaphore, #tpu.memory_space<semaphore_mem>>) src(%dma_wait3A_474 : memref<80x128xf32, #tpu.memory_space<vmem>>) dst(%dma_wait3A_480 : memref<10112x128xf32, #tpu.memory_space<vmem_shared>>)
      %dma_wait3A_481 = arith.constant 0 : i32
      %dma_wait3A_482 = arith.constant 0 : i32
      %dma_wait3A_483 = arith.constant 0 : i32
      %dma_wait3A_484 = tpu.memref_slice %arg7[%dma_wait3A_481, %dma_wait3A_482, %dma_wait3A_483] : memref<2x8x80xi32, #tpu.memory_space<vmem>> -> memref<1x8x80xi32, #tpu.memory_space<vmem>>
      %dma_wait3A_485 = tpu.memref_squeeze %dma_wait3A_484 : memref<1x8x80xi32, #tpu.memory_space<vmem>> -> memref<8x80xi32, #tpu.memory_space<vmem>>
      %dma_wait3A_486 = arith.constant 0 : i32
      %dma_wait3A_487 = arith.constant 0 : i32
      %dma_wait3A_488 = tpu.memref_slice %arg3[%arg0, %arg1, %dma_wait3A_486, %dma_wait3A_487] : memref<2x16x128x80xi32, #tpu.memory_space<hbm>> -> memref<1x1x8x80xi32, #tpu.memory_space<hbm>>
      %dma_wait3A_489 = tpu.memref_squeeze %dma_wait3A_488 : memref<1x1x8x80xi32, #tpu.memory_space<hbm>> -> memref<8x80xi32, #tpu.memory_space<hbm>>
      %dma_wait3A_490 = arith.constant 0 : i32
      %dma_wait3A_491 = arith.constant 0 : i32
      %dma_wait3A_492 = tpu.memref_slice %arg7[%dma_wait3A_481, %dma_wait3A_490, %dma_wait3A_491] : memref<2x8x80xi32, #tpu.memory_space<vmem>> -> memref<1x8x80xi32, #tpu.memory_space<vmem>>
      %dma_wait3A_493 = tpu.memref_squeeze %dma_wait3A_492 : memref<1x8x80xi32, #tpu.memory_space<vmem>> -> memref<8x80xi32, #tpu.memory_space<vmem>>
      %dma_wait3A_494 = arith.constant 0 : i32
      %dma_wait3A_495 = arith.constant 0 : i32
      %dma_wait3A_496 = tpu.memref_slice %arg3[%arg0, %arg1, %dma_wait3A_494, %dma_wait3A_495] : memref<2x16x128x80xi32, #tpu.memory_space<hbm>> -> memref<1x1x8x80xi32, #tpu.memory_space<hbm>>
      %dma_wait3A_497 = tpu.memref_squeeze %dma_wait3A_496 : memref<1x1x8x80xi32, #tpu.memory_space<hbm>> -> memref<8x80xi32, #tpu.memory_space<hbm>>
      tpu.wait_dma2 semaphore(%arg19 : memref<!tpu.dma_semaphore, #tpu.memory_space<semaphore_mem>>) src(%dma_wait3A_497 : memref<8x80xi32, #tpu.memory_space<hbm>>) dst(%dma_wait3A_493 : memref<8x80xi32, #tpu.memory_space<vmem>>)
      %dma_wait3A_498 = arith.constant 0 : i32
      %dma_wait3A_499 = arith.constant 0 : i32
      %dma_wait3A_500 = arith.constant 0 : i32
      %dma_wait3A_501 = tpu.memref_slice %arg8[%dma_wait3A_498, %dma_wait3A_499, %dma_wait3A_500] : memref<2x8x80xi32, #tpu.memory_space<vmem>> -> memref<1x8x80xi32, #tpu.memory_space<vmem>>
      %dma_wait3A_502 = tpu.memref_squeeze %dma_wait3A_501 : memref<1x8x80xi32, #tpu.memory_space<vmem>> -> memref<8x80xi32, #tpu.memory_space<vmem>>
      %dma_wait3A_503 = arith.constant 0 : i32
      %dma_wait3A_504 = arith.constant 0 : i32
      %dma_wait3A_505 = tpu.memref_slice %arg3[%arg0, %arg1, %dma_wait3A_503, %dma_wait3A_504] : memref<2x16x128x80xi32, #tpu.memory_space<hbm>> -> memref<1x1x8x80xi32, #tpu.memory_space<hbm>>
      %dma_wait3A_506 = tpu.memref_squeeze %dma_wait3A_505 : memref<1x1x8x80xi32, #tpu.memory_space<hbm>> -> memref<8x80xi32, #tpu.memory_space<hbm>>
      %dma_wait3A_507 = arith.constant 0 : i32
      %dma_wait3A_508 = arith.constant 0 : i32
      %dma_wait3A_509 = tpu.memref_slice %arg8[%dma_wait3A_498, %dma_wait3A_507, %dma_wait3A_508] : memref<2x8x80xi32, #tpu.memory_space<vmem>> -> memref<1x8x80xi32, #tpu.memory_space<vmem>>
      %dma_wait3A_510 = tpu.memref_squeeze %dma_wait3A_509 : memref<1x8x80xi32, #tpu.memory_space<vmem>> -> memref<8x80xi32, #tpu.memory_space<vmem>>
      %dma_wait3A_511 = arith.constant 0 : i32
      %dma_wait3A_512 = arith.constant 0 : i32
      %dma_wait3A_513 = tpu.memref_slice %arg3[%arg0, %arg1, %dma_wait3A_511, %dma_wait3A_512] : memref<2x16x128x80xi32, #tpu.memory_space<hbm>> -> memref<1x1x8x80xi32, #tpu.memory_space<hbm>>
      %dma_wait3A_514 = tpu.memref_squeeze %dma_wait3A_513 : memref<1x1x8x80xi32, #tpu.memory_space<hbm>> -> memref<8x80xi32, #tpu.memory_space<hbm>>
      tpu.wait_dma2 semaphore(%arg19 : memref<!tpu.dma_semaphore, #tpu.memory_space<semaphore_mem>>) src(%dma_wait3A_514 : memref<8x80xi32, #tpu.memory_space<hbm>>) dst(%dma_wait3A_510 : memref<8x80xi32, #tpu.memory_space<vmem>>)
      %dma_start3A_515 = arith.constant 1 : i32
      %dma_start3A_516 = arith.constant 0 : i32
      %dma_start3A_517 = arith.constant 0 : i32
      %dma_start3A_518 = arith.constant 0 : i32
      %dma_start3A_519 = arith.constant 0 : i32
      %dma_start3A_520 = tpu.memref_slice %arg9[%dma_start3A_517, %dma_start3A_518, %dma_start3A_519] : memref<4x80x128xf32, #tpu.memory_space<vmem>> -> memref<1x80x128xf32, #tpu.memory_space<vmem>>
      %dma_start3A_521 = tpu.memref_squeeze %dma_start3A_520 : memref<1x80x128xf32, #tpu.memory_space<vmem>> -> memref<80x128xf32, #tpu.memory_space<vmem>>
      %dma_start3A_522 = arith.constant 0 : i32
      %dma_start3A_523 = tpu.memref_slice %arg7[%dma_start3A_515, %dma_start3A_516, %dma_start3A_522] : memref<2x8x80xi32, #tpu.memory_space<vmem>> -> memref<1x1x80xi32, #tpu.memory_space<vmem>>
      %dma_start3A_524 = tpu.memref_squeeze %dma_start3A_523 : memref<1x1x80xi32, #tpu.memory_space<vmem>> -> memref<80xi32, #tpu.memory_space<vmem>>
      %dma_start3A_525 = arith.constant 0 : i32
      %dma_start3A_526 = arith.constant 0 : i32
      %dma_start3A_527 = tpu.memref_slice %arg2[%dma_start3A_525, %dma_start3A_526] : memref<10000x128xf32, #tpu.memory_space<hbm>> -> memref<10000x128xf32, #tpu.memory_space<hbm>>
      tpu.enqueue_indirect_dma source(%dma_start3A_527 : memref<10000x128xf32, #tpu.memory_space<hbm>>) target(%dma_start3A_521 : memref<80x128xf32, #tpu.memory_space<vmem>>) offsets(%dma_start3A_524 : memref<80xi32, #tpu.memory_space<vmem>>) semaphore(%arg11 : memref<!tpu.dma_semaphore, #tpu.memory_space<semaphore_mem>>)
      %dma_wait3A_528 = arith.constant 2 : i32
      %dma_wait3A_529 = arith.constant 0 : i32
      %dma_wait3A_530 = arith.constant 0 : i32
      %dma_wait3A_531 = tpu.memref_slice %arg9[%dma_wait3A_528, %dma_wait3A_529, %dma_wait3A_530] : memref<4x80x128xf32, #tpu.memory_space<vmem>> -> memref<1x80x128xf32, #tpu.memory_space<vmem>>
      %dma_wait3A_532 = tpu.memref_squeeze %dma_wait3A_531 : memref<1x80x128xf32, #tpu.memory_space<vmem>> -> memref<80x128xf32, #tpu.memory_space<vmem>>
      %dma_wait3A_533 = arith.constant 0 : i32
      %dma_wait3A_534 = arith.constant 0 : i32
      %dma_wait3A_535 = tpu.memref_slice %arg5[%dma_wait3A_533, %dma_wait3A_534] : memref<632x128xf32, #tpu.memory_space<hbm>> -> memref<80x128xf32, #tpu.memory_space<hbm>>
      %dma_wait3A_536 = arith.constant 0 : i32
      %dma_wait3A_537 = arith.constant 0 : i32
      %dma_wait3A_538 = tpu.memref_slice %arg9[%dma_wait3A_528, %dma_wait3A_536, %dma_wait3A_537] : memref<4x80x128xf32, #tpu.memory_space<vmem>> -> memref<1x80x128xf32, #tpu.memory_space<vmem>>
      %dma_wait3A_539 = tpu.memref_squeeze %dma_wait3A_538 : memref<1x80x128xf32, #tpu.memory_space<vmem>> -> memref<80x128xf32, #tpu.memory_space<vmem>>
      %dma_wait3A_540 = arith.constant 0 : i32
      %dma_wait3A_541 = arith.constant 0 : i32
      %dma_wait3A_542 = tpu.memref_slice %arg5[%dma_wait3A_540, %dma_wait3A_541] : memref<632x128xf32, #tpu.memory_space<hbm>> -> memref<80x128xf32, #tpu.memory_space<hbm>>
      tpu.wait_dma2 semaphore(%arg13 : memref<!tpu.dma_semaphore, #tpu.memory_space<semaphore_mem>>) src(%dma_wait3A_542 : memref<80x128xf32, #tpu.memory_space<hbm>>) dst(%dma_wait3A_539 : memref<80x128xf32, #tpu.memory_space<vmem>>)
      %dma_start3A_543 = arith.constant 2 : i32
      %dma_start3A_544 = arith.constant 0 : i32
      %dma_start3A_545 = arith.constant 6 : i32
      %dma_start3A_546 = arith.constant 0 : i32
      %dma_start3A_547 = arith.constant 0 : i32
      %dma_start3A_548 = tpu.memref_slice %arg9[%dma_start3A_543, %dma_start3A_546, %dma_start3A_547] : memref<4x80x128xf32, #tpu.memory_space<vmem>> -> memref<1x80x128xf32, #tpu.memory_space<vmem>>
      %dma_start3A_549 = tpu.memref_squeeze %dma_start3A_548 : memref<1x80x128xf32, #tpu.memory_space<vmem>> -> memref<80x128xf32, #tpu.memory_space<vmem>>
      %dma_start3A_550 = arith.constant 0 : i32
      %dma_start3A_551 = tpu.memref_slice %arg8[%dma_start3A_544, %dma_start3A_545, %dma_start3A_550] : memref<2x8x80xi32, #tpu.memory_space<vmem>> -> memref<1x1x80xi32, #tpu.memory_space<vmem>>
      %dma_start3A_552 = tpu.memref_squeeze %dma_start3A_551 : memref<1x1x80xi32, #tpu.memory_space<vmem>> -> memref<80xi32, #tpu.memory_space<vmem>>
      %dma_start3A_553 = arith.constant 0 : i32
      %dma_start3A_554 = arith.constant 0 : i32
      %dma_start3A_555 = tpu.memref_slice %arg10[%dma_start3A_553, %dma_start3A_554] : memref<10112x128xf32, #tpu.memory_space<vmem_shared>> -> memref<10112x128xf32, #tpu.memory_space<vmem_shared>>
      tpu.enqueue_indirect_dma source(%dma_start3A_549 : memref<80x128xf32, #tpu.memory_space<vmem>>) target(%dma_start3A_555 : memref<10112x128xf32, #tpu.memory_space<vmem_shared>>) offsets(%dma_start3A_552 : memref<80xi32, #tpu.memory_space<vmem>>) semaphore(%arg17 : memref<!tpu.dma_semaphore, #tpu.memory_space<semaphore_mem>>) {add = true}
      %dma_wait3A_556 = arith.constant 1 : i32
      %dma_wait3A_557 = arith.constant 0 : i32
      %dma_wait3A_558 = arith.constant 5 : i32
      %dma_wait3A_559 = arith.constant 0 : i32
      %dma_wait3A_560 = arith.constant 0 : i32
      %dma_wait3A_561 = tpu.memref_slice %arg9[%dma_wait3A_556, %dma_wait3A_559, %dma_wait3A_560] : memref<4x80x128xf32, #tpu.memory_space<vmem>> -> memref<1x80x128xf32, #tpu.memory_space<vmem>>
      %dma_wait3A_562 = tpu.memref_squeeze %dma_wait3A_561 : memref<1x80x128xf32, #tpu.memory_space<vmem>> -> memref<80x128xf32, #tpu.memory_space<vmem>>
      %dma_wait3A_563 = arith.constant 0 : i32
      %dma_wait3A_564 = tpu.memref_slice %arg8[%dma_wait3A_557, %dma_wait3A_558, %dma_wait3A_563] : memref<2x8x80xi32, #tpu.memory_space<vmem>> -> memref<1x1x80xi32, #tpu.memory_space<vmem>>
      %dma_wait3A_565 = tpu.memref_squeeze %dma_wait3A_564 : memref<1x1x80xi32, #tpu.memory_space<vmem>> -> memref<80xi32, #tpu.memory_space<vmem>>
      %dma_wait3A_566 = arith.constant 0 : i32
      %dma_wait3A_567 = arith.constant 0 : i32
      %dma_wait3A_568 = tpu.memref_slice %arg10[%dma_wait3A_566, %dma_wait3A_567] : memref<10112x128xf32, #tpu.memory_space<vmem_shared>> -> memref<10112x128xf32, #tpu.memory_space<vmem_shared>>
      tpu.wait_indirect_dma semaphore(%arg16 : memref<!tpu.dma_semaphore, #tpu.memory_space<semaphore_mem>>) src(%dma_wait3A_562 : memref<80x128xf32, #tpu.memory_space<vmem>>) dst(%dma_wait3A_568 : memref<10112x128xf32, #tpu.memory_space<vmem_shared>>)
      %dma_start3A_569 = arith.constant 1 : i32
      %dma_start3A_570 = arith.constant 1 : i32
      %dma_start3A_571 = arith.constant 1 : i32
      %dma_start3A_572 = arith.constant 0 : i32
      %dma_start3A_573 = arith.constant 0 : i32
      %dma_start3A_574 = tpu.memref_slice %arg9[%dma_start3A_571, %dma_start3A_572, %dma_start3A_573] : memref<4x80x128xf32, #tpu.memory_space<vmem>> -> memref<1x80x128xf32, #tpu.memory_space<vmem>>
      %dma_start3A_575 = tpu.memref_squeeze %dma_start3A_574 : memref<1x80x128xf32, #tpu.memory_space<vmem>> -> memref<80x128xf32, #tpu.memory_space<vmem>>
      %dma_start3A_576 = arith.constant 0 : i32
      %dma_start3A_577 = tpu.memref_slice %arg7[%dma_start3A_569, %dma_start3A_570, %dma_start3A_576] : memref<2x8x80xi32, #tpu.memory_space<vmem>> -> memref<1x1x80xi32, #tpu.memory_space<vmem>>
      %dma_start3A_578 = tpu.memref_squeeze %dma_start3A_577 : memref<1x1x80xi32, #tpu.memory_space<vmem>> -> memref<80xi32, #tpu.memory_space<vmem>>
      %dma_start3A_579 = arith.constant 0 : i32
      %dma_start3A_580 = arith.constant 0 : i32
      %dma_start3A_581 = tpu.memref_slice %arg2[%dma_start3A_579, %dma_start3A_580] : memref<10000x128xf32, #tpu.memory_space<hbm>> -> memref<10000x128xf32, #tpu.memory_space<hbm>>
      tpu.enqueue_indirect_dma source(%dma_start3A_581 : memref<10000x128xf32, #tpu.memory_space<hbm>>) target(%dma_start3A_575 : memref<80x128xf32, #tpu.memory_space<vmem>>) offsets(%dma_start3A_578 : memref<80xi32, #tpu.memory_space<vmem>>) semaphore(%arg12 : memref<!tpu.dma_semaphore, #tpu.memory_space<semaphore_mem>>)
      %dma_wait3A_582 = arith.constant 3 : i32
      %dma_wait3A_583 = arith.constant 0 : i32
      %dma_wait3A_584 = arith.constant 0 : i32
      %dma_wait3A_585 = tpu.memref_slice %arg9[%dma_wait3A_582, %dma_wait3A_583, %dma_wait3A_584] : memref<4x80x128xf32, #tpu.memory_space<vmem>> -> memref<1x80x128xf32, #tpu.memory_space<vmem>>
      %dma_wait3A_586 = tpu.memref_squeeze %dma_wait3A_585 : memref<1x80x128xf32, #tpu.memory_space<vmem>> -> memref<80x128xf32, #tpu.memory_space<vmem>>
      %dma_wait3A_587 = arith.constant 0 : i32
      %dma_wait3A_588 = arith.constant 0 : i32
      %dma_wait3A_589 = tpu.memref_slice %arg5[%dma_wait3A_587, %dma_wait3A_588] : memref<632x128xf32, #tpu.memory_space<hbm>> -> memref<80x128xf32, #tpu.memory_space<hbm>>
      %dma_wait3A_590 = arith.constant 0 : i32
      %dma_wait3A_591 = arith.constant 0 : i32
      %dma_wait3A_592 = tpu.memref_slice %arg9[%dma_wait3A_582, %dma_wait3A_590, %dma_wait3A_591] : memref<4x80x128xf32, #tpu.memory_space<vmem>> -> memref<1x80x128xf32, #tpu.memory_space<vmem>>
      %dma_wait3A_593 = tpu.memref_squeeze %dma_wait3A_592 : memref<1x80x128xf32, #tpu.memory_space<vmem>> -> memref<80x128xf32, #tpu.memory_space<vmem>>
      %dma_wait3A_594 = arith.constant 0 : i32
      %dma_wait3A_595 = arith.constant 0 : i32
      %dma_wait3A_596 = tpu.memref_slice %arg5[%dma_wait3A_594, %dma_wait3A_595] : memref<632x128xf32, #tpu.memory_space<hbm>> -> memref<80x128xf32, #tpu.memory_space<hbm>>
      tpu.wait_dma2 semaphore(%arg14 : memref<!tpu.dma_semaphore, #tpu.memory_space<semaphore_mem>>) src(%dma_wait3A_596 : memref<80x128xf32, #tpu.memory_space<hbm>>) dst(%dma_wait3A_593 : memref<80x128xf32, #tpu.memory_space<vmem>>)
      %dma_start3A_597 = arith.constant 3 : i32
      %dma_start3A_598 = arith.constant 0 : i32
      %dma_start3A_599 = arith.constant 7 : i32
      %dma_start3A_600 = arith.constant 0 : i32
      %dma_start3A_601 = arith.constant 0 : i32
      %dma_start3A_602 = tpu.memref_slice %arg9[%dma_start3A_597, %dma_start3A_600, %dma_start3A_601] : memref<4x80x128xf32, #tpu.memory_space<vmem>> -> memref<1x80x128xf32, #tpu.memory_space<vmem>>
      %dma_start3A_603 = tpu.memref_squeeze %dma_start3A_602 : memref<1x80x128xf32, #tpu.memory_space<vmem>> -> memref<80x128xf32, #tpu.memory_space<vmem>>
      %dma_start3A_604 = arith.constant 0 : i32
      %dma_start3A_605 = tpu.memref_slice %arg8[%dma_start3A_598, %dma_start3A_599, %dma_start3A_604] : memref<2x8x80xi32, #tpu.memory_space<vmem>> -> memref<1x1x80xi32, #tpu.memory_space<vmem>>
      %dma_start3A_606 = tpu.memref_squeeze %dma_start3A_605 : memref<1x1x80xi32, #tpu.memory_space<vmem>> -> memref<80xi32, #tpu.memory_space<vmem>>
      %dma_start3A_607 = arith.constant 0 : i32
      %dma_start3A_608 = arith.constant 0 : i32
      %dma_start3A_609 = tpu.memref_slice %arg10[%dma_start3A_607, %dma_start3A_608] : memref<10112x128xf32, #tpu.memory_space<vmem_shared>> -> memref<10112x128xf32, #tpu.memory_space<vmem_shared>>
      tpu.enqueue_indirect_dma source(%dma_start3A_603 : memref<80x128xf32, #tpu.memory_space<vmem>>) target(%dma_start3A_609 : memref<10112x128xf32, #tpu.memory_space<vmem_shared>>) offsets(%dma_start3A_606 : memref<80xi32, #tpu.memory_space<vmem>>) semaphore(%arg18 : memref<!tpu.dma_semaphore, #tpu.memory_space<semaphore_mem>>) {add = true}
      %dma_wait3A_610 = arith.constant 2 : i32
      %dma_wait3A_611 = arith.constant 0 : i32
      %dma_wait3A_612 = arith.constant 6 : i32
      %dma_wait3A_613 = arith.constant 0 : i32
      %dma_wait3A_614 = arith.constant 0 : i32
      %dma_wait3A_615 = tpu.memref_slice %arg9[%dma_wait3A_610, %dma_wait3A_613, %dma_wait3A_614] : memref<4x80x128xf32, #tpu.memory_space<vmem>> -> memref<1x80x128xf32, #tpu.memory_space<vmem>>
      %dma_wait3A_616 = tpu.memref_squeeze %dma_wait3A_615 : memref<1x80x128xf32, #tpu.memory_space<vmem>> -> memref<80x128xf32, #tpu.memory_space<vmem>>
      %dma_wait3A_617 = arith.constant 0 : i32
      %dma_wait3A_618 = tpu.memref_slice %arg8[%dma_wait3A_611, %dma_wait3A_612, %dma_wait3A_617] : memref<2x8x80xi32, #tpu.memory_space<vmem>> -> memref<1x1x80xi32, #tpu.memory_space<vmem>>
      %dma_wait3A_619 = tpu.memref_squeeze %dma_wait3A_618 : memref<1x1x80xi32, #tpu.memory_space<vmem>> -> memref<80xi32, #tpu.memory_space<vmem>>
      %dma_wait3A_620 = arith.constant 0 : i32
      %dma_wait3A_621 = arith.constant 0 : i32
      %dma_wait3A_622 = tpu.memref_slice %arg10[%dma_wait3A_620, %dma_wait3A_621] : memref<10112x128xf32, #tpu.memory_space<vmem_shared>> -> memref<10112x128xf32, #tpu.memory_space<vmem_shared>>
      tpu.wait_indirect_dma semaphore(%arg17 : memref<!tpu.dma_semaphore, #tpu.memory_space<semaphore_mem>>) src(%dma_wait3A_616 : memref<80x128xf32, #tpu.memory_space<vmem>>) dst(%dma_wait3A_622 : memref<10112x128xf32, #tpu.memory_space<vmem_shared>>)
      %dma_start3A_623 = arith.constant 1 : i32
      %dma_start3A_624 = arith.constant 2 : i32
      %dma_start3A_625 = arith.constant 2 : i32
      %dma_start3A_626 = arith.constant 0 : i32
      %dma_start3A_627 = arith.constant 0 : i32
      %dma_start3A_628 = tpu.memref_slice %arg9[%dma_start3A_625, %dma_start3A_626, %dma_start3A_627] : memref<4x80x128xf32, #tpu.memory_space<vmem>> -> memref<1x80x128xf32, #tpu.memory_space<vmem>>
      %dma_start3A_629 = tpu.memref_squeeze %dma_start3A_628 : memref<1x80x128xf32, #tpu.memory_space<vmem>> -> memref<80x128xf32, #tpu.memory_space<vmem>>
      %dma_start3A_630 = arith.constant 0 : i32
      %dma_start3A_631 = tpu.memref_slice %arg7[%dma_start3A_623, %dma_start3A_624, %dma_start3A_630] : memref<2x8x80xi32, #tpu.memory_space<vmem>> -> memref<1x1x80xi32, #tpu.memory_space<vmem>>
      %dma_start3A_632 = tpu.memref_squeeze %dma_start3A_631 : memref<1x1x80xi32, #tpu.memory_space<vmem>> -> memref<80xi32, #tpu.memory_space<vmem>>
      %dma_start3A_633 = arith.constant 0 : i32
      %dma_start3A_634 = arith.constant 0 : i32
      %dma_start3A_635 = tpu.memref_slice %arg2[%dma_start3A_633, %dma_start3A_634] : memref<10000x128xf32, #tpu.memory_space<hbm>> -> memref<10000x128xf32, #tpu.memory_space<hbm>>
      tpu.enqueue_indirect_dma source(%dma_start3A_635 : memref<10000x128xf32, #tpu.memory_space<hbm>>) target(%dma_start3A_629 : memref<80x128xf32, #tpu.memory_space<vmem>>) offsets(%dma_start3A_632 : memref<80xi32, #tpu.memory_space<vmem>>) semaphore(%arg13 : memref<!tpu.dma_semaphore, #tpu.memory_space<semaphore_mem>>)
      %dma_wait3A_636 = arith.constant 0 : i32
      %dma_wait3A_637 = arith.constant 0 : i32
      %dma_wait3A_638 = arith.constant 0 : i32
      %dma_wait3A_639 = tpu.memref_slice %arg9[%dma_wait3A_636, %dma_wait3A_637, %dma_wait3A_638] : memref<4x80x128xf32, #tpu.memory_space<vmem>> -> memref<1x80x128xf32, #tpu.memory_space<vmem>>
      %dma_wait3A_640 = tpu.memref_squeeze %dma_wait3A_639 : memref<1x80x128xf32, #tpu.memory_space<vmem>> -> memref<80x128xf32, #tpu.memory_space<vmem>>
      %dma_wait3A_641 = arith.constant 0 : i32
      %dma_wait3A_642 = arith.constant 0 : i32
      %dma_wait3A_643 = tpu.memref_slice %arg5[%dma_wait3A_641, %dma_wait3A_642] : memref<632x128xf32, #tpu.memory_space<hbm>> -> memref<80x128xf32, #tpu.memory_space<hbm>>
      %dma_wait3A_644 = arith.constant 0 : i32
      %dma_wait3A_645 = arith.constant 0 : i32
      %dma_wait3A_646 = tpu.memref_slice %arg9[%dma_wait3A_636, %dma_wait3A_644, %dma_wait3A_645] : memref<4x80x128xf32, #tpu.memory_space<vmem>> -> memref<1x80x128xf32, #tpu.memory_space<vmem>>
      %dma_wait3A_647 = tpu.memref_squeeze %dma_wait3A_646 : memref<1x80x128xf32, #tpu.memory_space<vmem>> -> memref<80x128xf32, #tpu.memory_space<vmem>>
      %dma_wait3A_648 = arith.constant 0 : i32
      %dma_wait3A_649 = arith.constant 0 : i32
      %dma_wait3A_650 = tpu.memref_slice %arg5[%dma_wait3A_648, %dma_wait3A_649] : memref<632x128xf32, #tpu.memory_space<hbm>> -> memref<80x128xf32, #tpu.memory_space<hbm>>
      tpu.wait_dma2 semaphore(%arg11 : memref<!tpu.dma_semaphore, #tpu.memory_space<semaphore_mem>>) src(%dma_wait3A_650 : memref<80x128xf32, #tpu.memory_space<hbm>>) dst(%dma_wait3A_647 : memref<80x128xf32, #tpu.memory_space<vmem>>)
      %dma_start3A_651 = arith.constant 0 : i32
      %dma_start3A_652 = arith.constant 1 : i32
      %dma_start3A_653 = arith.constant 0 : i32
      %dma_start3A_654 = arith.constant 0 : i32
      %dma_start3A_655 = arith.constant 0 : i32
      %dma_start3A_656 = tpu.memref_slice %arg9[%dma_start3A_651, %dma_start3A_654, %dma_start3A_655] : memref<4x80x128xf32, #tpu.memory_space<vmem>> -> memref<1x80x128xf32, #tpu.memory_space<vmem>>
      %dma_start3A_657 = tpu.memref_squeeze %dma_start3A_656 : memref<1x80x128xf32, #tpu.memory_space<vmem>> -> memref<80x128xf32, #tpu.memory_space<vmem>>
      %dma_start3A_658 = arith.constant 0 : i32
      %dma_start3A_659 = tpu.memref_slice %arg8[%dma_start3A_652, %dma_start3A_653, %dma_start3A_658] : memref<2x8x80xi32, #tpu.memory_space<vmem>> -> memref<1x1x80xi32, #tpu.memory_space<vmem>>
      %dma_start3A_660 = tpu.memref_squeeze %dma_start3A_659 : memref<1x1x80xi32, #tpu.memory_space<vmem>> -> memref<80xi32, #tpu.memory_space<vmem>>
      %dma_start3A_661 = arith.constant 0 : i32
      %dma_start3A_662 = arith.constant 0 : i32
      %dma_start3A_663 = tpu.memref_slice %arg10[%dma_start3A_661, %dma_start3A_662] : memref<10112x128xf32, #tpu.memory_space<vmem_shared>> -> memref<10112x128xf32, #tpu.memory_space<vmem_shared>>
      tpu.enqueue_indirect_dma source(%dma_start3A_657 : memref<80x128xf32, #tpu.memory_space<vmem>>) target(%dma_start3A_663 : memref<10112x128xf32, #tpu.memory_space<vmem_shared>>) offsets(%dma_start3A_660 : memref<80xi32, #tpu.memory_space<vmem>>) semaphore(%arg15 : memref<!tpu.dma_semaphore, #tpu.memory_space<semaphore_mem>>) {add = true}
      %dma_wait3A_664 = arith.constant 3 : i32
      %dma_wait3A_665 = arith.constant 0 : i32
      %dma_wait3A_666 = arith.constant 7 : i32
      %dma_wait3A_667 = arith.constant 0 : i32
      %dma_wait3A_668 = arith.constant 0 : i32
      %dma_wait3A_669 = tpu.memref_slice %arg9[%dma_wait3A_664, %dma_wait3A_667, %dma_wait3A_668] : memref<4x80x128xf32, #tpu.memory_space<vmem>> -> memref<1x80x128xf32, #tpu.memory_space<vmem>>
      %dma_wait3A_670 = tpu.memref_squeeze %dma_wait3A_669 : memref<1x80x128xf32, #tpu.memory_space<vmem>> -> memref<80x128xf32, #tpu.memory_space<vmem>>
      %dma_wait3A_671 = arith.constant 0 : i32
      %dma_wait3A_672 = tpu.memref_slice %arg8[%dma_wait3A_665, %dma_wait3A_666, %dma_wait3A_671] : memref<2x8x80xi32, #tpu.memory_space<vmem>> -> memref<1x1x80xi32, #tpu.memory_space<vmem>>
      %dma_wait3A_673 = tpu.memref_squeeze %dma_wait3A_672 : memref<1x1x80xi32, #tpu.memory_space<vmem>> -> memref<80xi32, #tpu.memory_space<vmem>>
      %dma_wait3A_674 = arith.constant 0 : i32
      %dma_wait3A_675 = arith.constant 0 : i32
      %dma_wait3A_676 = tpu.memref_slice %arg10[%dma_wait3A_674, %dma_wait3A_675] : memref<10112x128xf32, #tpu.memory_space<vmem_shared>> -> memref<10112x128xf32, #tpu.memory_space<vmem_shared>>
      tpu.wait_indirect_dma semaphore(%arg18 : memref<!tpu.dma_semaphore, #tpu.memory_space<semaphore_mem>>) src(%dma_wait3A_670 : memref<80x128xf32, #tpu.memory_space<vmem>>) dst(%dma_wait3A_676 : memref<10112x128xf32, #tpu.memory_space<vmem_shared>>)
      %dma_start3A_677 = arith.constant 1 : i32
      %dma_start3A_678 = arith.constant 3 : i32
      %dma_start3A_679 = arith.constant 3 : i32
      %dma_start3A_680 = arith.constant 0 : i32
      %dma_start3A_681 = arith.constant 0 : i32
      %dma_start3A_682 = tpu.memref_slice %arg9[%dma_start3A_679, %dma_start3A_680, %dma_start3A_681] : memref<4x80x128xf32, #tpu.memory_space<vmem>> -> memref<1x80x128xf32, #tpu.memory_space<vmem>>
      %dma_start3A_683 = tpu.memref_squeeze %dma_start3A_682 : memref<1x80x128xf32, #tpu.memory_space<vmem>> -> memref<80x128xf32, #tpu.memory_space<vmem>>
      %dma_start3A_684 = arith.constant 0 : i32
      %dma_start3A_685 = tpu.memref_slice %arg7[%dma_start3A_677, %dma_start3A_678, %dma_start3A_684] : memref<2x8x80xi32, #tpu.memory_space<vmem>> -> memref<1x1x80xi32, #tpu.memory_space<vmem>>
      %dma_start3A_686 = tpu.memref_squeeze %dma_start3A_685 : memref<1x1x80xi32, #tpu.memory_space<vmem>> -> memref<80xi32, #tpu.memory_space<vmem>>
      %dma_start3A_687 = arith.constant 0 : i32
      %dma_start3A_688 = arith.constant 0 : i32
      %dma_start3A_689 = tpu.memref_slice %arg2[%dma_start3A_687, %dma_start3A_688] : memref<10000x128xf32, #tpu.memory_space<hbm>> -> memref<10000x128xf32, #tpu.memory_space<hbm>>
      tpu.enqueue_indirect_dma source(%dma_start3A_689 : memref<10000x128xf32, #tpu.memory_space<hbm>>) target(%dma_start3A_683 : memref<80x128xf32, #tpu.memory_space<vmem>>) offsets(%dma_start3A_686 : memref<80xi32, #tpu.memory_space<vmem>>) semaphore(%arg14 : memref<!tpu.dma_semaphore, #tpu.memory_space<semaphore_mem>>)
      %dma_wait3A_690 = arith.constant 1 : i32
      %dma_wait3A_691 = arith.constant 0 : i32
      %dma_wait3A_692 = arith.constant 0 : i32
      %dma_wait3A_693 = tpu.memref_slice %arg9[%dma_wait3A_690, %dma_wait3A_691, %dma_wait3A_692] : memref<4x80x128xf32, #tpu.memory_space<vmem>> -> memref<1x80x128xf32, #tpu.memory_space<vmem>>
      %dma_wait3A_694 = tpu.memref_squeeze %dma_wait3A_693 : memref<1x80x128xf32, #tpu.memory_space<vmem>> -> memref<80x128xf32, #tpu.memory_space<vmem>>
      %dma_wait3A_695 = arith.constant 0 : i32
      %dma_wait3A_696 = arith.constant 0 : i32
      %dma_wait3A_697 = tpu.memref_slice %arg5[%dma_wait3A_695, %dma_wait3A_696] : memref<632x128xf32, #tpu.memory_space<hbm>> -> memref<80x128xf32, #tpu.memory_space<hbm>>
      %dma_wait3A_698 = arith.constant 0 : i32
      %dma_wait3A_699 = arith.constant 0 : i32
      %dma_wait3A_700 = tpu.memref_slice %arg9[%dma_wait3A_690, %dma_wait3A_698, %dma_wait3A_699] : memref<4x80x128xf32, #tpu.memory_space<vmem>> -> memref<1x80x128xf32, #tpu.memory_space<vmem>>
      %dma_wait3A_701 = tpu.memref_squeeze %dma_wait3A_700 : memref<1x80x128xf32, #tpu.memory_space<vmem>> -> memref<80x128xf32, #tpu.memory_space<vmem>>
      %dma_wait3A_702 = arith.constant 0 : i32
      %dma_wait3A_703 = arith.constant 0 : i32
      %dma_wait3A_704 = tpu.memref_slice %arg5[%dma_wait3A_702, %dma_wait3A_703] : memref<632x128xf32, #tpu.memory_space<hbm>> -> memref<80x128xf32, #tpu.memory_space<hbm>>
      tpu.wait_dma2 semaphore(%arg12 : memref<!tpu.dma_semaphore, #tpu.memory_space<semaphore_mem>>) src(%dma_wait3A_704 : memref<80x128xf32, #tpu.memory_space<hbm>>) dst(%dma_wait3A_701 : memref<80x128xf32, #tpu.memory_space<vmem>>)
      %dma_start3A_705 = arith.constant 1 : i32
      %dma_start3A_706 = arith.constant 1 : i32
      %dma_start3A_707 = arith.constant 1 : i32
      %dma_start3A_708 = arith.constant 0 : i32
      %dma_start3A_709 = arith.constant 0 : i32
      %dma_start3A_710 = tpu.memref_slice %arg9[%dma_start3A_705, %dma_start3A_708, %dma_start3A_709] : memref<4x80x128xf32, #tpu.memory_space<vmem>> -> memref<1x80x128xf32, #tpu.memory_space<vmem>>
      %dma_start3A_711 = tpu.memref_squeeze %dma_start3A_710 : memref<1x80x128xf32, #tpu.memory_space<vmem>> -> memref<80x128xf32, #tpu.memory_space<vmem>>
      %dma_start3A_712 = arith.constant 0 : i32
      %dma_start3A_713 = tpu.memref_slice %arg8[%dma_start3A_706, %dma_start3A_707, %dma_start3A_712] : memref<2x8x80xi32, #tpu.memory_space<vmem>> -> memref<1x1x80xi32, #tpu.memory_space<vmem>>
      %dma_start3A_714 = tpu.memref_squeeze %dma_start3A_713 : memref<1x1x80xi32, #tpu.memory_space<vmem>> -> memref<80xi32, #tpu.memory_space<vmem>>
      %dma_start3A_715 = arith.constant 0 : i32
      %dma_start3A_716 = arith.constant 0 : i32
      %dma_start3A_717 = tpu.memref_slice %arg10[%dma_start3A_715, %dma_start3A_716] : memref<10112x128xf32, #tpu.memory_space<vmem_shared>> -> memref<10112x128xf32, #tpu.memory_space<vmem_shared>>
      tpu.enqueue_indirect_dma source(%dma_start3A_711 : memref<80x128xf32, #tpu.memory_space<vmem>>) target(%dma_start3A_717 : memref<10112x128xf32, #tpu.memory_space<vmem_shared>>) offsets(%dma_start3A_714 : memref<80xi32, #tpu.memory_space<vmem>>) semaphore(%arg16 : memref<!tpu.dma_semaphore, #tpu.memory_space<semaphore_mem>>) {add = true}
      %lt3A = arith.constant 7 : i32
      %lt3A_718 = arith.cmpi slt, %scan3A_129, %lt3A : i32
      %convert_element_type3A_719 = arith.extui %lt3A_718 : i1 to i32
      %cond3A_720 = arith.constant 0 : i32
      %cond3A_721 = arith.cmpi ne, %convert_element_type3A_719, %cond3A_720 : i32
      scf.if %cond3A_721 {
        %add3A_1030 = arith.constant 16 : i32
        %add3A_1031 = arith.addi %multiple_of3A, %add3A_1030 : i32
        %dma_start3A_1032 = arith.constant 0 : i32
        %dma_start3A_1033 = arith.constant 0 : i32
        %dma_start3A_1034 = arith.constant 0 : i32
        %dma_start3A_1035 = tpu.memref_slice %arg7[%dma_start3A_1032, %dma_start3A_1033, %dma_start3A_1034] : memref<2x8x80xi32, #tpu.memory_space<vmem>> -> memref<1x8x80xi32, #tpu.memory_space<vmem>>
        %dma_start3A_1036 = tpu.memref_squeeze %dma_start3A_1035 : memref<1x8x80xi32, #tpu.memory_space<vmem>> -> memref<8x80xi32, #tpu.memory_space<vmem>>
        %dma_start3A_1037 = arith.constant 0 : i32
        %dma_start3A_1038 = tpu.memref_slice %arg3[%arg0, %arg1, %add3A_1031, %dma_start3A_1037] : memref<2x16x128x80xi32, #tpu.memory_space<hbm>> -> memref<1x1x8x80xi32, #tpu.memory_space<hbm>>
        %dma_start3A_1039 = tpu.memref_squeeze %dma_start3A_1038 : memref<1x1x8x80xi32, #tpu.memory_space<hbm>> -> memref<8x80xi32, #tpu.memory_space<hbm>>
        %dma_start3A_1040 = arith.constant 0 : i32
        %dma_start3A_1041 = arith.constant 0 : i32
        %dma_start3A_1042 = tpu.memref_slice %arg7[%dma_start3A_1032, %dma_start3A_1040, %dma_start3A_1041] : memref<2x8x80xi32, #tpu.memory_space<vmem>> -> memref<1x8x80xi32, #tpu.memory_space<vmem>>
        %dma_start3A_1043 = tpu.memref_squeeze %dma_start3A_1042 : memref<1x8x80xi32, #tpu.memory_space<vmem>> -> memref<8x80xi32, #tpu.memory_space<vmem>>
        %dma_start3A_1044 = arith.constant 0 : i32
        %dma_start3A_1045 = tpu.memref_slice %arg3[%arg0, %arg1, %add3A_1031, %dma_start3A_1044] : memref<2x16x128x80xi32, #tpu.memory_space<hbm>> -> memref<1x1x8x80xi32, #tpu.memory_space<hbm>>
        %dma_start3A_1046 = tpu.memref_squeeze %dma_start3A_1045 : memref<1x1x8x80xi32, #tpu.memory_space<hbm>> -> memref<8x80xi32, #tpu.memory_space<hbm>>
        tpu.enqueue_dma source(%dma_start3A_1046 : memref<8x80xi32, #tpu.memory_space<hbm>>) target(%dma_start3A_1043 : memref<8x80xi32, #tpu.memory_space<vmem>>) target_semaphore(%arg19 : memref<!tpu.dma_semaphore, #tpu.memory_space<semaphore_mem>>)
        %dma_start3A_1047 = arith.constant 0 : i32
        %dma_start3A_1048 = arith.constant 0 : i32
        %dma_start3A_1049 = arith.constant 0 : i32
        %dma_start3A_1050 = tpu.memref_slice %arg8[%dma_start3A_1047, %dma_start3A_1048, %dma_start3A_1049] : memref<2x8x80xi32, #tpu.memory_space<vmem>> -> memref<1x8x80xi32, #tpu.memory_space<vmem>>
        %dma_start3A_1051 = tpu.memref_squeeze %dma_start3A_1050 : memref<1x8x80xi32, #tpu.memory_space<vmem>> -> memref<8x80xi32, #tpu.memory_space<vmem>>
        %dma_start3A_1052 = arith.constant 0 : i32
        %dma_start3A_1053 = tpu.memref_slice %arg4[%arg0, %arg1, %add3A_1031, %dma_start3A_1052] : memref<2x16x128x80xi32, #tpu.memory_space<hbm>> -> memref<1x1x8x80xi32, #tpu.memory_space<hbm>>
        %dma_start3A_1054 = tpu.memref_squeeze %dma_start3A_1053 : memref<1x1x8x80xi32, #tpu.memory_space<hbm>> -> memref<8x80xi32, #tpu.memory_space<hbm>>
        %dma_start3A_1055 = arith.constant 0 : i32
        %dma_start3A_1056 = arith.constant 0 : i32
        %dma_start3A_1057 = tpu.memref_slice %arg8[%dma_start3A_1047, %dma_start3A_1055, %dma_start3A_1056] : memref<2x8x80xi32, #tpu.memory_space<vmem>> -> memref<1x8x80xi32, #tpu.memory_space<vmem>>
        %dma_start3A_1058 = tpu.memref_squeeze %dma_start3A_1057 : memref<1x8x80xi32, #tpu.memory_space<vmem>> -> memref<8x80xi32, #tpu.memory_space<vmem>>
        %dma_start3A_1059 = arith.constant 0 : i32
        %dma_start3A_1060 = tpu.memref_slice %arg4[%arg0, %arg1, %add3A_1031, %dma_start3A_1059] : memref<2x16x128x80xi32, #tpu.memory_space<hbm>> -> memref<1x1x8x80xi32, #tpu.memory_space<hbm>>
        %dma_start3A_1061 = tpu.memref_squeeze %dma_start3A_1060 : memref<1x1x8x80xi32, #tpu.memory_space<hbm>> -> memref<8x80xi32, #tpu.memory_space<hbm>>
        tpu.enqueue_dma source(%dma_start3A_1061 : memref<8x80xi32, #tpu.memory_space<hbm>>) target(%dma_start3A_1058 : memref<8x80xi32, #tpu.memory_space<vmem>>) target_semaphore(%arg19 : memref<!tpu.dma_semaphore, #tpu.memory_space<semaphore_mem>>)
      } else {
      }
      %dma_wait3A_722 = arith.constant 0 : i32
      %dma_wait3A_723 = arith.constant 1 : i32
      %dma_wait3A_724 = arith.constant 0 : i32
      %dma_wait3A_725 = arith.constant 0 : i32
      %dma_wait3A_726 = arith.constant 0 : i32
      %dma_wait3A_727 = tpu.memref_slice %arg9[%dma_wait3A_722, %dma_wait3A_725, %dma_wait3A_726] : memref<4x80x128xf32, #tpu.memory_space<vmem>> -> memref<1x80x128xf32, #tpu.memory_space<vmem>>
      %dma_wait3A_728 = tpu.memref_squeeze %dma_wait3A_727 : memref<1x80x128xf32, #tpu.memory_space<vmem>> -> memref<80x128xf32, #tpu.memory_space<vmem>>
      %dma_wait3A_729 = arith.constant 0 : i32
      %dma_wait3A_730 = tpu.memref_slice %arg8[%dma_wait3A_723, %dma_wait3A_724, %dma_wait3A_729] : memref<2x8x80xi32, #tpu.memory_space<vmem>> -> memref<1x1x80xi32, #tpu.memory_space<vmem>>
      %dma_wait3A_731 = tpu.memref_squeeze %dma_wait3A_730 : memref<1x1x80xi32, #tpu.memory_space<vmem>> -> memref<80xi32, #tpu.memory_space<vmem>>
      %dma_wait3A_732 = arith.constant 0 : i32
      %dma_wait3A_733 = arith.constant 0 : i32
      %dma_wait3A_734 = tpu.memref_slice %arg10[%dma_wait3A_732, %dma_wait3A_733] : memref<10112x128xf32, #tpu.memory_space<vmem_shared>> -> memref<10112x128xf32, #tpu.memory_space<vmem_shared>>
      tpu.wait_indirect_dma semaphore(%arg15 : memref<!tpu.dma_semaphore, #tpu.memory_space<semaphore_mem>>) src(%dma_wait3A_728 : memref<80x128xf32, #tpu.memory_space<vmem>>) dst(%dma_wait3A_734 : memref<10112x128xf32, #tpu.memory_space<vmem_shared>>)
      %dma_start3A_735 = arith.constant 1 : i32
      %dma_start3A_736 = arith.constant 4 : i32
      %dma_start3A_737 = arith.constant 0 : i32
      %dma_start3A_738 = arith.constant 0 : i32
      %dma_start3A_739 = arith.constant 0 : i32
      %dma_start3A_740 = tpu.memref_slice %arg9[%dma_start3A_737, %dma_start3A_738, %dma_start3A_739] : memref<4x80x128xf32, #tpu.memory_space<vmem>> -> memref<1x80x128xf32, #tpu.memory_space<vmem>>
      %dma_start3A_741 = tpu.memref_squeeze %dma_start3A_740 : memref<1x80x128xf32, #tpu.memory_space<vmem>> -> memref<80x128xf32, #tpu.memory_space<vmem>>
      %dma_start3A_742 = arith.constant 0 : i32
      %dma_start3A_743 = tpu.memref_slice %arg7[%dma_start3A_735, %dma_start3A_736, %dma_start3A_742] : memref<2x8x80xi32, #tpu.memory_space<vmem>> -> memref<1x1x80xi32, #tpu.memory_space<vmem>>
      %dma_start3A_744 = tpu.memref_squeeze %dma_start3A_743 : memref<1x1x80xi32, #tpu.memory_space<vmem>> -> memref<80xi32, #tpu.memory_space<vmem>>
      %dma_start3A_745 = arith.constant 0 : i32
      %dma_start3A_746 = arith.constant 0 : i32
      %dma_start3A_747 = tpu.memref_slice %arg2[%dma_start3A_745, %dma_start3A_746] : memref<10000x128xf32, #tpu.memory_space<hbm>> -> memref<10000x128xf32, #tpu.memory_space<hbm>>
      tpu.enqueue_indirect_dma source(%dma_start3A_747 : memref<10000x128xf32, #tpu.memory_space<hbm>>) target(%dma_start3A_741 : memref<80x128xf32, #tpu.memory_space<vmem>>) offsets(%dma_start3A_744 : memref<80xi32, #tpu.memory_space<vmem>>) semaphore(%arg11 : memref<!tpu.dma_semaphore, #tpu.memory_space<semaphore_mem>>)
      %dma_wait3A_748 = arith.constant 2 : i32
      %dma_wait3A_749 = arith.constant 0 : i32
      %dma_wait3A_750 = arith.constant 0 : i32
      %dma_wait3A_751 = tpu.memref_slice %arg9[%dma_wait3A_748, %dma_wait3A_749, %dma_wait3A_750] : memref<4x80x128xf32, #tpu.memory_space<vmem>> -> memref<1x80x128xf32, #tpu.memory_space<vmem>>
      %dma_wait3A_752 = tpu.memref_squeeze %dma_wait3A_751 : memref<1x80x128xf32, #tpu.memory_space<vmem>> -> memref<80x128xf32, #tpu.memory_space<vmem>>
      %dma_wait3A_753 = arith.constant 0 : i32
      %dma_wait3A_754 = arith.constant 0 : i32
      %dma_wait3A_755 = tpu.memref_slice %arg5[%dma_wait3A_753, %dma_wait3A_754] : memref<632x128xf32, #tpu.memory_space<hbm>> -> memref<80x128xf32, #tpu.memory_space<hbm>>
      %dma_wait3A_756 = arith.constant 0 : i32
      %dma_wait3A_757 = arith.constant 0 : i32
      %dma_wait3A_758 = tpu.memref_slice %arg9[%dma_wait3A_748, %dma_wait3A_756, %dma_wait3A_757] : memref<4x80x128xf32, #tpu.memory_space<vmem>> -> memref<1x80x128xf32, #tpu.memory_space<vmem>>
      %dma_wait3A_759 = tpu.memref_squeeze %dma_wait3A_758 : memref<1x80x128xf32, #tpu.memory_space<vmem>> -> memref<80x128xf32, #tpu.memory_space<vmem>>
      %dma_wait3A_760 = arith.constant 0 : i32
      %dma_wait3A_761 = arith.constant 0 : i32
      %dma_wait3A_762 = tpu.memref_slice %arg5[%dma_wait3A_760, %dma_wait3A_761] : memref<632x128xf32, #tpu.memory_space<hbm>> -> memref<80x128xf32, #tpu.memory_space<hbm>>
      tpu.wait_dma2 semaphore(%arg13 : memref<!tpu.dma_semaphore, #tpu.memory_space<semaphore_mem>>) src(%dma_wait3A_762 : memref<80x128xf32, #tpu.memory_space<hbm>>) dst(%dma_wait3A_759 : memref<80x128xf32, #tpu.memory_space<vmem>>)
      %dma_start3A_763 = arith.constant 2 : i32
      %dma_start3A_764 = arith.constant 1 : i32
      %dma_start3A_765 = arith.constant 2 : i32
      %dma_start3A_766 = arith.constant 0 : i32
      %dma_start3A_767 = arith.constant 0 : i32
      %dma_start3A_768 = tpu.memref_slice %arg9[%dma_start3A_763, %dma_start3A_766, %dma_start3A_767] : memref<4x80x128xf32, #tpu.memory_space<vmem>> -> memref<1x80x128xf32, #tpu.memory_space<vmem>>
      %dma_start3A_769 = tpu.memref_squeeze %dma_start3A_768 : memref<1x80x128xf32, #tpu.memory_space<vmem>> -> memref<80x128xf32, #tpu.memory_space<vmem>>
      %dma_start3A_770 = arith.constant 0 : i32
      %dma_start3A_771 = tpu.memref_slice %arg8[%dma_start3A_764, %dma_start3A_765, %dma_start3A_770] : memref<2x8x80xi32, #tpu.memory_space<vmem>> -> memref<1x1x80xi32, #tpu.memory_space<vmem>>
      %dma_start3A_772 = tpu.memref_squeeze %dma_start3A_771 : memref<1x1x80xi32, #tpu.memory_space<vmem>> -> memref<80xi32, #tpu.memory_space<vmem>>
      %dma_start3A_773 = arith.constant 0 : i32
      %dma_start3A_774 = arith.constant 0 : i32
      %dma_start3A_775 = tpu.memref_slice %arg10[%dma_start3A_773, %dma_start3A_774] : memref<10112x128xf32, #tpu.memory_space<vmem_shared>> -> memref<10112x128xf32, #tpu.memory_space<vmem_shared>>
      tpu.enqueue_indirect_dma source(%dma_start3A_769 : memref<80x128xf32, #tpu.memory_space<vmem>>) target(%dma_start3A_775 : memref<10112x128xf32, #tpu.memory_space<vmem_shared>>) offsets(%dma_start3A_772 : memref<80xi32, #tpu.memory_space<vmem>>) semaphore(%arg17 : memref<!tpu.dma_semaphore, #tpu.memory_space<semaphore_mem>>) {add = true}
      %dma_wait3A_776 = arith.constant 1 : i32
      %dma_wait3A_777 = arith.constant 1 : i32
      %dma_wait3A_778 = arith.constant 1 : i32
      %dma_wait3A_779 = arith.constant 0 : i32
      %dma_wait3A_780 = arith.constant 0 : i32
      %dma_wait3A_781 = tpu.memref_slice %arg9[%dma_wait3A_776, %dma_wait3A_779, %dma_wait3A_780] : memref<4x80x128xf32, #tpu.memory_space<vmem>> -> memref<1x80x128xf32, #tpu.memory_space<vmem>>
      %dma_wait3A_782 = tpu.memref_squeeze %dma_wait3A_781 : memref<1x80x128xf32, #tpu.memory_space<vmem>> -> memref<80x128xf32, #tpu.memory_space<vmem>>
      %dma_wait3A_783 = arith.constant 0 : i32
      %dma_wait3A_784 = tpu.memref_slice %arg8[%dma_wait3A_777, %dma_wait3A_778, %dma_wait3A_783] : memref<2x8x80xi32, #tpu.memory_space<vmem>> -> memref<1x1x80xi32, #tpu.memory_space<vmem>>
      %dma_wait3A_785 = tpu.memref_squeeze %dma_wait3A_784 : memref<1x1x80xi32, #tpu.memory_space<vmem>> -> memref<80xi32, #tpu.memory_space<vmem>>
      %dma_wait3A_786 = arith.constant 0 : i32
      %dma_wait3A_787 = arith.constant 0 : i32
      %dma_wait3A_788 = tpu.memref_slice %arg10[%dma_wait3A_786, %dma_wait3A_787] : memref<10112x128xf32, #tpu.memory_space<vmem_shared>> -> memref<10112x128xf32, #tpu.memory_space<vmem_shared>>
      tpu.wait_indirect_dma semaphore(%arg16 : memref<!tpu.dma_semaphore, #tpu.memory_space<semaphore_mem>>) src(%dma_wait3A_782 : memref<80x128xf32, #tpu.memory_space<vmem>>) dst(%dma_wait3A_788 : memref<10112x128xf32, #tpu.memory_space<vmem_shared>>)
      %dma_start3A_789 = arith.constant 1 : i32
      %dma_start3A_790 = arith.constant 5 : i32
      %dma_start3A_791 = arith.constant 1 : i32
      %dma_start3A_792 = arith.constant 0 : i32
      %dma_start3A_793 = arith.constant 0 : i32
      %dma_start3A_794 = tpu.memref_slice %arg9[%dma_start3A_791, %dma_start3A_792, %dma_start3A_793] : memref<4x80x128xf32, #tpu.memory_space<vmem>> -> memref<1x80x128xf32, #tpu.memory_space<vmem>>
      %dma_start3A_795 = tpu.memref_squeeze %dma_start3A_794 : memref<1x80x128xf32, #tpu.memory_space<vmem>> -> memref<80x128xf32, #tpu.memory_space<vmem>>
      %dma_start3A_796 = arith.constant 0 : i32
      %dma_start3A_797 = tpu.memref_slice %arg7[%dma_start3A_789, %dma_start3A_790, %dma_start3A_796] : memref<2x8x80xi32, #tpu.memory_space<vmem>> -> memref<1x1x80xi32, #tpu.memory_space<vmem>>
      %dma_start3A_798 = tpu.memref_squeeze %dma_start3A_797 : memref<1x1x80xi32, #tpu.memory_space<vmem>> -> memref<80xi32, #tpu.memory_space<vmem>>
      %dma_start3A_799 = arith.constant 0 : i32
      %dma_start3A_800 = arith.constant 0 : i32
      %dma_start3A_801 = tpu.memref_slice %arg2[%dma_start3A_799, %dma_start3A_800] : memref<10000x128xf32, #tpu.memory_space<hbm>> -> memref<10000x128xf32, #tpu.memory_space<hbm>>
      tpu.enqueue_indirect_dma source(%dma_start3A_801 : memref<10000x128xf32, #tpu.memory_space<hbm>>) target(%dma_start3A_795 : memref<80x128xf32, #tpu.memory_space<vmem>>) offsets(%dma_start3A_798 : memref<80xi32, #tpu.memory_space<vmem>>) semaphore(%arg12 : memref<!tpu.dma_semaphore, #tpu.memory_space<semaphore_mem>>)
      %dma_wait3A_802 = arith.constant 3 : i32
      %dma_wait3A_803 = arith.constant 0 : i32
      %dma_wait3A_804 = arith.constant 0 : i32
      %dma_wait3A_805 = tpu.memref_slice %arg9[%dma_wait3A_802, %dma_wait3A_803, %dma_wait3A_804] : memref<4x80x128xf32, #tpu.memory_space<vmem>> -> memref<1x80x128xf32, #tpu.memory_space<vmem>>
      %dma_wait3A_806 = tpu.memref_squeeze %dma_wait3A_805 : memref<1x80x128xf32, #tpu.memory_space<vmem>> -> memref<80x128xf32, #tpu.memory_space<vmem>>
      %dma_wait3A_807 = arith.constant 0 : i32
      %dma_wait3A_808 = arith.constant 0 : i32
      %dma_wait3A_809 = tpu.memref_slice %arg5[%dma_wait3A_807, %dma_wait3A_808] : memref<632x128xf32, #tpu.memory_space<hbm>> -> memref<80x128xf32, #tpu.memory_space<hbm>>
      %dma_wait3A_810 = arith.constant 0 : i32
      %dma_wait3A_811 = arith.constant 0 : i32
      %dma_wait3A_812 = tpu.memref_slice %arg9[%dma_wait3A_802, %dma_wait3A_810, %dma_wait3A_811] : memref<4x80x128xf32, #tpu.memory_space<vmem>> -> memref<1x80x128xf32, #tpu.memory_space<vmem>>
      %dma_wait3A_813 = tpu.memref_squeeze %dma_wait3A_812 : memref<1x80x128xf32, #tpu.memory_space<vmem>> -> memref<80x128xf32, #tpu.memory_space<vmem>>
      %dma_wait3A_814 = arith.constant 0 : i32
      %dma_wait3A_815 = arith.constant 0 : i32
      %dma_wait3A_816 = tpu.memref_slice %arg5[%dma_wait3A_814, %dma_wait3A_815] : memref<632x128xf32, #tpu.memory_space<hbm>> -> memref<80x128xf32, #tpu.memory_space<hbm>>
      tpu.wait_dma2 semaphore(%arg14 : memref<!tpu.dma_semaphore, #tpu.memory_space<semaphore_mem>>) src(%dma_wait3A_816 : memref<80x128xf32, #tpu.memory_space<hbm>>) dst(%dma_wait3A_813 : memref<80x128xf32, #tpu.memory_space<vmem>>)
      %dma_start3A_817 = arith.constant 3 : i32
      %dma_start3A_818 = arith.constant 1 : i32
      %dma_start3A_819 = arith.constant 3 : i32
      %dma_start3A_820 = arith.constant 0 : i32
      %dma_start3A_821 = arith.constant 0 : i32
      %dma_start3A_822 = tpu.memref_slice %arg9[%dma_start3A_817, %dma_start3A_820, %dma_start3A_821] : memref<4x80x128xf32, #tpu.memory_space<vmem>> -> memref<1x80x128xf32, #tpu.memory_space<vmem>>
      %dma_start3A_823 = tpu.memref_squeeze %dma_start3A_822 : memref<1x80x128xf32, #tpu.memory_space<vmem>> -> memref<80x128xf32, #tpu.memory_space<vmem>>
      %dma_start3A_824 = arith.constant 0 : i32
      %dma_start3A_825 = tpu.memref_slice %arg8[%dma_start3A_818, %dma_start3A_819, %dma_start3A_824] : memref<2x8x80xi32, #tpu.memory_space<vmem>> -> memref<1x1x80xi32, #tpu.memory_space<vmem>>
      %dma_start3A_826 = tpu.memref_squeeze %dma_start3A_825 : memref<1x1x80xi32, #tpu.memory_space<vmem>> -> memref<80xi32, #tpu.memory_space<vmem>>
      %dma_start3A_827 = arith.constant 0 : i32
      %dma_start3A_828 = arith.constant 0 : i32
      %dma_start3A_829 = tpu.memref_slice %arg10[%dma_start3A_827, %dma_start3A_828] : memref<10112x128xf32, #tpu.memory_space<vmem_shared>> -> memref<10112x128xf32, #tpu.memory_space<vmem_shared>>
      tpu.enqueue_indirect_dma source(%dma_start3A_823 : memref<80x128xf32, #tpu.memory_space<vmem>>) target(%dma_start3A_829 : memref<10112x128xf32, #tpu.memory_space<vmem_shared>>) offsets(%dma_start3A_826 : memref<80xi32, #tpu.memory_space<vmem>>) semaphore(%arg18 : memref<!tpu.dma_semaphore, #tpu.memory_space<semaphore_mem>>) {add = true}
      %dma_wait3A_830 = arith.constant 2 : i32
      %dma_wait3A_831 = arith.constant 1 : i32
      %dma_wait3A_832 = arith.constant 2 : i32
      %dma_wait3A_833 = arith.constant 0 : i32
      %dma_wait3A_834 = arith.constant 0 : i32
      %dma_wait3A_835 = tpu.memref_slice %arg9[%dma_wait3A_830, %dma_wait3A_833, %dma_wait3A_834] : memref<4x80x128xf32, #tpu.memory_space<vmem>> -> memref<1x80x128xf32, #tpu.memory_space<vmem>>
      %dma_wait3A_836 = tpu.memref_squeeze %dma_wait3A_835 : memref<1x80x128xf32, #tpu.memory_space<vmem>> -> memref<80x128xf32, #tpu.memory_space<vmem>>
      %dma_wait3A_837 = arith.constant 0 : i32
      %dma_wait3A_838 = tpu.memref_slice %arg8[%dma_wait3A_831, %dma_wait3A_832, %dma_wait3A_837] : memref<2x8x80xi32, #tpu.memory_space<vmem>> -> memref<1x1x80xi32, #tpu.memory_space<vmem>>
      %dma_wait3A_839 = tpu.memref_squeeze %dma_wait3A_838 : memref<1x1x80xi32, #tpu.memory_space<vmem>> -> memref<80xi32, #tpu.memory_space<vmem>>
      %dma_wait3A_840 = arith.constant 0 : i32
      %dma_wait3A_841 = arith.constant 0 : i32
      %dma_wait3A_842 = tpu.memref_slice %arg10[%dma_wait3A_840, %dma_wait3A_841] : memref<10112x128xf32, #tpu.memory_space<vmem_shared>> -> memref<10112x128xf32, #tpu.memory_space<vmem_shared>>
      tpu.wait_indirect_dma semaphore(%arg17 : memref<!tpu.dma_semaphore, #tpu.memory_space<semaphore_mem>>) src(%dma_wait3A_836 : memref<80x128xf32, #tpu.memory_space<vmem>>) dst(%dma_wait3A_842 : memref<10112x128xf32, #tpu.memory_space<vmem_shared>>)
      %dma_start3A_843 = arith.constant 1 : i32
      %dma_start3A_844 = arith.constant 6 : i32
      %dma_start3A_845 = arith.constant 2 : i32
      %dma_start3A_846 = arith.constant 0 : i32
      %dma_start3A_847 = arith.constant 0 : i32
      %dma_start3A_848 = tpu.memref_slice %arg9[%dma_start3A_845, %dma_start3A_846, %dma_start3A_847] : memref<4x80x128xf32, #tpu.memory_space<vmem>> -> memref<1x80x128xf32, #tpu.memory_space<vmem>>
      %dma_start3A_849 = tpu.memref_squeeze %dma_start3A_848 : memref<1x80x128xf32, #tpu.memory_space<vmem>> -> memref<80x128xf32, #tpu.memory_space<vmem>>
      %dma_start3A_850 = arith.constant 0 : i32
      %dma_start3A_851 = tpu.memref_slice %arg7[%dma_start3A_843, %dma_start3A_844, %dma_start3A_850] : memref<2x8x80xi32, #tpu.memory_space<vmem>> -> memref<1x1x80xi32, #tpu.memory_space<vmem>>
      %dma_start3A_852 = tpu.memref_squeeze %dma_start3A_851 : memref<1x1x80xi32, #tpu.memory_space<vmem>> -> memref<80xi32, #tpu.memory_space<vmem>>
      %dma_start3A_853 = arith.constant 0 : i32
      %dma_start3A_854 = arith.constant 0 : i32
      %dma_start3A_855 = tpu.memref_slice %arg2[%dma_start3A_853, %dma_start3A_854] : memref<10000x128xf32, #tpu.memory_space<hbm>> -> memref<10000x128xf32, #tpu.memory_space<hbm>>
      tpu.enqueue_indirect_dma source(%dma_start3A_855 : memref<10000x128xf32, #tpu.memory_space<hbm>>) target(%dma_start3A_849 : memref<80x128xf32, #tpu.memory_space<vmem>>) offsets(%dma_start3A_852 : memref<80xi32, #tpu.memory_space<vmem>>) semaphore(%arg13 : memref<!tpu.dma_semaphore, #tpu.memory_space<semaphore_mem>>)
      %dma_wait3A_856 = arith.constant 0 : i32
      %dma_wait3A_857 = arith.constant 0 : i32
      %dma_wait3A_858 = arith.constant 0 : i32
      %dma_wait3A_859 = tpu.memref_slice %arg9[%dma_wait3A_856, %dma_wait3A_857, %dma_wait3A_858] : memref<4x80x128xf32, #tpu.memory_space<vmem>> -> memref<1x80x128xf32, #tpu.memory_space<vmem>>
      %dma_wait3A_860 = tpu.memref_squeeze %dma_wait3A_859 : memref<1x80x128xf32, #tpu.memory_space<vmem>> -> memref<80x128xf32, #tpu.memory_space<vmem>>
      %dma_wait3A_861 = arith.constant 0 : i32
      %dma_wait3A_862 = arith.constant 0 : i32
      %dma_wait3A_863 = tpu.memref_slice %arg5[%dma_wait3A_861, %dma_wait3A_862] : memref<632x128xf32, #tpu.memory_space<hbm>> -> memref<80x128xf32, #tpu.memory_space<hbm>>
      %dma_wait3A_864 = arith.constant 0 : i32
      %dma_wait3A_865 = arith.constant 0 : i32
      %dma_wait3A_866 = tpu.memref_slice %arg9[%dma_wait3A_856, %dma_wait3A_864, %dma_wait3A_865] : memref<4x80x128xf32, #tpu.memory_space<vmem>> -> memref<1x80x128xf32, #tpu.memory_space<vmem>>
      %dma_wait3A_867 = tpu.memref_squeeze %dma_wait3A_866 : memref<1x80x128xf32, #tpu.memory_space<vmem>> -> memref<80x128xf32, #tpu.memory_space<vmem>>
      %dma_wait3A_868 = arith.constant 0 : i32
      %dma_wait3A_869 = arith.constant 0 : i32
      %dma_wait3A_870 = tpu.memref_slice %arg5[%dma_wait3A_868, %dma_wait3A_869] : memref<632x128xf32, #tpu.memory_space<hbm>> -> memref<80x128xf32, #tpu.memory_space<hbm>>
      tpu.wait_dma2 semaphore(%arg11 : memref<!tpu.dma_semaphore, #tpu.memory_space<semaphore_mem>>) src(%dma_wait3A_870 : memref<80x128xf32, #tpu.memory_space<hbm>>) dst(%dma_wait3A_867 : memref<80x128xf32, #tpu.memory_space<vmem>>)
      %dma_start3A_871 = arith.constant 0 : i32
      %dma_start3A_872 = arith.constant 1 : i32
      %dma_start3A_873 = arith.constant 4 : i32
      %dma_start3A_874 = arith.constant 0 : i32
      %dma_start3A_875 = arith.constant 0 : i32
      %dma_start3A_876 = tpu.memref_slice %arg9[%dma_start3A_871, %dma_start3A_874, %dma_start3A_875] : memref<4x80x128xf32, #tpu.memory_space<vmem>> -> memref<1x80x128xf32, #tpu.memory_space<vmem>>
      %dma_start3A_877 = tpu.memref_squeeze %dma_start3A_876 : memref<1x80x128xf32, #tpu.memory_space<vmem>> -> memref<80x128xf32, #tpu.memory_space<vmem>>
      %dma_start3A_878 = arith.constant 0 : i32
      %dma_start3A_879 = tpu.memref_slice %arg8[%dma_start3A_872, %dma_start3A_873, %dma_start3A_878] : memref<2x8x80xi32, #tpu.memory_space<vmem>> -> memref<1x1x80xi32, #tpu.memory_space<vmem>>
      %dma_start3A_880 = tpu.memref_squeeze %dma_start3A_879 : memref<1x1x80xi32, #tpu.memory_space<vmem>> -> memref<80xi32, #tpu.memory_space<vmem>>
      %dma_start3A_881 = arith.constant 0 : i32
      %dma_start3A_882 = arith.constant 0 : i32
      %dma_start3A_883 = tpu.memref_slice %arg10[%dma_start3A_881, %dma_start3A_882] : memref<10112x128xf32, #tpu.memory_space<vmem_shared>> -> memref<10112x128xf32, #tpu.memory_space<vmem_shared>>
      tpu.enqueue_indirect_dma source(%dma_start3A_877 : memref<80x128xf32, #tpu.memory_space<vmem>>) target(%dma_start3A_883 : memref<10112x128xf32, #tpu.memory_space<vmem_shared>>) offsets(%dma_start3A_880 : memref<80xi32, #tpu.memory_space<vmem>>) semaphore(%arg15 : memref<!tpu.dma_semaphore, #tpu.memory_space<semaphore_mem>>) {add = true}
      %dma_wait3A_884 = arith.constant 3 : i32
      %dma_wait3A_885 = arith.constant 1 : i32
      %dma_wait3A_886 = arith.constant 3 : i32
      %dma_wait3A_887 = arith.constant 0 : i32
      %dma_wait3A_888 = arith.constant 0 : i32
      %dma_wait3A_889 = tpu.memref_slice %arg9[%dma_wait3A_884, %dma_wait3A_887, %dma_wait3A_888] : memref<4x80x128xf32, #tpu.memory_space<vmem>> -> memref<1x80x128xf32, #tpu.memory_space<vmem>>
      %dma_wait3A_890 = tpu.memref_squeeze %dma_wait3A_889 : memref<1x80x128xf32, #tpu.memory_space<vmem>> -> memref<80x128xf32, #tpu.memory_space<vmem>>
      %dma_wait3A_891 = arith.constant 0 : i32
      %dma_wait3A_892 = tpu.memref_slice %arg8[%dma_wait3A_885, %dma_wait3A_886, %dma_wait3A_891] : memref<2x8x80xi32, #tpu.memory_space<vmem>> -> memref<1x1x80xi32, #tpu.memory_space<vmem>>
      %dma_wait3A_893 = tpu.memref_squeeze %dma_wait3A_892 : memref<1x1x80xi32, #tpu.memory_space<vmem>> -> memref<80xi32, #tpu.memory_space<vmem>>
      %dma_wait3A_894 = arith.constant 0 : i32
      %dma_wait3A_895 = arith.constant 0 : i32
      %dma_wait3A_896 = tpu.memref_slice %arg10[%dma_wait3A_894, %dma_wait3A_895] : memref<10112x128xf32, #tpu.memory_space<vmem_shared>> -> memref<10112x128xf32, #tpu.memory_space<vmem_shared>>
      tpu.wait_indirect_dma semaphore(%arg18 : memref<!tpu.dma_semaphore, #tpu.memory_space<semaphore_mem>>) src(%dma_wait3A_890 : memref<80x128xf32, #tpu.memory_space<vmem>>) dst(%dma_wait3A_896 : memref<10112x128xf32, #tpu.memory_space<vmem_shared>>)
      %dma_start3A_897 = arith.constant 1 : i32
      %dma_start3A_898 = arith.constant 7 : i32
      %dma_start3A_899 = arith.constant 3 : i32
      %dma_start3A_900 = arith.constant 0 : i32
      %dma_start3A_901 = arith.constant 0 : i32
      %dma_start3A_902 = tpu.memref_slice %arg9[%dma_start3A_899, %dma_start3A_900, %dma_start3A_901] : memref<4x80x128xf32, #tpu.memory_space<vmem>> -> memref<1x80x128xf32, #tpu.memory_space<vmem>>
      %dma_start3A_903 = tpu.memref_squeeze %dma_start3A_902 : memref<1x80x128xf32, #tpu.memory_space<vmem>> -> memref<80x128xf32, #tpu.memory_space<vmem>>
      %dma_start3A_904 = arith.constant 0 : i32
      %dma_start3A_905 = tpu.memref_slice %arg7[%dma_start3A_897, %dma_start3A_898, %dma_start3A_904] : memref<2x8x80xi32, #tpu.memory_space<vmem>> -> memref<1x1x80xi32, #tpu.memory_space<vmem>>
      %dma_start3A_906 = tpu.memref_squeeze %dma_start3A_905 : memref<1x1x80xi32, #tpu.memory_space<vmem>> -> memref<80xi32, #tpu.memory_space<vmem>>
      %dma_start3A_907 = arith.constant 0 : i32
      %dma_start3A_908 = arith.constant 0 : i32
      %dma_start3A_909 = tpu.memref_slice %arg2[%dma_start3A_907, %dma_start3A_908] : memref<10000x128xf32, #tpu.memory_space<hbm>> -> memref<10000x128xf32, #tpu.memory_space<hbm>>
      tpu.enqueue_indirect_dma source(%dma_start3A_909 : memref<10000x128xf32, #tpu.memory_space<hbm>>) target(%dma_start3A_903 : memref<80x128xf32, #tpu.memory_space<vmem>>) offsets(%dma_start3A_906 : memref<80xi32, #tpu.memory_space<vmem>>) semaphore(%arg14 : memref<!tpu.dma_semaphore, #tpu.memory_space<semaphore_mem>>)
      %dma_wait3A_910 = arith.constant 1 : i32
      %dma_wait3A_911 = arith.constant 0 : i32
      %dma_wait3A_912 = arith.constant 0 : i32
      %dma_wait3A_913 = tpu.memref_slice %arg9[%dma_wait3A_910, %dma_wait3A_911, %dma_wait3A_912] : memref<4x80x128xf32, #tpu.memory_space<vmem>> -> memref<1x80x128xf32, #tpu.memory_space<vmem>>
      %dma_wait3A_914 = tpu.memref_squeeze %dma_wait3A_913 : memref<1x80x128xf32, #tpu.memory_space<vmem>> -> memref<80x128xf32, #tpu.memory_space<vmem>>
      %dma_wait3A_915 = arith.constant 0 : i32
      %dma_wait3A_916 = arith.constant 0 : i32
      %dma_wait3A_917 = tpu.memref_slice %arg5[%dma_wait3A_915, %dma_wait3A_916] : memref<632x128xf32, #tpu.memory_space<hbm>> -> memref<80x128xf32, #tpu.memory_space<hbm>>
      %dma_wait3A_918 = arith.constant 0 : i32
      %dma_wait3A_919 = arith.constant 0 : i32
      %dma_wait3A_920 = tpu.memref_slice %arg9[%dma_wait3A_910, %dma_wait3A_918, %dma_wait3A_919] : memref<4x80x128xf32, #tpu.memory_space<vmem>> -> memref<1x80x128xf32, #tpu.memory_space<vmem>>
      %dma_wait3A_921 = tpu.memref_squeeze %dma_wait3A_920 : memref<1x80x128xf32, #tpu.memory_space<vmem>> -> memref<80x128xf32, #tpu.memory_space<vmem>>
      %dma_wait3A_922 = arith.constant 0 : i32
      %dma_wait3A_923 = arith.constant 0 : i32
      %dma_wait3A_924 = tpu.memref_slice %arg5[%dma_wait3A_922, %dma_wait3A_923] : memref<632x128xf32, #tpu.memory_space<hbm>> -> memref<80x128xf32, #tpu.memory_space<hbm>>
      tpu.wait_dma2 semaphore(%arg12 : memref<!tpu.dma_semaphore, #tpu.memory_space<semaphore_mem>>) src(%dma_wait3A_924 : memref<80x128xf32, #tpu.memory_space<hbm>>) dst(%dma_wait3A_921 : memref<80x128xf32, #tpu.memory_space<vmem>>)
      %dma_start3A_925 = arith.constant 1 : i32
      %dma_start3A_926 = arith.constant 1 : i32
      %dma_start3A_927 = arith.constant 5 : i32
      %dma_start3A_928 = arith.constant 0 : i32
      %dma_start3A_929 = arith.constant 0 : i32
      %dma_start3A_930 = tpu.memref_slice %arg9[%dma_start3A_925, %dma_start3A_928, %dma_start3A_929] : memref<4x80x128xf32, #tpu.memory_space<vmem>> -> memref<1x80x128xf32, #tpu.memory_space<vmem>>
      %dma_start3A_931 = tpu.memref_squeeze %dma_start3A_930 : memref<1x80x128xf32, #tpu.memory_space<vmem>> -> memref<80x128xf32, #tpu.memory_space<vmem>>
      %dma_start3A_932 = arith.constant 0 : i32
      %dma_start3A_933 = tpu.memref_slice %arg8[%dma_start3A_926, %dma_start3A_927, %dma_start3A_932] : memref<2x8x80xi32, #tpu.memory_space<vmem>> -> memref<1x1x80xi32, #tpu.memory_space<vmem>>
      %dma_start3A_934 = tpu.memref_squeeze %dma_start3A_933 : memref<1x1x80xi32, #tpu.memory_space<vmem>> -> memref<80xi32, #tpu.memory_space<vmem>>
      %dma_start3A_935 = arith.constant 0 : i32
      %dma_start3A_936 = arith.constant 0 : i32
      %dma_start3A_937 = tpu.memref_slice %arg10[%dma_start3A_935, %dma_start3A_936] : memref<10112x128xf32, #tpu.memory_space<vmem_shared>> -> memref<10112x128xf32, #tpu.memory_space<vmem_shared>>
      tpu.enqueue_indirect_dma source(%dma_start3A_931 : memref<80x128xf32, #tpu.memory_space<vmem>>) target(%dma_start3A_937 : memref<10112x128xf32, #tpu.memory_space<vmem_shared>>) offsets(%dma_start3A_934 : memref<80xi32, #tpu.memory_space<vmem>>) semaphore(%arg16 : memref<!tpu.dma_semaphore, #tpu.memory_space<semaphore_mem>>) {add = true}
      %dma_wait3A_938 = arith.constant 0 : i32
      %dma_wait3A_939 = arith.constant 1 : i32
      %dma_wait3A_940 = arith.constant 4 : i32
      %dma_wait3A_941 = arith.constant 0 : i32
      %dma_wait3A_942 = arith.constant 0 : i32
      %dma_wait3A_943 = tpu.memref_slice %arg9[%dma_wait3A_938, %dma_wait3A_941, %dma_wait3A_942] : memref<4x80x128xf32, #tpu.memory_space<vmem>> -> memref<1x80x128xf32, #tpu.memory_space<vmem>>
      %dma_wait3A_944 = tpu.memref_squeeze %dma_wait3A_943 : memref<1x80x128xf32, #tpu.memory_space<vmem>> -> memref<80x128xf32, #tpu.memory_space<vmem>>
      %dma_wait3A_945 = arith.constant 0 : i32
      %dma_wait3A_946 = tpu.memref_slice %arg8[%dma_wait3A_939, %dma_wait3A_940, %dma_wait3A_945] : memref<2x8x80xi32, #tpu.memory_space<vmem>> -> memref<1x1x80xi32, #tpu.memory_space<vmem>>
      %dma_wait3A_947 = tpu.memref_squeeze %dma_wait3A_946 : memref<1x1x80xi32, #tpu.memory_space<vmem>> -> memref<80xi32, #tpu.memory_space<vmem>>
      %dma_wait3A_948 = arith.constant 0 : i32
      %dma_wait3A_949 = arith.constant 0 : i32
      %dma_wait3A_950 = tpu.memref_slice %arg10[%dma_wait3A_948, %dma_wait3A_949] : memref<10112x128xf32, #tpu.memory_space<vmem_shared>> -> memref<10112x128xf32, #tpu.memory_space<vmem_shared>>
      tpu.wait_indirect_dma semaphore(%arg15 : memref<!tpu.dma_semaphore, #tpu.memory_space<semaphore_mem>>) src(%dma_wait3A_944 : memref<80x128xf32, #tpu.memory_space<vmem>>) dst(%dma_wait3A_950 : memref<10112x128xf32, #tpu.memory_space<vmem_shared>>)
      %lt3A_951 = arith.constant 7 : i32
      %lt3A_952 = arith.cmpi slt, %scan3A_129, %lt3A_951 : i32
      %convert_element_type3A_953 = arith.extui %lt3A_952 : i1 to i32
      %cond3A_954 = arith.constant 0 : i32
      %cond3A_955 = arith.cmpi ne, %convert_element_type3A_953, %cond3A_954 : i32
      scf.if %cond3A_955 {
        %dma_wait3A_1030 = arith.constant 0 : i32
        %dma_wait3A_1031 = arith.constant 0 : i32
        %dma_wait3A_1032 = arith.constant 0 : i32
        %dma_wait3A_1033 = tpu.memref_slice %arg7[%dma_wait3A_1030, %dma_wait3A_1031, %dma_wait3A_1032] : memref<2x8x80xi32, #tpu.memory_space<vmem>> -> memref<1x8x80xi32, #tpu.memory_space<vmem>>
        %dma_wait3A_1034 = tpu.memref_squeeze %dma_wait3A_1033 : memref<1x8x80xi32, #tpu.memory_space<vmem>> -> memref<8x80xi32, #tpu.memory_space<vmem>>
        %dma_wait3A_1035 = arith.constant 0 : i32
        %dma_wait3A_1036 = arith.constant 0 : i32
        %dma_wait3A_1037 = tpu.memref_slice %arg3[%arg0, %arg1, %dma_wait3A_1035, %dma_wait3A_1036] : memref<2x16x128x80xi32, #tpu.memory_space<hbm>> -> memref<1x1x8x80xi32, #tpu.memory_space<hbm>>
        %dma_wait3A_1038 = tpu.memref_squeeze %dma_wait3A_1037 : memref<1x1x8x80xi32, #tpu.memory_space<hbm>> -> memref<8x80xi32, #tpu.memory_space<hbm>>
        %dma_wait3A_1039 = arith.constant 0 : i32
        %dma_wait3A_1040 = arith.constant 0 : i32
        %dma_wait3A_1041 = tpu.memref_slice %arg7[%dma_wait3A_1030, %dma_wait3A_1039, %dma_wait3A_1040] : memref<2x8x80xi32, #tpu.memory_space<vmem>> -> memref<1x8x80xi32, #tpu.memory_space<vmem>>
        %dma_wait3A_1042 = tpu.memref_squeeze %dma_wait3A_1041 : memref<1x8x80xi32, #tpu.memory_space<vmem>> -> memref<8x80xi32, #tpu.memory_space<vmem>>
        %dma_wait3A_1043 = arith.constant 0 : i32
        %dma_wait3A_1044 = arith.constant 0 : i32
        %dma_wait3A_1045 = tpu.memref_slice %arg3[%arg0, %arg1, %dma_wait3A_1043, %dma_wait3A_1044] : memref<2x16x128x80xi32, #tpu.memory_space<hbm>> -> memref<1x1x8x80xi32, #tpu.memory_space<hbm>>
        %dma_wait3A_1046 = tpu.memref_squeeze %dma_wait3A_1045 : memref<1x1x8x80xi32, #tpu.memory_space<hbm>> -> memref<8x80xi32, #tpu.memory_space<hbm>>
        tpu.wait_dma2 semaphore(%arg19 : memref<!tpu.dma_semaphore, #tpu.memory_space<semaphore_mem>>) src(%dma_wait3A_1046 : memref<8x80xi32, #tpu.memory_space<hbm>>) dst(%dma_wait3A_1042 : memref<8x80xi32, #tpu.memory_space<vmem>>)
        %dma_wait3A_1047 = arith.constant 0 : i32
        %dma_wait3A_1048 = arith.constant 0 : i32
        %dma_wait3A_1049 = arith.constant 0 : i32
        %dma_wait3A_1050 = tpu.memref_slice %arg8[%dma_wait3A_1047, %dma_wait3A_1048, %dma_wait3A_1049] : memref<2x8x80xi32, #tpu.memory_space<vmem>> -> memref<1x8x80xi32, #tpu.memory_space<vmem>>
        %dma_wait3A_1051 = tpu.memref_squeeze %dma_wait3A_1050 : memref<1x8x80xi32, #tpu.memory_space<vmem>> -> memref<8x80xi32, #tpu.memory_space<vmem>>
        %dma_wait3A_1052 = arith.constant 0 : i32
        %dma_wait3A_1053 = arith.constant 0 : i32
        %dma_wait3A_1054 = tpu.memref_slice %arg3[%arg0, %arg1, %dma_wait3A_1052, %dma_wait3A_1053] : memref<2x16x128x80xi32, #tpu.memory_space<hbm>> -> memref<1x1x8x80xi32, #tpu.memory_space<hbm>>
        %dma_wait3A_1055 = tpu.memref_squeeze %dma_wait3A_1054 : memref<1x1x8x80xi32, #tpu.memory_space<hbm>> -> memref<8x80xi32, #tpu.memory_space<hbm>>
        %dma_wait3A_1056 = arith.constant 0 : i32
        %dma_wait3A_1057 = arith.constant 0 : i32
        %dma_wait3A_1058 = tpu.memref_slice %arg8[%dma_wait3A_1047, %dma_wait3A_1056, %dma_wait3A_1057] : memref<2x8x80xi32, #tpu.memory_space<vmem>> -> memref<1x8x80xi32, #tpu.memory_space<vmem>>
        %dma_wait3A_1059 = tpu.memref_squeeze %dma_wait3A_1058 : memref<1x8x80xi32, #tpu.memory_space<vmem>> -> memref<8x80xi32, #tpu.memory_space<vmem>>
        %dma_wait3A_1060 = arith.constant 0 : i32
        %dma_wait3A_1061 = arith.constant 0 : i32
        %dma_wait3A_1062 = tpu.memref_slice %arg3[%arg0, %arg1, %dma_wait3A_1060, %dma_wait3A_1061] : memref<2x16x128x80xi32, #tpu.memory_space<hbm>> -> memref<1x1x8x80xi32, #tpu.memory_space<hbm>>
        %dma_wait3A_1063 = tpu.memref_squeeze %dma_wait3A_1062 : memref<1x1x8x80xi32, #tpu.memory_space<hbm>> -> memref<8x80xi32, #tpu.memory_space<hbm>>
        tpu.wait_dma2 semaphore(%arg19 : memref<!tpu.dma_semaphore, #tpu.memory_space<semaphore_mem>>) src(%dma_wait3A_1063 : memref<8x80xi32, #tpu.memory_space<hbm>>) dst(%dma_wait3A_1059 : memref<8x80xi32, #tpu.memory_space<vmem>>)
        %dma_start3A_1064 = arith.constant 0 : i32
        %dma_start3A_1065 = arith.constant 0 : i32
        %dma_start3A_1066 = arith.constant 0 : i32
        %dma_start3A_1067 = arith.constant 0 : i32
        %dma_start3A_1068 = arith.constant 0 : i32
        %dma_start3A_1069 = tpu.memref_slice %arg9[%dma_start3A_1066, %dma_start3A_1067, %dma_start3A_1068] : memref<4x80x128xf32, #tpu.memory_space<vmem>> -> memref<1x80x128xf32, #tpu.memory_space<vmem>>
        %dma_start3A_1070 = tpu.memref_squeeze %dma_start3A_1069 : memref<1x80x128xf32, #tpu.memory_space<vmem>> -> memref<80x128xf32, #tpu.memory_space<vmem>>
        %dma_start3A_1071 = arith.constant 0 : i32
        %dma_start3A_1072 = tpu.memref_slice %arg7[%dma_start3A_1064, %dma_start3A_1065, %dma_start3A_1071] : memref<2x8x80xi32, #tpu.memory_space<vmem>> -> memref<1x1x80xi32, #tpu.memory_space<vmem>>
        %dma_start3A_1073 = tpu.memref_squeeze %dma_start3A_1072 : memref<1x1x80xi32, #tpu.memory_space<vmem>> -> memref<80xi32, #tpu.memory_space<vmem>>
        %dma_start3A_1074 = arith.constant 0 : i32
        %dma_start3A_1075 = arith.constant 0 : i32
        %dma_start3A_1076 = tpu.memref_slice %arg2[%dma_start3A_1074, %dma_start3A_1075] : memref<10000x128xf32, #tpu.memory_space<hbm>> -> memref<10000x128xf32, #tpu.memory_space<hbm>>
        tpu.enqueue_indirect_dma source(%dma_start3A_1076 : memref<10000x128xf32, #tpu.memory_space<hbm>>) target(%dma_start3A_1070 : memref<80x128xf32, #tpu.memory_space<vmem>>) offsets(%dma_start3A_1073 : memref<80xi32, #tpu.memory_space<vmem>>) semaphore(%arg11 : memref<!tpu.dma_semaphore, #tpu.memory_space<semaphore_mem>>)
      } else {
      }
      %dma_wait3A_956 = arith.constant 2 : i32
      %dma_wait3A_957 = arith.constant 0 : i32
      %dma_wait3A_958 = arith.constant 0 : i32
      %dma_wait3A_959 = tpu.memref_slice %arg9[%dma_wait3A_956, %dma_wait3A_957, %dma_wait3A_958] : memref<4x80x128xf32, #tpu.memory_space<vmem>> -> memref<1x80x128xf32, #tpu.memory_space<vmem>>
      %dma_wait3A_960 = tpu.memref_squeeze %dma_wait3A_959 : memref<1x80x128xf32, #tpu.memory_space<vmem>> -> memref<80x128xf32, #tpu.memory_space<vmem>>
      %dma_wait3A_961 = arith.constant 0 : i32
      %dma_wait3A_962 = arith.constant 0 : i32
      %dma_wait3A_963 = tpu.memref_slice %arg5[%dma_wait3A_961, %dma_wait3A_962] : memref<632x128xf32, #tpu.memory_space<hbm>> -> memref<80x128xf32, #tpu.memory_space<hbm>>
      %dma_wait3A_964 = arith.constant 0 : i32
      %dma_wait3A_965 = arith.constant 0 : i32
      %dma_wait3A_966 = tpu.memref_slice %arg9[%dma_wait3A_956, %dma_wait3A_964, %dma_wait3A_965] : memref<4x80x128xf32, #tpu.memory_space<vmem>> -> memref<1x80x128xf32, #tpu.memory_space<vmem>>
      %dma_wait3A_967 = tpu.memref_squeeze %dma_wait3A_966 : memref<1x80x128xf32, #tpu.memory_space<vmem>> -> memref<80x128xf32, #tpu.memory_space<vmem>>
      %dma_wait3A_968 = arith.constant 0 : i32
      %dma_wait3A_969 = arith.constant 0 : i32
      %dma_wait3A_970 = tpu.memref_slice %arg5[%dma_wait3A_968, %dma_wait3A_969] : memref<632x128xf32, #tpu.memory_space<hbm>> -> memref<80x128xf32, #tpu.memory_space<hbm>>
      tpu.wait_dma2 semaphore(%arg13 : memref<!tpu.dma_semaphore, #tpu.memory_space<semaphore_mem>>) src(%dma_wait3A_970 : memref<80x128xf32, #tpu.memory_space<hbm>>) dst(%dma_wait3A_967 : memref<80x128xf32, #tpu.memory_space<vmem>>)
      %dma_start3A_971 = arith.constant 2 : i32
      %dma_start3A_972 = arith.constant 1 : i32
      %dma_start3A_973 = arith.constant 6 : i32
      %dma_start3A_974 = arith.constant 0 : i32
      %dma_start3A_975 = arith.constant 0 : i32
      %dma_start3A_976 = tpu.memref_slice %arg9[%dma_start3A_971, %dma_start3A_974, %dma_start3A_975] : memref<4x80x128xf32, #tpu.memory_space<vmem>> -> memref<1x80x128xf32, #tpu.memory_space<vmem>>
      %dma_start3A_977 = tpu.memref_squeeze %dma_start3A_976 : memref<1x80x128xf32, #tpu.memory_space<vmem>> -> memref<80x128xf32, #tpu.memory_space<vmem>>
      %dma_start3A_978 = arith.constant 0 : i32
      %dma_start3A_979 = tpu.memref_slice %arg8[%dma_start3A_972, %dma_start3A_973, %dma_start3A_978] : memref<2x8x80xi32, #tpu.memory_space<vmem>> -> memref<1x1x80xi32, #tpu.memory_space<vmem>>
      %dma_start3A_980 = tpu.memref_squeeze %dma_start3A_979 : memref<1x1x80xi32, #tpu.memory_space<vmem>> -> memref<80xi32, #tpu.memory_space<vmem>>
      %dma_start3A_981 = arith.constant 0 : i32
      %dma_start3A_982 = arith.constant 0 : i32
      %dma_start3A_983 = tpu.memref_slice %arg10[%dma_start3A_981, %dma_start3A_982] : memref<10112x128xf32, #tpu.memory_space<vmem_shared>> -> memref<10112x128xf32, #tpu.memory_space<vmem_shared>>
      tpu.enqueue_indirect_dma source(%dma_start3A_977 : memref<80x128xf32, #tpu.memory_space<vmem>>) target(%dma_start3A_983 : memref<10112x128xf32, #tpu.memory_space<vmem_shared>>) offsets(%dma_start3A_980 : memref<80xi32, #tpu.memory_space<vmem>>) semaphore(%arg17 : memref<!tpu.dma_semaphore, #tpu.memory_space<semaphore_mem>>) {add = true}
      %dma_wait3A_984 = arith.constant 1 : i32
      %dma_wait3A_985 = arith.constant 1 : i32
      %dma_wait3A_986 = arith.constant 5 : i32
      %dma_wait3A_987 = arith.constant 0 : i32
      %dma_wait3A_988 = arith.constant 0 : i32
      %dma_wait3A_989 = tpu.memref_slice %arg9[%dma_wait3A_984, %dma_wait3A_987, %dma_wait3A_988] : memref<4x80x128xf32, #tpu.memory_space<vmem>> -> memref<1x80x128xf32, #tpu.memory_space<vmem>>
      %dma_wait3A_990 = tpu.memref_squeeze %dma_wait3A_989 : memref<1x80x128xf32, #tpu.memory_space<vmem>> -> memref<80x128xf32, #tpu.memory_space<vmem>>
      %dma_wait3A_991 = arith.constant 0 : i32
      %dma_wait3A_992 = tpu.memref_slice %arg8[%dma_wait3A_985, %dma_wait3A_986, %dma_wait3A_991] : memref<2x8x80xi32, #tpu.memory_space<vmem>> -> memref<1x1x80xi32, #tpu.memory_space<vmem>>
      %dma_wait3A_993 = tpu.memref_squeeze %dma_wait3A_992 : memref<1x1x80xi32, #tpu.memory_space<vmem>> -> memref<80xi32, #tpu.memory_space<vmem>>
      %dma_wait3A_994 = arith.constant 0 : i32
      %dma_wait3A_995 = arith.constant 0 : i32
      %dma_wait3A_996 = tpu.memref_slice %arg10[%dma_wait3A_994, %dma_wait3A_995] : memref<10112x128xf32, #tpu.memory_space<vmem_shared>> -> memref<10112x128xf32, #tpu.memory_space<vmem_shared>>
      tpu.wait_indirect_dma semaphore(%arg16 : memref<!tpu.dma_semaphore, #tpu.memory_space<semaphore_mem>>) src(%dma_wait3A_990 : memref<80x128xf32, #tpu.memory_space<vmem>>) dst(%dma_wait3A_996 : memref<10112x128xf32, #tpu.memory_space<vmem_shared>>)
      %lt3A_997 = arith.constant 7 : i32
      %lt3A_998 = arith.cmpi slt, %scan3A_129, %lt3A_997 : i32
      %convert_element_type3A_999 = arith.extui %lt3A_998 : i1 to i32
      %cond3A_1000 = arith.constant 0 : i32
      %cond3A_1001 = arith.cmpi ne, %convert_element_type3A_999, %cond3A_1000 : i32
      scf.if %cond3A_1001 {
        %dma_start3A_1030 = arith.constant 0 : i32
        %dma_start3A_1031 = arith.constant 1 : i32
        %dma_start3A_1032 = arith.constant 1 : i32
        %dma_start3A_1033 = arith.constant 0 : i32
        %dma_start3A_1034 = arith.constant 0 : i32
        %dma_start3A_1035 = tpu.memref_slice %arg9[%dma_start3A_1032, %dma_start3A_1033, %dma_start3A_1034] : memref<4x80x128xf32, #tpu.memory_space<vmem>> -> memref<1x80x128xf32, #tpu.memory_space<vmem>>
        %dma_start3A_1036 = tpu.memref_squeeze %dma_start3A_1035 : memref<1x80x128xf32, #tpu.memory_space<vmem>> -> memref<80x128xf32, #tpu.memory_space<vmem>>
        %dma_start3A_1037 = arith.constant 0 : i32
        %dma_start3A_1038 = tpu.memref_slice %arg7[%dma_start3A_1030, %dma_start3A_1031, %dma_start3A_1037] : memref<2x8x80xi32, #tpu.memory_space<vmem>> -> memref<1x1x80xi32, #tpu.memory_space<vmem>>
        %dma_start3A_1039 = tpu.memref_squeeze %dma_start3A_1038 : memref<1x1x80xi32, #tpu.memory_space<vmem>> -> memref<80xi32, #tpu.memory_space<vmem>>
        %dma_start3A_1040 = arith.constant 0 : i32
        %dma_start3A_1041 = arith.constant 0 : i32
        %dma_start3A_1042 = tpu.memref_slice %arg2[%dma_start3A_1040, %dma_start3A_1041] : memref<10000x128xf32, #tpu.memory_space<hbm>> -> memref<10000x128xf32, #tpu.memory_space<hbm>>
        tpu.enqueue_indirect_dma source(%dma_start3A_1042 : memref<10000x128xf32, #tpu.memory_space<hbm>>) target(%dma_start3A_1036 : memref<80x128xf32, #tpu.memory_space<vmem>>) offsets(%dma_start3A_1039 : memref<80xi32, #tpu.memory_space<vmem>>) semaphore(%arg12 : memref<!tpu.dma_semaphore, #tpu.memory_space<semaphore_mem>>)
      } else {
      }
      %dma_wait3A_1002 = arith.constant 3 : i32
      %dma_wait3A_1003 = arith.constant 0 : i32
      %dma_wait3A_1004 = arith.constant 0 : i32
      %dma_wait3A_1005 = tpu.memref_slice %arg9[%dma_wait3A_1002, %dma_wait3A_1003, %dma_wait3A_1004] : memref<4x80x128xf32, #tpu.memory_space<vmem>> -> memref<1x80x128xf32, #tpu.memory_space<vmem>>
      %dma_wait3A_1006 = tpu.memref_squeeze %dma_wait3A_1005 : memref<1x80x128xf32, #tpu.memory_space<vmem>> -> memref<80x128xf32, #tpu.memory_space<vmem>>
      %dma_wait3A_1007 = arith.constant 0 : i32
      %dma_wait3A_1008 = arith.constant 0 : i32
      %dma_wait3A_1009 = tpu.memref_slice %arg5[%dma_wait3A_1007, %dma_wait3A_1008] : memref<632x128xf32, #tpu.memory_space<hbm>> -> memref<80x128xf32, #tpu.memory_space<hbm>>
      %dma_wait3A_1010 = arith.constant 0 : i32
      %dma_wait3A_1011 = arith.constant 0 : i32
      %dma_wait3A_1012 = tpu.memref_slice %arg9[%dma_wait3A_1002, %dma_wait3A_1010, %dma_wait3A_1011] : memref<4x80x128xf32, #tpu.memory_space<vmem>> -> memref<1x80x128xf32, #tpu.memory_space<vmem>>
      %dma_wait3A_1013 = tpu.memref_squeeze %dma_wait3A_1012 : memref<1x80x128xf32, #tpu.memory_space<vmem>> -> memref<80x128xf32, #tpu.memory_space<vmem>>
      %dma_wait3A_1014 = arith.constant 0 : i32
      %dma_wait3A_1015 = arith.constant 0 : i32
      %dma_wait3A_1016 = tpu.memref_slice %arg5[%dma_wait3A_1014, %dma_wait3A_1015] : memref<632x128xf32, #tpu.memory_space<hbm>> -> memref<80x128xf32, #tpu.memory_space<hbm>>
      tpu.wait_dma2 semaphore(%arg14 : memref<!tpu.dma_semaphore, #tpu.memory_space<semaphore_mem>>) src(%dma_wait3A_1016 : memref<80x128xf32, #tpu.memory_space<hbm>>) dst(%dma_wait3A_1013 : memref<80x128xf32, #tpu.memory_space<vmem>>)
      %dma_start3A_1017 = arith.constant 3 : i32
      %dma_start3A_1018 = arith.constant 1 : i32
      %dma_start3A_1019 = arith.constant 7 : i32
      %dma_start3A_1020 = arith.constant 0 : i32
      %dma_start3A_1021 = arith.constant 0 : i32
      %dma_start3A_1022 = tpu.memref_slice %arg9[%dma_start3A_1017, %dma_start3A_1020, %dma_start3A_1021] : memref<4x80x128xf32, #tpu.memory_space<vmem>> -> memref<1x80x128xf32, #tpu.memory_space<vmem>>
      %dma_start3A_1023 = tpu.memref_squeeze %dma_start3A_1022 : memref<1x80x128xf32, #tpu.memory_space<vmem>> -> memref<80x128xf32, #tpu.memory_space<vmem>>
      %dma_start3A_1024 = arith.constant 0 : i32
      %dma_start3A_1025 = tpu.memref_slice %arg8[%dma_start3A_1018, %dma_start3A_1019, %dma_start3A_1024] : memref<2x8x80xi32, #tpu.memory_space<vmem>> -> memref<1x1x80xi32, #tpu.memory_space<vmem>>
      %dma_start3A_1026 = tpu.memref_squeeze %dma_start3A_1025 : memref<1x1x80xi32, #tpu.memory_space<vmem>> -> memref<80xi32, #tpu.memory_space<vmem>>
      %dma_start3A_1027 = arith.constant 0 : i32
      %dma_start3A_1028 = arith.constant 0 : i32
      %dma_start3A_1029 = tpu.memref_slice %arg10[%dma_start3A_1027, %dma_start3A_1028] : memref<10112x128xf32, #tpu.memory_space<vmem_shared>> -> memref<10112x128xf32, #tpu.memory_space<vmem_shared>>
      tpu.enqueue_indirect_dma source(%dma_start3A_1023 : memref<80x128xf32, #tpu.memory_space<vmem>>) target(%dma_start3A_1029 : memref<10112x128xf32, #tpu.memory_space<vmem_shared>>) offsets(%dma_start3A_1026 : memref<80xi32, #tpu.memory_space<vmem>>) semaphore(%arg18 : memref<!tpu.dma_semaphore, #tpu.memory_space<semaphore_mem>>) {add = true}
    }
    %scan3A_97 = arith.constant 8 : i32
    %dma_wait3A_98 = arith.constant 2 : i32
    %dma_wait3A_99 = arith.constant 1 : i32
    %dma_wait3A_100 = arith.constant 6 : i32
    %dma_wait3A_101 = arith.constant 0 : i32
    %dma_wait3A_102 = arith.constant 0 : i32
    %dma_wait3A_103 = tpu.memref_slice %arg9[%dma_wait3A_98, %dma_wait3A_101, %dma_wait3A_102] : memref<4x80x128xf32, #tpu.memory_space<vmem>> -> memref<1x80x128xf32, #tpu.memory_space<vmem>>
    %dma_wait3A_104 = tpu.memref_squeeze %dma_wait3A_103 : memref<1x80x128xf32, #tpu.memory_space<vmem>> -> memref<80x128xf32, #tpu.memory_space<vmem>>
    %dma_wait3A_105 = arith.constant 0 : i32
    %dma_wait3A_106 = tpu.memref_slice %arg8[%dma_wait3A_99, %dma_wait3A_100, %dma_wait3A_105] : memref<2x8x80xi32, #tpu.memory_space<vmem>> -> memref<1x1x80xi32, #tpu.memory_space<vmem>>
    %dma_wait3A_107 = tpu.memref_squeeze %dma_wait3A_106 : memref<1x1x80xi32, #tpu.memory_space<vmem>> -> memref<80xi32, #tpu.memory_space<vmem>>
    %dma_wait3A_108 = arith.constant 0 : i32
    %dma_wait3A_109 = arith.constant 0 : i32
    %dma_wait3A_110 = tpu.memref_slice %arg10[%dma_wait3A_108, %dma_wait3A_109] : memref<10112x128xf32, #tpu.memory_space<vmem_shared>> -> memref<10112x128xf32, #tpu.memory_space<vmem_shared>>
    tpu.wait_indirect_dma semaphore(%arg17 : memref<!tpu.dma_semaphore, #tpu.memory_space<semaphore_mem>>) src(%dma_wait3A_104 : memref<80x128xf32, #tpu.memory_space<vmem>>) dst(%dma_wait3A_110 : memref<10112x128xf32, #tpu.memory_space<vmem_shared>>)
    %dma_wait3A_111 = arith.constant 3 : i32
    %dma_wait3A_112 = arith.constant 1 : i32
    %dma_wait3A_113 = arith.constant 7 : i32
    %dma_wait3A_114 = arith.constant 0 : i32
    %dma_wait3A_115 = arith.constant 0 : i32
    %dma_wait3A_116 = tpu.memref_slice %arg9[%dma_wait3A_111, %dma_wait3A_114, %dma_wait3A_115] : memref<4x80x128xf32, #tpu.memory_space<vmem>> -> memref<1x80x128xf32, #tpu.memory_space<vmem>>
    %dma_wait3A_117 = tpu.memref_squeeze %dma_wait3A_116 : memref<1x80x128xf32, #tpu.memory_space<vmem>> -> memref<80x128xf32, #tpu.memory_space<vmem>>
    %dma_wait3A_118 = arith.constant 0 : i32
    %dma_wait3A_119 = tpu.memref_slice %arg8[%dma_wait3A_112, %dma_wait3A_113, %dma_wait3A_118] : memref<2x8x80xi32, #tpu.memory_space<vmem>> -> memref<1x1x80xi32, #tpu.memory_space<vmem>>
    %dma_wait3A_120 = tpu.memref_squeeze %dma_wait3A_119 : memref<1x1x80xi32, #tpu.memory_space<vmem>> -> memref<80xi32, #tpu.memory_space<vmem>>
    %dma_wait3A_121 = arith.constant 0 : i32
    %dma_wait3A_122 = arith.constant 0 : i32
    %dma_wait3A_123 = tpu.memref_slice %arg10[%dma_wait3A_121, %dma_wait3A_122] : memref<10112x128xf32, #tpu.memory_space<vmem_shared>> -> memref<10112x128xf32, #tpu.memory_space<vmem_shared>>
    tpu.wait_indirect_dma semaphore(%arg18 : memref<!tpu.dma_semaphore, #tpu.memory_space<semaphore_mem>>) src(%dma_wait3A_117 : memref<80x128xf32, #tpu.memory_space<vmem>>) dst(%dma_wait3A_123 : memref<10112x128xf32, #tpu.memory_space<vmem_shared>>)
    %barrier3A_124 = arith.constant 0 : index
    tpu.barrier barrier_id(%barrier3A_124)
    %mul3A_125 = arith.constant 632 : i32
    %mul3A_126 = arith.muli %arg1, %mul3A_125 : i32
    %mul3A_127 = arith.constant 632 : i32
    %mul3A_128 = arith.muli %arg1, %mul3A_127 : i32
    "tpu.region"() ({
      %run_scoped3A = tpu.sem_alloc : memref<!tpu.dma_semaphore, #tpu.memory_space<semaphore_mem>>
      %dma_start3A_129 = arith.constant 0 : i32
      %dma_start3A_130 = tpu.memref_slice %arg6[%arg0, %mul3A_128, %dma_start3A_129] : memref<2x10112x128xf32, #tpu.memory_space<hbm>> -> memref<1x632x128xf32, #tpu.memory_space<hbm>>
      %dma_start3A_131 = tpu.memref_squeeze %dma_start3A_130 : memref<1x632x128xf32, #tpu.memory_space<hbm>> -> memref<632x128xf32, #tpu.memory_space<hbm>>
      %dma_start3A_132 = arith.constant 0 : i32
      %dma_start3A_133 = tpu.memref_slice %arg10[%mul3A_126, %dma_start3A_132] : memref<10112x128xf32, #tpu.memory_space<vmem_shared>> -> memref<632x128xf32, #tpu.memory_space<vmem_shared>>
      tpu.enqueue_dma source(%dma_start3A_133 : memref<632x128xf32, #tpu.memory_space<vmem_shared>>) target(%dma_start3A_131 : memref<632x128xf32, #tpu.memory_space<hbm>>) target_semaphore(%run_scoped3A : memref<!tpu.dma_semaphore, #tpu.memory_space<semaphore_mem>>)
      %dma_wait3A_134 = arith.constant 0 : i32
      %dma_wait3A_135 = tpu.memref_slice %arg6[%arg0, %mul3A_128, %dma_wait3A_134] : memref<2x10112x128xf32, #tpu.memory_space<hbm>> -> memref<1x632x128xf32, #tpu.memory_space<hbm>>
      %dma_wait3A_136 = tpu.memref_squeeze %dma_wait3A_135 : memref<1x632x128xf32, #tpu.memory_space<hbm>> -> memref<632x128xf32, #tpu.memory_space<hbm>>
      %dma_wait3A_137 = arith.constant 0 : i32
      %dma_wait3A_138 = tpu.memref_slice %arg10[%mul3A_126, %dma_wait3A_137] : memref<10112x128xf32, #tpu.memory_space<vmem_shared>> -> memref<632x128xf32, #tpu.memory_space<vmem_shared>>
      tpu.wait_dma2 semaphore(%run_scoped3A : memref<!tpu.dma_semaphore, #tpu.memory_space<semaphore_mem>>) src(%dma_wait3A_138 : memref<632x128xf32, #tpu.memory_space<vmem_shared>>) dst(%dma_wait3A_136 : memref<632x128xf32, #tpu.memory_space<hbm>>)
      tpu.yield
    }) : () -> ()
    return
  }
}

module attributes {stable_mosaic.version = 14 : i64} {
  func.func @_lin_body(%arg0: i32, %arg1: memref<1000x128xf32, #tpu.memory_space<vmem>>, %arg2: memref<2x1000x128xf32, #tpu.memory_space<vmem>>, %arg3: memref<128x128xf32, #tpu.memory_space<vmem>>, %arg4: memref<1x128xf32, #tpu.memory_space<vmem>>, %arg5: memref<1000x128xf32, #tpu.memory_space<vmem>>) attributes {dimension_semantics = [#tpu.dimension_semantics<arbitrary>], iteration_bounds = array<i64: 10>, scalar_prefetch = 0 : i64, scratch_operands = 0 : i64, tpu.core_type = #tpu.core_type<tc>, window_params = [{transform_indices = @transform_0, window_bounds = array<i64: 1000, 128>}, {transform_indices = @transform_1, window_bounds = array<i64: 2, 1000, 128>}, {pipeline_mode = #tpu.pipeline_mode<synchronous>, transform_indices = @transform_2, window_bounds = array<i64: 128, 128>}, {pipeline_mode = #tpu.pipeline_mode<synchronous>, transform_indices = @transform_3, window_bounds = array<i64: 1, 128>}, {transform_indices = @transform_4, window_bounds = array<i64: 1000, 128>}]} {
    %get3A = arith.constant 0 : index
    %get3A_0 = arith.constant 0 : index
    %get3A_1 = vector.load %arg1[%get3A, %get3A_0] : memref<1000x128xf32, #tpu.memory_space<vmem>>, vector<1000x128xf32>
    %get3A_2 = arith.constant 0 : index
    %get3A_3 = arith.constant 0 : index
    %get3A_4 = arith.constant 0 : index
    %get3A_5 = vector.load %arg2[%get3A_2, %get3A_3, %get3A_4] : memref<2x1000x128xf32, #tpu.memory_space<vmem>>, vector<1x1000x128xf32>
    %get3A_6 = vector.shape_cast %get3A_5 : vector<1x1000x128xf32> to vector<1000x128xf32>
    %add3A = arith.addf %get3A_1, %get3A_6 : vector<1000x128xf32>
    %get3A_7 = arith.constant 1 : index
    %get3A_8 = arith.constant 0 : index
    %get3A_9 = arith.constant 0 : index
    %get3A_10 = vector.load %arg2[%get3A_7, %get3A_8, %get3A_9] : memref<2x1000x128xf32, #tpu.memory_space<vmem>>, vector<1x1000x128xf32>
    %get3A_11 = vector.shape_cast %get3A_10 : vector<1x1000x128xf32> to vector<1000x128xf32>
    %add3A_12 = arith.addf %add3A, %get3A_11 : vector<1000x128xf32>
    %get3A_13 = arith.constant 0 : index
    %get3A_14 = arith.constant 0 : index
    %get3A_15 = vector.load %arg3[%get3A_13, %get3A_14] : memref<128x128xf32, #tpu.memory_space<vmem>>, vector<128x128xf32>
    %dot_general3A = arith.constant dense<0.000000e+00> : vector<1000x128xf32>
    %dot_general3A_16 = tpu.matmul %add3A_12, %get3A_15, %dot_general3A {dimension_numbers = #tpu.dot_dimension_numbers<[1], [0], [0], [1], [0, 0, 1, 1], [], []>, transpose_lhs_hint = false} : vector<1000x128xf32>, vector<128x128xf32>, vector<1000x128xf32> -> vector<1000x128xf32>
    %get3A_17 = arith.constant 0 : index
    %get3A_18 = arith.constant 0 : index
    %get3A_19 = vector.load %arg4[%get3A_17, %get3A_18] : memref<1x128xf32, #tpu.memory_space<vmem>>, vector<1x128xf32>
    %add3A_20 = vector.broadcast %get3A_19 : vector<1x128xf32> to vector<1000x128xf32>
    %add3A_21 = arith.addf %dot_general3A_16, %add3A_20 : vector<1000x128xf32>
    %swap3A = arith.constant 0 : index
    %swap3A_22 = arith.constant 0 : index
    %swap3A_23 = vector.load %arg5[%swap3A, %swap3A_22] : memref<1000x128xf32, #tpu.memory_space<vmem>>, vector<1000x128xf32>
    tpu.vector_store %arg5[%swap3A, %swap3A_22], %add3A_21 {strides = array<i32>} : memref<1000x128xf32, #tpu.memory_space<vmem>>, vector<1000x128xf32>,
    return
  }
  func.func @transform_0(%arg0: i32) -> (i32, i32) {
    %c0_i32 = arith.constant 0 : i32
    %c0_i32_0 = arith.constant 0 : i32
    return %arg0, %c0_i32 : i32, i32
  }
  func.func @transform_1(%arg0: i32) -> (i32, i32, i32) {
    %c0_i32 = arith.constant 0 : i32
    %c0_i32_0 = arith.constant 0 : i32
    %c0_i32_1 = arith.constant 0 : i32
    return %c0_i32, %arg0, %c0_i32_0 : i32, i32, i32
  }
  func.func @transform_2(%arg0: i32) -> (i32, i32) {
    %c0_i32 = arith.constant 0 : i32
    %c0_i32_0 = arith.constant 0 : i32
    %c0_i32_1 = arith.constant 0 : i32
    return %c0_i32, %c0_i32_0 : i32, i32
  }
  func.func @transform_3(%arg0: i32) -> (i32, i32) {
    %c0_i32 = arith.constant 0 : i32
    %c0_i32_0 = arith.constant 0 : i32
    %c0_i32_1 = arith.constant 0 : i32
    return %c0_i32, %c0_i32_0 : i32, i32
  }
  func.func @transform_4(%arg0: i32) -> (i32, i32) {
    %c0_i32 = arith.constant 0 : i32
    %c0_i32_0 = arith.constant 0 : i32
    return %arg0, %c0_i32 : i32, i32
  }
}

module attributes {stable_mosaic.version = 14 : i64} {
  func.func @_final_body(%arg0: i32, %arg1: memref<1000x128xf32, #tpu.memory_space<vmem>>, %arg2: memref<2x1000x128xf32, #tpu.memory_space<vmem>>, %arg3: memref<128x128xf32, #tpu.memory_space<vmem>>, %arg4: memref<1x128xf32, #tpu.memory_space<vmem>>, %arg5: memref<1x1x1000xi32, #tpu.memory_space<vmem>>, %arg6: memref<128x64xf32, #tpu.memory_space<vmem>>, %arg7: memref<1x64xf32, #tpu.memory_space<vmem>>, %arg8: memref<64x1xf32, #tpu.memory_space<vmem>>, %arg9: memref<1x1xf32, #tpu.memory_space<vmem>>, %arg10: memref<64x1xf32, #tpu.memory_space<vmem>>, %arg11: memref<64x128xf32, #tpu.memory_space<vmem>>) attributes {dimension_semantics = [#tpu.dimension_semantics<arbitrary>], iteration_bounds = array<i64: 10>, scalar_prefetch = 0 : i64, scratch_operands = 1 : i64, tpu.core_type = #tpu.core_type<tc>, window_params = [{transform_indices = @transform_0, window_bounds = array<i64: 1000, 128>}, {transform_indices = @transform_1, window_bounds = array<i64: 2, 1000, 128>}, {pipeline_mode = #tpu.pipeline_mode<synchronous>, transform_indices = @transform_2, window_bounds = array<i64: 128, 128>}, {pipeline_mode = #tpu.pipeline_mode<synchronous>, transform_indices = @transform_3, window_bounds = array<i64: 1, 128>}, {transform_indices = @transform_4, window_bounds = array<i64: 1, 1, 1000>}, {pipeline_mode = #tpu.pipeline_mode<synchronous>, transform_indices = @transform_5, window_bounds = array<i64: 128, 64>}, {pipeline_mode = #tpu.pipeline_mode<synchronous>, transform_indices = @transform_6, window_bounds = array<i64: 1, 64>}, {pipeline_mode = #tpu.pipeline_mode<synchronous>, transform_indices = @transform_7, window_bounds = array<i64: 64, 1>}, {pipeline_mode = #tpu.pipeline_mode<synchronous>, transform_indices = @transform_8, window_bounds = array<i64: 1, 1>}, {pipeline_mode = #tpu.pipeline_mode<synchronous>, transform_indices = @transform_9, window_bounds = array<i64: 64, 1>}]} {
    %get3A = arith.constant 0 : index
    %get3A_0 = arith.constant 0 : index
    %get3A_1 = vector.load %arg1[%get3A, %get3A_0] : memref<1000x128xf32, #tpu.memory_space<vmem>>, vector<1000x128xf32>
    %get3A_2 = arith.constant 0 : index
    %get3A_3 = arith.constant 0 : index
    %get3A_4 = arith.constant 0 : index
    %get3A_5 = vector.load %arg2[%get3A_2, %get3A_3, %get3A_4] : memref<2x1000x128xf32, #tpu.memory_space<vmem>>, vector<1x1000x128xf32>
    %get3A_6 = vector.shape_cast %get3A_5 : vector<1x1000x128xf32> to vector<1000x128xf32>
    %add3A = arith.addf %get3A_1, %get3A_6 : vector<1000x128xf32>
    %get3A_7 = arith.constant 1 : index
    %get3A_8 = arith.constant 0 : index
    %get3A_9 = arith.constant 0 : index
    %get3A_10 = vector.load %arg2[%get3A_7, %get3A_8, %get3A_9] : memref<2x1000x128xf32, #tpu.memory_space<vmem>>, vector<1x1000x128xf32>
    %get3A_11 = vector.shape_cast %get3A_10 : vector<1x1000x128xf32> to vector<1000x128xf32>
    %add3A_12 = arith.addf %add3A, %get3A_11 : vector<1000x128xf32>
    %get3A_13 = arith.constant 0 : index
    %get3A_14 = arith.constant 0 : index
    %get3A_15 = vector.load %arg3[%get3A_13, %get3A_14] : memref<128x128xf32, #tpu.memory_space<vmem>>, vector<128x128xf32>
    %dot_general3A = arith.constant dense<0.000000e+00> : vector<1000x128xf32>
    %dot_general3A_16 = tpu.matmul %add3A_12, %get3A_15, %dot_general3A {dimension_numbers = #tpu.dot_dimension_numbers<[1], [0], [0], [1], [0, 0, 1, 1], [], []>, transpose_lhs_hint = false} : vector<1000x128xf32>, vector<128x128xf32>, vector<1000x128xf32> -> vector<1000x128xf32>
    %get3A_17 = arith.constant 0 : index
    %get3A_18 = arith.constant 0 : index
    %get3A_19 = vector.load %arg4[%get3A_17, %get3A_18] : memref<1x128xf32, #tpu.memory_space<vmem>>, vector<1x128xf32>
    %add3A_20 = vector.broadcast %get3A_19 : vector<1x128xf32> to vector<1000x128xf32>
    %add3A_21 = arith.addf %dot_general3A_16, %add3A_20 : vector<1000x128xf32>
    %get3A_22 = arith.constant 0 : index
    %get3A_23 = arith.constant 0 : index
    %get3A_24 = arith.constant 0 : index
    %get3A_25 = vector.load %arg5[%get3A_22, %get3A_23, %get3A_24] : memref<1x1x1000xi32, #tpu.memory_space<vmem>>, vector<1x1x1000xi32>
    %get3A_26 = vector.shape_cast %get3A_25 : vector<1x1x1000xi32> to vector<1x1000xi32>
    %iota3A = tpu.iota {dimensions = array<i32: 0>} : vector<64x1000xi32>
    %eq3A = vector.broadcast %get3A_26 : vector<1x1000xi32> to vector<64x1000xi32>
    %eq3A_27 = arith.cmpi eq, %iota3A, %eq3A : vector<64x1000xi32>
    %convert_element_type3A = arith.extui %eq3A_27 : vector<64x1000xi1> to vector<64x1000xi32>
    %convert_element_type3A_28 = arith.sitofp %convert_element_type3A : vector<64x1000xi32> to vector<64x1000xf32>
    %dot_general3A_29 = arith.constant dense<0.000000e+00> : vector<64x128xf32>
    %dot_general3A_30 = tpu.matmul %convert_element_type3A_28, %add3A_21, %dot_general3A_29 {dimension_numbers = #tpu.dot_dimension_numbers<[1], [0], [0], [1], [0, 0, 1, 1], [], []>, transpose_lhs_hint = false} : vector<64x1000xf32>, vector<1000x128xf32>, vector<64x128xf32> -> vector<64x128xf32>
    %eq3A_31 = arith.constant 0 : i32
    %eq3A_32 = arith.cmpi eq, %arg0, %eq3A_31 : i32
    %convert_element_type3A_33 = arith.extui %eq3A_32 : i1 to i32
    %cond3A = arith.constant 0 : i32
    %cond3A_34 = arith.cmpi ne, %convert_element_type3A_33, %cond3A : i32
    scf.if %cond3A_34 {
      %swap3A = arith.constant 0 : index
      %swap3A_44 = arith.constant 0 : index
      %swap3A_45 = vector.load %arg11[%swap3A, %swap3A_44] : memref<64x128xf32, #tpu.memory_space<vmem>>, vector<64x128xf32>
      tpu.vector_store %arg11[%swap3A, %swap3A_44], %dot_general3A_30 {strides = array<i32>} : memref<64x128xf32, #tpu.memory_space<vmem>>, vector<64x128xf32>,
    } else {
    }
    %gt3A = arith.constant 0 : i32
    %gt3A_35 = arith.cmpi sgt, %arg0, %gt3A : i32
    %convert_element_type3A_36 = arith.extui %gt3A_35 : i1 to i32
    %cond3A_37 = arith.constant 0 : i32
    %cond3A_38 = arith.cmpi ne, %convert_element_type3A_36, %cond3A_37 : i32
    scf.if %cond3A_38 {
      %get3A_44 = arith.constant 0 : index
      %get3A_45 = arith.constant 0 : index
      %get3A_46 = vector.load %arg11[%get3A_44, %get3A_45] : memref<64x128xf32, #tpu.memory_space<vmem>>, vector<64x128xf32>
      %add3A_47 = arith.addf %get3A_46, %dot_general3A_30 : vector<64x128xf32>
      %swap3A = arith.constant 0 : index
      %swap3A_48 = arith.constant 0 : index
      %swap3A_49 = vector.load %arg11[%swap3A, %swap3A_48] : memref<64x128xf32, #tpu.memory_space<vmem>>, vector<64x128xf32>
      tpu.vector_store %arg11[%swap3A, %swap3A_48], %add3A_47 {strides = array<i32>} : memref<64x128xf32, #tpu.memory_space<vmem>>, vector<64x128xf32>,
    } else {
    }
    %eq3A_39 = arith.constant 9 : i32
    %eq3A_40 = arith.cmpi eq, %arg0, %eq3A_39 : i32
    %convert_element_type3A_41 = arith.extui %eq3A_40 : i1 to i32
    %cond3A_42 = arith.constant 0 : i32
    %cond3A_43 = arith.cmpi ne, %convert_element_type3A_41, %cond3A_42 : i32
    scf.if %cond3A_43 {
      %get3A_44 = arith.constant 0 : index
      %get3A_45 = arith.constant 0 : index
      %get3A_46 = vector.load %arg11[%get3A_44, %get3A_45] : memref<64x128xf32, #tpu.memory_space<vmem>>, vector<64x128xf32>
      %get3A_47 = arith.constant 0 : index
      %get3A_48 = arith.constant 0 : index
      %get3A_49 = vector.load %arg6[%get3A_47, %get3A_48] : memref<128x64xf32, #tpu.memory_space<vmem>>, vector<128x64xf32>
      %dot_general3A_50 = arith.constant dense<0.000000e+00> : vector<64x64xf32>
      %dot_general3A_51 = tpu.matmul %get3A_46, %get3A_49, %dot_general3A_50 {dimension_numbers = #tpu.dot_dimension_numbers<[1], [0], [0], [1], [0, 0, 1, 1], [], []>, transpose_lhs_hint = false} : vector<64x128xf32>, vector<128x64xf32>, vector<64x64xf32> -> vector<64x64xf32>
      %get3A_52 = arith.constant 0 : index
      %get3A_53 = arith.constant 0 : index
      %get3A_54 = vector.load %arg7[%get3A_52, %get3A_53] : memref<1x64xf32, #tpu.memory_space<vmem>>, vector<1x64xf32>
      %add3A_55 = vector.broadcast %get3A_54 : vector<1x64xf32> to vector<64x64xf32>
      %add3A_56 = arith.addf %dot_general3A_51, %add3A_55 : vector<64x64xf32>
      %max3A = arith.constant 0.000000e+00 : f32
      %max3A_57 = vector.broadcast %max3A : f32 to vector<64x64xf32>
      %max3A_58 = arith.maximumf %add3A_56, %max3A_57 : vector<64x64xf32>
      %get3A_59 = arith.constant 0 : index
      %get3A_60 = arith.constant 0 : index
      %get3A_61 = vector.load %arg8[%get3A_59, %get3A_60] : memref<64x1xf32, #tpu.memory_space<vmem>>, vector<64x1xf32>
      %dot_general3A_62 = arith.constant dense<0.000000e+00> : vector<64x1xf32>
      %dot_general3A_63 = tpu.matmul %max3A_58, %get3A_61, %dot_general3A_62 {dimension_numbers = #tpu.dot_dimension_numbers<[1], [0], [0], [1], [0, 0, 1, 1], [], []>, transpose_lhs_hint = false} : vector<64x64xf32>, vector<64x1xf32>, vector<64x1xf32> -> vector<64x1xf32>
      %get3A_64 = arith.constant 0 : index
      %get3A_65 = arith.constant 0 : index
      %get3A_66 = vector.load %arg9[%get3A_64, %get3A_65] : memref<1x1xf32, #tpu.memory_space<vmem>>, vector<1x1xf32>
      %add3A_67 = vector.broadcast %get3A_66 : vector<1x1xf32> to vector<64x1xf32>
      %add3A_68 = arith.addf %dot_general3A_63, %add3A_67 : vector<64x1xf32>
      %neg3A = arith.constant 0.000000e+00 : f32
      %neg3A_69 = vector.broadcast %neg3A : f32 to vector<64x1xf32>
      %neg3A_70 = arith.subf %neg3A_69, %add3A_68 : vector<64x1xf32>
      %exp3A = math.exp %neg3A_70 : vector<64x1xf32>
      %add3A_71 = arith.constant 1.000000e+00 : f32
      %add3A_72 = vector.broadcast %add3A_71 : f32 to vector<64x1xf32>
      %add3A_73 = arith.addf %add3A_72, %exp3A : vector<64x1xf32>
      %div3A = arith.constant 1.000000e+00 : f32
      %div3A_74 = vector.broadcast %div3A : f32 to vector<64x1xf32>
      %div3A_75 = arith.divf %div3A_74, %add3A_73 : vector<64x1xf32>
      %swap3A = arith.constant 0 : index
      %swap3A_76 = arith.constant 0 : index
      %swap3A_77 = vector.load %arg10[%swap3A, %swap3A_76] : memref<64x1xf32, #tpu.memory_space<vmem>>, vector<64x1xf32>
      tpu.vector_store %arg10[%swap3A, %swap3A_76], %div3A_75 {strides = array<i32>} : memref<64x1xf32, #tpu.memory_space<vmem>>, vector<64x1xf32>,
    } else {
    }
    return
  }
  func.func @transform_0(%arg0: i32) -> (i32, i32) {
    %c0_i32 = arith.constant 0 : i32
    %c0_i32_0 = arith.constant 0 : i32
    return %arg0, %c0_i32 : i32, i32
  }
  func.func @transform_1(%arg0: i32) -> (i32, i32, i32) {
    %c0_i32 = arith.constant 0 : i32
    %c0_i32_0 = arith.constant 0 : i32
    %c0_i32_1 = arith.constant 0 : i32
    return %c0_i32, %arg0, %c0_i32_0 : i32, i32, i32
  }
  func.func @transform_2(%arg0: i32) -> (i32, i32) {
    %c0_i32 = arith.constant 0 : i32
    %c0_i32_0 = arith.constant 0 : i32
    %c0_i32_1 = arith.constant 0 : i32
    return %c0_i32, %c0_i32_0 : i32, i32
  }
  func.func @transform_3(%arg0: i32) -> (i32, i32) {
    %c0_i32 = arith.constant 0 : i32
    %c0_i32_0 = arith.constant 0 : i32
    %c0_i32_1 = arith.constant 0 : i32
    return %c0_i32, %c0_i32_0 : i32, i32
  }
  func.func @transform_4(%arg0: i32) -> (i32, i32, i32) {
    %c0_i32 = arith.constant 0 : i32
    %c0_i32_0 = arith.constant 0 : i32
    %c0_i32_1 = arith.constant 0 : i32
    return %arg0, %c0_i32, %c0_i32_0 : i32, i32, i32
  }
  func.func @transform_5(%arg0: i32) -> (i32, i32) {
    %c0_i32 = arith.constant 0 : i32
    %c0_i32_0 = arith.constant 0 : i32
    %c0_i32_1 = arith.constant 0 : i32
    return %c0_i32, %c0_i32_0 : i32, i32
  }
  func.func @transform_6(%arg0: i32) -> (i32, i32) {
    %c0_i32 = arith.constant 0 : i32
    %c0_i32_0 = arith.constant 0 : i32
    %c0_i32_1 = arith.constant 0 : i32
    return %c0_i32, %c0_i32_0 : i32, i32
  }
  func.func @transform_7(%arg0: i32) -> (i32, i32) {
    %c0_i32 = arith.constant 0 : i32
    %c0_i32_0 = arith.constant 0 : i32
    %c0_i32_1 = arith.constant 0 : i32
    return %c0_i32, %c0_i32_0 : i32, i32
  }
  func.func @transform_8(%arg0: i32) -> (i32, i32) {
    %c0_i32 = arith.constant 0 : i32
    %c0_i32_0 = arith.constant 0 : i32
    %c0_i32_1 = arith.constant 0 : i32
    return %c0_i32, %c0_i32_0 : i32, i32
  }
  func.func @transform_9(%arg0: i32) -> (i32, i32) {
    %c0_i32 = arith.constant 0 : i32
    %c0_i32_0 = arith.constant 0 : i32
    %c0_i32_1 = arith.constant 0 : i32
    return %c0_i32, %c0_i32_0 : i32, i32
  }
}

</mosaic_0001>

<sc_bundles>
// kernel: kernel.6.cloned.1.call-start
scs
__scs_entry_jumppad:
0x0: {  	(pc) =	sbr.rel $0x88, $3  }
0x1: {  	(tag) =	ssettag $0x0;
	lr =	simm.s32 $0x1  }
0x2: {  	[smem:$0x3F96] =	sst lr;
	_ =	strace $0xD0000000  }
0x3: {  	_ = 	snop  }
0x4: {  	_ = 	snop  }
0x5: {  	_ = 	snop  }
0x6: {  	_ = 	snop  }
0x7: {  	_ = 	snop  }
__scs_overlays_trampoline_lowered:
0x8: {  	[smem:$0x3FA5] =	sst s0  }
0x9: {  	[smem:$0x3FA6] =	sst s1  }
0xa: {  	[smem:$0x3FA7] =	sst s2  }
0xb: {  	[smem:$0x3FA8] =	sst s3  }
0xc: {  	[smem:$0x3FA9] =	sst s4  }
0xd: {  	[smem:$0x3FAA] =	sst s5  }
0xe: {  	[smem:$0x3FAB] =	sst s6  }
0xf: {  	[smem:$0x3FAC] =	sst s7  }
0x10: {  	[smem:$0x3FAD] =	sst s8  }
0x11: {  	[smem:$0x3FAE] =	sst s9;
	s0 =	simm.s32 @!p0 $0x0  }
0x12: {  	s1 =	sld [smem:$0x3F94];
	s0 =	simm.s32 @p0 $0x1  }
0x13: {  	[smem:$0x3FAF] =	sst s0;
	s0 =	simm.s32 @!p1 $0x0  }
0x14: {  	s2 =	sld [smem:$0x3F93];
	s0 =	simm.s32 @p1 $0x1  }
0x15: {  	[smem:$0x3FB0] =	sst s0;
	s0 =	simm.s32 @!p2 $0x0  }
0x16: {  	s3 =	sld [smem:$0x3FDB];
	s0 =	simm.s32 @p2 $0x1  }
0x17: {  	s4 =	simm.s32 $0x1BF5;
	[smem:$0x3FB2] =	sst s0  }
0x18: {  	s0 =	sld [smem:$0x3F95];
	_ =	swait.ge [sflag:s4], $0x0  }
0x19: {  	s7 =	sld [smem:$0x3F96]  }
0x1a: {  	s8 =	sadd.s32 $0xFFFFE003, lr  }
0x1b: {  	s9 =	sadd.s32 $0xFFFFFEF7, lr;
	s5 =	simm.s32 $0xFFFFFFFF;
	p2 =	slt.u32 s8, $0xFFFFF086  }
0x1c: {  	p1 =	slt.u32 s9, $0xF7A;
	s5 =	simm.s32 @!p2 $0x0  }
0x1d: {  	s5 =	simm.s32 @p1 $0x1;
	p0 =	seq.s32 s7, s2  }
0x1e: {  	s7 =	smul.u32 @!p0 $0xF7A, s2;
	p2 =	seq.s32 @!p0 s5, $0x0  }
0x1f: {  	s9 =	smul.u32 $0xF7A, s1;
	s8 =	simm.s32 @!p0 $0x1BF5;
	p2 =	por !p2, p0  }
0x20: {  	[sflag:s8] =	ssyncset.s32 @!p0 $0xFFFFF086;
	s6 =	sadd.s32 @!p0 s3, s7;
	s7 =	simm.s32 @!p0 $0x108  }
0x21: {  	s3 =	sadd.s32 s3, s9;
	s6 =	sadd.s32 @!p0 $0x88, s6;
	s7 =	simm.s32 @p2 $0x1082  }
0x22: {  	[simem:s7], [sflag:s8] =	dma.local @!p0 [hbm:s6], $0xF7A  }
0x23: {  	s9 =	sor.u32 $0xD0000000, s2;
	s6 =	simm.s32 $0x108;
	_ =	swait.ge @!p0 [sflag:s8], $0x0  }
0x24: {  	s3 =	sadd.s32 $0x88, s3;
	s6 =	simm.s32 @!p1 $0x1082;
	[sflag:s4] =	ssyncset.s32 $0xFFFFF086  }
0x25: {  	[simem:s6], [sflag:s4] =	dma.local [hbm:s3], $0xF7A  }
0x26: {  	[smem:$0x3F96] =	sst s1;
	(tag) =	ssettag s2;
	_ =	strace s9  }
0x27: {  	s1 =	sld [smem:$0x3FA6]  }
0x28: {  	s2 =	sld [smem:$0x3FA7]  }
0x29: {  	s4 =	sld [smem:$0x3FA9]  }
0x2a: {  	p0 =	seq.s32 s5, $0x0;
	s5 =	sld [smem:$0x3FAA]  }
0x2b: {  	s6 =	sld [smem:$0x3FAB]  }
0x2c: {  	s7 =	sld [smem:$0x3FAC]  }
0x2d: {  	s3 =	simm.s32 $0x108;
	s8 =	sld [smem:$0x3FAD]  }
0x2e: {  	s3 =	simm.s32 @!p0 $0x1082;
	s9 =	sld [smem:$0x3FAE]  }
0x2f: {  	lr =	sadd.s32 s0, s3;
	s0 =	sld [smem:$0x3FA5]  }
0x30: {  	s3 =	sld [smem:$0x3FA8]  }
0x31: {  	[smem:$0x3FB1] =	sst s10  }
0x32: {  	s10 =	sld [smem:$0x3FAF];
	_ =	sdelay $0x3  }
0x33: {  	p0 =	seq.s32 s10, $0x1;
	s10 =	sld [smem:$0x3FB1];
	_ =	sdelay $0x3  }
0x34: {  	[smem:$0x3FB1] =	sst s10  }
0x35: {  	s10 =	sld [smem:$0x3FB0];
	_ =	sdelay $0x3  }
0x36: {  	p1 =	seq.s32 s10, $0x1;
	s10 =	sld [smem:$0x3FB1];
	_ =	sdelay $0x3  }
0x37: {  	[smem:$0x3FB1] =	sst s10  }
0x38: {  	s10 =	sld [smem:$0x3FB2]  }
0x39: {  	_ = 	snop;
	(pc) =	sbr.ind lr, $3  }
0x3a: {  	_ = 	snop  }
0x3b: {  	_ = 	snop  }
0x3c: {  	p2 =	seq.s32 s10, $0x1;
	s10 =	sld [smem:$0x3FB1]  }
0x3d: {  	_ =	shalt  }
0x3e: {  	_ =	shalt  }
0x3f: {  	_ =	shalt  }
0x40: {  	_ =	shalt  }
0x41: {  	_ =	shalt  }
0x42: {  	_ =	shalt  }
0x43: {  	_ =	shalt  }
0x44: {  	_ =	shalt  }
0x45: {  	_ =	shalt  }
0x46: {  	_ =	shalt  }
0x47: {  	_ =	shalt  }
0x48: {  	_ =	shalt  }
0x49: {  	_ =	shalt  }
0x4a: {  	_ =	shalt  }
0x4b: {  	_ =	shalt  }
0x4c: {  	_ =	shalt  }
0x4d: {  	_ =	shalt  }
0x4e: {  	_ =	shalt  }
0x4f: {  	_ =	shalt  }
0x50: {  	_ =	shalt  }
0x51: {  	_ =	shalt  }
0x52: {  	_ =	shalt  }
0x53: {  	_ =	shalt  }
0x54: {  	_ =	shalt  }
0x55: {  	_ =	shalt  }
0x56: {  	_ =	shalt  }
0x57: {  	_ =	shalt  }
0x58: {  	_ =	shalt  }
0x59: {  	_ =	shalt  }
0x5a: {  	_ =	shalt  }
0x5b: {  	_ =	shalt  }
0x5c: {  	_ =	shalt  }
0x5d: {  	_ =	shalt  }
0x5e: {  	_ =	shalt  }
0x5f: {  	_ =	shalt  }
0x60: {  	_ =	shalt  }
0x61: {  	_ =	shalt  }
0x62: {  	_ =	shalt  }
0x63: {  	_ =	shalt  }
0x64: {  	_ =	shalt  }
0x65: {  	_ =	shalt  }
0x66: {  	_ =	shalt  }
0x67: {  	_ =	shalt  }
0x68: {  	_ =	shalt  }
0x69: {  	_ =	shalt  }
0x6a: {  	_ =	shalt  }
0x6b: {  	_ =	shalt  }
0x6c: {  	_ =	shalt  }
0x6d: {  	_ =	shalt  }
0x6e: {  	_ =	shalt  }
0x6f: {  	_ =	shalt  }
0x70: {  	_ =	shalt  }
0x71: {  	_ =	shalt  }
0x72: {  	_ =	shalt  }
0x73: {  	_ =	shalt  }
0x74: {  	_ =	shalt  }
0x75: {  	_ =	shalt  }
0x76: {  	_ =	shalt  }
0x77: {  	_ =	shalt  }
0x78: {  	_ =	shalt  }
0x79: {  	_ =	shalt  }
0x7a: {  	_ =	shalt  }
0x7b: {  	_ =	shalt  }
0x7c: {  	_ =	shalt  }
0x7d: {  	_ =	shalt  }
0x7e: {  	_ =	shalt  }
0x7f: {  	_ =	shalt  }
0x80: {  	_ =	shalt  }
0x81: {  	_ =	shalt  }
0x82: {  	_ =	shalt  }
0x83: {  	_ =	shalt  }
0x84: {  	_ =	shalt  }
0x85: {  	_ =	shalt  }
0x86: {  	_ =	shalt  }
0x87: {  	_ =	shalt  }
.Lfunc_end0:
.L_simem_size_0:
called_computation_lowered:
.L_overlay_start_0:
0x88: {  	s2 =	sld [smem:$0x3FD9]  }
0x89: {  	s3 =	sld [smem:$0x3FFE];
	_ =	sdelay $0x1  }
0x8a: {  	s1 =	srdreg.scid  }
0x8b: {  	s0 =	sand.u32 $0x1, s1  }
0x8c: {  	s17 =	sshll.u32 s0, $0xA;
	s2 =	sadd.s32 s3, s2  }
0x8d: {  	s2 =	sadd.s32 s2, s17  }
0x8e: {  	[smem:$0x3FBD] =	sst s2  }
0x8f: {  	_ = 	snop  }
0x90: {  	s2 =	sld [smem:$0x3FC9];
	(tm) =	ssettm $0x1  }
0x91: {  	s18 =	sld [smem:$0x3FFB];
	_ =	sdelay $0x3  }
0x92: {  	_ =	strace s18  }
0x93: {  	s3 =	sld [smem:$0x3FFC];
	_ =	sdelay $0x3  }
0x94: {  	_ =	strace s3  }
0x95: {  	s3 =	sld [smem:$0x3FFD];
	_ =	sdelay $0x3  }
0x96: {  	_ =	strace s3  }
0x97: {  	_ =	strace $0x8FFFFFFF  }
0x98: {  	s19 =	sld [smem:$0x3FDB];
	_ =	sdelay $0x1  }
0x99: {  	s4 =	simm.s32 $_scs_section_size  }
0x9a: {  	s5 =	simm.s32 $_size__tile_overlayer_lowered;
	s6 =	simm.s32 $_tile_overlayer_lowered  }
0x9b: {  	s22 =	simm.s32 $0x1BFF;
	s21 =	sshll.u32 s6, $0x1;
	s3 =	sadd.s32 s4, s19  }
0x9c: {  	s7 =	simm.s32 $0x0;
	s20 =	sshll.u32 s5, $0x1;
	s5 =	sadd.s32 s21, s3  }
0x9d: {  	[timem:s7], [sflag:s22] =	dma.local [hbm:s5], s20  }
0x9e: {  	_ =	swait.ge [sflag:s22], s20  }
0x9f: {  	s4 =	ssub.s32 $0x0, s20;
	[sflag:s22] =	ssyncset.done $0x0  }
0xa0: {  	[sflag:s22] =	ssyncadd.s32 s4;
	_ =	sdelay $0x1  }
0xa1: {  	s23 =	simm.s32 $0x1B8B  }
0xa2: {  	_ =	swait.ge [sflag:s23], $0x1  }
0xa3: {  	[sflag:s23] =	ssyncset.done $0x0  }
0xa4: {  	s25 =	simm.s32 $0x1B8E;
	s24 =	sld [smem:$0x3FFE];
	[sflag:s23] =	ssyncadd.s32 $0xFFFFFFFF  }
0xa5: {  	s26 =	simm.s32 $execute0_lowered;
	[smem:$0x3FD2] =	sst s25  }
0xa6: {  	s5 =	sshll.u32 s26, $0x1;
	_ =	strace $0x80000046;
	[dreg:$0x1] =	wrdreg $0xFFFFFFFF  }
0xa7: {  	s28 =	simm.s32 $_size_execute0_lowered;
	s3 =	sadd.s32 s3, s5;
	[dreg:$0x0] =	wrdreg $0x0  }
0xa8: {  	s5 =	sshll.u32 s28, $0x1;
	[dreg:$0x2] =	wrdreg s3  }
0xa9: {  	[dreg:$0x3] =	wrdreg s5  }
0xaa: {  	[dreg:$0x4] =	wrdreg $0xC0  }
0xab: {  	_ =	task [dreg:s7], $0x5FFFF  }
0xac: {  	[dreg:$0x1] =	wrdreg $0xFFFFFFFF  }
0xad: {  	[dreg:$0x0] =	wrdreg $0x60  }
0xae: {  	[dreg:$0x2] =	wrdreg s2  }
0xaf: {  	[dreg:$0x3] =	wrdreg s24  }
0xb0: {  	[dreg:$0x4] =	wrdreg $0xB0000  }
0xb1: {  	[dreg:$0x5] =	wrdreg $0x9  }
0xb2: {  	_ =	task.clear_ibuf [dreg:s7], $0x6FFFF;
	_ =	strace $0x90000046  }
0xb3: {  	s29 =	simm.s32 $0x9;
	_ =	strace $0x80000048  }
0xb4: {  	_ =	swait.ge [sflag:s29], $0x1  }
0xb5: {  	[sflag:s29] =	ssyncadd.s32 $0xFFFFFFFF  }
0xb6: {  	_ =	strace $0x90000048  }
0xb7: {  	_ =	sfence  }
0xb8: {  	s30 =	sld [smem:$0x0];
	_ =	sdelay $0x2  }
0xb9: {  	s31 =	sshll.u32 s1, $0xD;
	s1 =	sshrl.u32 s1, $0x2  }
0xba: {  	s3 =	sand.u32 $0x4000, s31;
	s1 =	sadd.s32 s1, s30  }
0xbb: {  	s0 =	sor.u32 s3, s0;
	s1 =	sshll.u32 s1, $0x11  }
0xbc: {  	s0 =	sor.u32 s1, s0  }
0xbd: {  	s0 =	sadd.s32 $0x8F2B, s0  }
0xbe: {  	[sflag:s0] =	ssyncadd.remote.s32 $0x1  }
0xbf: {  	_ =	sfence.sel $0xFFFF  }
0xc0: {  	[dreg:$0x0] =	wrdreg $0xFFFFFFFF;
	(pc) =	sbr.abs _section_cstart, $3  }
0xc1: {  	[dreg:$0x1] =	wrdreg $0xFFFFFFFF  }
0xc2: {  	_ =	task.clear_ibuf [dreg:s7], $0x2FFFF;
	_ =	strace $0x9FFFFFFF  }
0xc3: {  	(tm) =	ssettm $0x7FFFFFFF  }
tec
execute0_lowered:
.L_overlay_start_1:
0x0: {  	(tag) =	ssettag $0x1  }
0x1: {  	s1 =	rddreg [dreg:$0x0]  }
0x2: {  	s0 =	rddreg [dreg:$0x1]  }
0x3: {  	s3 =	rddreg [dreg:$0x2];
	s2 =	srdreg.scid  }
0x4: {  	s4 =	simm.s32 $0x0;
	s14 =	stileid.u32;
	s15 =	simm.s32 $0x200  }
0x5: {  	s17 =	simm.s32 $0x900;
	s19 =	simm.s32 $0x280;
	s20 =	simm.s32 $0x980  }
0x6: {  	s22 =	simm.s32 $0x300;
	s23 =	simm.s32 $0xA00;
	[smem:$0x7FF] =	sst s4  }
0x7: {  	s24 =	simm.s32 $0x380;
	_ =	strace $0x80000047;
	[dreg:$0xa] =	wrdreg s15  }
0x8: {  	s25 =	simm.s32 $0xA80;
	s28 =	simm.s32 $0x4;
	[dreg:$0xb] =	wrdreg s17  }
0x9: {  	s29 =	simm.s32 $0x7;
	s30 =	simm.s32 $0x1;
	[dreg:$0xc] =	wrdreg s19  }
0xa: {  	s31 =	simm.s32 $0x8;
	s2 =	sand.u32 $0x1, s2;
	[dreg:$0xd] =	wrdreg s20  }
0xb: {  	s6 =	sshll.u32 s14, $0xE;
	s8 =	sadd.s32 $0x1C00, s0;
	[dreg:$0xe] =	wrdreg s22  }
0xc: {  	s10 =	sadd.s32 $0x11C00, s0;
	s11 =	smul.u32 $0x13C00, s14;
	[dreg:$0xf] =	wrdreg s23  }
0xd: {  	s18 =	smul.u32 $0x4F000, s14;
	s5 =	sshll.u32 s2, $0x12;
	[dreg:$0x10] =	wrdreg s24  }
0xe: {  	s9 =	smul.u32 $0x13C000, s2;
	s2 =	ssub.s32 $0x2, s2;
	[dreg:$0x11] =	wrdreg s25  }
0xf: {  	s15 =	simm.s32 $0x3800;
	s17 =	sshll.u32 s14, $0x6;
	s19 =	simm.s32 $0xD00  }
0x10: {  	s20 =	simm.s32 $0x680;
	s22 =	simm.s32 $0x700;
	s23 =	simm.s32 $0xE00  }
0x11: {  	s24 =	simm.s32 $0x780;
	s25 =	simm.s32 $0xE80;
	[dreg:$0x19] =	wrdreg s19  }
0x12: {  	s7 =	sor.u32 s6, s5;
	s16 =	sshrl.u32 s2, $0x1;
	[dreg:$0x1a] =	wrdreg s20  }
0x13: {  	s21 =	sshrl.u32 s18, $0x2;
	s5 =	simm.s32 $0xB80;
	[dreg:$0x1c] =	wrdreg s22  }
0x14: {  	s18 =	simm.s32 $0x600;
	s19 =	simm.s32 $0x8800;
	[dreg:$0x1d] =	wrdreg s23  }
0x15: {  	s20 =	simm.s32 $0x2;
	s22 =	simm.s32 $0xC00;
	[dreg:$0x1e] =	wrdreg s24  }
0x16: {  	s23 =	simm.s32 $0x5;
	[dreg:$0x1f] =	wrdreg s25;
	s24 =	simm.s32 $0x3  }
0x17: {  	s25 =	simm.s32 $0x6000;
	s6 =	sshrl.u32 s7, $0x3;
	[dreg:$0x14] =	wrdreg s5  }
0x18: {  	s2 =	ssub.s32 s2, s16;
	s16 =	simm.s32 $0xC80;
	[dreg:$0x18] =	wrdreg s18  }
0x19: {  	s7 =	sor.u32 $0x800, s7;
	s26 =	sadd.s32 s6, s8;
	[dreg:$0x17] =	wrdreg s16  }
0x1a: {  	s9 =	sadd.s32 s11, s9;
	s6 =	sadd.s32 s6, s10;
	[smem:$0x7FA] =	sst s26  }
0x1b: {  	s13 =	sshrl.u32 s7, $0x3;
	s7 =	sadd.s32 $0x21C00, s0;
	[smem:$0x7FB] =	sst s6  }
0x1c: {  	s11 =	simm.s32 $0x9;
	s12 =	sadd.s32 $0x80, s26;
	[smem:$0x7FC] =	sst s7  }
0x1d: {  	s18 =	simm.s32 $0xA;
	s6 =	sadd.s32 $0x80, s6;
	[dreg:$0x4] =	wrdreg s12  }
0x1e: {  	s9 =	sshrl.u32 s9, $0x3;
	s10 =	sadd.s32 s13, s10;
	[dreg:$0x5] =	wrdreg s6  }
0x1f: {  	s16 =	sor.u32 $0x1C0A, s17;
	s8 =	sadd.s32 s13, s8;
	[dreg:$0x6] =	wrdreg s10  }
0x20: {  	s0 =	sadd.s32 s9, s0;
	s13 =	simm.s32 $0x880;
	[dreg:$0x7] =	wrdreg s8  }
0x21: {  	s9 =	smax.u32 s2, $0x1;
	s26 =	simm.s32 $0xB00;
	[dreg:$0x9] =	wrdreg s13  }
0x22: {  	s2 =	simm.s32 $0x480;
	s7 =	simm.s32 $0x580;
	[dreg:$0x12] =	wrdreg s26  }
0x23: {  	s12 =	simm.s32 $0x180;
	s10 =	sadd.s32 s21, s3;
	[dreg:$0x13] =	wrdreg s2  }
0x24: {  	s8 =	sadd.s32 $0x24400, s0;
	s13 =	simm.s32 $0x1000;
	[dreg:$0x16] =	wrdreg s7  }
0x25: {  	s6 =	simm.s32 $0x500;
	s21 =	simm.s32 $0xD80;
	[dreg:$0x8] =	wrdreg s12  }
0x26: {  	s26 =	simm.s32 $0xF80;
	s0 =	simm.s32 $0x0;
	[dreg:$0x15] =	wrdreg s6  }
0x27: {  	s12 =	simm.s32 $0x50;
	s17 =	sshrl.u32 s10, $0x3;
	[dreg:$0x1b] =	wrdreg s21  }
0x28: {  	s21 =	simm.s32 $0x400;
	[smem:$0x7FD] =	sst s26;
	s26 =	simm.s32 $0x6  }
.LBB2_1:
0x29: {  	s2 =	sld [smem:$0x7FA];
	_ =	sdelay $0x1  }
0x2a: {  	s14 =	sld [smem:$0x7FB]  }
0x2b: {  	[tilespmem:s4], [sflag:$0x9] =	stream.linear.gather [hbm4b:s2+s4], $0x400, $0x38;
	[tilespmem:$0x1EC00] =	vst v63  }
0x2c: {  	s5 =	simm.s32 $0x800  }
0x2d: {  	[tilespmem:s5], [sflag:$0x9] =	stream.linear.gather [hbm4b:s14+s4], $0x400, $0x38;
	[tilespmem:$0x1EC00] =	vst v63  }
0x2e: {  	_ =	swait.ge [sflag:s11], $0x400  }
0x2f: {  	[sflag:s11] =	ssyncset.done $0x0  }
0x30: {  	[sflag:s11] =	ssyncadd.s32 $0xFFFFFC00  }
0x31: {  	_ =	swait.ge [sflag:s11], $0x400  }
0x32: {  	[sflag:s11] =	ssyncset.done $0x0  }
0x33: {  	s6 =	sld [smem:$0x7FC];
	[sflag:s11] =	ssyncadd.s32 $0xFFFFFC00  }
0x34: {  	[tilespmem:s13], [sflag:$0x1] =	stream.indirect.gather [hbm4b:s1+s12], $0x80, s4, s12, $0xb8;
	[tilespmem:$0x1EC00] =	vst v63  }
0x35: {  	s5 =	simm.s32 $0x80  }
0x36: {  	[tilespmem:s15], [sflag:$0x2] =	stream.indirect.gather [hbm4b:s1+s12], $0x80, s5, s12, $0xb8;
	[tilespmem:$0x1EC00] =	vst v63  }
0x37: {  	[spmem:s17], [sflag:s16] =	dma.local [hbm:s6], $0x2780  }
0x38: {  	_ =	swait.ge [sflag:s18], $0x2780  }
0x39: {  	p0 =	por $0x1, $0x1;
	[sflag:s18] =	ssyncset.done $0x0  }
0x3a: {  	s10 =	simm.s32 @p0 $0x100;
	[sflag:s18] =	ssyncadd.s32 $0xFFFFD880  }
0x3b: {  	s2 =	simm.s32 @p0 $0x50;
	s14 =	simm.s32 @p0 $0x6000;
	[bflag:$0x0] =	sbarrier.arrive $0xFFFF  }
0x3c: {  	[tilespmem:s14], [sflag:$0x3] =	stream.indirect.gather @p0 [hbm4b:s1+s2], $0x80, s10, s2, $0xb8;
	[tilespmem:$0x1EC00] =	vst v63  }
0x3d: {  	s10 =	simm.s32 @p0 $0x1  }
0x3e: {  	_ =	swait.ge @p0 [sflag:s10], $0x2800  }
0x3f: {  	s7 =	simm.s32 @p0 $0x1000;
	[sflag:s10] =	ssyncset.done @p0 $0x0  }
0x40: {  	s14 =	simm.s32 @p0 $0x800;
	[sflag:s10] =	ssyncadd.s32 @p0 $0xFFFFD800;
	s10 =	simm.s32 @!p0 $0x7  }
0x41: {  	[spmem:s3] =	stream.indirect.scatter.add.f32 @p0 [tilespmem:s7], [sflag:$0x5], $0x80, s14, s2, $0xb8;
	[tilespmem:$0x1EC00] =	vst v63  }
0x42: {  	_ =	swait.ge @!p0 [sflag:s10], $0x2800  }
0x43: {  	s2 =	simm.s32 @!p0 $0x6000;
	s7 =	simm.s32 @!p0 $0x50;
	[sflag:s10] =	ssyncset.done @!p0 $0x0  }
0x44: {  	s14 =	simm.s32 @!p0 $0x100;
	[sflag:s10] =	ssyncadd.s32 @!p0 $0xFFFFD800;
	s10 =	simm.s32 @!p0 $0x1  }
0x45: {  	[tilespmem:s2], [sflag:$0x3] =	stream.indirect.gather @!p0 [hbm4b:s1+s7], $0x80, s14, s7, $0xb8;
	[tilespmem:$0x1EC00] =	vst v63  }
0x46: {  	_ =	swait.ge @!p0 [sflag:s10], $0x2800  }
0x47: {  	s2 =	simm.s32 @!p0 $0x800;
	[sflag:s10] =	ssyncset.done @!p0 $0x0  }
0x48: {  	s14 =	simm.s32 @!p0 $0x1000;
	[sflag:s10] =	ssyncadd.s32 @!p0 $0xFFFFD800;
	s10 =	simm.s32 @!p0 $0x8  }
0x49: {  	[spmem:s3] =	stream.indirect.scatter.add.f32 @!p0 [tilespmem:s14], [sflag:$0x5], $0x80, s2, s7, $0xb8;
	[tilespmem:$0x1EC00] =	vst v63  }
0x4a: {  	_ =	swait.ge @!p0 [sflag:s10], $0x2800  }
0x4b: {  	[sflag:s10] =	ssyncset.done @!p0 $0x0  }
0x4c: {  	s7 =	rddreg [dreg:$0x8];
	[sflag:s10] =	ssyncadd.s32 @!p0 $0xFFFFD800  }
0x4d: {  	[tilespmem:s19], [sflag:$0x4] =	stream.indirect.gather [hbm4b:s1+s12], $0x80, s7, s12, $0xb8;
	[tilespmem:$0x1EC00] =	vst v63  }
0x4e: {  	_ =	swait.ge [sflag:s20], $0x2800  }
0x4f: {  	s14 =	rddreg [dreg:$0x9];
	[sflag:s20] =	ssyncset.done $0x0  }
0x50: {  	s5 =	rddreg [dreg:$0x4];
	[sflag:s20] =	ssyncadd.s32 $0xFFFFD800  }
0x51: {  	[spmem:s3] =	stream.indirect.scatter.add.f32 [tilespmem:s15], [sflag:$0x6], $0x80, s14, s12, $0xb8;
	[tilespmem:$0x1EC00] =	vst v63  }
0x52: {  	s6 =	rddreg [dreg:$0x5];
	s14 =	sadd.s32 $0x0, s5  }
0x53: {  	[tilespmem:s21], [sflag:$0x9] =	stream.linear.gather [hbm4b:s14+s4], $0x400, $0x38;
	[tilespmem:$0x1EC00] =	vst v63  }
0x54: {  	s5 =	sadd.s32 $0x0, s6  }
0x55: {  	[tilespmem:s22], [sflag:$0x9] =	stream.linear.gather [hbm4b:s5+s4], $0x400, $0x38;
	[tilespmem:$0x1EC00] =	vst v63  }
0x56: {  	_ =	swait.ge [sflag:s23], $0x2800  }
0x57: {  	[sflag:s23] =	ssyncset.done $0x0  }
0x58: {  	s6 =	rddreg [dreg:$0xa];
	[sflag:s23] =	ssyncadd.s32 $0xFFFFD800  }
0x59: {  	[tilespmem:s13], [sflag:$0x1] =	stream.indirect.gather [hbm4b:s1+s12], $0x80, s6, s12, $0xb8;
	[tilespmem:$0x1EC00] =	vst v63  }
0x5a: {  	_ =	swait.ge [sflag:s24], $0x2800  }
0x5b: {  	[sflag:s24] =	ssyncset.done $0x0  }
0x5c: {  	s7 =	rddreg [dreg:$0xb];
	[sflag:s24] =	ssyncadd.s32 $0xFFFFD800  }
0x5d: {  	[spmem:s3] =	stream.indirect.scatter.add.f32 [tilespmem:s25], [sflag:$0x7], $0x80, s7, s12, $0xb8;
	[tilespmem:$0x1EC00] =	vst v63  }
0x5e: {  	_ =	swait.ge [sflag:s26], $0x2800  }
0x5f: {  	[sflag:s26] =	ssyncset.done $0x0  }
0x60: {  	s10 =	rddreg [dreg:$0xc];
	[sflag:s26] =	ssyncadd.s32 $0xFFFFD800  }
0x61: {  	[tilespmem:s15], [sflag:$0x2] =	stream.indirect.gather [hbm4b:s1+s12], $0x80, s10, s12, $0xb8;
	[tilespmem:$0x1EC00] =	vst v63  }
0x62: {  	_ =	swait.ge [sflag:s28], $0x2800  }
0x63: {  	[sflag:s28] =	ssyncset.done $0x0  }
0x64: {  	s14 =	rddreg [dreg:$0xd];
	[sflag:s28] =	ssyncadd.s32 $0xFFFFD800  }
0x65: {  	[spmem:s3] =	stream.indirect.scatter.add.f32 [tilespmem:s19], [sflag:$0x8], $0x80, s14, s12, $0xb8;
	[tilespmem:$0x1EC00] =	vst v63  }
0x66: {  	_ =	swait.ge [sflag:s29], $0x2800  }
0x67: {  	[sflag:s29] =	ssyncset.done $0x0  }
0x68: {  	s5 =	rddreg [dreg:$0xe];
	[sflag:s29] =	ssyncadd.s32 $0xFFFFD800  }
0x69: {  	[tilespmem:s25], [sflag:$0x3] =	stream.indirect.gather [hbm4b:s1+s12], $0x80, s5, s12, $0xb8;
	[tilespmem:$0x1EC00] =	vst v63  }
0x6a: {  	_ =	swait.ge [sflag:s30], $0x2800  }
0x6b: {  	[sflag:s30] =	ssyncset.done $0x0  }
0x6c: {  	s6 =	rddreg [dreg:$0xf];
	[sflag:s30] =	ssyncadd.s32 $0xFFFFD800  }
0x6d: {  	[spmem:s3] =	stream.indirect.scatter.add.f32 [tilespmem:s13], [sflag:$0x5], $0x80, s6, s12, $0xb8;
	[tilespmem:$0x1EC00] =	vst v63  }
0x6e: {  	_ =	swait.ge [sflag:s31], $0x2800  }
0x6f: {  	[sflag:s31] =	ssyncset.done $0x0  }
0x70: {  	s7 =	rddreg [dreg:$0x10];
	[sflag:s31] =	ssyncadd.s32 $0xFFFFD800  }
0x71: {  	[tilespmem:s19], [sflag:$0x4] =	stream.indirect.gather [hbm4b:s1+s12], $0x80, s7, s12, $0xb8;
	[tilespmem:$0x1EC00] =	vst v63  }
0x72: {  	_ =	swait.ge [sflag:s20], $0x2800  }
0x73: {  	[sflag:s20] =	ssyncset.done $0x0  }
0x74: {  	s10 =	rddreg [dreg:$0x11];
	[sflag:s20] =	ssyncadd.s32 $0xFFFFD800  }
0x75: {  	[spmem:s3] =	stream.indirect.scatter.add.f32 [tilespmem:s15], [sflag:$0x6], $0x80, s10, s12, $0xb8;
	[tilespmem:$0x1EC00] =	vst v63  }
0x76: {  	_ =	swait.ge [sflag:s23], $0x2800  }
0x77: {  	[sflag:s23] =	ssyncset.done $0x0  }
0x78: {  	[sflag:s23] =	ssyncadd.s32 $0xFFFFD800  }
0x79: {  	_ =	swait.ge [sflag:s11], $0x400  }
0x7a: {  	[sflag:s11] =	ssyncset.done $0x0  }
0x7b: {  	[sflag:s11] =	ssyncadd.s32 $0xFFFFFC00  }
0x7c: {  	_ =	swait.ge [sflag:s11], $0x400  }
0x7d: {  	[sflag:s11] =	ssyncset.done $0x0  }
0x7e: {  	[sflag:s11] =	ssyncadd.s32 $0xFFFFFC00  }
0x7f: {  	[tilespmem:s13], [sflag:$0x1] =	stream.indirect.gather [hbm4b:s1+s12], $0x80, s21, s12, $0xb8;
	[tilespmem:$0x1EC00] =	vst v63  }
0x80: {  	_ =	swait.ge [sflag:s24], $0x2800  }
0x81: {  	[sflag:s24] =	ssyncset.done $0x0  }
0x82: {  	s14 =	rddreg [dreg:$0x12];
	[sflag:s24] =	ssyncadd.s32 $0xFFFFD800  }
0x83: {  	[spmem:s3] =	stream.indirect.scatter.add.f32 [tilespmem:s25], [sflag:$0x7], $0x80, s14, s12, $0xb8;
	[tilespmem:$0x1EC00] =	vst v63  }
0x84: {  	_ =	swait.ge [sflag:s26], $0x2800  }
0x85: {  	[sflag:s26] =	ssyncset.done $0x0  }
0x86: {  	s5 =	rddreg [dreg:$0x13];
	[sflag:s26] =	ssyncadd.s32 $0xFFFFD800  }
0x87: {  	[tilespmem:s15], [sflag:$0x2] =	stream.indirect.gather [hbm4b:s1+s12], $0x80, s5, s12, $0xb8;
	[tilespmem:$0x1EC00] =	vst v63  }
0x88: {  	_ =	swait.ge [sflag:s28], $0x2800  }
0x89: {  	[sflag:s28] =	ssyncset.done $0x0  }
0x8a: {  	s6 =	rddreg [dreg:$0x14];
	[sflag:s28] =	ssyncadd.s32 $0xFFFFD800  }
0x8b: {  	[spmem:s3] =	stream.indirect.scatter.add.f32 [tilespmem:s19], [sflag:$0x8], $0x80, s6, s12, $0xb8;
	[tilespmem:$0x1EC00] =	vst v63  }
0x8c: {  	_ =	swait.ge [sflag:s29], $0x2800  }
0x8d: {  	[sflag:s29] =	ssyncset.done $0x0  }
0x8e: {  	s7 =	rddreg [dreg:$0x15];
	[sflag:s29] =	ssyncadd.s32 $0xFFFFD800  }
0x8f: {  	[tilespmem:s25], [sflag:$0x3] =	stream.indirect.gather [hbm4b:s1+s12], $0x80, s7, s12, $0xb8;
	[tilespmem:$0x1EC00] =	vst v63  }
0x90: {  	_ =	swait.ge [sflag:s30], $0x2800  }
0x91: {  	[sflag:s30] =	ssyncset.done $0x0  }
0x92: {  	[sflag:s30] =	ssyncadd.s32 $0xFFFFD800  }
0x93: {  	[spmem:s3] =	stream.indirect.scatter.add.f32 [tilespmem:s13], [sflag:$0x5], $0x80, s22, s12, $0xb8;
	[tilespmem:$0x1EC00] =	vst v63  }
0x94: {  	_ =	swait.ge [sflag:s31], $0x2800  }
0x95: {  	[sflag:s31] =	ssyncset.done $0x0  }
0x96: {  	s10 =	rddreg [dreg:$0x16];
	[sflag:s31] =	ssyncadd.s32 $0xFFFFD800  }
0x97: {  	[tilespmem:s19], [sflag:$0x4] =	stream.indirect.gather [hbm4b:s1+s12], $0x80, s10, s12, $0xb8;
	[tilespmem:$0x1EC00] =	vst v63  }
0x98: {  	_ =	swait.ge [sflag:s20], $0x2800  }
0x99: {  	s14 =	rddreg [dreg:$0x17];
	[sflag:s20] =	ssyncset.done $0x0  }
0x9a: {  	p0 =	por $0x0, $0x0;
	s7 =	rddreg [dreg:$0x7];
	[sflag:s20] =	ssyncadd.s32 $0xFFFFD800  }
0x9b: {  	[spmem:s3] =	stream.indirect.scatter.add.f32 [tilespmem:s15], [sflag:$0x6], $0x80, s14, s12, $0xb8;
	[tilespmem:$0x1EC00] =	vst v63  }
0x9c: {  	s2 =	simm.s32 @!p0 $0x0;
	s10 =	rddreg [dreg:$0x6];
	s7 =	sadd.s32 @!p0 $0x0, s7  }
0x9d: {  	[tilespmem:s2], [sflag:$0x9] =	stream.linear.gather @!p0 [hbm4b:s7+s2], $0x400, $0x38;
	[tilespmem:$0x1EC00] =	vst v63  }
0x9e: {  	s10 =	sadd.s32 @!p0 $0x0, s10;
	s7 =	simm.s32 @!p0 $0x800  }
0x9f: {  	[tilespmem:s7], [sflag:$0x9] =	stream.linear.gather @!p0 [hbm4b:s10+s2], $0x400, $0x38;
	[tilespmem:$0x1EC00] =	vst v63  }
0xa0: {  	_ =	swait.ge [sflag:s23], $0x2800  }
0xa1: {  	[sflag:s23] =	ssyncset.done $0x0  }
0xa2: {  	s5 =	rddreg [dreg:$0x18];
	[sflag:s23] =	ssyncadd.s32 $0xFFFFD800  }
0xa3: {  	[tilespmem:s13], [sflag:$0x1] =	stream.indirect.gather [hbm4b:s1+s12], $0x80, s5, s12, $0xb8;
	[tilespmem:$0x1EC00] =	vst v63  }
0xa4: {  	_ =	swait.ge [sflag:s24], $0x2800  }
0xa5: {  	[sflag:s24] =	ssyncset.done $0x0  }
0xa6: {  	s6 =	rddreg [dreg:$0x19];
	[sflag:s24] =	ssyncadd.s32 $0xFFFFD800  }
0xa7: {  	[spmem:s3] =	stream.indirect.scatter.add.f32 [tilespmem:s25], [sflag:$0x7], $0x80, s6, s12, $0xb8;
	[tilespmem:$0x1EC00] =	vst v63  }
0xa8: {  	_ =	swait.ge [sflag:s26], $0x2800  }
0xa9: {  	[sflag:s26] =	ssyncset.done $0x0  }
0xaa: {  	s10 =	rddreg [dreg:$0x1a];
	[sflag:s26] =	ssyncadd.s32 $0xFFFFD800  }
0xab: {  	[tilespmem:s15], [sflag:$0x2] =	stream.indirect.gather [hbm4b:s1+s12], $0x80, s10, s12, $0xb8;
	[tilespmem:$0x1EC00] =	vst v63  }
0xac: {  	_ =	swait.ge [sflag:s28], $0x2800  }
0xad: {  	[sflag:s28] =	ssyncset.done $0x0  }
0xae: {  	s14 =	rddreg [dreg:$0x1b];
	[sflag:s28] =	ssyncadd.s32 $0xFFFFD800  }
0xaf: {  	[spmem:s3] =	stream.indirect.scatter.add.f32 [tilespmem:s19], [sflag:$0x8], $0x80, s14, s12, $0xb8;
	[tilespmem:$0x1EC00] =	vst v63  }
0xb0: {  	_ =	swait.ge [sflag:s29], $0x2800  }
0xb1: {  	[sflag:s29] =	ssyncset.done $0x0  }
0xb2: {  	s5 =	rddreg [dreg:$0x1c];
	[sflag:s29] =	ssyncadd.s32 $0xFFFFD800  }
0xb3: {  	[tilespmem:s25], [sflag:$0x3] =	stream.indirect.gather [hbm4b:s1+s12], $0x80, s5, s12, $0xb8;
	[tilespmem:$0x1EC00] =	vst v63  }
0xb4: {  	_ =	swait.ge [sflag:s30], $0x2800  }
0xb5: {  	[sflag:s30] =	ssyncset.done $0x0  }
0xb6: {  	s6 =	rddreg [dreg:$0x1d];
	[sflag:s30] =	ssyncadd.s32 $0xFFFFD800  }
0xb7: {  	[spmem:s3] =	stream.indirect.scatter.add.f32 [tilespmem:s13], [sflag:$0x5], $0x80, s6, s12, $0xb8;
	[tilespmem:$0x1EC00] =	vst v63  }
0xb8: {  	_ =	swait.ge [sflag:s31], $0x2800  }
0xb9: {  	[sflag:s31] =	ssyncset.done $0x0  }
0xba: {  	s10 =	rddreg [dreg:$0x1e];
	[sflag:s31] =	ssyncadd.s32 $0xFFFFD800  }
0xbb: {  	[tilespmem:s19], [sflag:$0x4] =	stream.indirect.gather [hbm4b:s1+s12], $0x80, s10, s12, $0xb8;
	[tilespmem:$0x1EC00] =	vst v63  }
0xbc: {  	_ =	swait.ge [sflag:s20], $0x2800  }
0xbd: {  	[sflag:s20] =	ssyncset.done $0x0  }
0xbe: {  	s14 =	rddreg [dreg:$0x1f];
	[sflag:s20] =	ssyncadd.s32 $0xFFFFD800  }
0xbf: {  	[spmem:s3] =	stream.indirect.scatter.add.f32 [tilespmem:s15], [sflag:$0x6], $0x80, s14, s12, $0xb8;
	[tilespmem:$0x1EC00] =	vst v63  }
0xc0: {  	_ =	swait.ge [sflag:s23], $0x2800  }
0xc1: {  	[sflag:s23] =	ssyncset.done $0x0  }
0xc2: {  	s7 =	simm.s32 @p0 $0x3;
	[sflag:s23] =	ssyncadd.s32 $0xFFFFD800  }
0xc3: {  	_ =	swait.ge @p0 [sflag:s7], $0x2800  }
0xc4: {  	s10 =	simm.s32 @p0 $0x6000;
	[sflag:s7] =	ssyncset.done @p0 $0x0  }
0xc5: {  	s14 =	simm.s32 @p0 $0x50;
	[sflag:s7] =	ssyncadd.s32 @p0 $0xFFFFD800;
	s7 =	simm.s32 @p0 $0xF00  }
0xc6: {  	[spmem:s3] =	stream.indirect.scatter.add.f32 @p0 [tilespmem:s10], [sflag:$0x7], $0x80, s7, s14, $0xb8;
	[tilespmem:$0x1EC00] =	vst v63  }
0xc7: {  	s7 =	simm.s32 @p0 $0x6  }
0xc8: {  	_ =	swait.ge @p0 [sflag:s7], $0x2800  }
0xc9: {  	[sflag:s7] =	ssyncset.done @p0 $0x0  }
0xca: {  	s10 =	simm.s32 @!p0 $0x9;
	[sflag:s7] =	ssyncadd.s32 @p0 $0xFFFFD800  }
0xcb: {  	_ =	swait.ge @!p0 [sflag:s10], $0x400  }
0xcc: {  	[sflag:s10] =	ssyncset.done @!p0 $0x0  }
0xcd: {  	[sflag:s10] =	ssyncadd.s32 @!p0 $0xFFFFFC00  }
0xce: {  	_ =	swait.ge @!p0 [sflag:s10], $0x400  }
0xcf: {  	[sflag:s10] =	ssyncset.done @!p0 $0x0  }
0xd0: {  	s7 =	simm.s32 @!p0 $0x50;
	[sflag:s10] =	ssyncadd.s32 @!p0 $0xFFFFFC00;
	s10 =	simm.s32 @!p0 $0x1000  }
0xd1: {  	[tilespmem:s10], [sflag:$0x1] =	stream.indirect.gather @!p0 [hbm4b:s1+s7], $0x80, s2, s7, $0xb8;
	[tilespmem:$0x1EC00] =	vst v63  }
0xd2: {  	s2 =	simm.s32 @!p0 $0x3  }
0xd3: {  	_ =	swait.ge @!p0 [sflag:s2], $0x2800  }
0xd4: {  	[sflag:s2] =	ssyncset.done @!p0 $0x0  }
0xd5: {  	s10 =	simm.s32 @!p0 $0xF00;
	[sflag:s2] =	ssyncadd.s32 @!p0 $0xFFFFD800;
	s2 =	simm.s32 @!p0 $0x6000  }
0xd6: {  	[spmem:s3] =	stream.indirect.scatter.add.f32 @!p0 [tilespmem:s2], [sflag:$0x7], $0x80, s10, s7, $0xb8;
	[tilespmem:$0x1EC00] =	vst v63  }
0xd7: {  	s2 =	simm.s32 @!p0 $0x6  }
0xd8: {  	_ =	swait.ge @!p0 [sflag:s2], $0x2800  }
0xd9: {  	[sflag:s2] =	ssyncset.done @!p0 $0x0  }
0xda: {  	s10 =	simm.s32 @!p0 $0x80;
	[sflag:s2] =	ssyncadd.s32 @!p0 $0xFFFFD800;
	s2 =	simm.s32 @!p0 $0x3800  }
0xdb: {  	[tilespmem:s2], [sflag:$0x2] =	stream.indirect.gather @!p0 [hbm4b:s1+s7], $0x80, s10, s7, $0xb8;
	[tilespmem:$0x1EC00] =	vst v63  }
0xdc: {  	_ =	swait.ge [sflag:s28], $0x2800  }
0xdd: {  	[sflag:s28] =	ssyncset.done $0x0  }
0xde: {  	s2 =	simm.s32 $0x100;
	s14 =	sld [smem:$0x7FD];
	[sflag:s28] =	ssyncadd.s32 $0xFFFFD800  }
.LBB2_2:
0xdf: {  	_ = 	snop  }
0xe0: {  	p1 =	seq.s32 s2, $0x0  }
0xe1: {  	[spmem:s3] =	stream.indirect.scatter.add.f32 [tilespmem:s19], [sflag:$0x8], $0x80, s14, s12, $0xb8;
	[tilespmem:$0x1EC00] =	vst v63  }
0xe2: {  	s7 =	simm.s32 @p1 $0x50;
	s5 =	simm.s32 @p1 $0x6000;
	s14 =	simm.s32 @p1 $0x100  }
0xe3: {  	[tilespmem:s5], [sflag:$0x3] =	stream.indirect.gather @p1 [hbm4b:s1+s7], $0x80, s14, s7, $0xb8;
	[tilespmem:$0x1EC00] =	vst v63  }
0xe4: {  	s5 =	simm.s32 @p1 $0x1  }
0xe5: {  	_ =	swait.ge @p1 [sflag:s5], $0x2800  }
0xe6: {  	s6 =	simm.s32 @p1 $0x1000;
	[sflag:s5] =	ssyncset.done @p1 $0x0  }
0xe7: {  	s14 =	simm.s32 @p1 $0x800;
	[sflag:s5] =	ssyncadd.s32 @p1 $0xFFFFD800;
	s5 =	simm.s32 @!p1 $0x7  }
0xe8: {  	[spmem:s3] =	stream.indirect.scatter.add.f32 @p1 [tilespmem:s6], [sflag:$0x5], $0x80, s14, s7, $0xb8;
	[tilespmem:$0x1EC00] =	vst v63  }
0xe9: {  	_ =	swait.ge @!p1 [sflag:s5], $0x2800  }
0xea: {  	s6 =	simm.s32 @!p1 $0x6000;
	s7 =	simm.s32 @!p1 $0x50;
	[sflag:s5] =	ssyncset.done @!p1 $0x0  }
0xeb: {  	s14 =	simm.s32 @!p1 $0x100;
	[sflag:s5] =	ssyncadd.s32 @!p1 $0xFFFFD800;
	s5 =	simm.s32 @!p1 $0x1  }
0xec: {  	[tilespmem:s6], [sflag:$0x3] =	stream.indirect.gather @!p1 [hbm4b:s1+s7], $0x80, s14, s7, $0xb8;
	[tilespmem:$0x1EC00] =	vst v63  }
0xed: {  	_ =	swait.ge @!p1 [sflag:s5], $0x2800  }
0xee: {  	s6 =	simm.s32 @!p1 $0x800;
	[sflag:s5] =	ssyncset.done @!p1 $0x0  }
0xef: {  	s14 =	simm.s32 @!p1 $0x1000;
	[sflag:s5] =	ssyncadd.s32 @!p1 $0xFFFFD800;
	s5 =	simm.s32 @!p1 $0x8  }
0xf0: {  	[spmem:s3] =	stream.indirect.scatter.add.f32 @!p1 [tilespmem:s14], [sflag:$0x5], $0x80, s6, s7, $0xb8;
	[tilespmem:$0x1EC00] =	vst v63  }
0xf1: {  	_ =	swait.ge @!p1 [sflag:s5], $0x2800  }
0xf2: {  	[sflag:s5] =	ssyncset.done @!p1 $0x0  }
0xf3: {  	s14 =	rddreg [dreg:$0x8];
	[sflag:s5] =	ssyncadd.s32 @!p1 $0xFFFFD800  }
0xf4: {  	[tilespmem:s19], [sflag:$0x4] =	stream.indirect.gather [hbm4b:s1+s12], $0x80, s14, s12, $0xb8;
	[tilespmem:$0x1EC00] =	vst v63  }
0xf5: {  	_ =	swait.ge [sflag:s20], $0x2800  }
0xf6: {  	[sflag:s20] =	ssyncset.done $0x0;
	s6 =	rddreg [dreg:$0x9]  }
0xf7: {  	s10 =	smov.u32 s2;
	s14 =	rddreg [dreg:$0x4];
	[sflag:s20] =	ssyncadd.s32 $0xFFFFD800  }
0xf8: {  	[spmem:s3] =	stream.indirect.scatter.add.f32 [tilespmem:s15], [sflag:$0x6], $0x80, s6, s12, $0xb8;
	[tilespmem:$0x1EC00] =	vst v63  }
0xf9: {  	s7 =	rddreg [dreg:$0x5];
	s14 =	sadd.s32 s10, s14  }
0xfa: {  	[tilespmem:s21], [sflag:$0x9] =	stream.linear.gather [hbm4b:s14+s4], $0x400, $0x38;
	[tilespmem:$0x1EC00] =	vst v63  }
0xfb: {  	s6 =	sadd.s32 s10, s7  }
0xfc: {  	[tilespmem:s22], [sflag:$0x9] =	stream.linear.gather [hbm4b:s6+s4], $0x400, $0x38;
	[tilespmem:$0x1EC00] =	vst v63  }
0xfd: {  	_ =	swait.ge [sflag:s23], $0x2800  }
0xfe: {  	[sflag:s23] =	ssyncset.done $0x0  }
0xff: {  	s7 =	rddreg [dreg:$0xa];
	[sflag:s23] =	ssyncadd.s32 $0xFFFFD800  }
0x100: {  	[tilespmem:s13], [sflag:$0x1] =	stream.indirect.gather [hbm4b:s1+s12], $0x80, s7, s12, $0xb8;
	[tilespmem:$0x1EC00] =	vst v63  }
0x101: {  	_ =	swait.ge [sflag:s24], $0x2800  }
0x102: {  	[sflag:s24] =	ssyncset.done $0x0  }
0x103: {  	s14 =	rddreg [dreg:$0xb];
	[sflag:s24] =	ssyncadd.s32 $0xFFFFD800  }
0x104: {  	[spmem:s3] =	stream.indirect.scatter.add.f32 [tilespmem:s25], [sflag:$0x7], $0x80, s14, s12, $0xb8;
	[tilespmem:$0x1EC00] =	vst v63  }
0x105: {  	_ =	swait.ge [sflag:s26], $0x2800  }
0x106: {  	[sflag:s26] =	ssyncset.done $0x0  }
0x107: {  	s6 =	rddreg [dreg:$0xc];
	[sflag:s26] =	ssyncadd.s32 $0xFFFFD800  }
0x108: {  	[tilespmem:s15], [sflag:$0x2] =	stream.indirect.gather [hbm4b:s1+s12], $0x80, s6, s12, $0xb8;
	[tilespmem:$0x1EC00] =	vst v63  }
0x109: {  	_ =	swait.ge [sflag:s28], $0x2800  }
0x10a: {  	[sflag:s28] =	ssyncset.done $0x0  }
0x10b: {  	s7 =	rddreg [dreg:$0xd];
	[sflag:s28] =	ssyncadd.s32 $0xFFFFD800  }
0x10c: {  	[spmem:s3] =	stream.indirect.scatter.add.f32 [tilespmem:s19], [sflag:$0x8], $0x80, s7, s12, $0xb8;
	[tilespmem:$0x1EC00] =	vst v63  }
0x10d: {  	_ =	swait.ge [sflag:s29], $0x2800  }
0x10e: {  	[sflag:s29] =	ssyncset.done $0x0  }
0x10f: {  	s14 =	rddreg [dreg:$0xe];
	[sflag:s29] =	ssyncadd.s32 $0xFFFFD800  }
0x110: {  	[tilespmem:s25], [sflag:$0x3] =	stream.indirect.gather [hbm4b:s1+s12], $0x80, s14, s12, $0xb8;
	[tilespmem:$0x1EC00] =	vst v63  }
0x111: {  	_ =	swait.ge [sflag:s30], $0x2800  }
0x112: {  	[sflag:s30] =	ssyncset.done $0x0  }
0x113: {  	s6 =	rddreg [dreg:$0xf];
	[sflag:s30] =	ssyncadd.s32 $0xFFFFD800  }
0x114: {  	[spmem:s3] =	stream.indirect.scatter.add.f32 [tilespmem:s13], [sflag:$0x5], $0x80, s6, s12, $0xb8;
	[tilespmem:$0x1EC00] =	vst v63  }
0x115: {  	_ =	swait.ge [sflag:s31], $0x2800  }
0x116: {  	[sflag:s31] =	ssyncset.done $0x0  }
0x117: {  	s7 =	rddreg [dreg:$0x10];
	[sflag:s31] =	ssyncadd.s32 $0xFFFFD800  }
0x118: {  	[tilespmem:s19], [sflag:$0x4] =	stream.indirect.gather [hbm4b:s1+s12], $0x80, s7, s12, $0xb8;
	[tilespmem:$0x1EC00] =	vst v63  }
0x119: {  	_ =	swait.ge [sflag:s20], $0x2800  }
0x11a: {  	[sflag:s20] =	ssyncset.done $0x0  }
0x11b: {  	s14 =	rddreg [dreg:$0x11];
	[sflag:s20] =	ssyncadd.s32 $0xFFFFD800  }
0x11c: {  	[spmem:s3] =	stream.indirect.scatter.add.f32 [tilespmem:s15], [sflag:$0x6], $0x80, s14, s12, $0xb8;
	[tilespmem:$0x1EC00] =	vst v63  }
0x11d: {  	_ =	swait.ge [sflag:s23], $0x2800  }
0x11e: {  	[sflag:s23] =	ssyncset.done $0x0  }
0x11f: {  	[sflag:s23] =	ssyncadd.s32 $0xFFFFD800  }
0x120: {  	_ =	swait.ge [sflag:s11], $0x400  }
0x121: {  	[sflag:s11] =	ssyncset.done $0x0  }
0x122: {  	[sflag:s11] =	ssyncadd.s32 $0xFFFFFC00  }
0x123: {  	_ =	swait.ge [sflag:s11], $0x400  }
0x124: {  	[sflag:s11] =	ssyncset.done $0x0  }
0x125: {  	[sflag:s11] =	ssyncadd.s32 $0xFFFFFC00  }
0x126: {  	[tilespmem:s13], [sflag:$0x1] =	stream.indirect.gather [hbm4b:s1+s12], $0x80, s21, s12, $0xb8;
	[tilespmem:$0x1EC00] =	vst v63  }
0x127: {  	_ =	swait.ge [sflag:s24], $0x2800  }
0x128: {  	[sflag:s24] =	ssyncset.done $0x0  }
0x129: {  	s6 =	rddreg [dreg:$0x12];
	[sflag:s24] =	ssyncadd.s32 $0xFFFFD800  }
0x12a: {  	[spmem:s3] =	stream.indirect.scatter.add.f32 [tilespmem:s25], [sflag:$0x7], $0x80, s6, s12, $0xb8;
	[tilespmem:$0x1EC00] =	vst v63  }
0x12b: {  	_ =	swait.ge [sflag:s26], $0x2800  }
0x12c: {  	[sflag:s26] =	ssyncset.done $0x0  }
0x12d: {  	s7 =	rddreg [dreg:$0x13];
	[sflag:s26] =	ssyncadd.s32 $0xFFFFD800  }
0x12e: {  	[tilespmem:s15], [sflag:$0x2] =	stream.indirect.gather [hbm4b:s1+s12], $0x80, s7, s12, $0xb8;
	[tilespmem:$0x1EC00] =	vst v63  }
0x12f: {  	_ =	swait.ge [sflag:s28], $0x2800  }
0x130: {  	[sflag:s28] =	ssyncset.done $0x0  }
0x131: {  	s14 =	rddreg [dreg:$0x14];
	[sflag:s28] =	ssyncadd.s32 $0xFFFFD800  }
0x132: {  	[spmem:s3] =	stream.indirect.scatter.add.f32 [tilespmem:s19], [sflag:$0x8], $0x80, s14, s12, $0xb8;
	[tilespmem:$0x1EC00] =	vst v63  }
0x133: {  	_ =	swait.ge [sflag:s29], $0x2800  }
0x134: {  	[sflag:s29] =	ssyncset.done $0x0  }
0x135: {  	s6 =	rddreg [dreg:$0x15];
	[sflag:s29] =	ssyncadd.s32 $0xFFFFD800  }
0x136: {  	[tilespmem:s25], [sflag:$0x3] =	stream.indirect.gather [hbm4b:s1+s12], $0x80, s6, s12, $0xb8;
	[tilespmem:$0x1EC00] =	vst v63  }
0x137: {  	_ =	swait.ge [sflag:s30], $0x2800  }
0x138: {  	[sflag:s30] =	ssyncset.done $0x0  }
0x139: {  	[sflag:s30] =	ssyncadd.s32 $0xFFFFD800  }
0x13a: {  	[spmem:s3] =	stream.indirect.scatter.add.f32 [tilespmem:s13], [sflag:$0x5], $0x80, s22, s12, $0xb8;
	[tilespmem:$0x1EC00] =	vst v63  }
0x13b: {  	_ =	swait.ge [sflag:s31], $0x2800  }
0x13c: {  	[sflag:s31] =	ssyncset.done $0x0  }
0x13d: {  	s7 =	rddreg [dreg:$0x16];
	[sflag:s31] =	ssyncadd.s32 $0xFFFFD800  }
0x13e: {  	[tilespmem:s19], [sflag:$0x4] =	stream.indirect.gather [hbm4b:s1+s12], $0x80, s7, s12, $0xb8;
	[tilespmem:$0x1EC00] =	vst v63  }
0x13f: {  	_ =	swait.ge [sflag:s20], $0x2800  }
0x140: {  	[sflag:s20] =	ssyncset.done $0x0;
	s14 =	rddreg [dreg:$0x17]  }
0x141: {  	p1 =	seq.s32 s10, $0x700;
	s6 =	rddreg [dreg:$0x7];
	[sflag:s20] =	ssyncadd.s32 $0xFFFFD800  }
0x142: {  	[spmem:s3] =	stream.indirect.scatter.add.f32 [tilespmem:s15], [sflag:$0x6], $0x80, s14, s12, $0xb8;
	[tilespmem:$0x1EC00] =	vst v63  }
0x143: {  	s7 =	rddreg [dreg:$0x6];
	s5 =	sadd.s32 @!p1 s10, s6;
	s14 =	simm.s32 @!p1 $0x0  }
0x144: {  	[tilespmem:s14], [sflag:$0x9] =	stream.linear.gather @!p1 [hbm4b:s5+s14], $0x400, $0x38;
	[tilespmem:$0x1EC00] =	vst v63  }
0x145: {  	s6 =	simm.s32 @!p1 $0x800;
	s5 =	sadd.s32 @!p1 s10, s7  }
0x146: {  	[tilespmem:s6], [sflag:$0x9] =	stream.linear.gather @!p1 [hbm4b:s5+s14], $0x400, $0x38;
	[tilespmem:$0x1EC00] =	vst v63  }
0x147: {  	_ =	swait.ge [sflag:s23], $0x2800  }
0x148: {  	[sflag:s23] =	ssyncset.done $0x0  }
0x149: {  	s7 =	rddreg [dreg:$0x18];
	[sflag:s23] =	ssyncadd.s32 $0xFFFFD800  }
0x14a: {  	[tilespmem:s13], [sflag:$0x1] =	stream.indirect.gather [hbm4b:s1+s12], $0x80, s7, s12, $0xb8;
	[tilespmem:$0x1EC00] =	vst v63  }
0x14b: {  	_ =	swait.ge [sflag:s24], $0x2800  }
0x14c: {  	[sflag:s24] =	ssyncset.done $0x0  }
0x14d: {  	s10 =	rddreg [dreg:$0x19];
	[sflag:s24] =	ssyncadd.s32 $0xFFFFD800  }
0x14e: {  	[spmem:s3] =	stream.indirect.scatter.add.f32 [tilespmem:s25], [sflag:$0x7], $0x80, s10, s12, $0xb8;
	[tilespmem:$0x1EC00] =	vst v63  }
0x14f: {  	_ =	swait.ge [sflag:s26], $0x2800  }
0x150: {  	[sflag:s26] =	ssyncset.done $0x0  }
0x151: {  	s6 =	rddreg [dreg:$0x1a];
	[sflag:s26] =	ssyncadd.s32 $0xFFFFD800  }
0x152: {  	[tilespmem:s15], [sflag:$0x2] =	stream.indirect.gather [hbm4b:s1+s12], $0x80, s6, s12, $0xb8;
	[tilespmem:$0x1EC00] =	vst v63  }
0x153: {  	_ =	swait.ge [sflag:s28], $0x2800  }
0x154: {  	[sflag:s28] =	ssyncset.done $0x0  }
0x155: {  	s7 =	rddreg [dreg:$0x1b];
	[sflag:s28] =	ssyncadd.s32 $0xFFFFD800  }
0x156: {  	[spmem:s3] =	stream.indirect.scatter.add.f32 [tilespmem:s19], [sflag:$0x8], $0x80, s7, s12, $0xb8;
	[tilespmem:$0x1EC00] =	vst v63  }
0x157: {  	_ =	swait.ge [sflag:s29], $0x2800  }
0x158: {  	[sflag:s29] =	ssyncset.done $0x0  }
0x159: {  	s10 =	rddreg [dreg:$0x1c];
	[sflag:s29] =	ssyncadd.s32 $0xFFFFD800  }
0x15a: {  	[tilespmem:s25], [sflag:$0x3] =	stream.indirect.gather [hbm4b:s1+s12], $0x80, s10, s12, $0xb8;
	[tilespmem:$0x1EC00] =	vst v63  }
0x15b: {  	_ =	swait.ge [sflag:s30], $0x2800  }
0x15c: {  	[sflag:s30] =	ssyncset.done $0x0  }
0x15d: {  	s6 =	rddreg [dreg:$0x1d];
	[sflag:s30] =	ssyncadd.s32 $0xFFFFD800  }
0x15e: {  	[spmem:s3] =	stream.indirect.scatter.add.f32 [tilespmem:s13], [sflag:$0x5], $0x80, s6, s12, $0xb8;
	[tilespmem:$0x1EC00] =	vst v63  }
0x15f: {  	_ =	swait.ge [sflag:s31], $0x2800  }
0x160: {  	[sflag:s31] =	ssyncset.done $0x0  }
0x161: {  	s7 =	rddreg [dreg:$0x1e];
	[sflag:s31] =	ssyncadd.s32 $0xFFFFD800  }
0x162: {  	[tilespmem:s19], [sflag:$0x4] =	stream.indirect.gather [hbm4b:s1+s12], $0x80, s7, s12, $0xb8;
	[tilespmem:$0x1EC00] =	vst v63  }
0x163: {  	_ =	swait.ge [sflag:s20], $0x2800  }
0x164: {  	[sflag:s20] =	ssyncset.done $0x0  }
0x165: {  	s10 =	rddreg [dreg:$0x1f];
	[sflag:s20] =	ssyncadd.s32 $0xFFFFD800  }
0x166: {  	[spmem:s3] =	stream.indirect.scatter.add.f32 [tilespmem:s15], [sflag:$0x6], $0x80, s10, s12, $0xb8;
	[tilespmem:$0x1EC00] =	vst v63  }
0x167: {  	_ =	swait.ge [sflag:s23], $0x2800  }
0x168: {  	[sflag:s23] =	ssyncset.done $0x0  }
0x169: {  	s5 =	simm.s32 @p1 $0x3;
	[sflag:s23] =	ssyncadd.s32 $0xFFFFD800  }
0x16a: {  	_ =	swait.ge @p1 [sflag:s5], $0x2800  }
0x16b: {  	s6 =	simm.s32 @p1 $0x6000;
	s7 =	simm.s32 @p1 $0x50;
	[sflag:s5] =	ssyncset.done @p1 $0x0  }
0x16c: {  	s10 =	simm.s32 @p1 $0xF00;
	[sflag:s5] =	ssyncadd.s32 @p1 $0xFFFFD800;
	s5 =	simm.s32 @p1 $0x6  }
0x16d: {  	[spmem:s3] =	stream.indirect.scatter.add.f32 @p1 [tilespmem:s6], [sflag:$0x7], $0x80, s10, s7, $0xb8;
	[tilespmem:$0x1EC00] =	vst v63  }
0x16e: {  	_ =	swait.ge @p1 [sflag:s5], $0x2800  }
0x16f: {  	[sflag:s5] =	ssyncset.done @p1 $0x0  }
0x170: {  	s6 =	simm.s32 @!p1 $0x9;
	[sflag:s5] =	ssyncadd.s32 @p1 $0xFFFFD800  }
0x171: {  	_ =	swait.ge @!p1 [sflag:s6], $0x400  }
0x172: {  	[sflag:s6] =	ssyncset.done @!p1 $0x0  }
0x173: {  	[sflag:s6] =	ssyncadd.s32 @!p1 $0xFFFFFC00  }
0x174: {  	_ =	swait.ge @!p1 [sflag:s6], $0x400  }
0x175: {  	s7 =	simm.s32 @!p1 $0x1000;
	[sflag:s6] =	ssyncset.done @!p1 $0x0  }
0x176: {  	s5 =	simm.s32 @!p1 $0x50;
	[sflag:s6] =	ssyncadd.s32 @!p1 $0xFFFFFC00;
	s6 =	simm.s32 @!p1 $0x3  }
0x177: {  	[tilespmem:s7], [sflag:$0x1] =	stream.indirect.gather @!p1 [hbm4b:s1+s5], $0x80, s14, s5, $0xb8;
	[tilespmem:$0x1EC00] =	vst v63  }
0x178: {  	_ =	swait.ge @!p1 [sflag:s6], $0x2800  }
0x179: {  	s10 =	simm.s32 @!p1 $0x6000;
	[sflag:s6] =	ssyncset.done @!p1 $0x0  }
0x17a: {  	s7 =	simm.s32 @!p1 $0xF00;
	[sflag:s6] =	ssyncadd.s32 @!p1 $0xFFFFD800;
	s6 =	simm.s32 @!p1 $0x6  }
0x17b: {  	[spmem:s3] =	stream.indirect.scatter.add.f32 @!p1 [tilespmem:s10], [sflag:$0x7], $0x80, s7, s5, $0xb8;
	[tilespmem:$0x1EC00] =	vst v63  }
0x17c: {  	s2 =	sadd.s32 $0x100, s2;
	_ =	swait.ge @!p1 [sflag:s6], $0x2800  }
0x17d: {  	p0 =	sne.s32 s2, $0x800;
	s7 =	simm.s32 @!p1 $0x80;
	[sflag:s6] =	ssyncset.done @!p1 $0x0  }
.Ltmp0:
0x17e: {  	s10 =	simm.s32 @!p1 $0x3800;
	[sflag:s6] =	ssyncadd.s32 @!p1 $0xFFFFD800;
	(pc) =	sbr.rel @p0 .LBB2_2-.Ltmp0, $4  }
0x17f: {  	[tilespmem:s10], [sflag:$0x2] =	stream.indirect.gather @!p1 [hbm4b:s1+s5], $0x80, s7, s5, $0xb8;
	[tilespmem:$0x1EC00] =	vst v63  }
0x180: {  	_ =	swait.ge [sflag:s28], $0x2800  }
0x181: {  	[sflag:s28] =	ssyncset.done $0x0  }
0x182: {  	s14 =	sld [smem:$0x7FD];
	[sflag:s28] =	ssyncadd.s32 $0xFFFFD800  }
0x183: {  	_ =	sdelay $0x1  }
0x184: {  	[spmem:s3] =	stream.indirect.scatter.add.f32 [tilespmem:s19], [sflag:$0x8], $0x80, s14, s12, $0xb8;
	[tilespmem:$0x1EC00] =	vst v63  }
0x185: {  	_ =	swait.ge [sflag:s29], $0x2800  }
0x186: {  	[sflag:s29] =	ssyncset.done $0x0  }
0x187: {  	[sflag:s29] =	ssyncadd.s32 $0xFFFFD800  }
0x188: {  	_ =	swait.ge [sflag:s31], $0x2800  }
0x189: {  	s0 =	sadd.s32 $0x1, s0;
	[sflag:s31] =	ssyncset.done $0x0  }
0x18a: {  	p0 =	sne.s32 s0, s9;
	[sflag:s31] =	ssyncadd.s32 $0xFFFFD800  }
.Ltmp1:
0x18b: {  	[bflag:$0x0] =	sbarrier.arrive $0xFFFF;
	(pc) =	sbr.rel @p0 .LBB2_1-.Ltmp1, $4  }
0x18c: {  	[hbm:s8], [sflag:s16] =	dma.local [spmem:s17], $0x2780  }
0x18d: {  	_ =	swait.ge [sflag:s18], $0x2780  }
0x18e: {  	[sflag:s18] =	ssyncset.done $0x0  }
0x18f: {  	[sflag:s18] =	ssyncadd.s32 $0xFFFFD880  }
0x190: {  	_ =	sfence.sel $0x180000  }
0x191: {  	[bflag:$0x0] =	sbarrier.arrive $0xFFFF  }
0x192: {  	_ =	strace $0x90000047  }
0x193: {  	s0 =	stileid.u32;
	[bflag:$0x2] =	sbarrier.arrive $0xFFFF  }
0x194: {  	p0 =	sne.s32 s0, $0x0;
	s0 =	rddreg [dreg:$0x3]  }
0x195: {  	s0 =	sadd.s32 @!p0 $0x100000, s0  }
0x196: {  	[sflag:s0] =	ssyncadd.tile.s32 @!p0 $0x1;
	_ =	shalt  }
.Lfunc_end2:
_tile_overlayer_lowered:
.L_overlay_start_2:
0x197: {  	(tag) =	ssettag $0x2  }
0x198: {  	s0 =	rddreg [dreg:$0x0];
	s2 =	stileid.u32  }
0x199: {  	s1 =	rddreg [dreg:$0x1];
	p0 =	sne.s32 s2, $0x0  }
0x19a: {  	s3 =	rddreg [dreg:$0x2];
	[bflag:$0x3] =	sbarrier.arrive $0xFFFF;
	s2 =	simm.s32 @!p0 $0x1C0A  }
0x19b: {  	[timem:s3], [sflag:s2] =	dma.local @!p0 [hbm:s0], s1  }
0x19c: {  	s0 =	simm.s32 @!p0 $0xA  }
0x19d: {  	_ =	swait.ge @!p0 [sflag:s0], s1  }
0x19e: {  	s1 =	ssub.s32 @!p0 $0x0, s1;
	[sflag:s0] =	ssyncset.done @!p0 $0x0  }
0x19f: {  	[sflag:s0] =	ssyncadd.s32 @!p0 s1  }
0x1a0: {  	[bflag:$0x3] =	sbarrier.arrive $0xFFFF  }
0x1a1: {  	_ =	shalt  }

// kernel: kernel.9.cloned.1.call-start
scs
__scs_entry_jumppad:
0x0: {  	(pc) =	sbr.rel $0x88, $3  }
0x1: {  	(tag) =	ssettag $0x0;
	lr =	simm.s32 $0x1  }
0x2: {  	[smem:$0x3F96] =	sst lr;
	_ =	strace $0xD0000000  }
0x3: {  	_ = 	snop  }
0x4: {  	_ = 	snop  }
0x5: {  	_ = 	snop  }
0x6: {  	_ = 	snop  }
0x7: {  	_ = 	snop  }
__scs_overlays_trampoline_lowered:
0x8: {  	[smem:$0x3FA5] =	sst s0  }
0x9: {  	[smem:$0x3FA6] =	sst s1  }
0xa: {  	[smem:$0x3FA7] =	sst s2  }
0xb: {  	[smem:$0x3FA8] =	sst s3  }
0xc: {  	[smem:$0x3FA9] =	sst s4  }
0xd: {  	[smem:$0x3FAA] =	sst s5  }
0xe: {  	[smem:$0x3FAB] =	sst s6  }
0xf: {  	[smem:$0x3FAC] =	sst s7  }
0x10: {  	[smem:$0x3FAD] =	sst s8  }
0x11: {  	[smem:$0x3FAE] =	sst s9;
	s0 =	simm.s32 @!p0 $0x0  }
0x12: {  	s1 =	sld [smem:$0x3F94];
	s0 =	simm.s32 @p0 $0x1  }
0x13: {  	[smem:$0x3FAF] =	sst s0;
	s0 =	simm.s32 @!p1 $0x0  }
0x14: {  	s2 =	sld [smem:$0x3F93];
	s0 =	simm.s32 @p1 $0x1  }
0x15: {  	[smem:$0x3FB0] =	sst s0;
	s0 =	simm.s32 @!p2 $0x0  }
0x16: {  	s3 =	sld [smem:$0x3FDB];
	s0 =	simm.s32 @p2 $0x1  }
0x17: {  	s4 =	simm.s32 $0x1BF5;
	[smem:$0x3FB2] =	sst s0  }
0x18: {  	s0 =	sld [smem:$0x3F95];
	_ =	swait.ge [sflag:s4], $0x0  }
0x19: {  	s7 =	sld [smem:$0x3F96]  }
0x1a: {  	s8 =	sadd.s32 $0xFFFFE003, lr  }
0x1b: {  	s9 =	sadd.s32 $0xFFFFFEF7, lr;
	s5 =	simm.s32 $0xFFFFFFFF;
	p2 =	slt.u32 s8, $0xFFFFF086  }
0x1c: {  	p1 =	slt.u32 s9, $0xF7A;
	s5 =	simm.s32 @!p2 $0x0  }
0x1d: {  	s5 =	simm.s32 @p1 $0x1;
	p0 =	seq.s32 s7, s2  }
0x1e: {  	s7 =	smul.u32 @!p0 $0xF7A, s2;
	p2 =	seq.s32 @!p0 s5, $0x0  }
0x1f: {  	s9 =	smul.u32 $0xF7A, s1;
	s8 =	simm.s32 @!p0 $0x1BF5;
	p2 =	por !p2, p0  }
0x20: {  	[sflag:s8] =	ssyncset.s32 @!p0 $0xFFFFF086;
	s6 =	sadd.s32 @!p0 s3, s7;
	s7 =	simm.s32 @!p0 $0x108  }
0x21: {  	s3 =	sadd.s32 s3, s9;
	s6 =	sadd.s32 @!p0 $0x88, s6;
	s7 =	simm.s32 @p2 $0x1082  }
0x22: {  	[simem:s7], [sflag:s8] =	dma.local @!p0 [hbm:s6], $0xF7A  }
0x23: {  	s9 =	sor.u32 $0xD0000000, s2;
	s6 =	simm.s32 $0x108;
	_ =	swait.ge @!p0 [sflag:s8], $0x0  }
0x24: {  	s3 =	sadd.s32 $0x88, s3;
	s6 =	simm.s32 @!p1 $0x1082;
	[sflag:s4] =	ssyncset.s32 $0xFFFFF086  }
0x25: {  	[simem:s6], [sflag:s4] =	dma.local [hbm:s3], $0xF7A  }
0x26: {  	[smem:$0x3F96] =	sst s1;
	(tag) =	ssettag s2;
	_ =	strace s9  }
0x27: {  	s1 =	sld [smem:$0x3FA6]  }
0x28: {  	s2 =	sld [smem:$0x3FA7]  }
0x29: {  	s4 =	sld [smem:$0x3FA9]  }
0x2a: {  	p0 =	seq.s32 s5, $0x0;
	s5 =	sld [smem:$0x3FAA]  }
0x2b: {  	s6 =	sld [smem:$0x3FAB]  }
0x2c: {  	s7 =	sld [smem:$0x3FAC]  }
0x2d: {  	s3 =	simm.s32 $0x108;
	s8 =	sld [smem:$0x3FAD]  }
0x2e: {  	s3 =	simm.s32 @!p0 $0x1082;
	s9 =	sld [smem:$0x3FAE]  }
0x2f: {  	lr =	sadd.s32 s0, s3;
	s0 =	sld [smem:$0x3FA5]  }
0x30: {  	s3 =	sld [smem:$0x3FA8]  }
0x31: {  	[smem:$0x3FB1] =	sst s10  }
0x32: {  	s10 =	sld [smem:$0x3FAF];
	_ =	sdelay $0x3  }
0x33: {  	p0 =	seq.s32 s10, $0x1;
	s10 =	sld [smem:$0x3FB1];
	_ =	sdelay $0x3  }
0x34: {  	[smem:$0x3FB1] =	sst s10  }
0x35: {  	s10 =	sld [smem:$0x3FB0];
	_ =	sdelay $0x3  }
0x36: {  	p1 =	seq.s32 s10, $0x1;
	s10 =	sld [smem:$0x3FB1];
	_ =	sdelay $0x3  }
0x37: {  	[smem:$0x3FB1] =	sst s10  }
0x38: {  	s10 =	sld [smem:$0x3FB2]  }
0x39: {  	_ = 	snop;
	(pc) =	sbr.ind lr, $3  }
0x3a: {  	_ = 	snop  }
0x3b: {  	_ = 	snop  }
0x3c: {  	p2 =	seq.s32 s10, $0x1;
	s10 =	sld [smem:$0x3FB1]  }
0x3d: {  	_ =	shalt  }
0x3e: {  	_ =	shalt  }
0x3f: {  	_ =	shalt  }
0x40: {  	_ =	shalt  }
0x41: {  	_ =	shalt  }
0x42: {  	_ =	shalt  }
0x43: {  	_ =	shalt  }
0x44: {  	_ =	shalt  }
0x45: {  	_ =	shalt  }
0x46: {  	_ =	shalt  }
0x47: {  	_ =	shalt  }
0x48: {  	_ =	shalt  }
0x49: {  	_ =	shalt  }
0x4a: {  	_ =	shalt  }
0x4b: {  	_ =	shalt  }
0x4c: {  	_ =	shalt  }
0x4d: {  	_ =	shalt  }
0x4e: {  	_ =	shalt  }
0x4f: {  	_ =	shalt  }
0x50: {  	_ =	shalt  }
0x51: {  	_ =	shalt  }
0x52: {  	_ =	shalt  }
0x53: {  	_ =	shalt  }
0x54: {  	_ =	shalt  }
0x55: {  	_ =	shalt  }
0x56: {  	_ =	shalt  }
0x57: {  	_ =	shalt  }
0x58: {  	_ =	shalt  }
0x59: {  	_ =	shalt  }
0x5a: {  	_ =	shalt  }
0x5b: {  	_ =	shalt  }
0x5c: {  	_ =	shalt  }
0x5d: {  	_ =	shalt  }
0x5e: {  	_ =	shalt  }
0x5f: {  	_ =	shalt  }
0x60: {  	_ =	shalt  }
0x61: {  	_ =	shalt  }
0x62: {  	_ =	shalt  }
0x63: {  	_ =	shalt  }
0x64: {  	_ =	shalt  }
0x65: {  	_ =	shalt  }
0x66: {  	_ =	shalt  }
0x67: {  	_ =	shalt  }
0x68: {  	_ =	shalt  }
0x69: {  	_ =	shalt  }
0x6a: {  	_ =	shalt  }
0x6b: {  	_ =	shalt  }
0x6c: {  	_ =	shalt  }
0x6d: {  	_ =	shalt  }
0x6e: {  	_ =	shalt  }
0x6f: {  	_ =	shalt  }
0x70: {  	_ =	shalt  }
0x71: {  	_ =	shalt  }
0x72: {  	_ =	shalt  }
0x73: {  	_ =	shalt  }
0x74: {  	_ =	shalt  }
0x75: {  	_ =	shalt  }
0x76: {  	_ =	shalt  }
0x77: {  	_ =	shalt  }
0x78: {  	_ =	shalt  }
0x79: {  	_ =	shalt  }
0x7a: {  	_ =	shalt  }
0x7b: {  	_ =	shalt  }
0x7c: {  	_ =	shalt  }
0x7d: {  	_ =	shalt  }
0x7e: {  	_ =	shalt  }
0x7f: {  	_ =	shalt  }
0x80: {  	_ =	shalt  }
0x81: {  	_ =	shalt  }
0x82: {  	_ =	shalt  }
0x83: {  	_ =	shalt  }
0x84: {  	_ =	shalt  }
0x85: {  	_ =	shalt  }
0x86: {  	_ =	shalt  }
0x87: {  	_ =	shalt  }
.Lfunc_end0:
.L_simem_size_0:
called_computation.1_lowered:
.L_overlay_start_0:
0x88: {  	s2 =	sld [smem:$0x3FD9]  }
0x89: {  	s3 =	sld [smem:$0x3FFE];
	_ =	sdelay $0x1  }
0x8a: {  	s1 =	srdreg.scid  }
0x8b: {  	s0 =	sand.u32 $0x1, s1  }
0x8c: {  	s16 =	sshll.u32 s0, $0xA;
	s2 =	sadd.s32 s3, s2  }
0x8d: {  	s2 =	sadd.s32 s2, s16  }
0x8e: {  	[smem:$0x3FBD] =	sst s2  }
0x8f: {  	_ = 	snop  }
0x90: {  	(tm) =	ssettm $0x1  }
0x91: {  	s17 =	sld [smem:$0x3FFB];
	_ =	sdelay $0x3  }
0x92: {  	_ =	strace s17  }
0x93: {  	s2 =	sld [smem:$0x3FFC];
	_ =	sdelay $0x3  }
0x94: {  	_ =	strace s2  }
0x95: {  	s2 =	sld [smem:$0x3FFD];
	_ =	sdelay $0x3  }
0x96: {  	_ =	strace s2  }
0x97: {  	_ =	strace $0x8FFFFFFF  }
0x98: {  	s18 =	sld [smem:$0x3FDB];
	_ =	sdelay $0x1  }
0x99: {  	s19 =	simm.s32 $_scs_section_size  }
0x9a: {  	s4 =	simm.s32 $_size__tile_overlayer_lowered;
	s5 =	simm.s32 $_tile_overlayer_lowered  }
0x9b: {  	s22 =	simm.s32 $0x1BFF;
	s21 =	sshll.u32 s5, $0x1;
	s2 =	sadd.s32 s19, s18  }
0x9c: {  	s6 =	simm.s32 $0x0;
	s20 =	sshll.u32 s4, $0x1;
	s4 =	sadd.s32 s21, s2  }
0x9d: {  	[timem:s6], [sflag:s22] =	dma.local [hbm:s4], s20  }
0x9e: {  	_ =	swait.ge [sflag:s22], s20  }
0x9f: {  	s3 =	ssub.s32 $0x0, s20;
	[sflag:s22] =	ssyncset.done $0x0  }
0xa0: {  	[sflag:s22] =	ssyncadd.s32 s3;
	_ =	sdelay $0x1  }
0xa1: {  	s23 =	simm.s32 $0x1B8B  }
0xa2: {  	_ =	swait.ge [sflag:s23], $0x1  }
0xa3: {  	[sflag:s23] =	ssyncset.done $0x0  }
0xa4: {  	s25 =	simm.s32 $0x1B8E;
	s24 =	sld [smem:$0x3FFE];
	[sflag:s23] =	ssyncadd.s32 $0xFFFFFFFF  }
0xa5: {  	s26 =	simm.s32 $execute0_lowered;
	[smem:$0x3FD2] =	sst s25  }
0xa6: {  	s4 =	sshll.u32 s26, $0x1;
	_ =	strace $0x80000049;
	[dreg:$0x1] =	wrdreg $0xFFFFFFFF  }
0xa7: {  	s28 =	simm.s32 $_size_execute0_lowered;
	s2 =	sadd.s32 s2, s4;
	[dreg:$0x0] =	wrdreg $0x0  }
0xa8: {  	s4 =	sshll.u32 s28, $0x1;
	[dreg:$0x2] =	wrdreg s2  }
0xa9: {  	[dreg:$0x3] =	wrdreg s4  }
0xaa: {  	[dreg:$0x4] =	wrdreg $0xC0  }
0xab: {  	_ =	task [dreg:s6], $0x5FFFF  }
0xac: {  	[dreg:$0x1] =	wrdreg $0xFFFFFFFF  }
0xad: {  	[dreg:$0x0] =	wrdreg $0x60  }
0xae: {  	[dreg:$0x2] =	wrdreg s24  }
0xaf: {  	[dreg:$0x3] =	wrdreg $0xB0000  }
0xb0: {  	[dreg:$0x4] =	wrdreg $0x9  }
0xb1: {  	_ =	task.clear_ibuf [dreg:s6], $0x5FFFF;
	_ =	strace $0x90000049  }
0xb2: {  	s29 =	simm.s32 $0x9;
	_ =	strace $0x8000004B  }
0xb3: {  	_ =	swait.ge [sflag:s29], $0x1  }
0xb4: {  	[sflag:s29] =	ssyncadd.s32 $0xFFFFFFFF  }
0xb5: {  	_ =	strace $0x9000004B  }
0xb6: {  	_ =	sfence  }
0xb7: {  	s30 =	sld [smem:$0x0];
	_ =	sdelay $0x2  }
0xb8: {  	s31 =	sshll.u32 s1, $0xD;
	s1 =	sshrl.u32 s1, $0x2  }
0xb9: {  	s3 =	sand.u32 $0x4000, s31;
	s1 =	sadd.s32 s1, s30  }
0xba: {  	s0 =	sor.u32 s3, s0;
	s1 =	sshll.u32 s1, $0x11  }
0xbb: {  	s0 =	sor.u32 s1, s0  }
0xbc: {  	s0 =	sadd.s32 $0x8F2B, s0  }
0xbd: {  	[sflag:s0] =	ssyncadd.remote.s32 $0x1  }
0xbe: {  	_ =	sfence.sel $0xFFFF  }
0xbf: {  	[dreg:$0x0] =	wrdreg $0xFFFFFFFF;
	(pc) =	sbr.abs _section_cstart, $3  }
0xc0: {  	[dreg:$0x1] =	wrdreg $0xFFFFFFFF  }
0xc1: {  	_ =	task.clear_ibuf [dreg:s6], $0x2FFFF;
	_ =	strace $0x9FFFFFFF  }
0xc2: {  	(tm) =	ssettm $0x7FFFFFFF  }
0xc3: {  	_ =	shalt  }
tec
execute0_lowered:
.L_overlay_start_1:
0x0: {  	(tag) =	ssettag $0x1  }
0x1: {  	s0 =	rddreg [dreg:$0x0]  }
0x2: {  	s2 =	rddreg [dreg:$0x1];
	s1 =	srdreg.scid;
	s3 =	simm.s32 $0x0  }
0x3: {  	s14 =	stileid.u32;
	s15 =	simm.s32 $0x200;
	s17 =	simm.s32 $0x900  }
0x4: {  	s19 =	simm.s32 $0x280;
	s20 =	simm.s32 $0x980;
	s22 =	simm.s32 $0x300  }
0x5: {  	s23 =	simm.s32 $0xA00;
	s24 =	simm.s32 $0x380;
	[smem:$0x7FF] =	sst s3  }
0x6: {  	s25 =	simm.s32 $0xA80;
	_ =	strace $0x8000004A;
	[dreg:$0x9] =	wrdreg s15  }
0x7: {  	s28 =	simm.s32 $0x4;
	s29 =	simm.s32 $0x7;
	[dreg:$0xa] =	wrdreg s17  }
0x8: {  	s30 =	simm.s32 $0x1;
	s31 =	simm.s32 $0x8;
	[dreg:$0xb] =	wrdreg s19  }
0x9: {  	s1 =	sand.u32 $0x1, s1;
	s6 =	sshll.u32 s14, $0xE;
	[dreg:$0xc] =	wrdreg s20  }
0xa: {  	s4 =	sadd.s32 $0x24400, s0;
	s8 =	sadd.s32 $0x1C00, s0;
	[dreg:$0xd] =	wrdreg s22  }
0xb: {  	s10 =	sadd.s32 $0x11C00, s0;
	s11 =	smul.u32 $0x13C00, s14;
	[dreg:$0xe] =	wrdreg s23  }
0xc: {  	s18 =	smul.u32 $0x4F000, s14;
	s5 =	sshll.u32 s1, $0x12;
	[dreg:$0xf] =	wrdreg s24  }
0xd: {  	s9 =	smul.u32 $0x13C000, s1;
	s1 =	ssub.s32 $0x2, s1;
	[dreg:$0x10] =	wrdreg s25  }
0xe: {  	s15 =	simm.s32 $0x3800;
	s17 =	sshll.u32 s14, $0x6;
	s19 =	simm.s32 $0xD00  }
0xf: {  	s20 =	simm.s32 $0x680;
	s22 =	simm.s32 $0x700;
	s23 =	simm.s32 $0xE00  }
0x10: {  	s24 =	simm.s32 $0x780;
	s25 =	simm.s32 $0xE80;
	[dreg:$0x18] =	wrdreg s19  }
0x11: {  	s7 =	sor.u32 s6, s5;
	s16 =	sshrl.u32 s1, $0x1;
	[dreg:$0x19] =	wrdreg s20  }
0x12: {  	s21 =	sshrl.u32 s18, $0x2;
	s5 =	simm.s32 $0xB80;
	[dreg:$0x1b] =	wrdreg s22  }
0x13: {  	s18 =	simm.s32 $0x600;
	s19 =	simm.s32 $0x8800;
	[dreg:$0x1c] =	wrdreg s23  }
0x14: {  	s20 =	simm.s32 $0x2;
	s22 =	simm.s32 $0xC00;
	[dreg:$0x1d] =	wrdreg s24  }
0x15: {  	s23 =	simm.s32 $0x5;
	[dreg:$0x1e] =	wrdreg s25;
	s24 =	simm.s32 $0x3  }
0x16: {  	s25 =	simm.s32 $0x6000;
	s6 =	sshrl.u32 s7, $0x3;
	[dreg:$0x13] =	wrdreg s5  }
0x17: {  	s1 =	ssub.s32 s1, s16;
	s16 =	simm.s32 $0xC80;
	[dreg:$0x17] =	wrdreg s18  }
0x18: {  	s7 =	sor.u32 $0x800, s7;
	s26 =	sadd.s32 s6, s8;
	[dreg:$0x16] =	wrdreg s16  }
0x19: {  	s9 =	sadd.s32 s11, s9;
	s6 =	sadd.s32 s6, s10;
	[smem:$0x7FB] =	sst s26  }
0x1a: {  	s13 =	sshrl.u32 s7, $0x3;
	s7 =	sadd.s32 $0x21C00, s0;
	[smem:$0x7FC] =	sst s6  }
0x1b: {  	s11 =	simm.s32 $0x9;
	s12 =	sadd.s32 $0x80, s26;
	[smem:$0x7FD] =	sst s7  }
0x1c: {  	s18 =	simm.s32 $0xA;
	s6 =	sadd.s32 $0x80, s6;
	[dreg:$0x3] =	wrdreg s12  }
0x1d: {  	s9 =	sshrl.u32 s9, $0x3;
	s10 =	sadd.s32 s13, s10;
	[dreg:$0x4] =	wrdreg s6  }
0x1e: {  	s16 =	sor.u32 $0x1C0A, s17;
	s8 =	sadd.s32 s13, s8;
	[dreg:$0x5] =	wrdreg s10  }
0x1f: {  	s0 =	sadd.s32 s9, s0;
	s13 =	simm.s32 $0x880;
	[dreg:$0x6] =	wrdreg s8  }
0x20: {  	s9 =	smax.u32 s1, $0x1;
	s26 =	simm.s32 $0xB00;
	[dreg:$0x8] =	wrdreg s13  }
0x21: {  	s1 =	simm.s32 $0x480;
	s7 =	simm.s32 $0x580;
	[dreg:$0x11] =	wrdreg s26  }
0x22: {  	s12 =	simm.s32 $0x180;
	s10 =	sadd.s32 s21, s2;
	[dreg:$0x12] =	wrdreg s1  }
0x23: {  	s8 =	sadd.s32 $0x4B600, s0;
	s13 =	simm.s32 $0x1000;
	[dreg:$0x15] =	wrdreg s7  }
0x24: {  	s6 =	simm.s32 $0x500;
	s21 =	simm.s32 $0xD80;
	[dreg:$0x7] =	wrdreg s12  }
0x25: {  	s26 =	simm.s32 $0xF80;
	s0 =	simm.s32 $0x0;
	[dreg:$0x14] =	wrdreg s6  }
0x26: {  	s12 =	simm.s32 $0x50;
	s17 =	sshrl.u32 s10, $0x3;
	[dreg:$0x1a] =	wrdreg s21  }
0x27: {  	s21 =	simm.s32 $0x400;
	[dreg:$0x1f] =	wrdreg s26;
	s26 =	simm.s32 $0x6  }
.LBB2_1:
0x28: {  	s1 =	sld [smem:$0x7FB];
	_ =	sdelay $0x1  }
0x29: {  	s14 =	sld [smem:$0x7FC]  }
0x2a: {  	[tilespmem:s3], [sflag:$0x9] =	stream.linear.gather [hbm4b:s1+s3], $0x400, $0x38;
	[tilespmem:$0x1EC00] =	vst v63  }
0x2b: {  	s5 =	simm.s32 $0x800  }
0x2c: {  	[tilespmem:s5], [sflag:$0x9] =	stream.linear.gather [hbm4b:s14+s3], $0x400, $0x38;
	[tilespmem:$0x1EC00] =	vst v63  }
0x2d: {  	_ =	swait.ge [sflag:s11], $0x400  }
0x2e: {  	[sflag:s11] =	ssyncset.done $0x0  }
0x2f: {  	[sflag:s11] =	ssyncadd.s32 $0xFFFFFC00  }
0x30: {  	_ =	swait.ge [sflag:s11], $0x400  }
0x31: {  	[sflag:s11] =	ssyncset.done $0x0  }
0x32: {  	s6 =	sld [smem:$0x7FD];
	[sflag:s11] =	ssyncadd.s32 $0xFFFFFC00  }
0x33: {  	[tilespmem:s13], [sflag:$0x1] =	stream.indirect.gather [hbm4b:s4+s12], $0x80, s3, s12, $0xb8;
	[tilespmem:$0x1EC00] =	vst v63  }
0x34: {  	s5 =	simm.s32 $0x80  }
0x35: {  	[tilespmem:s15], [sflag:$0x2] =	stream.indirect.gather [hbm4b:s4+s12], $0x80, s5, s12, $0xb8;
	[tilespmem:$0x1EC00] =	vst v63  }
0x36: {  	[spmem:s17], [sflag:s16] =	dma.local [hbm:s6], $0x2780  }
0x37: {  	_ =	swait.ge [sflag:s18], $0x2780  }
0x38: {  	p0 =	por $0x1, $0x1;
	[sflag:s18] =	ssyncset.done $0x0  }
0x39: {  	s10 =	simm.s32 @p0 $0x100;
	[sflag:s18] =	ssyncadd.s32 $0xFFFFD880  }
0x3a: {  	s1 =	simm.s32 @p0 $0x50;
	s14 =	simm.s32 @p0 $0x6000;
	[bflag:$0x0] =	sbarrier.arrive $0xFFFF  }
0x3b: {  	[tilespmem:s14], [sflag:$0x3] =	stream.indirect.gather @p0 [hbm4b:s4+s1], $0x80, s10, s1, $0xb8;
	[tilespmem:$0x1EC00] =	vst v63  }
0x3c: {  	s10 =	simm.s32 @p0 $0x1  }
0x3d: {  	_ =	swait.ge @p0 [sflag:s10], $0x2800  }
0x3e: {  	s7 =	simm.s32 @p0 $0x1000;
	[sflag:s10] =	ssyncset.done @p0 $0x0  }
0x3f: {  	s14 =	simm.s32 @p0 $0x800;
	[sflag:s10] =	ssyncadd.s32 @p0 $0xFFFFD800;
	s10 =	simm.s32 @!p0 $0x7  }
0x40: {  	[spmem:s2] =	stream.indirect.scatter.add.f32 @p0 [tilespmem:s7], [sflag:$0x5], $0x80, s14, s1, $0xb8;
	[tilespmem:$0x1EC00] =	vst v63  }
0x41: {  	_ =	swait.ge @!p0 [sflag:s10], $0x2800  }
0x42: {  	s1 =	simm.s32 @!p0 $0x6000;
	s7 =	simm.s32 @!p0 $0x50;
	[sflag:s10] =	ssyncset.done @!p0 $0x0  }
0x43: {  	s14 =	simm.s32 @!p0 $0x100;
	[sflag:s10] =	ssyncadd.s32 @!p0 $0xFFFFD800;
	s10 =	simm.s32 @!p0 $0x1  }
0x44: {  	[tilespmem:s1], [sflag:$0x3] =	stream.indirect.gather @!p0 [hbm4b:s4+s7], $0x80, s14, s7, $0xb8;
	[tilespmem:$0x1EC00] =	vst v63  }
0x45: {  	_ =	swait.ge @!p0 [sflag:s10], $0x2800  }
0x46: {  	s1 =	simm.s32 @!p0 $0x800;
	[sflag:s10] =	ssyncset.done @!p0 $0x0  }
0x47: {  	s14 =	simm.s32 @!p0 $0x1000;
	[sflag:s10] =	ssyncadd.s32 @!p0 $0xFFFFD800;
	s10 =	simm.s32 @!p0 $0x8  }
0x48: {  	[spmem:s2] =	stream.indirect.scatter.add.f32 @!p0 [tilespmem:s14], [sflag:$0x5], $0x80, s1, s7, $0xb8;
	[tilespmem:$0x1EC00] =	vst v63  }
0x49: {  	_ =	swait.ge @!p0 [sflag:s10], $0x2800  }
0x4a: {  	[sflag:s10] =	ssyncset.done @!p0 $0x0  }
0x4b: {  	s7 =	rddreg [dreg:$0x7];
	[sflag:s10] =	ssyncadd.s32 @!p0 $0xFFFFD800  }
0x4c: {  	[tilespmem:s19], [sflag:$0x4] =	stream.indirect.gather [hbm4b:s4+s12], $0x80, s7, s12, $0xb8;
	[tilespmem:$0x1EC00] =	vst v63  }
0x4d: {  	_ =	swait.ge [sflag:s20], $0x2800  }
0x4e: {  	s14 =	rddreg [dreg:$0x8];
	[sflag:s20] =	ssyncset.done $0x0  }
0x4f: {  	s5 =	rddreg [dreg:$0x3];
	[sflag:s20] =	ssyncadd.s32 $0xFFFFD800  }
0x50: {  	[spmem:s2] =	stream.indirect.scatter.add.f32 [tilespmem:s15], [sflag:$0x6], $0x80, s14, s12, $0xb8;
	[tilespmem:$0x1EC00] =	vst v63  }
0x51: {  	s6 =	rddreg [dreg:$0x4];
	s14 =	sadd.s32 $0x0, s5  }
0x52: {  	[tilespmem:s21], [sflag:$0x9] =	stream.linear.gather [hbm4b:s14+s3], $0x400, $0x38;
	[tilespmem:$0x1EC00] =	vst v63  }
0x53: {  	s5 =	sadd.s32 $0x0, s6  }
0x54: {  	[tilespmem:s22], [sflag:$0x9] =	stream.linear.gather [hbm4b:s5+s3], $0x400, $0x38;
	[tilespmem:$0x1EC00] =	vst v63  }
0x55: {  	_ =	swait.ge [sflag:s23], $0x2800  }
0x56: {  	[sflag:s23] =	ssyncset.done $0x0  }
0x57: {  	s6 =	rddreg [dreg:$0x9];
	[sflag:s23] =	ssyncadd.s32 $0xFFFFD800  }
0x58: {  	[tilespmem:s13], [sflag:$0x1] =	stream.indirect.gather [hbm4b:s4+s12], $0x80, s6, s12, $0xb8;
	[tilespmem:$0x1EC00] =	vst v63  }
0x59: {  	_ =	swait.ge [sflag:s24], $0x2800  }
0x5a: {  	[sflag:s24] =	ssyncset.done $0x0  }
0x5b: {  	s7 =	rddreg [dreg:$0xa];
	[sflag:s24] =	ssyncadd.s32 $0xFFFFD800  }
0x5c: {  	[spmem:s2] =	stream.indirect.scatter.add.f32 [tilespmem:s25], [sflag:$0x7], $0x80, s7, s12, $0xb8;
	[tilespmem:$0x1EC00] =	vst v63  }
0x5d: {  	_ =	swait.ge [sflag:s26], $0x2800  }
0x5e: {  	[sflag:s26] =	ssyncset.done $0x0  }
0x5f: {  	s10 =	rddreg [dreg:$0xb];
	[sflag:s26] =	ssyncadd.s32 $0xFFFFD800  }
0x60: {  	[tilespmem:s15], [sflag:$0x2] =	stream.indirect.gather [hbm4b:s4+s12], $0x80, s10, s12, $0xb8;
	[tilespmem:$0x1EC00] =	vst v63  }
0x61: {  	_ =	swait.ge [sflag:s28], $0x2800  }
0x62: {  	[sflag:s28] =	ssyncset.done $0x0  }
0x63: {  	s14 =	rddreg [dreg:$0xc];
	[sflag:s28] =	ssyncadd.s32 $0xFFFFD800  }
0x64: {  	[spmem:s2] =	stream.indirect.scatter.add.f32 [tilespmem:s19], [sflag:$0x8], $0x80, s14, s12, $0xb8;
	[tilespmem:$0x1EC00] =	vst v63  }
0x65: {  	_ =	swait.ge [sflag:s29], $0x2800  }
0x66: {  	[sflag:s29] =	ssyncset.done $0x0  }
0x67: {  	s5 =	rddreg [dreg:$0xd];
	[sflag:s29] =	ssyncadd.s32 $0xFFFFD800  }
0x68: {  	[tilespmem:s25], [sflag:$0x3] =	stream.indirect.gather [hbm4b:s4+s12], $0x80, s5, s12, $0xb8;
	[tilespmem:$0x1EC00] =	vst v63  }
0x69: {  	_ =	swait.ge [sflag:s30], $0x2800  }
0x6a: {  	[sflag:s30] =	ssyncset.done $0x0  }
0x6b: {  	s6 =	rddreg [dreg:$0xe];
	[sflag:s30] =	ssyncadd.s32 $0xFFFFD800  }
0x6c: {  	[spmem:s2] =	stream.indirect.scatter.add.f32 [tilespmem:s13], [sflag:$0x5], $0x80, s6, s12, $0xb8;
	[tilespmem:$0x1EC00] =	vst v63  }
0x6d: {  	_ =	swait.ge [sflag:s31], $0x2800  }
0x6e: {  	[sflag:s31] =	ssyncset.done $0x0  }
0x6f: {  	s7 =	rddreg [dreg:$0xf];
	[sflag:s31] =	ssyncadd.s32 $0xFFFFD800  }
0x70: {  	[tilespmem:s19], [sflag:$0x4] =	stream.indirect.gather [hbm4b:s4+s12], $0x80, s7, s12, $0xb8;
	[tilespmem:$0x1EC00] =	vst v63  }
0x71: {  	_ =	swait.ge [sflag:s20], $0x2800  }
0x72: {  	[sflag:s20] =	ssyncset.done $0x0  }
0x73: {  	s10 =	rddreg [dreg:$0x10];
	[sflag:s20] =	ssyncadd.s32 $0xFFFFD800  }
0x74: {  	[spmem:s2] =	stream.indirect.scatter.add.f32 [tilespmem:s15], [sflag:$0x6], $0x80, s10, s12, $0xb8;
	[tilespmem:$0x1EC00] =	vst v63  }
0x75: {  	_ =	swait.ge [sflag:s23], $0x2800  }
0x76: {  	[sflag:s23] =	ssyncset.done $0x0  }
0x77: {  	[sflag:s23] =	ssyncadd.s32 $0xFFFFD800  }
0x78: {  	_ =	swait.ge [sflag:s11], $0x400  }
0x79: {  	[sflag:s11] =	ssyncset.done $0x0  }
0x7a: {  	[sflag:s11] =	ssyncadd.s32 $0xFFFFFC00  }
0x7b: {  	_ =	swait.ge [sflag:s11], $0x400  }
0x7c: {  	[sflag:s11] =	ssyncset.done $0x0  }
0x7d: {  	[sflag:s11] =	ssyncadd.s32 $0xFFFFFC00  }
0x7e: {  	[tilespmem:s13], [sflag:$0x1] =	stream.indirect.gather [hbm4b:s4+s12], $0x80, s21, s12, $0xb8;
	[tilespmem:$0x1EC00] =	vst v63  }
0x7f: {  	_ =	swait.ge [sflag:s24], $0x2800  }
0x80: {  	[sflag:s24] =	ssyncset.done $0x0  }
0x81: {  	s14 =	rddreg [dreg:$0x11];
	[sflag:s24] =	ssyncadd.s32 $0xFFFFD800  }
0x82: {  	[spmem:s2] =	stream.indirect.scatter.add.f32 [tilespmem:s25], [sflag:$0x7], $0x80, s14, s12, $0xb8;
	[tilespmem:$0x1EC00] =	vst v63  }
0x83: {  	_ =	swait.ge [sflag:s26], $0x2800  }
0x84: {  	[sflag:s26] =	ssyncset.done $0x0  }
0x85: {  	s5 =	rddreg [dreg:$0x12];
	[sflag:s26] =	ssyncadd.s32 $0xFFFFD800  }
0x86: {  	[tilespmem:s15], [sflag:$0x2] =	stream.indirect.gather [hbm4b:s4+s12], $0x80, s5, s12, $0xb8;
	[tilespmem:$0x1EC00] =	vst v63  }
0x87: {  	_ =	swait.ge [sflag:s28], $0x2800  }
0x88: {  	[sflag:s28] =	ssyncset.done $0x0  }
0x89: {  	s6 =	rddreg [dreg:$0x13];
	[sflag:s28] =	ssyncadd.s32 $0xFFFFD800  }
0x8a: {  	[spmem:s2] =	stream.indirect.scatter.add.f32 [tilespmem:s19], [sflag:$0x8], $0x80, s6, s12, $0xb8;
	[tilespmem:$0x1EC00] =	vst v63  }
0x8b: {  	_ =	swait.ge [sflag:s29], $0x2800  }
0x8c: {  	[sflag:s29] =	ssyncset.done $0x0  }
0x8d: {  	s7 =	rddreg [dreg:$0x14];
	[sflag:s29] =	ssyncadd.s32 $0xFFFFD800  }
0x8e: {  	[tilespmem:s25], [sflag:$0x3] =	stream.indirect.gather [hbm4b:s4+s12], $0x80, s7, s12, $0xb8;
	[tilespmem:$0x1EC00] =	vst v63  }
0x8f: {  	_ =	swait.ge [sflag:s30], $0x2800  }
0x90: {  	[sflag:s30] =	ssyncset.done $0x0  }
0x91: {  	[sflag:s30] =	ssyncadd.s32 $0xFFFFD800  }
0x92: {  	[spmem:s2] =	stream.indirect.scatter.add.f32 [tilespmem:s13], [sflag:$0x5], $0x80, s22, s12, $0xb8;
	[tilespmem:$0x1EC00] =	vst v63  }
0x93: {  	_ =	swait.ge [sflag:s31], $0x2800  }
0x94: {  	[sflag:s31] =	ssyncset.done $0x0  }
0x95: {  	s10 =	rddreg [dreg:$0x15];
	[sflag:s31] =	ssyncadd.s32 $0xFFFFD800  }
0x96: {  	[tilespmem:s19], [sflag:$0x4] =	stream.indirect.gather [hbm4b:s4+s12], $0x80, s10, s12, $0xb8;
	[tilespmem:$0x1EC00] =	vst v63  }
0x97: {  	_ =	swait.ge [sflag:s20], $0x2800  }
0x98: {  	s14 =	rddreg [dreg:$0x16];
	[sflag:s20] =	ssyncset.done $0x0  }
0x99: {  	p0 =	por $0x0, $0x0;
	s7 =	rddreg [dreg:$0x6];
	[sflag:s20] =	ssyncadd.s32 $0xFFFFD800  }
0x9a: {  	[spmem:s2] =	stream.indirect.scatter.add.f32 [tilespmem:s15], [sflag:$0x6], $0x80, s14, s12, $0xb8;
	[tilespmem:$0x1EC00] =	vst v63  }
0x9b: {  	s1 =	simm.s32 @!p0 $0x0;
	s10 =	rddreg [dreg:$0x5];
	s7 =	sadd.s32 @!p0 $0x0, s7  }
0x9c: {  	[tilespmem:s1], [sflag:$0x9] =	stream.linear.gather @!p0 [hbm4b:s7+s1], $0x400, $0x38;
	[tilespmem:$0x1EC00] =	vst v63  }
0x9d: {  	s10 =	sadd.s32 @!p0 $0x0, s10;
	s7 =	simm.s32 @!p0 $0x800  }
0x9e: {  	[tilespmem:s7], [sflag:$0x9] =	stream.linear.gather @!p0 [hbm4b:s10+s1], $0x400, $0x38;
	[tilespmem:$0x1EC00] =	vst v63  }
0x9f: {  	_ =	swait.ge [sflag:s23], $0x2800  }
0xa0: {  	[sflag:s23] =	ssyncset.done $0x0  }
0xa1: {  	s5 =	rddreg [dreg:$0x17];
	[sflag:s23] =	ssyncadd.s32 $0xFFFFD800  }
0xa2: {  	[tilespmem:s13], [sflag:$0x1] =	stream.indirect.gather [hbm4b:s4+s12], $0x80, s5, s12, $0xb8;
	[tilespmem:$0x1EC00] =	vst v63  }
0xa3: {  	_ =	swait.ge [sflag:s24], $0x2800  }
0xa4: {  	[sflag:s24] =	ssyncset.done $0x0  }
0xa5: {  	s6 =	rddreg [dreg:$0x18];
	[sflag:s24] =	ssyncadd.s32 $0xFFFFD800  }
0xa6: {  	[spmem:s2] =	stream.indirect.scatter.add.f32 [tilespmem:s25], [sflag:$0x7], $0x80, s6, s12, $0xb8;
	[tilespmem:$0x1EC00] =	vst v63  }
0xa7: {  	_ =	swait.ge [sflag:s26], $0x2800  }
0xa8: {  	[sflag:s26] =	ssyncset.done $0x0  }
0xa9: {  	s10 =	rddreg [dreg:$0x19];
	[sflag:s26] =	ssyncadd.s32 $0xFFFFD800  }
0xaa: {  	[tilespmem:s15], [sflag:$0x2] =	stream.indirect.gather [hbm4b:s4+s12], $0x80, s10, s12, $0xb8;
	[tilespmem:$0x1EC00] =	vst v63  }
0xab: {  	_ =	swait.ge [sflag:s28], $0x2800  }
0xac: {  	[sflag:s28] =	ssyncset.done $0x0  }
0xad: {  	s14 =	rddreg [dreg:$0x1a];
	[sflag:s28] =	ssyncadd.s32 $0xFFFFD800  }
0xae: {  	[spmem:s2] =	stream.indirect.scatter.add.f32 [tilespmem:s19], [sflag:$0x8], $0x80, s14, s12, $0xb8;
	[tilespmem:$0x1EC00] =	vst v63  }
0xaf: {  	_ =	swait.ge [sflag:s29], $0x2800  }
0xb0: {  	[sflag:s29] =	ssyncset.done $0x0  }
0xb1: {  	s5 =	rddreg [dreg:$0x1b];
	[sflag:s29] =	ssyncadd.s32 $0xFFFFD800  }
0xb2: {  	[tilespmem:s25], [sflag:$0x3] =	stream.indirect.gather [hbm4b:s4+s12], $0x80, s5, s12, $0xb8;
	[tilespmem:$0x1EC00] =	vst v63  }
0xb3: {  	_ =	swait.ge [sflag:s30], $0x2800  }
0xb4: {  	[sflag:s30] =	ssyncset.done $0x0  }
0xb5: {  	s6 =	rddreg [dreg:$0x1c];
	[sflag:s30] =	ssyncadd.s32 $0xFFFFD800  }
0xb6: {  	[spmem:s2] =	stream.indirect.scatter.add.f32 [tilespmem:s13], [sflag:$0x5], $0x80, s6, s12, $0xb8;
	[tilespmem:$0x1EC00] =	vst v63  }
0xb7: {  	_ =	swait.ge [sflag:s31], $0x2800  }
0xb8: {  	[sflag:s31] =	ssyncset.done $0x0  }
0xb9: {  	s10 =	rddreg [dreg:$0x1d];
	[sflag:s31] =	ssyncadd.s32 $0xFFFFD800  }
0xba: {  	[tilespmem:s19], [sflag:$0x4] =	stream.indirect.gather [hbm4b:s4+s12], $0x80, s10, s12, $0xb8;
	[tilespmem:$0x1EC00] =	vst v63  }
0xbb: {  	_ =	swait.ge [sflag:s20], $0x2800  }
0xbc: {  	[sflag:s20] =	ssyncset.done $0x0  }
0xbd: {  	s14 =	rddreg [dreg:$0x1e];
	[sflag:s20] =	ssyncadd.s32 $0xFFFFD800  }
0xbe: {  	[spmem:s2] =	stream.indirect.scatter.add.f32 [tilespmem:s15], [sflag:$0x6], $0x80, s14, s12, $0xb8;
	[tilespmem:$0x1EC00] =	vst v63  }
0xbf: {  	_ =	swait.ge [sflag:s23], $0x2800  }
0xc0: {  	[sflag:s23] =	ssyncset.done $0x0  }
0xc1: {  	s7 =	simm.s32 @p0 $0x3;
	[sflag:s23] =	ssyncadd.s32 $0xFFFFD800  }
0xc2: {  	_ =	swait.ge @p0 [sflag:s7], $0x2800  }
0xc3: {  	s10 =	simm.s32 @p0 $0x6000;
	[sflag:s7] =	ssyncset.done @p0 $0x0  }
0xc4: {  	s14 =	simm.s32 @p0 $0x50;
	[sflag:s7] =	ssyncadd.s32 @p0 $0xFFFFD800;
	s7 =	simm.s32 @p0 $0xF00  }
0xc5: {  	[spmem:s2] =	stream.indirect.scatter.add.f32 @p0 [tilespmem:s10], [sflag:$0x7], $0x80, s7, s14, $0xb8;
	[tilespmem:$0x1EC00] =	vst v63  }
0xc6: {  	s7 =	simm.s32 @p0 $0x6  }
0xc7: {  	_ =	swait.ge @p0 [sflag:s7], $0x2800  }
0xc8: {  	[sflag:s7] =	ssyncset.done @p0 $0x0  }
0xc9: {  	s10 =	simm.s32 @!p0 $0x9;
	[sflag:s7] =	ssyncadd.s32 @p0 $0xFFFFD800  }
0xca: {  	_ =	swait.ge @!p0 [sflag:s10], $0x400  }
0xcb: {  	[sflag:s10] =	ssyncset.done @!p0 $0x0  }
0xcc: {  	[sflag:s10] =	ssyncadd.s32 @!p0 $0xFFFFFC00  }
0xcd: {  	_ =	swait.ge @!p0 [sflag:s10], $0x400  }
0xce: {  	[sflag:s10] =	ssyncset.done @!p0 $0x0  }
0xcf: {  	s7 =	simm.s32 @!p0 $0x50;
	[sflag:s10] =	ssyncadd.s32 @!p0 $0xFFFFFC00;
	s10 =	simm.s32 @!p0 $0x1000  }
0xd0: {  	[tilespmem:s10], [sflag:$0x1] =	stream.indirect.gather @!p0 [hbm4b:s4+s7], $0x80, s1, s7, $0xb8;
	[tilespmem:$0x1EC00] =	vst v63  }
0xd1: {  	s1 =	simm.s32 @!p0 $0x3  }
0xd2: {  	_ =	swait.ge @!p0 [sflag:s1], $0x2800  }
0xd3: {  	[sflag:s1] =	ssyncset.done @!p0 $0x0  }
0xd4: {  	s10 =	simm.s32 @!p0 $0xF00;
	[sflag:s1] =	ssyncadd.s32 @!p0 $0xFFFFD800;
	s1 =	simm.s32 @!p0 $0x6000  }
0xd5: {  	[spmem:s2] =	stream.indirect.scatter.add.f32 @!p0 [tilespmem:s1], [sflag:$0x7], $0x80, s10, s7, $0xb8;
	[tilespmem:$0x1EC00] =	vst v63  }
0xd6: {  	s1 =	simm.s32 @!p0 $0x6  }
0xd7: {  	_ =	swait.ge @!p0 [sflag:s1], $0x2800  }
0xd8: {  	[sflag:s1] =	ssyncset.done @!p0 $0x0  }
0xd9: {  	s10 =	simm.s32 @!p0 $0x80;
	[sflag:s1] =	ssyncadd.s32 @!p0 $0xFFFFD800;
	s1 =	simm.s32 @!p0 $0x3800  }
0xda: {  	[tilespmem:s1], [sflag:$0x2] =	stream.indirect.gather @!p0 [hbm4b:s4+s7], $0x80, s10, s7, $0xb8;
	[tilespmem:$0x1EC00] =	vst v63  }
0xdb: {  	_ =	swait.ge [sflag:s28], $0x2800  }
0xdc: {  	[sflag:s28] =	ssyncset.done $0x0  }
0xdd: {  	s1 =	simm.s32 $0x100;
	s14 =	rddreg [dreg:$0x1f];
	[sflag:s28] =	ssyncadd.s32 $0xFFFFD800  }
.LBB2_2:
0xde: {  	p1 =	seq.s32 s1, $0x0  }
0xdf: {  	[spmem:s2] =	stream.indirect.scatter.add.f32 [tilespmem:s19], [sflag:$0x8], $0x80, s14, s12, $0xb8;
	[tilespmem:$0x1EC00] =	vst v63  }
0xe0: {  	s7 =	simm.s32 @p1 $0x50;
	s14 =	simm.s32 @p1 $0x100;
	s5 =	simm.s32 @p1 $0x6000  }
0xe1: {  	[tilespmem:s5], [sflag:$0x3] =	stream.indirect.gather @p1 [hbm4b:s4+s7], $0x80, s14, s7, $0xb8;
	[tilespmem:$0x1EC00] =	vst v63  }
0xe2: {  	s5 =	simm.s32 @p1 $0x1  }
0xe3: {  	_ =	swait.ge @p1 [sflag:s5], $0x2800  }
0xe4: {  	s6 =	simm.s32 @p1 $0x1000;
	[sflag:s5] =	ssyncset.done @p1 $0x0  }
0xe5: {  	s14 =	simm.s32 @p1 $0x800;
	[sflag:s5] =	ssyncadd.s32 @p1 $0xFFFFD800;
	s5 =	simm.s32 @!p1 $0x7  }
0xe6: {  	[spmem:s2] =	stream.indirect.scatter.add.f32 @p1 [tilespmem:s6], [sflag:$0x5], $0x80, s14, s7, $0xb8;
	[tilespmem:$0x1EC00] =	vst v63  }
0xe7: {  	_ =	swait.ge @!p1 [sflag:s5], $0x2800  }
0xe8: {  	s6 =	simm.s32 @!p1 $0x6000;
	s7 =	simm.s32 @!p1 $0x50;
	[sflag:s5] =	ssyncset.done @!p1 $0x0  }
0xe9: {  	s14 =	simm.s32 @!p1 $0x100;
	[sflag:s5] =	ssyncadd.s32 @!p1 $0xFFFFD800;
	s5 =	simm.s32 @!p1 $0x1  }
0xea: {  	[tilespmem:s6], [sflag:$0x3] =	stream.indirect.gather @!p1 [hbm4b:s4+s7], $0x80, s14, s7, $0xb8;
	[tilespmem:$0x1EC00] =	vst v63  }
0xeb: {  	_ =	swait.ge @!p1 [sflag:s5], $0x2800  }
0xec: {  	s6 =	simm.s32 @!p1 $0x800;
	[sflag:s5] =	ssyncset.done @!p1 $0x0  }
0xed: {  	s14 =	simm.s32 @!p1 $0x1000;
	[sflag:s5] =	ssyncadd.s32 @!p1 $0xFFFFD800;
	s5 =	simm.s32 @!p1 $0x8  }
0xee: {  	[spmem:s2] =	stream.indirect.scatter.add.f32 @!p1 [tilespmem:s14], [sflag:$0x5], $0x80, s6, s7, $0xb8;
	[tilespmem:$0x1EC00] =	vst v63  }
0xef: {  	_ =	swait.ge @!p1 [sflag:s5], $0x2800  }
0xf0: {  	[sflag:s5] =	ssyncset.done @!p1 $0x0  }
0xf1: {  	s14 =	rddreg [dreg:$0x7];
	[sflag:s5] =	ssyncadd.s32 @!p1 $0xFFFFD800  }
0xf2: {  	[tilespmem:s19], [sflag:$0x4] =	stream.indirect.gather [hbm4b:s4+s12], $0x80, s14, s12, $0xb8;
	[tilespmem:$0x1EC00] =	vst v63  }
0xf3: {  	_ =	swait.ge [sflag:s20], $0x2800  }
0xf4: {  	[sflag:s20] =	ssyncset.done $0x0;
	s6 =	rddreg [dreg:$0x8]  }
0xf5: {  	s10 =	smov.u32 s1;
	s14 =	rddreg [dreg:$0x3];
	[sflag:s20] =	ssyncadd.s32 $0xFFFFD800  }
0xf6: {  	[spmem:s2] =	stream.indirect.scatter.add.f32 [tilespmem:s15], [sflag:$0x6], $0x80, s6, s12, $0xb8;
	[tilespmem:$0x1EC00] =	vst v63  }
0xf7: {  	s7 =	rddreg [dreg:$0x4];
	s14 =	sadd.s32 s10, s14  }
0xf8: {  	[tilespmem:s21], [sflag:$0x9] =	stream.linear.gather [hbm4b:s14+s3], $0x400, $0x38;
	[tilespmem:$0x1EC00] =	vst v63  }
0xf9: {  	s6 =	sadd.s32 s10, s7  }
0xfa: {  	[tilespmem:s22], [sflag:$0x9] =	stream.linear.gather [hbm4b:s6+s3], $0x400, $0x38;
	[tilespmem:$0x1EC00] =	vst v63  }
0xfb: {  	_ =	swait.ge [sflag:s23], $0x2800  }
0xfc: {  	[sflag:s23] =	ssyncset.done $0x0  }
0xfd: {  	s7 =	rddreg [dreg:$0x9];
	[sflag:s23] =	ssyncadd.s32 $0xFFFFD800  }
0xfe: {  	[tilespmem:s13], [sflag:$0x1] =	stream.indirect.gather [hbm4b:s4+s12], $0x80, s7, s12, $0xb8;
	[tilespmem:$0x1EC00] =	vst v63  }
0xff: {  	_ =	swait.ge [sflag:s24], $0x2800  }
0x100: {  	[sflag:s24] =	ssyncset.done $0x0  }
0x101: {  	s14 =	rddreg [dreg:$0xa];
	[sflag:s24] =	ssyncadd.s32 $0xFFFFD800  }
0x102: {  	[spmem:s2] =	stream.indirect.scatter.add.f32 [tilespmem:s25], [sflag:$0x7], $0x80, s14, s12, $0xb8;
	[tilespmem:$0x1EC00] =	vst v63  }
0x103: {  	_ =	swait.ge [sflag:s26], $0x2800  }
0x104: {  	[sflag:s26] =	ssyncset.done $0x0  }
0x105: {  	s6 =	rddreg [dreg:$0xb];
	[sflag:s26] =	ssyncadd.s32 $0xFFFFD800  }
0x106: {  	[tilespmem:s15], [sflag:$0x2] =	stream.indirect.gather [hbm4b:s4+s12], $0x80, s6, s12, $0xb8;
	[tilespmem:$0x1EC00] =	vst v63  }
0x107: {  	_ =	swait.ge [sflag:s28], $0x2800  }
0x108: {  	[sflag:s28] =	ssyncset.done $0x0  }
0x109: {  	s7 =	rddreg [dreg:$0xc];
	[sflag:s28] =	ssyncadd.s32 $0xFFFFD800  }
0x10a: {  	[spmem:s2] =	stream.indirect.scatter.add.f32 [tilespmem:s19], [sflag:$0x8], $0x80, s7, s12, $0xb8;
	[tilespmem:$0x1EC00] =	vst v63  }
0x10b: {  	_ =	swait.ge [sflag:s29], $0x2800  }
0x10c: {  	[sflag:s29] =	ssyncset.done $0x0  }
0x10d: {  	s14 =	rddreg [dreg:$0xd];
	[sflag:s29] =	ssyncadd.s32 $0xFFFFD800  }
0x10e: {  	[tilespmem:s25], [sflag:$0x3] =	stream.indirect.gather [hbm4b:s4+s12], $0x80, s14, s12, $0xb8;
	[tilespmem:$0x1EC00] =	vst v63  }
0x10f: {  	_ =	swait.ge [sflag:s30], $0x2800  }
0x110: {  	[sflag:s30] =	ssyncset.done $0x0  }
0x111: {  	s6 =	rddreg [dreg:$0xe];
	[sflag:s30] =	ssyncadd.s32 $0xFFFFD800  }
0x112: {  	[spmem:s2] =	stream.indirect.scatter.add.f32 [tilespmem:s13], [sflag:$0x5], $0x80, s6, s12, $0xb8;
	[tilespmem:$0x1EC00] =	vst v63  }
0x113: {  	_ =	swait.ge [sflag:s31], $0x2800  }
0x114: {  	[sflag:s31] =	ssyncset.done $0x0  }
0x115: {  	s7 =	rddreg [dreg:$0xf];
	[sflag:s31] =	ssyncadd.s32 $0xFFFFD800  }
0x116: {  	[tilespmem:s19], [sflag:$0x4] =	stream.indirect.gather [hbm4b:s4+s12], $0x80, s7, s12, $0xb8;
	[tilespmem:$0x1EC00] =	vst v63  }
0x117: {  	_ =	swait.ge [sflag:s20], $0x2800  }
0x118: {  	[sflag:s20] =	ssyncset.done $0x0  }
0x119: {  	s14 =	rddreg [dreg:$0x10];
	[sflag:s20] =	ssyncadd.s32 $0xFFFFD800  }
0x11a: {  	[spmem:s2] =	stream.indirect.scatter.add.f32 [tilespmem:s15], [sflag:$0x6], $0x80, s14, s12, $0xb8;
	[tilespmem:$0x1EC00] =	vst v63  }
0x11b: {  	_ =	swait.ge [sflag:s23], $0x2800  }
0x11c: {  	[sflag:s23] =	ssyncset.done $0x0  }
0x11d: {  	[sflag:s23] =	ssyncadd.s32 $0xFFFFD800  }
0x11e: {  	_ =	swait.ge [sflag:s11], $0x400  }
0x11f: {  	[sflag:s11] =	ssyncset.done $0x0  }
0x120: {  	[sflag:s11] =	ssyncadd.s32 $0xFFFFFC00  }
0x121: {  	_ =	swait.ge [sflag:s11], $0x400  }
0x122: {  	[sflag:s11] =	ssyncset.done $0x0  }
0x123: {  	[sflag:s11] =	ssyncadd.s32 $0xFFFFFC00  }
0x124: {  	[tilespmem:s13], [sflag:$0x1] =	stream.indirect.gather [hbm4b:s4+s12], $0x80, s21, s12, $0xb8;
	[tilespmem:$0x1EC00] =	vst v63  }
0x125: {  	_ =	swait.ge [sflag:s24], $0x2800  }
0x126: {  	[sflag:s24] =	ssyncset.done $0x0  }
0x127: {  	s6 =	rddreg [dreg:$0x11];
	[sflag:s24] =	ssyncadd.s32 $0xFFFFD800  }
0x128: {  	[spmem:s2] =	stream.indirect.scatter.add.f32 [tilespmem:s25], [sflag:$0x7], $0x80, s6, s12, $0xb8;
	[tilespmem:$0x1EC00] =	vst v63  }
0x129: {  	_ =	swait.ge [sflag:s26], $0x2800  }
0x12a: {  	[sflag:s26] =	ssyncset.done $0x0  }
0x12b: {  	s7 =	rddreg [dreg:$0x12];
	[sflag:s26] =	ssyncadd.s32 $0xFFFFD800  }
0x12c: {  	[tilespmem:s15], [sflag:$0x2] =	stream.indirect.gather [hbm4b:s4+s12], $0x80, s7, s12, $0xb8;
	[tilespmem:$0x1EC00] =	vst v63  }
0x12d: {  	_ =	swait.ge [sflag:s28], $0x2800  }
0x12e: {  	[sflag:s28] =	ssyncset.done $0x0  }
0x12f: {  	s14 =	rddreg [dreg:$0x13];
	[sflag:s28] =	ssyncadd.s32 $0xFFFFD800  }
0x130: {  	[spmem:s2] =	stream.indirect.scatter.add.f32 [tilespmem:s19], [sflag:$0x8], $0x80, s14, s12, $0xb8;
	[tilespmem:$0x1EC00] =	vst v63  }
0x131: {  	_ =	swait.ge [sflag:s29], $0x2800  }
0x132: {  	[sflag:s29] =	ssyncset.done $0x0  }
0x133: {  	s6 =	rddreg [dreg:$0x14];
	[sflag:s29] =	ssyncadd.s32 $0xFFFFD800  }
0x134: {  	[tilespmem:s25], [sflag:$0x3] =	stream.indirect.gather [hbm4b:s4+s12], $0x80, s6, s12, $0xb8;
	[tilespmem:$0x1EC00] =	vst v63  }
0x135: {  	_ =	swait.ge [sflag:s30], $0x2800  }
0x136: {  	[sflag:s30] =	ssyncset.done $0x0  }
0x137: {  	[sflag:s30] =	ssyncadd.s32 $0xFFFFD800  }
0x138: {  	[spmem:s2] =	stream.indirect.scatter.add.f32 [tilespmem:s13], [sflag:$0x5], $0x80, s22, s12, $0xb8;
	[tilespmem:$0x1EC00] =	vst v63  }
0x139: {  	_ =	swait.ge [sflag:s31], $0x2800  }
0x13a: {  	[sflag:s31] =	ssyncset.done $0x0  }
0x13b: {  	s7 =	rddreg [dreg:$0x15];
	[sflag:s31] =	ssyncadd.s32 $0xFFFFD800  }
0x13c: {  	[tilespmem:s19], [sflag:$0x4] =	stream.indirect.gather [hbm4b:s4+s12], $0x80, s7, s12, $0xb8;
	[tilespmem:$0x1EC00] =	vst v63  }
0x13d: {  	_ =	swait.ge [sflag:s20], $0x2800  }
0x13e: {  	[sflag:s20] =	ssyncset.done $0x0;
	s14 =	rddreg [dreg:$0x16]  }
0x13f: {  	p1 =	seq.s32 s10, $0x700;
	s6 =	rddreg [dreg:$0x6];
	[sflag:s20] =	ssyncadd.s32 $0xFFFFD800  }
0x140: {  	[spmem:s2] =	stream.indirect.scatter.add.f32 [tilespmem:s15], [sflag:$0x6], $0x80, s14, s12, $0xb8;
	[tilespmem:$0x1EC00] =	vst v63  }
0x141: {  	s7 =	rddreg [dreg:$0x5];
	s5 =	sadd.s32 @!p1 s10, s6;
	s14 =	simm.s32 @!p1 $0x0  }
0x142: {  	[tilespmem:s14], [sflag:$0x9] =	stream.linear.gather @!p1 [hbm4b:s5+s14], $0x400, $0x38;
	[tilespmem:$0x1EC00] =	vst v63  }
0x143: {  	s6 =	simm.s32 @!p1 $0x800;
	s5 =	sadd.s32 @!p1 s10, s7  }
0x144: {  	[tilespmem:s6], [sflag:$0x9] =	stream.linear.gather @!p1 [hbm4b:s5+s14], $0x400, $0x38;
	[tilespmem:$0x1EC00] =	vst v63  }
0x145: {  	_ =	swait.ge [sflag:s23], $0x2800  }
0x146: {  	[sflag:s23] =	ssyncset.done $0x0  }
0x147: {  	s7 =	rddreg [dreg:$0x17];
	[sflag:s23] =	ssyncadd.s32 $0xFFFFD800  }
0x148: {  	[tilespmem:s13], [sflag:$0x1] =	stream.indirect.gather [hbm4b:s4+s12], $0x80, s7, s12, $0xb8;
	[tilespmem:$0x1EC00] =	vst v63  }
0x149: {  	_ =	swait.ge [sflag:s24], $0x2800  }
0x14a: {  	[sflag:s24] =	ssyncset.done $0x0  }
0x14b: {  	s10 =	rddreg [dreg:$0x18];
	[sflag:s24] =	ssyncadd.s32 $0xFFFFD800  }
0x14c: {  	[spmem:s2] =	stream.indirect.scatter.add.f32 [tilespmem:s25], [sflag:$0x7], $0x80, s10, s12, $0xb8;
	[tilespmem:$0x1EC00] =	vst v63  }
0x14d: {  	_ =	swait.ge [sflag:s26], $0x2800  }
0x14e: {  	[sflag:s26] =	ssyncset.done $0x0  }
0x14f: {  	s6 =	rddreg [dreg:$0x19];
	[sflag:s26] =	ssyncadd.s32 $0xFFFFD800  }
0x150: {  	[tilespmem:s15], [sflag:$0x2] =	stream.indirect.gather [hbm4b:s4+s12], $0x80, s6, s12, $0xb8;
	[tilespmem:$0x1EC00] =	vst v63  }
0x151: {  	_ =	swait.ge [sflag:s28], $0x2800  }
0x152: {  	[sflag:s28] =	ssyncset.done $0x0  }
0x153: {  	s7 =	rddreg [dreg:$0x1a];
	[sflag:s28] =	ssyncadd.s32 $0xFFFFD800  }
0x154: {  	[spmem:s2] =	stream.indirect.scatter.add.f32 [tilespmem:s19], [sflag:$0x8], $0x80, s7, s12, $0xb8;
	[tilespmem:$0x1EC00] =	vst v63  }
0x155: {  	_ =	swait.ge [sflag:s29], $0x2800  }
0x156: {  	[sflag:s29] =	ssyncset.done $0x0  }
0x157: {  	s10 =	rddreg [dreg:$0x1b];
	[sflag:s29] =	ssyncadd.s32 $0xFFFFD800  }
0x158: {  	[tilespmem:s25], [sflag:$0x3] =	stream.indirect.gather [hbm4b:s4+s12], $0x80, s10, s12, $0xb8;
	[tilespmem:$0x1EC00] =	vst v63  }
0x159: {  	_ =	swait.ge [sflag:s30], $0x2800  }
0x15a: {  	[sflag:s30] =	ssyncset.done $0x0  }
0x15b: {  	s6 =	rddreg [dreg:$0x1c];
	[sflag:s30] =	ssyncadd.s32 $0xFFFFD800  }
0x15c: {  	[spmem:s2] =	stream.indirect.scatter.add.f32 [tilespmem:s13], [sflag:$0x5], $0x80, s6, s12, $0xb8;
	[tilespmem:$0x1EC00] =	vst v63  }
0x15d: {  	_ =	swait.ge [sflag:s31], $0x2800  }
0x15e: {  	[sflag:s31] =	ssyncset.done $0x0  }
0x15f: {  	s7 =	rddreg [dreg:$0x1d];
	[sflag:s31] =	ssyncadd.s32 $0xFFFFD800  }
0x160: {  	[tilespmem:s19], [sflag:$0x4] =	stream.indirect.gather [hbm4b:s4+s12], $0x80, s7, s12, $0xb8;
	[tilespmem:$0x1EC00] =	vst v63  }
0x161: {  	_ =	swait.ge [sflag:s20], $0x2800  }
0x162: {  	[sflag:s20] =	ssyncset.done $0x0  }
0x163: {  	s10 =	rddreg [dreg:$0x1e];
	[sflag:s20] =	ssyncadd.s32 $0xFFFFD800  }
0x164: {  	[spmem:s2] =	stream.indirect.scatter.add.f32 [tilespmem:s15], [sflag:$0x6], $0x80, s10, s12, $0xb8;
	[tilespmem:$0x1EC00] =	vst v63  }
0x165: {  	_ =	swait.ge [sflag:s23], $0x2800  }
0x166: {  	[sflag:s23] =	ssyncset.done $0x0  }
0x167: {  	s5 =	simm.s32 @p1 $0x3;
	[sflag:s23] =	ssyncadd.s32 $0xFFFFD800  }
0x168: {  	_ =	swait.ge @p1 [sflag:s5], $0x2800  }
0x169: {  	s6 =	simm.s32 @p1 $0x6000;
	s7 =	simm.s32 @p1 $0x50;
	[sflag:s5] =	ssyncset.done @p1 $0x0  }
0x16a: {  	s10 =	simm.s32 @p1 $0xF00;
	[sflag:s5] =	ssyncadd.s32 @p1 $0xFFFFD800;
	s5 =	simm.s32 @p1 $0x6  }
0x16b: {  	[spmem:s2] =	stream.indirect.scatter.add.f32 @p1 [tilespmem:s6], [sflag:$0x7], $0x80, s10, s7, $0xb8;
	[tilespmem:$0x1EC00] =	vst v63  }
0x16c: {  	_ =	swait.ge @p1 [sflag:s5], $0x2800  }
0x16d: {  	[sflag:s5] =	ssyncset.done @p1 $0x0  }
0x16e: {  	s6 =	simm.s32 @!p1 $0x9;
	[sflag:s5] =	ssyncadd.s32 @p1 $0xFFFFD800  }
0x16f: {  	_ =	swait.ge @!p1 [sflag:s6], $0x400  }
0x170: {  	[sflag:s6] =	ssyncset.done @!p1 $0x0  }
0x171: {  	[sflag:s6] =	ssyncadd.s32 @!p1 $0xFFFFFC00  }
0x172: {  	_ =	swait.ge @!p1 [sflag:s6], $0x400  }
0x173: {  	s7 =	simm.s32 @!p1 $0x1000;
	[sflag:s6] =	ssyncset.done @!p1 $0x0  }
0x174: {  	s5 =	simm.s32 @!p1 $0x50;
	[sflag:s6] =	ssyncadd.s32 @!p1 $0xFFFFFC00;
	s6 =	simm.s32 @!p1 $0x3  }
0x175: {  	[tilespmem:s7], [sflag:$0x1] =	stream.indirect.gather @!p1 [hbm4b:s4+s5], $0x80, s14, s5, $0xb8;
	[tilespmem:$0x1EC00] =	vst v63  }
0x176: {  	_ =	swait.ge @!p1 [sflag:s6], $0x2800  }
0x177: {  	s10 =	simm.s32 @!p1 $0x6000;
	[sflag:s6] =	ssyncset.done @!p1 $0x0  }
0x178: {  	s7 =	simm.s32 @!p1 $0xF00;
	[sflag:s6] =	ssyncadd.s32 @!p1 $0xFFFFD800;
	s6 =	simm.s32 @!p1 $0x6  }
0x179: {  	[spmem:s2] =	stream.indirect.scatter.add.f32 @!p1 [tilespmem:s10], [sflag:$0x7], $0x80, s7, s5, $0xb8;
	[tilespmem:$0x1EC00] =	vst v63  }
0x17a: {  	s1 =	sadd.s32 $0x100, s1;
	_ =	swait.ge @!p1 [sflag:s6], $0x2800  }
0x17b: {  	p0 =	sne.s32 s1, $0x800;
	s7 =	simm.s32 @!p1 $0x80;
	[sflag:s6] =	ssyncset.done @!p1 $0x0  }
.Ltmp0:
0x17c: {  	s10 =	simm.s32 @!p1 $0x3800;
	[sflag:s6] =	ssyncadd.s32 @!p1 $0xFFFFD800;
	(pc) =	sbr.rel @p0 .LBB2_2-.Ltmp0, $4  }
0x17d: {  	[tilespmem:s10], [sflag:$0x2] =	stream.indirect.gather @!p1 [hbm4b:s4+s5], $0x80, s7, s5, $0xb8;
	[tilespmem:$0x1EC00] =	vst v63  }
0x17e: {  	_ =	swait.ge [sflag:s28], $0x2800  }
0x17f: {  	[sflag:s28] =	ssyncset.done $0x0  }
0x180: {  	s14 =	rddreg [dreg:$0x1f];
	[sflag:s28] =	ssyncadd.s32 $0xFFFFD800  }
0x181: {  	[spmem:s2] =	stream.indirect.scatter.add.f32 [tilespmem:s19], [sflag:$0x8], $0x80, s14, s12, $0xb8;
	[tilespmem:$0x1EC00] =	vst v63  }
0x182: {  	_ =	swait.ge [sflag:s29], $0x2800  }
0x183: {  	[sflag:s29] =	ssyncset.done $0x0  }
0x184: {  	[sflag:s29] =	ssyncadd.s32 $0xFFFFD800  }
0x185: {  	_ =	swait.ge [sflag:s31], $0x2800  }
0x186: {  	s0 =	sadd.s32 $0x1, s0;
	[sflag:s31] =	ssyncset.done $0x0  }
0x187: {  	p0 =	sne.s32 s0, s9;
	[sflag:s31] =	ssyncadd.s32 $0xFFFFD800  }
.Ltmp1:
0x188: {  	[bflag:$0x0] =	sbarrier.arrive $0xFFFF;
	(pc) =	sbr.rel @p0 .LBB2_1-.Ltmp1, $4  }
0x189: {  	[hbm:s8], [sflag:s16] =	dma.local [spmem:s17], $0x2780  }
0x18a: {  	_ =	swait.ge [sflag:s18], $0x2780  }
0x18b: {  	[sflag:s18] =	ssyncset.done $0x0  }
0x18c: {  	[sflag:s18] =	ssyncadd.s32 $0xFFFFD880  }
0x18d: {  	_ =	sfence.sel $0x180000  }
0x18e: {  	[bflag:$0x0] =	sbarrier.arrive $0xFFFF  }
0x18f: {  	_ =	strace $0x9000004A  }
0x190: {  	s0 =	stileid.u32;
	[bflag:$0x2] =	sbarrier.arrive $0xFFFF  }
0x191: {  	p0 =	sne.s32 s0, $0x0;
	s0 =	rddreg [dreg:$0x2]  }
0x192: {  	s0 =	sadd.s32 @!p0 $0x100000, s0  }
0x193: {  	[sflag:s0] =	ssyncadd.tile.s32 @!p0 $0x1;
	_ =	shalt  }
.Lfunc_end2:
_tile_overlayer_lowered:
.L_overlay_start_2:
0x194: {  	(tag) =	ssettag $0x2  }
0x195: {  	s0 =	rddreg [dreg:$0x0];
	s2 =	stileid.u32  }
0x196: {  	s1 =	rddreg [dreg:$0x1];
	p0 =	sne.s32 s2, $0x0  }
0x197: {  	s3 =	rddreg [dreg:$0x2];
	[bflag:$0x3] =	sbarrier.arrive $0xFFFF;
	s2 =	simm.s32 @!p0 $0x1C0A  }
0x198: {  	[timem:s3], [sflag:s2] =	dma.local @!p0 [hbm:s0], s1  }
0x199: {  	s0 =	simm.s32 @!p0 $0xA  }
0x19a: {  	_ =	swait.ge @!p0 [sflag:s0], s1  }
0x19b: {  	s1 =	ssub.s32 @!p0 $0x0, s1;
	[sflag:s0] =	ssyncset.done @!p0 $0x0  }
0x19c: {  	[sflag:s0] =	ssyncadd.s32 @!p0 s1  }
0x19d: {  	[bflag:$0x3] =	sbarrier.arrive $0xFFFF  }
0x19e: {  	_ =	shalt  }

</sc_bundles>
